<compile_context>
chip_gen: v7x
topology: tpu7x:2x2x1
jax: 0.10.2.dev20260603
libtpu: 0.0.44.dev20260713+nightly
codegen_flags: <defaults>
</compile_context>

<pallas_src>
import functools

import jax
import jax.numpy as jnp
from jax import lax
from jax.experimental import pallas as pl
from jax.experimental.pallas import tpu as pltpu
from jax.experimental.pallas import tpu_sc as plsc

N = 10000
E = 320000
D = 128
NC, NS = 2, 16
NW = NC * NS
EROWS = -(-E // 128)
B0 = 80
EPAD_ROWS = NS * NC * B0
EALLOC_ROWS = EPAD_ROWS + 32
IDX_CHUNK = 8
DUMP = N
ACC_ROWS = 10240
ZROWS = ACC_ROWS // NS
DEGW = 128

@functools.lru_cache(maxsize=None)
def _sc_kernels():
    mesh = plsc.VectorSubcoreMesh(core_axis_name="c", subcore_axis_name="s",
                                  num_cores=NC, num_subcores=NS)

    NBUF = 2
    DCH = 8
    PH = 64

    @functools.partial(
        pl.kernel,
        out_type=jax.ShapeDtypeStruct((NC, ACC_ROWS, D), jnp.float32),
        mesh=mesh,
        scratch_types=[
            pltpu.VMEM((PH, 128), jnp.int32),
            pltpu.VMEM((DCH, 128), jnp.int32),
            pltpu.VMEM((128, D), jnp.float32),
            pltpu.VMEM((128, D), jnp.float32),
            pltpu.VMEM_SHARED((ACC_ROWS, D), jnp.float32),
            pltpu.SemaphoreType.DMA,
            pltpu.SemaphoreType.DMA,
        ],
    )
    def sc_aggregate(g_hbm, src_hbm, dst_hbm, z_hbm, out_hbm,
                     srcb, dstb, r0, r1, acc, s0, s1):
        rows_l = [r0, r1]
        sems = [s0, s1]
        cid = lax.axis_index("c")
        sid = lax.axis_index("s")
        rpt = B0
        base = (sid * NC + cid) * B0
        pltpu.sync_copy(z_hbm, acc.at[pl.ds(sid * ZROWS, ZROWS)])
        plsc.subcore_barrier()

        def phase(p, carry):
            pbase = base + p * PH
            pltpu.sync_copy(src_hbm.at[pl.ds(pbase, PH)], srcb)
            pblks = jnp.minimum(PH, B0 - p * PH)
            for b in range(NBUF):
                pltpu.async_copy(g_hbm.at[srcb.at[b]], rows_l[b], sems[b])

            def chunk(c, cc):
                pltpu.sync_copy(dst_hbm.at[pl.ds(pbase + c * DCH, DCH)], dstb)
                for j in range(DCH):
                    blk = c * DCH + j
                    b = j % NBUF
                    pltpu.make_async_copy(g_hbm.at[srcb.at[blk]], rows_l[b],
                                          sems[b]).wait()
                    pltpu.sync_copy(rows_l[b], acc.at[dstb.at[j]], add=True)

                    @pl.when(blk + NBUF < pblks)
                    def _():
                        pltpu.async_copy(g_hbm.at[srcb.at[blk + NBUF]],
                                         rows_l[b], sems[b])
                return cc

            lax.fori_loop(0, pblks // DCH, chunk, 0)
            return carry

        lax.fori_loop(0, (B0 + PH - 1) // PH, phase, 0)
        plsc.subcore_barrier()
        pltpu.sync_copy(acc.at[pl.ds(sid * ZROWS, ZROWS)],
                        out_hbm.at[cid, pl.ds(sid * ZROWS, ZROWS)])

    @functools.partial(
        pl.kernel,
        out_type=jax.ShapeDtypeStruct((NC, ACC_ROWS, D), jnp.float32),
        mesh=mesh,
        scratch_types=[
            pltpu.VMEM((DCH, 128), jnp.int32),
            pltpu.VMEM((128, D), jnp.float32),
            pltpu.VMEM_SHARED((ACC_ROWS, D), jnp.float32),
            pltpu.SemaphoreType.DMA,
        ],
    )
    def sc_degree(dst_hbm, z_hbm, ones_hbm, out_hbm, dstb, onesb, acc, sem):
        cid = lax.axis_index("c")
        sid = lax.axis_index("s")
        pltpu.sync_copy(z_hbm, acc.at[pl.ds(sid * ZROWS, ZROWS)])
        pltpu.sync_copy(ones_hbm, onesb)
        plsc.subcore_barrier()
        base = (sid * NC + cid) * B0

        def chunk(c, cc):
            pltpu.sync_copy(dst_hbm.at[pl.ds(base + c * DCH, DCH)], dstb)
            for j in range(DCH):
                pltpu.async_copy(onesb, acc.at[dstb.at[j]], sem, add=True)
            for j in range(DCH):
                pltpu.make_async_copy(onesb, acc.at[dstb.at[j]], sem).wait()
            return cc

        lax.fori_loop(0, B0 // DCH, chunk, 0)
        plsc.subcore_barrier()
        pltpu.sync_copy(acc.at[pl.ds(sid * ZROWS, ZROWS)],
                        out_hbm.at[cid, pl.ds(sid * ZROWS, ZROWS)])

    return sc_aggregate, sc_degree



def _sc_aggregate(g, src2d, dst2d, z):
    return _sc_kernels()[0](g, src2d, dst2d, z)


def _sc_degree(dst2d, z, ones):
    return _sc_kernels()[1](dst2d, z, ones)


BLK = 1000


def _tc_layer1(deg_parts, x, W1):
    def body(deg_ref, x_ref, w_ref, dinv_ref, g_ref):
        dp = deg_ref[...]
        deg = dp[0, :, 0:1] + dp[1, :, 0:1] + 1.0
        dinv_b = jnp.broadcast_to(lax.rsqrt(deg), (BLK, D))
        dinv_ref[...] = dinv_b
        g_ref[...] = jnp.dot(x_ref[...], w_ref[...],
                             preferred_element_type=jnp.float32) * dinv_b

    return pl.pallas_call(
        body,
        grid=(N // BLK,),
        in_specs=[
            pl.BlockSpec((NC, BLK, DEGW), lambda i: (0, i, 0)),
            pl.BlockSpec((BLK, D), lambda i: (i, 0)),
            pl.BlockSpec((D, D), lambda i: (0, 0)),
        ],
        out_specs=[
            pl.BlockSpec((BLK, D), lambda i: (i, 0)),
            pl.BlockSpec((BLK, D), lambda i: (i, 0)),
        ],
        out_shape=[
            jax.ShapeDtypeStruct((N, D), jnp.float32),
            jax.ShapeDtypeStruct((N, D), jnp.float32),
        ],
    )(deg_parts, x, W1)


def _tc_mid(p, g_prev, dinv_b, b, W):
    def body(p_ref, gp_ref, dv_ref, b_ref, w_ref, out_ref):
        agg = p_ref[0] + p_ref[1] + gp_ref[...]
        t = jnp.maximum(dv_ref[...] * agg + b_ref[...], 0.0)
        out_ref[...] = jnp.dot(t, w_ref[...],
                               preferred_element_type=jnp.float32) * dv_ref[...]

    return pl.pallas_call(
        body,
        grid=(N // BLK,),
        in_specs=[
            pl.BlockSpec((NC, BLK, D), lambda i: (0, i, 0)),
            pl.BlockSpec((BLK, D), lambda i: (i, 0)),
            pl.BlockSpec((BLK, D), lambda i: (i, 0)),
            pl.BlockSpec((1, D), lambda i: (0, 0)),
            pl.BlockSpec((D, D), lambda i: (0, 0)),
        ],
        out_specs=pl.BlockSpec((BLK, D), lambda i: (i, 0)),
        out_shape=jax.ShapeDtypeStruct((N, D), jnp.float32),
    )(p, g_prev, dinv_b, b, W)


def _tc_final(p, g_prev, dinv_b, b, Wp, b4p):
    def body(p_ref, gp_ref, dv_ref, b_ref, w_ref, b4_ref, out_ref):
        agg = p_ref[0] + p_ref[1] + gp_ref[...]
        t = jnp.maximum(dv_ref[...] * agg + b_ref[...], 0.0)
        out_ref[...] = jnp.dot(t, w_ref[...],
                               preferred_element_type=jnp.float32) + b4_ref[...]

    return pl.pallas_call(
        body,
        grid=(N // BLK,),
        in_specs=[
            pl.BlockSpec((NC, BLK, D), lambda i: (0, i, 0)),
            pl.BlockSpec((BLK, D), lambda i: (i, 0)),
            pl.BlockSpec((BLK, D), lambda i: (i, 0)),
            pl.BlockSpec((1, D), lambda i: (0, 0)),
            pl.BlockSpec((D, D), lambda i: (0, 0)),
            pl.BlockSpec((1, D), lambda i: (0, 0)),
        ],
        out_specs=pl.BlockSpec((BLK, D), lambda i: (i, 0)),
        out_shape=jax.ShapeDtypeStruct((N, D), jnp.float32),
    )(p, g_prev, dinv_b, b, Wp, b4p)


def kernel(x, edge_index, W1, b1, W2, b2, W3, b3, W4, b4):
    src = edge_index[0]
    dst = edge_index[1]
    pad = EALLOC_ROWS * 128 - E
    pad_src = jnp.arange(pad, dtype=jnp.int32) % N
    src2d = jnp.concatenate([src, pad_src]).reshape(EALLOC_ROWS, 128)
    dump_ids = DUMP + jnp.arange(pad, dtype=jnp.int32) % (ACC_ROWS - N)
    dst2d = jnp.concatenate([dst, dump_ids]).reshape(EALLOC_ROWS, 128)
    zeros_rows = jnp.zeros((ZROWS, D), jnp.float32)
    ones_rows = jnp.zeros((128, D), jnp.float32).at[:, 0].set(1.0)
    b1r = b1.reshape(1, D)
    b2r = b2.reshape(1, D)
    b3r = b3.reshape(1, D)
    W4p = jnp.zeros((D, D), jnp.float32).at[:, :W4.shape[1]].set(W4)
    b4p = jnp.zeros((1, D), jnp.float32).at[0, :b4.shape[0]].set(b4)

    deg_parts = _sc_degree(dst2d, zeros_rows, ones_rows)
    dinv_b, g1 = _tc_layer1(deg_parts, x, W1)
    p1 = _sc_aggregate(g1, src2d, dst2d, zeros_rows)
    g2 = _tc_mid(p1, g1, dinv_b, b1r, W2)
    p2 = _sc_aggregate(g2, src2d, dst2d, zeros_rows)
    g3 = _tc_mid(p2, g2, dinv_b, b2r, W3)
    p3 = _sc_aggregate(g3, src2d, dst2d, zeros_rows)
    out = _tc_final(p3, g3, dinv_b, b3r, W4p, b4p)
    return out[:, :3]

# --- scband reference (transcript-rebuilt; emitter-appended) ---
"""Pipeline reference for scband-nbody-gnn-40931038331300 (READ-ONLY COPY).

The authoritative reference and input builder live on the scoring server;
editing this copy changes nothing except your own understanding.
"""

import jax, jax.numpy as jnp
import numpy as np

N = 10000
E = 320000
D_IN = 128
D_H = 128
D_OUT = 3


def _glorot(key, shape):
    fan_in, fan_out = shape[0], shape[1]
    limit = np.sqrt(6.0 / (fan_in + fan_out))
    return jax.random.uniform(key, shape, dtype=jnp.float32, minval=-limit, maxval=limit)


def setup_inputs(seed: int = 0) -> dict:
    key = jax.random.key(seed)
    ks = jax.random.split(key, 10)
    x = jax.random.normal(ks[0], (N, D_IN), dtype=jnp.float32)
    edge_index = jax.random.randint(ks[1], (2, E), 0, N, dtype=jnp.int32)
    W1 = _glorot(ks[2], (D_IN, D_H))
    b1 = jnp.zeros((D_H,), dtype=jnp.float32)
    W2 = _glorot(ks[3], (D_H, D_H))
    b2 = jnp.zeros((D_H,), dtype=jnp.float32)
    W3 = _glorot(ks[4], (D_H, D_H))
    b3 = jnp.zeros((D_H,), dtype=jnp.float32)
    W4 = _glorot(ks[5], (D_H, D_OUT))
    b4 = jnp.zeros((D_OUT,), dtype=jnp.float32)
    return {"x": x, "edge_index": edge_index, "W1": W1, "b1": b1,
            "W2": W2, "b2": b2, "W3": W3, "b3": b3, "W4": W4, "b4": b4}


def _gcn_conv(x, src, dst, W, b, n_nodes):
    # PyG GCNConv: add self-loops, symmetric D^-1/2 (A+I) D^-1/2 normalization,
    # linear transform then mean-free scatter-add aggregation at dst, plus bias.
    loop = jnp.arange(n_nodes, dtype=src.dtype)
    s = jnp.concatenate([src, loop])
    d = jnp.concatenate([dst, loop])
    deg = jnp.zeros((n_nodes,), dtype=jnp.float32).at[d].add(1.0)
    dinv = jnp.where(deg > 0, jax.lax.rsqrt(deg), 0.0)
    norm = dinv[s] * dinv[d]
    h = x @ W
    msg = h[s] * norm[:, None]
    out = jnp.zeros((n_nodes, h.shape[1]), dtype=jnp.float32).at[d].add(msg)
    return out + b


def reference(x, edge_index, W1, b1, W2, b2, W3, b3, W4, b4):
    # Eval-mode forward (dropout inactive)
    src = edge_index[0]
    dst = edge_index[1]
    h = _gcn_conv(x, src, dst, W1, b1, N)
    h = jax.nn.relu(h)
    h = _gcn_conv(h, src, dst, W2, b2, N)
    h = jax.nn.relu(h)
    h = _gcn_conv(h, src, dst, W3, b3, N)
    h = jax.nn.relu(h)
    out = h @ W4 + b4
    return out

if __name__ == "__main__":
    import jax
    _d = setup_inputs()
    print(jax.jit(kernel)(*tuple(_d.values())))

</pallas_src>

<mosaic_0001>
#map = affine_map<(d0, d1) -> (0, 0)>
#map1 = affine_map<(d0, d1) -> (0, 0, 0)>
module attributes {stable_mosaic.version = 14 : i64} {
  func.func @sc_degree(%arg0: i32, %arg1: i32, %arg2: memref<2592x128xi32, #tpu.memory_space<hbm>>, %arg3: memref<640x128xf32, #tpu.memory_space<hbm>>, %arg4: memref<128x128xf32, #tpu.memory_space<hbm>>, %arg5: memref<2x10240x128xf32, #tpu.memory_space<hbm>>, %arg6: memref<8x128xi32, #tpu.memory_space<vmem>>, %arg7: memref<128x128xf32, #tpu.memory_space<vmem>>, %arg8: memref<10240x128xf32, #tpu.memory_space<vmem_shared>>, %arg9: memref<!tpu.dma_semaphore, #tpu.memory_space<semaphore_mem>>) attributes {dimension_semantics = [#tpu.dimension_semantics<core_parallel>, #tpu.dimension_semantics<subcore_parallel>], iteration_bounds = array<i64: 2, 16>, scalar_prefetch = 0 : i64, scratch_operands = 4 : i64, tpu.core_type = #tpu.core_type<sc_vector_subcore>, window_params = [{transform_indices = #map}, {transform_indices = #map}, {transform_indices = #map}, {transform_indices = #map1}]} {
    %mul3A = arith.constant 640 : i32
    %mul3A_0 = arith.muli %arg1, %mul3A : i32
    "tpu.region"() ({
      %run_scoped3A = tpu.sem_alloc : memref<!tpu.dma_semaphore, #tpu.memory_space<semaphore_mem>>
      %dma_start3A = arith.constant 0 : i32
      %dma_start3A_15 = tpu.memref_slice %arg8[%mul3A_0, %dma_start3A] : memref<10240x128xf32, #tpu.memory_space<vmem_shared>> -> memref<640x128xf32, #tpu.memory_space<vmem_shared>>
      tpu.enqueue_dma source(%arg3 : memref<640x128xf32, #tpu.memory_space<hbm>>) target(%dma_start3A_15 : memref<640x128xf32, #tpu.memory_space<vmem_shared>>) target_semaphore(%run_scoped3A : memref<!tpu.dma_semaphore, #tpu.memory_space<semaphore_mem>>)
      %dma_wait3A = arith.constant 0 : i32
      %dma_wait3A_16 = tpu.memref_slice %arg8[%mul3A_0, %dma_wait3A] : memref<10240x128xf32, #tpu.memory_space<vmem_shared>> -> memref<640x128xf32, #tpu.memory_space<vmem_shared>>
      tpu.wait_dma2 semaphore(%run_scoped3A : memref<!tpu.dma_semaphore, #tpu.memory_space<semaphore_mem>>) src(%arg3 : memref<640x128xf32, #tpu.memory_space<hbm>>) dst(%dma_wait3A_16 : memref<640x128xf32, #tpu.memory_space<vmem_shared>>)
      tpu.yield
    }) : () -> ()
    "tpu.region"() ({
      %run_scoped3A = tpu.sem_alloc : memref<!tpu.dma_semaphore, #tpu.memory_space<semaphore_mem>>
      tpu.enqueue_dma source(%arg4 : memref<128x128xf32, #tpu.memory_space<hbm>>) target(%arg7 : memref<128x128xf32, #tpu.memory_space<vmem>>) target_semaphore(%run_scoped3A : memref<!tpu.dma_semaphore, #tpu.memory_space<semaphore_mem>>)
      tpu.wait_dma2 semaphore(%run_scoped3A : memref<!tpu.dma_semaphore, #tpu.memory_space<semaphore_mem>>) src(%arg4 : memref<128x128xf32, #tpu.memory_space<hbm>>) dst(%arg7 : memref<128x128xf32, #tpu.memory_space<vmem>>)
      tpu.yield
    }) : () -> ()
    %barrier3A = arith.constant 0 : index
    tpu.barrier barrier_id(%barrier3A)
    %mul3A_1 = arith.constant 2 : i32
    %mul3A_2 = arith.muli %arg1, %mul3A_1 : i32
    %add3A = arith.addi %mul3A_2, %arg0 : i32
    %mul3A_3 = arith.constant 80 : i32
    %mul3A_4 = arith.muli %add3A, %mul3A_3 : i32
    %scan3A = arith.constant 0 : i32
    %scan3A_5 = arith.constant 0 : i32
    %scan3A_6 = arith.constant 10 : i32
    %scan3A_7 = arith.addi %scan3A_5, %scan3A_6 : i32
    %scan3A_8 = arith.constant 1 : i32
    scf.for %scan3A_15 = %scan3A_5 to %scan3A_7 step %scan3A_8  : i32 {
      %mul3A_16 = arith.constant 8 : i32
      %mul3A_17 = arith.muli %scan3A_15, %mul3A_16 : i32
      %add3A_18 = arith.addi %mul3A_4, %mul3A_17 : i32
      "tpu.region"() ({
        %run_scoped3A = tpu.sem_alloc : memref<!tpu.dma_semaphore, #tpu.memory_space<semaphore_mem>>
        %dma_start3A_129 = arith.constant 0 : i32
        %dma_start3A_130 = tpu.memref_slice %arg2[%add3A_18, %dma_start3A_129] : memref<2592x128xi32, #tpu.memory_space<hbm>> -> memref<8x128xi32, #tpu.memory_space<hbm>>
        %dma_start3A_131 = arith.constant 0 : i32
        %dma_start3A_132 = tpu.memref_slice %arg2[%add3A_18, %dma_start3A_131] : memref<2592x128xi32, #tpu.memory_space<hbm>> -> memref<8x128xi32, #tpu.memory_space<hbm>>
        tpu.enqueue_dma source(%dma_start3A_132 : memref<8x128xi32, #tpu.memory_space<hbm>>) target(%arg6 : memref<8x128xi32, #tpu.memory_space<vmem>>) target_semaphore(%run_scoped3A : memref<!tpu.dma_semaphore, #tpu.memory_space<semaphore_mem>>)
        %dma_wait3A_133 = arith.constant 0 : i32
        %dma_wait3A_134 = tpu.memref_slice %arg2[%add3A_18, %dma_wait3A_133] : memref<2592x128xi32, #tpu.memory_space<hbm>> -> memref<8x128xi32, #tpu.memory_space<hbm>>
        %dma_wait3A_135 = arith.constant 0 : i32
        %dma_wait3A_136 = tpu.memref_slice %arg2[%add3A_18, %dma_wait3A_135] : memref<2592x128xi32, #tpu.memory_space<hbm>> -> memref<8x128xi32, #tpu.memory_space<hbm>>
        tpu.wait_dma2 semaphore(%run_scoped3A : memref<!tpu.dma_semaphore, #tpu.memory_space<semaphore_mem>>) src(%dma_wait3A_136 : memref<8x128xi32, #tpu.memory_space<hbm>>) dst(%arg6 : memref<8x128xi32, #tpu.memory_space<vmem>>)
        tpu.yield
      }) : () -> ()
      %dma_start3A = arith.constant 0 : i32
      %dma_start3A_19 = arith.constant 0 : i32
      %dma_start3A_20 = tpu.memref_slice %arg6[%dma_start3A, %dma_start3A_19] : memref<8x128xi32, #tpu.memory_space<vmem>> -> memref<1x128xi32, #tpu.memory_space<vmem>>
      %dma_start3A_21 = tpu.memref_squeeze %dma_start3A_20 : memref<1x128xi32, #tpu.memory_space<vmem>> -> memref<128xi32, #tpu.memory_space<vmem>>
      %dma_start3A_22 = arith.constant 0 : i32
      %dma_start3A_23 = arith.constant 0 : i32
      %dma_start3A_24 = tpu.memref_slice %arg8[%dma_start3A_22, %dma_start3A_23] : memref<10240x128xf32, #tpu.memory_space<vmem_shared>> -> memref<10240x128xf32, #tpu.memory_space<vmem_shared>>
      tpu.enqueue_indirect_dma source(%arg7 : memref<128x128xf32, #tpu.memory_space<vmem>>) target(%dma_start3A_24 : memref<10240x128xf32, #tpu.memory_space<vmem_shared>>) offsets(%dma_start3A_21 : memref<128xi32, #tpu.memory_space<vmem>>) semaphore(%arg9 : memref<!tpu.dma_semaphore, #tpu.memory_space<semaphore_mem>>) {add = true}
      %dma_start3A_25 = arith.constant 1 : i32
      %dma_start3A_26 = arith.constant 0 : i32
      %dma_start3A_27 = tpu.memref_slice %arg6[%dma_start3A_25, %dma_start3A_26] : memref<8x128xi32, #tpu.memory_space<vmem>> -> memref<1x128xi32, #tpu.memory_space<vmem>>
      %dma_start3A_28 = tpu.memref_squeeze %dma_start3A_27 : memref<1x128xi32, #tpu.memory_space<vmem>> -> memref<128xi32, #tpu.memory_space<vmem>>
      %dma_start3A_29 = arith.constant 0 : i32
      %dma_start3A_30 = arith.constant 0 : i32
      %dma_start3A_31 = tpu.memref_slice %arg8[%dma_start3A_29, %dma_start3A_30] : memref<10240x128xf32, #tpu.memory_space<vmem_shared>> -> memref<10240x128xf32, #tpu.memory_space<vmem_shared>>
      tpu.enqueue_indirect_dma source(%arg7 : memref<128x128xf32, #tpu.memory_space<vmem>>) target(%dma_start3A_31 : memref<10240x128xf32, #tpu.memory_space<vmem_shared>>) offsets(%dma_start3A_28 : memref<128xi32, #tpu.memory_space<vmem>>) semaphore(%arg9 : memref<!tpu.dma_semaphore, #tpu.memory_space<semaphore_mem>>) {add = true}
      %dma_start3A_32 = arith.constant 2 : i32
      %dma_start3A_33 = arith.constant 0 : i32
      %dma_start3A_34 = tpu.memref_slice %arg6[%dma_start3A_32, %dma_start3A_33] : memref<8x128xi32, #tpu.memory_space<vmem>> -> memref<1x128xi32, #tpu.memory_space<vmem>>
      %dma_start3A_35 = tpu.memref_squeeze %dma_start3A_34 : memref<1x128xi32, #tpu.memory_space<vmem>> -> memref<128xi32, #tpu.memory_space<vmem>>
      %dma_start3A_36 = arith.constant 0 : i32
      %dma_start3A_37 = arith.constant 0 : i32
      %dma_start3A_38 = tpu.memref_slice %arg8[%dma_start3A_36, %dma_start3A_37] : memref<10240x128xf32, #tpu.memory_space<vmem_shared>> -> memref<10240x128xf32, #tpu.memory_space<vmem_shared>>
      tpu.enqueue_indirect_dma source(%arg7 : memref<128x128xf32, #tpu.memory_space<vmem>>) target(%dma_start3A_38 : memref<10240x128xf32, #tpu.memory_space<vmem_shared>>) offsets(%dma_start3A_35 : memref<128xi32, #tpu.memory_space<vmem>>) semaphore(%arg9 : memref<!tpu.dma_semaphore, #tpu.memory_space<semaphore_mem>>) {add = true}
      %dma_start3A_39 = arith.constant 3 : i32
      %dma_start3A_40 = arith.constant 0 : i32
      %dma_start3A_41 = tpu.memref_slice %arg6[%dma_start3A_39, %dma_start3A_40] : memref<8x128xi32, #tpu.memory_space<vmem>> -> memref<1x128xi32, #tpu.memory_space<vmem>>
      %dma_start3A_42 = tpu.memref_squeeze %dma_start3A_41 : memref<1x128xi32, #tpu.memory_space<vmem>> -> memref<128xi32, #tpu.memory_space<vmem>>
      %dma_start3A_43 = arith.constant 0 : i32
      %dma_start3A_44 = arith.constant 0 : i32
      %dma_start3A_45 = tpu.memref_slice %arg8[%dma_start3A_43, %dma_start3A_44] : memref<10240x128xf32, #tpu.memory_space<vmem_shared>> -> memref<10240x128xf32, #tpu.memory_space<vmem_shared>>
      tpu.enqueue_indirect_dma source(%arg7 : memref<128x128xf32, #tpu.memory_space<vmem>>) target(%dma_start3A_45 : memref<10240x128xf32, #tpu.memory_space<vmem_shared>>) offsets(%dma_start3A_42 : memref<128xi32, #tpu.memory_space<vmem>>) semaphore(%arg9 : memref<!tpu.dma_semaphore, #tpu.memory_space<semaphore_mem>>) {add = true}
      %dma_start3A_46 = arith.constant 4 : i32
      %dma_start3A_47 = arith.constant 0 : i32
      %dma_start3A_48 = tpu.memref_slice %arg6[%dma_start3A_46, %dma_start3A_47] : memref<8x128xi32, #tpu.memory_space<vmem>> -> memref<1x128xi32, #tpu.memory_space<vmem>>
      %dma_start3A_49 = tpu.memref_squeeze %dma_start3A_48 : memref<1x128xi32, #tpu.memory_space<vmem>> -> memref<128xi32, #tpu.memory_space<vmem>>
      %dma_start3A_50 = arith.constant 0 : i32
      %dma_start3A_51 = arith.constant 0 : i32
      %dma_start3A_52 = tpu.memref_slice %arg8[%dma_start3A_50, %dma_start3A_51] : memref<10240x128xf32, #tpu.memory_space<vmem_shared>> -> memref<10240x128xf32, #tpu.memory_space<vmem_shared>>
      tpu.enqueue_indirect_dma source(%arg7 : memref<128x128xf32, #tpu.memory_space<vmem>>) target(%dma_start3A_52 : memref<10240x128xf32, #tpu.memory_space<vmem_shared>>) offsets(%dma_start3A_49 : memref<128xi32, #tpu.memory_space<vmem>>) semaphore(%arg9 : memref<!tpu.dma_semaphore, #tpu.memory_space<semaphore_mem>>) {add = true}
      %dma_start3A_53 = arith.constant 5 : i32
      %dma_start3A_54 = arith.constant 0 : i32
      %dma_start3A_55 = tpu.memref_slice %arg6[%dma_start3A_53, %dma_start3A_54] : memref<8x128xi32, #tpu.memory_space<vmem>> -> memref<1x128xi32, #tpu.memory_space<vmem>>
      %dma_start3A_56 = tpu.memref_squeeze %dma_start3A_55 : memref<1x128xi32, #tpu.memory_space<vmem>> -> memref<128xi32, #tpu.memory_space<vmem>>
      %dma_start3A_57 = arith.constant 0 : i32
      %dma_start3A_58 = arith.constant 0 : i32
      %dma_start3A_59 = tpu.memref_slice %arg8[%dma_start3A_57, %dma_start3A_58] : memref<10240x128xf32, #tpu.memory_space<vmem_shared>> -> memref<10240x128xf32, #tpu.memory_space<vmem_shared>>
      tpu.enqueue_indirect_dma source(%arg7 : memref<128x128xf32, #tpu.memory_space<vmem>>) target(%dma_start3A_59 : memref<10240x128xf32, #tpu.memory_space<vmem_shared>>) offsets(%dma_start3A_56 : memref<128xi32, #tpu.memory_space<vmem>>) semaphore(%arg9 : memref<!tpu.dma_semaphore, #tpu.memory_space<semaphore_mem>>) {add = true}
      %dma_start3A_60 = arith.constant 6 : i32
      %dma_start3A_61 = arith.constant 0 : i32
      %dma_start3A_62 = tpu.memref_slice %arg6[%dma_start3A_60, %dma_start3A_61] : memref<8x128xi32, #tpu.memory_space<vmem>> -> memref<1x128xi32, #tpu.memory_space<vmem>>
      %dma_start3A_63 = tpu.memref_squeeze %dma_start3A_62 : memref<1x128xi32, #tpu.memory_space<vmem>> -> memref<128xi32, #tpu.memory_space<vmem>>
      %dma_start3A_64 = arith.constant 0 : i32
      %dma_start3A_65 = arith.constant 0 : i32
      %dma_start3A_66 = tpu.memref_slice %arg8[%dma_start3A_64, %dma_start3A_65] : memref<10240x128xf32, #tpu.memory_space<vmem_shared>> -> memref<10240x128xf32, #tpu.memory_space<vmem_shared>>
      tpu.enqueue_indirect_dma source(%arg7 : memref<128x128xf32, #tpu.memory_space<vmem>>) target(%dma_start3A_66 : memref<10240x128xf32, #tpu.memory_space<vmem_shared>>) offsets(%dma_start3A_63 : memref<128xi32, #tpu.memory_space<vmem>>) semaphore(%arg9 : memref<!tpu.dma_semaphore, #tpu.memory_space<semaphore_mem>>) {add = true}
      %dma_start3A_67 = arith.constant 7 : i32
      %dma_start3A_68 = arith.constant 0 : i32
      %dma_start3A_69 = tpu.memref_slice %arg6[%dma_start3A_67, %dma_start3A_68] : memref<8x128xi32, #tpu.memory_space<vmem>> -> memref<1x128xi32, #tpu.memory_space<vmem>>
      %dma_start3A_70 = tpu.memref_squeeze %dma_start3A_69 : memref<1x128xi32, #tpu.memory_space<vmem>> -> memref<128xi32, #tpu.memory_space<vmem>>
      %dma_start3A_71 = arith.constant 0 : i32
      %dma_start3A_72 = arith.constant 0 : i32
      %dma_start3A_73 = tpu.memref_slice %arg8[%dma_start3A_71, %dma_start3A_72] : memref<10240x128xf32, #tpu.memory_space<vmem_shared>> -> memref<10240x128xf32, #tpu.memory_space<vmem_shared>>
      tpu.enqueue_indirect_dma source(%arg7 : memref<128x128xf32, #tpu.memory_space<vmem>>) target(%dma_start3A_73 : memref<10240x128xf32, #tpu.memory_space<vmem_shared>>) offsets(%dma_start3A_70 : memref<128xi32, #tpu.memory_space<vmem>>) semaphore(%arg9 : memref<!tpu.dma_semaphore, #tpu.memory_space<semaphore_mem>>) {add = true}
      %dma_wait3A = arith.constant 0 : i32
      %dma_wait3A_74 = arith.constant 0 : i32
      %dma_wait3A_75 = tpu.memref_slice %arg6[%dma_wait3A, %dma_wait3A_74] : memref<8x128xi32, #tpu.memory_space<vmem>> -> memref<1x128xi32, #tpu.memory_space<vmem>>
      %dma_wait3A_76 = tpu.memref_squeeze %dma_wait3A_75 : memref<1x128xi32, #tpu.memory_space<vmem>> -> memref<128xi32, #tpu.memory_space<vmem>>
      %dma_wait3A_77 = arith.constant 0 : i32
      %dma_wait3A_78 = arith.constant 0 : i32
      %dma_wait3A_79 = tpu.memref_slice %arg8[%dma_wait3A_77, %dma_wait3A_78] : memref<10240x128xf32, #tpu.memory_space<vmem_shared>> -> memref<10240x128xf32, #tpu.memory_space<vmem_shared>>
      tpu.wait_indirect_dma semaphore(%arg9 : memref<!tpu.dma_semaphore, #tpu.memory_space<semaphore_mem>>) src(%arg7 : memref<128x128xf32, #tpu.memory_space<vmem>>) dst(%dma_wait3A_79 : memref<10240x128xf32, #tpu.memory_space<vmem_shared>>)
      %dma_wait3A_80 = arith.constant 1 : i32
      %dma_wait3A_81 = arith.constant 0 : i32
      %dma_wait3A_82 = tpu.memref_slice %arg6[%dma_wait3A_80, %dma_wait3A_81] : memref<8x128xi32, #tpu.memory_space<vmem>> -> memref<1x128xi32, #tpu.memory_space<vmem>>
      %dma_wait3A_83 = tpu.memref_squeeze %dma_wait3A_82 : memref<1x128xi32, #tpu.memory_space<vmem>> -> memref<128xi32, #tpu.memory_space<vmem>>
      %dma_wait3A_84 = arith.constant 0 : i32
      %dma_wait3A_85 = arith.constant 0 : i32
      %dma_wait3A_86 = tpu.memref_slice %arg8[%dma_wait3A_84, %dma_wait3A_85] : memref<10240x128xf32, #tpu.memory_space<vmem_shared>> -> memref<10240x128xf32, #tpu.memory_space<vmem_shared>>
      tpu.wait_indirect_dma semaphore(%arg9 : memref<!tpu.dma_semaphore, #tpu.memory_space<semaphore_mem>>) src(%arg7 : memref<128x128xf32, #tpu.memory_space<vmem>>) dst(%dma_wait3A_86 : memref<10240x128xf32, #tpu.memory_space<vmem_shared>>)
      %dma_wait3A_87 = arith.constant 2 : i32
      %dma_wait3A_88 = arith.constant 0 : i32
      %dma_wait3A_89 = tpu.memref_slice %arg6[%dma_wait3A_87, %dma_wait3A_88] : memref<8x128xi32, #tpu.memory_space<vmem>> -> memref<1x128xi32, #tpu.memory_space<vmem>>
      %dma_wait3A_90 = tpu.memref_squeeze %dma_wait3A_89 : memref<1x128xi32, #tpu.memory_space<vmem>> -> memref<128xi32, #tpu.memory_space<vmem>>
      %dma_wait3A_91 = arith.constant 0 : i32
      %dma_wait3A_92 = arith.constant 0 : i32
      %dma_wait3A_93 = tpu.memref_slice %arg8[%dma_wait3A_91, %dma_wait3A_92] : memref<10240x128xf32, #tpu.memory_space<vmem_shared>> -> memref<10240x128xf32, #tpu.memory_space<vmem_shared>>
      tpu.wait_indirect_dma semaphore(%arg9 : memref<!tpu.dma_semaphore, #tpu.memory_space<semaphore_mem>>) src(%arg7 : memref<128x128xf32, #tpu.memory_space<vmem>>) dst(%dma_wait3A_93 : memref<10240x128xf32, #tpu.memory_space<vmem_shared>>)
      %dma_wait3A_94 = arith.constant 3 : i32
      %dma_wait3A_95 = arith.constant 0 : i32
      %dma_wait3A_96 = tpu.memref_slice %arg6[%dma_wait3A_94, %dma_wait3A_95] : memref<8x128xi32, #tpu.memory_space<vmem>> -> memref<1x128xi32, #tpu.memory_space<vmem>>
      %dma_wait3A_97 = tpu.memref_squeeze %dma_wait3A_96 : memref<1x128xi32, #tpu.memory_space<vmem>> -> memref<128xi32, #tpu.memory_space<vmem>>
      %dma_wait3A_98 = arith.constant 0 : i32
      %dma_wait3A_99 = arith.constant 0 : i32
      %dma_wait3A_100 = tpu.memref_slice %arg8[%dma_wait3A_98, %dma_wait3A_99] : memref<10240x128xf32, #tpu.memory_space<vmem_shared>> -> memref<10240x128xf32, #tpu.memory_space<vmem_shared>>
      tpu.wait_indirect_dma semaphore(%arg9 : memref<!tpu.dma_semaphore, #tpu.memory_space<semaphore_mem>>) src(%arg7 : memref<128x128xf32, #tpu.memory_space<vmem>>) dst(%dma_wait3A_100 : memref<10240x128xf32, #tpu.memory_space<vmem_shared>>)
      %dma_wait3A_101 = arith.constant 4 : i32
      %dma_wait3A_102 = arith.constant 0 : i32
      %dma_wait3A_103 = tpu.memref_slice %arg6[%dma_wait3A_101, %dma_wait3A_102] : memref<8x128xi32, #tpu.memory_space<vmem>> -> memref<1x128xi32, #tpu.memory_space<vmem>>
      %dma_wait3A_104 = tpu.memref_squeeze %dma_wait3A_103 : memref<1x128xi32, #tpu.memory_space<vmem>> -> memref<128xi32, #tpu.memory_space<vmem>>
      %dma_wait3A_105 = arith.constant 0 : i32
      %dma_wait3A_106 = arith.constant 0 : i32
      %dma_wait3A_107 = tpu.memref_slice %arg8[%dma_wait3A_105, %dma_wait3A_106] : memref<10240x128xf32, #tpu.memory_space<vmem_shared>> -> memref<10240x128xf32, #tpu.memory_space<vmem_shared>>
      tpu.wait_indirect_dma semaphore(%arg9 : memref<!tpu.dma_semaphore, #tpu.memory_space<semaphore_mem>>) src(%arg7 : memref<128x128xf32, #tpu.memory_space<vmem>>) dst(%dma_wait3A_107 : memref<10240x128xf32, #tpu.memory_space<vmem_shared>>)
      %dma_wait3A_108 = arith.constant 5 : i32
      %dma_wait3A_109 = arith.constant 0 : i32
      %dma_wait3A_110 = tpu.memref_slice %arg6[%dma_wait3A_108, %dma_wait3A_109] : memref<8x128xi32, #tpu.memory_space<vmem>> -> memref<1x128xi32, #tpu.memory_space<vmem>>
      %dma_wait3A_111 = tpu.memref_squeeze %dma_wait3A_110 : memref<1x128xi32, #tpu.memory_space<vmem>> -> memref<128xi32, #tpu.memory_space<vmem>>
      %dma_wait3A_112 = arith.constant 0 : i32
      %dma_wait3A_113 = arith.constant 0 : i32
      %dma_wait3A_114 = tpu.memref_slice %arg8[%dma_wait3A_112, %dma_wait3A_113] : memref<10240x128xf32, #tpu.memory_space<vmem_shared>> -> memref<10240x128xf32, #tpu.memory_space<vmem_shared>>
      tpu.wait_indirect_dma semaphore(%arg9 : memref<!tpu.dma_semaphore, #tpu.memory_space<semaphore_mem>>) src(%arg7 : memref<128x128xf32, #tpu.memory_space<vmem>>) dst(%dma_wait3A_114 : memref<10240x128xf32, #tpu.memory_space<vmem_shared>>)
      %dma_wait3A_115 = arith.constant 6 : i32
      %dma_wait3A_116 = arith.constant 0 : i32
      %dma_wait3A_117 = tpu.memref_slice %arg6[%dma_wait3A_115, %dma_wait3A_116] : memref<8x128xi32, #tpu.memory_space<vmem>> -> memref<1x128xi32, #tpu.memory_space<vmem>>
      %dma_wait3A_118 = tpu.memref_squeeze %dma_wait3A_117 : memref<1x128xi32, #tpu.memory_space<vmem>> -> memref<128xi32, #tpu.memory_space<vmem>>
      %dma_wait3A_119 = arith.constant 0 : i32
      %dma_wait3A_120 = arith.constant 0 : i32
      %dma_wait3A_121 = tpu.memref_slice %arg8[%dma_wait3A_119, %dma_wait3A_120] : memref<10240x128xf32, #tpu.memory_space<vmem_shared>> -> memref<10240x128xf32, #tpu.memory_space<vmem_shared>>
      tpu.wait_indirect_dma semaphore(%arg9 : memref<!tpu.dma_semaphore, #tpu.memory_space<semaphore_mem>>) src(%arg7 : memref<128x128xf32, #tpu.memory_space<vmem>>) dst(%dma_wait3A_121 : memref<10240x128xf32, #tpu.memory_space<vmem_shared>>)
      %dma_wait3A_122 = arith.constant 7 : i32
      %dma_wait3A_123 = arith.constant 0 : i32
      %dma_wait3A_124 = tpu.memref_slice %arg6[%dma_wait3A_122, %dma_wait3A_123] : memref<8x128xi32, #tpu.memory_space<vmem>> -> memref<1x128xi32, #tpu.memory_space<vmem>>
      %dma_wait3A_125 = tpu.memref_squeeze %dma_wait3A_124 : memref<1x128xi32, #tpu.memory_space<vmem>> -> memref<128xi32, #tpu.memory_space<vmem>>
      %dma_wait3A_126 = arith.constant 0 : i32
      %dma_wait3A_127 = arith.constant 0 : i32
      %dma_wait3A_128 = tpu.memref_slice %arg8[%dma_wait3A_126, %dma_wait3A_127] : memref<10240x128xf32, #tpu.memory_space<vmem_shared>> -> memref<10240x128xf32, #tpu.memory_space<vmem_shared>>
      tpu.wait_indirect_dma semaphore(%arg9 : memref<!tpu.dma_semaphore, #tpu.memory_space<semaphore_mem>>) src(%arg7 : memref<128x128xf32, #tpu.memory_space<vmem>>) dst(%dma_wait3A_128 : memref<10240x128xf32, #tpu.memory_space<vmem_shared>>)
    }
    %scan3A_9 = arith.constant 10 : i32
    %barrier3A_10 = arith.constant 0 : index
    tpu.barrier barrier_id(%barrier3A_10)
    %mul3A_11 = arith.constant 640 : i32
    %mul3A_12 = arith.muli %arg1, %mul3A_11 : i32
    %mul3A_13 = arith.constant 640 : i32
    %mul3A_14 = arith.muli %arg1, %mul3A_13 : i32
    "tpu.region"() ({
      %run_scoped3A = tpu.sem_alloc : memref<!tpu.dma_semaphore, #tpu.memory_space<semaphore_mem>>
      %dma_start3A = arith.constant 0 : i32
      %dma_start3A_15 = tpu.memref_slice %arg5[%arg0, %mul3A_14, %dma_start3A] : memref<2x10240x128xf32, #tpu.memory_space<hbm>> -> memref<1x640x128xf32, #tpu.memory_space<hbm>>
      %dma_start3A_16 = tpu.memref_squeeze %dma_start3A_15 : memref<1x640x128xf32, #tpu.memory_space<hbm>> -> memref<640x128xf32, #tpu.memory_space<hbm>>
      %dma_start3A_17 = arith.constant 0 : i32
      %dma_start3A_18 = tpu.memref_slice %arg8[%mul3A_12, %dma_start3A_17] : memref<10240x128xf32, #tpu.memory_space<vmem_shared>> -> memref<640x128xf32, #tpu.memory_space<vmem_shared>>
      tpu.enqueue_dma source(%dma_start3A_18 : memref<640x128xf32, #tpu.memory_space<vmem_shared>>) target(%dma_start3A_16 : memref<640x128xf32, #tpu.memory_space<hbm>>) target_semaphore(%run_scoped3A : memref<!tpu.dma_semaphore, #tpu.memory_space<semaphore_mem>>)
      %dma_wait3A = arith.constant 0 : i32
      %dma_wait3A_19 = tpu.memref_slice %arg5[%arg0, %mul3A_14, %dma_wait3A] : memref<2x10240x128xf32, #tpu.memory_space<hbm>> -> memref<1x640x128xf32, #tpu.memory_space<hbm>>
      %dma_wait3A_20 = tpu.memref_squeeze %dma_wait3A_19 : memref<1x640x128xf32, #tpu.memory_space<hbm>> -> memref<640x128xf32, #tpu.memory_space<hbm>>
      %dma_wait3A_21 = arith.constant 0 : i32
      %dma_wait3A_22 = tpu.memref_slice %arg8[%mul3A_12, %dma_wait3A_21] : memref<10240x128xf32, #tpu.memory_space<vmem_shared>> -> memref<640x128xf32, #tpu.memory_space<vmem_shared>>
      tpu.wait_dma2 semaphore(%run_scoped3A : memref<!tpu.dma_semaphore, #tpu.memory_space<semaphore_mem>>) src(%dma_wait3A_22 : memref<640x128xf32, #tpu.memory_space<vmem_shared>>) dst(%dma_wait3A_20 : memref<640x128xf32, #tpu.memory_space<hbm>>)
      tpu.yield
    }) : () -> ()
    return
  }
}

#map = affine_map<(d0, d1) -> (0, 0)>
#map1 = affine_map<(d0, d1) -> (0, 0, 0)>
module attributes {stable_mosaic.version = 14 : i64} {
  func.func @sc_aggregate(%arg0: i32, %arg1: i32, %arg2: memref<10000x128xf32, #tpu.memory_space<hbm>>, %arg3: memref<2592x128xi32, #tpu.memory_space<hbm>>, %arg4: memref<2592x128xi32, #tpu.memory_space<hbm>>, %arg5: memref<640x128xf32, #tpu.memory_space<hbm>>, %arg6: memref<2x10240x128xf32, #tpu.memory_space<hbm>>, %arg7: memref<64x128xi32, #tpu.memory_space<vmem>>, %arg8: memref<8x128xi32, #tpu.memory_space<vmem>>, %arg9: memref<128x128xf32, #tpu.memory_space<vmem>>, %arg10: memref<128x128xf32, #tpu.memory_space<vmem>>, %arg11: memref<10240x128xf32, #tpu.memory_space<vmem_shared>>, %arg12: memref<!tpu.dma_semaphore, #tpu.memory_space<semaphore_mem>>, %arg13: memref<!tpu.dma_semaphore, #tpu.memory_space<semaphore_mem>>) attributes {dimension_semantics = [#tpu.dimension_semantics<core_parallel>, #tpu.dimension_semantics<subcore_parallel>], iteration_bounds = array<i64: 2, 16>, scalar_prefetch = 0 : i64, scratch_operands = 7 : i64, tpu.core_type = #tpu.core_type<sc_vector_subcore>, window_params = [{transform_indices = #map}, {transform_indices = #map}, {transform_indices = #map}, {transform_indices = #map}, {transform_indices = #map1}]} {
    %mul3A = arith.constant 2 : i32
    %mul3A_0 = arith.muli %arg1, %mul3A : i32
    %add3A = arith.addi %mul3A_0, %arg0 : i32
    %mul3A_1 = arith.constant 80 : i32
    %mul3A_2 = arith.muli %add3A, %mul3A_1 : i32
    %mul3A_3 = arith.constant 640 : i32
    %mul3A_4 = arith.muli %arg1, %mul3A_3 : i32
    "tpu.region"() ({
      %run_scoped3A = tpu.sem_alloc : memref<!tpu.dma_semaphore, #tpu.memory_space<semaphore_mem>>
      %dma_start3A = arith.constant 0 : i32
      %dma_start3A_15 = tpu.memref_slice %arg11[%mul3A_4, %dma_start3A] : memref<10240x128xf32, #tpu.memory_space<vmem_shared>> -> memref<640x128xf32, #tpu.memory_space<vmem_shared>>
      tpu.enqueue_dma source(%arg5 : memref<640x128xf32, #tpu.memory_space<hbm>>) target(%dma_start3A_15 : memref<640x128xf32, #tpu.memory_space<vmem_shared>>) target_semaphore(%run_scoped3A : memref<!tpu.dma_semaphore, #tpu.memory_space<semaphore_mem>>)
      %dma_wait3A = arith.constant 0 : i32
      %dma_wait3A_16 = tpu.memref_slice %arg11[%mul3A_4, %dma_wait3A] : memref<10240x128xf32, #tpu.memory_space<vmem_shared>> -> memref<640x128xf32, #tpu.memory_space<vmem_shared>>
      tpu.wait_dma2 semaphore(%run_scoped3A : memref<!tpu.dma_semaphore, #tpu.memory_space<semaphore_mem>>) src(%arg5 : memref<640x128xf32, #tpu.memory_space<hbm>>) dst(%dma_wait3A_16 : memref<640x128xf32, #tpu.memory_space<vmem_shared>>)
      tpu.yield
    }) : () -> ()
    %barrier3A = arith.constant 0 : index
    tpu.barrier barrier_id(%barrier3A)
    %scan3A = arith.constant 0 : i32
    %scan3A_5 = arith.constant 0 : i32
    %scan3A_6 = arith.constant 2 : i32
    %scan3A_7 = arith.addi %scan3A_5, %scan3A_6 : i32
    %scan3A_8 = arith.constant 1 : i32
    scf.for %scan3A_15 = %scan3A_5 to %scan3A_7 step %scan3A_8  : i32 {
      %mul3A_16 = arith.constant 64 : i32
      %mul3A_17 = arith.muli %scan3A_15, %mul3A_16 : i32
      %add3A_18 = arith.addi %mul3A_2, %mul3A_17 : i32
      "tpu.region"() ({
        %run_scoped3A = tpu.sem_alloc : memref<!tpu.dma_semaphore, #tpu.memory_space<semaphore_mem>>
        %dma_start3A_62 = arith.constant 0 : i32
        %dma_start3A_63 = tpu.memref_slice %arg3[%add3A_18, %dma_start3A_62] : memref<2592x128xi32, #tpu.memory_space<hbm>> -> memref<64x128xi32, #tpu.memory_space<hbm>>
        %dma_start3A_64 = arith.constant 0 : i32
        %dma_start3A_65 = tpu.memref_slice %arg3[%add3A_18, %dma_start3A_64] : memref<2592x128xi32, #tpu.memory_space<hbm>> -> memref<64x128xi32, #tpu.memory_space<hbm>>
        tpu.enqueue_dma source(%dma_start3A_65 : memref<64x128xi32, #tpu.memory_space<hbm>>) target(%arg7 : memref<64x128xi32, #tpu.memory_space<vmem>>) target_semaphore(%run_scoped3A : memref<!tpu.dma_semaphore, #tpu.memory_space<semaphore_mem>>)
        %dma_wait3A = arith.constant 0 : i32
        %dma_wait3A_66 = tpu.memref_slice %arg3[%add3A_18, %dma_wait3A] : memref<2592x128xi32, #tpu.memory_space<hbm>> -> memref<64x128xi32, #tpu.memory_space<hbm>>
        %dma_wait3A_67 = arith.constant 0 : i32
        %dma_wait3A_68 = tpu.memref_slice %arg3[%add3A_18, %dma_wait3A_67] : memref<2592x128xi32, #tpu.memory_space<hbm>> -> memref<64x128xi32, #tpu.memory_space<hbm>>
        tpu.wait_dma2 semaphore(%run_scoped3A : memref<!tpu.dma_semaphore, #tpu.memory_space<semaphore_mem>>) src(%dma_wait3A_68 : memref<64x128xi32, #tpu.memory_space<hbm>>) dst(%arg7 : memref<64x128xi32, #tpu.memory_space<vmem>>)
        tpu.yield
      }) : () -> ()
      %mul3A_19 = arith.constant 64 : i32
      %mul3A_20 = arith.muli %scan3A_15, %mul3A_19 : i32
      %sub3A = arith.constant 80 : i32
      %sub3A_21 = arith.subi %sub3A, %mul3A_20 : i32
      %min3A = arith.constant 64 : i32
      %min3A_22 = arith.minsi %min3A, %sub3A_21 : i32
      %dma_start3A = arith.constant 0 : i32
      %dma_start3A_23 = arith.constant 0 : i32
      %dma_start3A_24 = tpu.memref_slice %arg7[%dma_start3A, %dma_start3A_23] : memref<64x128xi32, #tpu.memory_space<vmem>> -> memref<1x128xi32, #tpu.memory_space<vmem>>
      %dma_start3A_25 = tpu.memref_squeeze %dma_start3A_24 : memref<1x128xi32, #tpu.memory_space<vmem>> -> memref<128xi32, #tpu.memory_space<vmem>>
      %dma_start3A_26 = arith.constant 0 : i32
      %dma_start3A_27 = arith.constant 0 : i32
      %dma_start3A_28 = tpu.memref_slice %arg2[%dma_start3A_26, %dma_start3A_27] : memref<10000x128xf32, #tpu.memory_space<hbm>> -> memref<10000x128xf32, #tpu.memory_space<hbm>>
      tpu.enqueue_indirect_dma source(%dma_start3A_28 : memref<10000x128xf32, #tpu.memory_space<hbm>>) target(%arg9 : memref<128x128xf32, #tpu.memory_space<vmem>>) offsets(%dma_start3A_25 : memref<128xi32, #tpu.memory_space<vmem>>) semaphore(%arg12 : memref<!tpu.dma_semaphore, #tpu.memory_space<semaphore_mem>>)
      %dma_start3A_29 = arith.constant 1 : i32
      %dma_start3A_30 = arith.constant 0 : i32
      %dma_start3A_31 = tpu.memref_slice %arg7[%dma_start3A_29, %dma_start3A_30] : memref<64x128xi32, #tpu.memory_space<vmem>> -> memref<1x128xi32, #tpu.memory_space<vmem>>
      %dma_start3A_32 = tpu.memref_squeeze %dma_start3A_31 : memref<1x128xi32, #tpu.memory_space<vmem>> -> memref<128xi32, #tpu.memory_space<vmem>>
      %dma_start3A_33 = arith.constant 0 : i32
      %dma_start3A_34 = arith.constant 0 : i32
      %dma_start3A_35 = tpu.memref_slice %arg2[%dma_start3A_33, %dma_start3A_34] : memref<10000x128xf32, #tpu.memory_space<hbm>> -> memref<10000x128xf32, #tpu.memory_space<hbm>>
      tpu.enqueue_indirect_dma source(%dma_start3A_35 : memref<10000x128xf32, #tpu.memory_space<hbm>>) target(%arg10 : memref<128x128xf32, #tpu.memory_space<vmem>>) offsets(%dma_start3A_32 : memref<128xi32, #tpu.memory_space<vmem>>) semaphore(%arg13 : memref<!tpu.dma_semaphore, #tpu.memory_space<semaphore_mem>>)
      %jit3A = arith.constant 8 : i32
      %div3A = arith.divsi %min3A_22, %jit3A : i32
      %sign3A = arith.constant 0 : i32
      %sign3A_36 = arith.cmpi sgt, %min3A_22, %sign3A : i32
      %sign3A_37 = arith.extui %sign3A_36 : i1 to i32
      %sign3A_38 = arith.constant 0 : i32
      %sign3A_39 = arith.cmpi slt, %min3A_22, %sign3A_38 : i32
      %sign3A_40 = arith.extui %sign3A_39 : i1 to i32
      %sign3A_41 = arith.subi %sign3A_37, %sign3A_40 : i32
      %sign3A_42 = arith.constant 0 : i32
      %sign3A_43 = arith.cmpi sgt, %jit3A, %sign3A_42 : i32
      %sign3A_44 = arith.extui %sign3A_43 : i1 to i32
      %sign3A_45 = arith.constant 0 : i32
      %sign3A_46 = arith.cmpi slt, %jit3A, %sign3A_45 : i32
      %sign3A_47 = arith.extui %sign3A_46 : i1 to i32
      %sign3A_48 = arith.subi %sign3A_44, %sign3A_47 : i32
      %ne3A = arith.cmpi ne, %sign3A_41, %sign3A_48 : i32
      %rem3A = arith.remsi %min3A_22, %jit3A : i32
      %ne3A_49 = arith.constant 0 : i32
      %ne3A_50 = arith.cmpi ne, %rem3A, %ne3A_49 : i32
      %and3A = arith.andi %ne3A, %ne3A_50 : i1
      %sub3A_51 = arith.constant 1 : i32
      %sub3A_52 = arith.subi %div3A, %sub3A_51 : i32
      %select_n3A = arith.select %and3A, %sub3A_52, %div3A : i32
      %while3A = arith.constant 0 : i32
      %while3A_53 = arith.constant 0 : i32
      %while3A_54 = arith.subi %select_n3A, %while3A_53 : i32
      %while3A_55 = arith.addi %while3A_53, %while3A_54 : i32
      %while3A_56 = arith.constant 1 : i32
      %while3A_57 = arith.divsi %while3A_54, %while3A_56 : i32
      %while3A_58 = arith.muli %while3A_57, %while3A_56 : i32
      %while3A_59 = arith.addi %while3A_53, %while3A_58 : i32
      %while3A_60 = arith.constant 1 : i32
      scf.for %while3A_62 = %while3A_53 to %while3A_59 step %while3A_60  : i32 {
        %mul3A_63 = arith.constant 8 : i32
        %mul3A_64 = arith.muli %while3A_62, %mul3A_63 : i32
        %add3A_65 = arith.addi %add3A_18, %mul3A_64 : i32
        "tpu.region"() ({
          %run_scoped3A_197 = tpu.sem_alloc : memref<!tpu.dma_semaphore, #tpu.memory_space<semaphore_mem>>
          %dma_start3A_198 = arith.constant 0 : i32
          %dma_start3A_199 = tpu.memref_slice %arg4[%add3A_65, %dma_start3A_198] : memref<2592x128xi32, #tpu.memory_space<hbm>> -> memref<8x128xi32, #tpu.memory_space<hbm>>
          %dma_start3A_200 = arith.constant 0 : i32
          %dma_start3A_201 = tpu.memref_slice %arg4[%add3A_65, %dma_start3A_200] : memref<2592x128xi32, #tpu.memory_space<hbm>> -> memref<8x128xi32, #tpu.memory_space<hbm>>
          tpu.enqueue_dma source(%dma_start3A_201 : memref<8x128xi32, #tpu.memory_space<hbm>>) target(%arg8 : memref<8x128xi32, #tpu.memory_space<vmem>>) target_semaphore(%run_scoped3A_197 : memref<!tpu.dma_semaphore, #tpu.memory_space<semaphore_mem>>)
          %dma_wait3A_202 = arith.constant 0 : i32
          %dma_wait3A_203 = tpu.memref_slice %arg4[%add3A_65, %dma_wait3A_202] : memref<2592x128xi32, #tpu.memory_space<hbm>> -> memref<8x128xi32, #tpu.memory_space<hbm>>
          %dma_wait3A_204 = arith.constant 0 : i32
          %dma_wait3A_205 = tpu.memref_slice %arg4[%add3A_65, %dma_wait3A_204] : memref<2592x128xi32, #tpu.memory_space<hbm>> -> memref<8x128xi32, #tpu.memory_space<hbm>>
          tpu.wait_dma2 semaphore(%run_scoped3A_197 : memref<!tpu.dma_semaphore, #tpu.memory_space<semaphore_mem>>) src(%dma_wait3A_205 : memref<8x128xi32, #tpu.memory_space<hbm>>) dst(%arg8 : memref<8x128xi32, #tpu.memory_space<vmem>>)
          tpu.yield
        }) : () -> ()
        %mul3A_66 = arith.constant 8 : i32
        %mul3A_67 = arith.muli %while3A_62, %mul3A_66 : i32
        %add3A_68 = arith.constant 0 : i32
        %add3A_69 = arith.addi %mul3A_67, %add3A_68 : i32
        %dma_wait3A = arith.constant 0 : i32
        %dma_wait3A_70 = tpu.memref_slice %arg7[%add3A_69, %dma_wait3A] : memref<64x128xi32, #tpu.memory_space<vmem>> -> memref<1x128xi32, #tpu.memory_space<vmem>>
        %dma_wait3A_71 = tpu.memref_squeeze %dma_wait3A_70 : memref<1x128xi32, #tpu.memory_space<vmem>> -> memref<128xi32, #tpu.memory_space<vmem>>
        %dma_wait3A_72 = arith.constant 0 : i32
        %dma_wait3A_73 = arith.constant 0 : i32
        %dma_wait3A_74 = tpu.memref_slice %arg2[%dma_wait3A_72, %dma_wait3A_73] : memref<10000x128xf32, #tpu.memory_space<hbm>> -> memref<10000x128xf32, #tpu.memory_space<hbm>>
        tpu.wait_indirect_dma semaphore(%arg12 : memref<!tpu.dma_semaphore, #tpu.memory_space<semaphore_mem>>) src(%dma_wait3A_74 : memref<10000x128xf32, #tpu.memory_space<hbm>>) dst(%arg9 : memref<128x128xf32, #tpu.memory_space<vmem>>)
        %run_scoped3A = arith.constant 0 : i32
        "tpu.region"() ({
          %run_scoped3A_197 = tpu.sem_alloc : memref<!tpu.dma_semaphore, #tpu.memory_space<semaphore_mem>>
          %dma_start3A_198 = arith.constant 0 : i32
          %dma_start3A_199 = tpu.memref_slice %arg8[%run_scoped3A, %dma_start3A_198] : memref<8x128xi32, #tpu.memory_space<vmem>> -> memref<1x128xi32, #tpu.memory_space<vmem>>
          %dma_start3A_200 = tpu.memref_squeeze %dma_start3A_199 : memref<1x128xi32, #tpu.memory_space<vmem>> -> memref<128xi32, #tpu.memory_space<vmem>>
          %dma_start3A_201 = arith.constant 0 : i32
          %dma_start3A_202 = arith.constant 0 : i32
          %dma_start3A_203 = tpu.memref_slice %arg11[%dma_start3A_201, %dma_start3A_202] : memref<10240x128xf32, #tpu.memory_space<vmem_shared>> -> memref<10240x128xf32, #tpu.memory_space<vmem_shared>>
          tpu.enqueue_indirect_dma source(%arg9 : memref<128x128xf32, #tpu.memory_space<vmem>>) target(%dma_start3A_203 : memref<10240x128xf32, #tpu.memory_space<vmem_shared>>) offsets(%dma_start3A_200 : memref<128xi32, #tpu.memory_space<vmem>>) semaphore(%run_scoped3A_197 : memref<!tpu.dma_semaphore, #tpu.memory_space<semaphore_mem>>) {add = true}
          %dma_wait3A_204 = arith.constant 0 : i32
          %dma_wait3A_205 = tpu.memref_slice %arg8[%run_scoped3A, %dma_wait3A_204] : memref<8x128xi32, #tpu.memory_space<vmem>> -> memref<1x128xi32, #tpu.memory_space<vmem>>
          %dma_wait3A_206 = tpu.memref_squeeze %dma_wait3A_205 : memref<1x128xi32, #tpu.memory_space<vmem>> -> memref<128xi32, #tpu.memory_space<vmem>>
          %dma_wait3A_207 = arith.constant 0 : i32
          %dma_wait3A_208 = arith.constant 0 : i32
          %dma_wait3A_209 = tpu.memref_slice %arg11[%dma_wait3A_207, %dma_wait3A_208] : memref<10240x128xf32, #tpu.memory_space<vmem_shared>> -> memref<10240x128xf32, #tpu.memory_space<vmem_shared>>
          tpu.wait_indirect_dma semaphore(%run_scoped3A_197 : memref<!tpu.dma_semaphore, #tpu.memory_space<semaphore_mem>>) src(%arg9 : memref<128x128xf32, #tpu.memory_space<vmem>>) dst(%dma_wait3A_209 : memref<10240x128xf32, #tpu.memory_space<vmem_shared>>)
          tpu.yield
        }) : () -> ()
        %add3A_75 = arith.constant 2 : i32
        %add3A_76 = arith.addi %add3A_69, %add3A_75 : i32
        %lt3A = arith.cmpi slt, %add3A_76, %min3A_22 : i32
        %convert_element_type3A = arith.extui %lt3A : i1 to i32
        %cond3A = arith.constant 0 : i32
        %cond3A_77 = arith.cmpi ne, %convert_element_type3A, %cond3A : i32
        scf.if %cond3A_77 {
          %add3A_197 = arith.constant 2 : i32
          %add3A_198 = arith.addi %add3A_69, %add3A_197 : i32
          %dma_start3A_199 = arith.constant 0 : i32
          %dma_start3A_200 = tpu.memref_slice %arg7[%add3A_198, %dma_start3A_199] : memref<64x128xi32, #tpu.memory_space<vmem>> -> memref<1x128xi32, #tpu.memory_space<vmem>>
          %dma_start3A_201 = tpu.memref_squeeze %dma_start3A_200 : memref<1x128xi32, #tpu.memory_space<vmem>> -> memref<128xi32, #tpu.memory_space<vmem>>
          %dma_start3A_202 = arith.constant 0 : i32
          %dma_start3A_203 = arith.constant 0 : i32
          %dma_start3A_204 = tpu.memref_slice %arg2[%dma_start3A_202, %dma_start3A_203] : memref<10000x128xf32, #tpu.memory_space<hbm>> -> memref<10000x128xf32, #tpu.memory_space<hbm>>
          tpu.enqueue_indirect_dma source(%dma_start3A_204 : memref<10000x128xf32, #tpu.memory_space<hbm>>) target(%arg9 : memref<128x128xf32, #tpu.memory_space<vmem>>) offsets(%dma_start3A_201 : memref<128xi32, #tpu.memory_space<vmem>>) semaphore(%arg12 : memref<!tpu.dma_semaphore, #tpu.memory_space<semaphore_mem>>)
        } else {
        }
        %mul3A_78 = arith.constant 8 : i32
        %mul3A_79 = arith.muli %while3A_62, %mul3A_78 : i32
        %add3A_80 = arith.constant 1 : i32
        %add3A_81 = arith.addi %mul3A_79, %add3A_80 : i32
        %dma_wait3A_82 = arith.constant 0 : i32
        %dma_wait3A_83 = tpu.memref_slice %arg7[%add3A_81, %dma_wait3A_82] : memref<64x128xi32, #tpu.memory_space<vmem>> -> memref<1x128xi32, #tpu.memory_space<vmem>>
        %dma_wait3A_84 = tpu.memref_squeeze %dma_wait3A_83 : memref<1x128xi32, #tpu.memory_space<vmem>> -> memref<128xi32, #tpu.memory_space<vmem>>
        %dma_wait3A_85 = arith.constant 0 : i32
        %dma_wait3A_86 = arith.constant 0 : i32
        %dma_wait3A_87 = tpu.memref_slice %arg2[%dma_wait3A_85, %dma_wait3A_86] : memref<10000x128xf32, #tpu.memory_space<hbm>> -> memref<10000x128xf32, #tpu.memory_space<hbm>>
        tpu.wait_indirect_dma semaphore(%arg13 : memref<!tpu.dma_semaphore, #tpu.memory_space<semaphore_mem>>) src(%dma_wait3A_87 : memref<10000x128xf32, #tpu.memory_space<hbm>>) dst(%arg10 : memref<128x128xf32, #tpu.memory_space<vmem>>)
        %run_scoped3A_88 = arith.constant 1 : i32
        "tpu.region"() ({
          %run_scoped3A_197 = tpu.sem_alloc : memref<!tpu.dma_semaphore, #tpu.memory_space<semaphore_mem>>
          %dma_start3A_198 = arith.constant 0 : i32
          %dma_start3A_199 = tpu.memref_slice %arg8[%run_scoped3A_88, %dma_start3A_198] : memref<8x128xi32, #tpu.memory_space<vmem>> -> memref<1x128xi32, #tpu.memory_space<vmem>>
          %dma_start3A_200 = tpu.memref_squeeze %dma_start3A_199 : memref<1x128xi32, #tpu.memory_space<vmem>> -> memref<128xi32, #tpu.memory_space<vmem>>
          %dma_start3A_201 = arith.constant 0 : i32
          %dma_start3A_202 = arith.constant 0 : i32
          %dma_start3A_203 = tpu.memref_slice %arg11[%dma_start3A_201, %dma_start3A_202] : memref<10240x128xf32, #tpu.memory_space<vmem_shared>> -> memref<10240x128xf32, #tpu.memory_space<vmem_shared>>
          tpu.enqueue_indirect_dma source(%arg10 : memref<128x128xf32, #tpu.memory_space<vmem>>) target(%dma_start3A_203 : memref<10240x128xf32, #tpu.memory_space<vmem_shared>>) offsets(%dma_start3A_200 : memref<128xi32, #tpu.memory_space<vmem>>) semaphore(%run_scoped3A_197 : memref<!tpu.dma_semaphore, #tpu.memory_space<semaphore_mem>>) {add = true}
          %dma_wait3A_204 = arith.constant 0 : i32
          %dma_wait3A_205 = tpu.memref_slice %arg8[%run_scoped3A_88, %dma_wait3A_204] : memref<8x128xi32, #tpu.memory_space<vmem>> -> memref<1x128xi32, #tpu.memory_space<vmem>>
          %dma_wait3A_206 = tpu.memref_squeeze %dma_wait3A_205 : memref<1x128xi32, #tpu.memory_space<vmem>> -> memref<128xi32, #tpu.memory_space<vmem>>
          %dma_wait3A_207 = arith.constant 0 : i32
          %dma_wait3A_208 = arith.constant 0 : i32
          %dma_wait3A_209 = tpu.memref_slice %arg11[%dma_wait3A_207, %dma_wait3A_208] : memref<10240x128xf32, #tpu.memory_space<vmem_shared>> -> memref<10240x128xf32, #tpu.memory_space<vmem_shared>>
          tpu.wait_indirect_dma semaphore(%run_scoped3A_197 : memref<!tpu.dma_semaphore, #tpu.memory_space<semaphore_mem>>) src(%arg10 : memref<128x128xf32, #tpu.memory_space<vmem>>) dst(%dma_wait3A_209 : memref<10240x128xf32, #tpu.memory_space<vmem_shared>>)
          tpu.yield
        }) : () -> ()
        %add3A_89 = arith.constant 2 : i32
        %add3A_90 = arith.addi %add3A_81, %add3A_89 : i32
        %lt3A_91 = arith.cmpi slt, %add3A_90, %min3A_22 : i32
        %convert_element_type3A_92 = arith.extui %lt3A_91 : i1 to i32
        %cond3A_93 = arith.constant 0 : i32
        %cond3A_94 = arith.cmpi ne, %convert_element_type3A_92, %cond3A_93 : i32
        scf.if %cond3A_94 {
          %add3A_197 = arith.constant 2 : i32
          %add3A_198 = arith.addi %add3A_81, %add3A_197 : i32
          %dma_start3A_199 = arith.constant 0 : i32
          %dma_start3A_200 = tpu.memref_slice %arg7[%add3A_198, %dma_start3A_199] : memref<64x128xi32, #tpu.memory_space<vmem>> -> memref<1x128xi32, #tpu.memory_space<vmem>>
          %dma_start3A_201 = tpu.memref_squeeze %dma_start3A_200 : memref<1x128xi32, #tpu.memory_space<vmem>> -> memref<128xi32, #tpu.memory_space<vmem>>
          %dma_start3A_202 = arith.constant 0 : i32
          %dma_start3A_203 = arith.constant 0 : i32
          %dma_start3A_204 = tpu.memref_slice %arg2[%dma_start3A_202, %dma_start3A_203] : memref<10000x128xf32, #tpu.memory_space<hbm>> -> memref<10000x128xf32, #tpu.memory_space<hbm>>
          tpu.enqueue_indirect_dma source(%dma_start3A_204 : memref<10000x128xf32, #tpu.memory_space<hbm>>) target(%arg10 : memref<128x128xf32, #tpu.memory_space<vmem>>) offsets(%dma_start3A_201 : memref<128xi32, #tpu.memory_space<vmem>>) semaphore(%arg13 : memref<!tpu.dma_semaphore, #tpu.memory_space<semaphore_mem>>)
        } else {
        }
        %mul3A_95 = arith.constant 8 : i32
        %mul3A_96 = arith.muli %while3A_62, %mul3A_95 : i32
        %add3A_97 = arith.constant 2 : i32
        %add3A_98 = arith.addi %mul3A_96, %add3A_97 : i32
        %dma_wait3A_99 = arith.constant 0 : i32
        %dma_wait3A_100 = tpu.memref_slice %arg7[%add3A_98, %dma_wait3A_99] : memref<64x128xi32, #tpu.memory_space<vmem>> -> memref<1x128xi32, #tpu.memory_space<vmem>>
        %dma_wait3A_101 = tpu.memref_squeeze %dma_wait3A_100 : memref<1x128xi32, #tpu.memory_space<vmem>> -> memref<128xi32, #tpu.memory_space<vmem>>
        %dma_wait3A_102 = arith.constant 0 : i32
        %dma_wait3A_103 = arith.constant 0 : i32
        %dma_wait3A_104 = tpu.memref_slice %arg2[%dma_wait3A_102, %dma_wait3A_103] : memref<10000x128xf32, #tpu.memory_space<hbm>> -> memref<10000x128xf32, #tpu.memory_space<hbm>>
        tpu.wait_indirect_dma semaphore(%arg12 : memref<!tpu.dma_semaphore, #tpu.memory_space<semaphore_mem>>) src(%dma_wait3A_104 : memref<10000x128xf32, #tpu.memory_space<hbm>>) dst(%arg9 : memref<128x128xf32, #tpu.memory_space<vmem>>)
        %run_scoped3A_105 = arith.constant 2 : i32
        "tpu.region"() ({
          %run_scoped3A_197 = tpu.sem_alloc : memref<!tpu.dma_semaphore, #tpu.memory_space<semaphore_mem>>
          %dma_start3A_198 = arith.constant 0 : i32
          %dma_start3A_199 = tpu.memref_slice %arg8[%run_scoped3A_105, %dma_start3A_198] : memref<8x128xi32, #tpu.memory_space<vmem>> -> memref<1x128xi32, #tpu.memory_space<vmem>>
          %dma_start3A_200 = tpu.memref_squeeze %dma_start3A_199 : memref<1x128xi32, #tpu.memory_space<vmem>> -> memref<128xi32, #tpu.memory_space<vmem>>
          %dma_start3A_201 = arith.constant 0 : i32
          %dma_start3A_202 = arith.constant 0 : i32
          %dma_start3A_203 = tpu.memref_slice %arg11[%dma_start3A_201, %dma_start3A_202] : memref<10240x128xf32, #tpu.memory_space<vmem_shared>> -> memref<10240x128xf32, #tpu.memory_space<vmem_shared>>
          tpu.enqueue_indirect_dma source(%arg9 : memref<128x128xf32, #tpu.memory_space<vmem>>) target(%dma_start3A_203 : memref<10240x128xf32, #tpu.memory_space<vmem_shared>>) offsets(%dma_start3A_200 : memref<128xi32, #tpu.memory_space<vmem>>) semaphore(%run_scoped3A_197 : memref<!tpu.dma_semaphore, #tpu.memory_space<semaphore_mem>>) {add = true}
          %dma_wait3A_204 = arith.constant 0 : i32
          %dma_wait3A_205 = tpu.memref_slice %arg8[%run_scoped3A_105, %dma_wait3A_204] : memref<8x128xi32, #tpu.memory_space<vmem>> -> memref<1x128xi32, #tpu.memory_space<vmem>>
          %dma_wait3A_206 = tpu.memref_squeeze %dma_wait3A_205 : memref<1x128xi32, #tpu.memory_space<vmem>> -> memref<128xi32, #tpu.memory_space<vmem>>
          %dma_wait3A_207 = arith.constant 0 : i32
          %dma_wait3A_208 = arith.constant 0 : i32
          %dma_wait3A_209 = tpu.memref_slice %arg11[%dma_wait3A_207, %dma_wait3A_208] : memref<10240x128xf32, #tpu.memory_space<vmem_shared>> -> memref<10240x128xf32, #tpu.memory_space<vmem_shared>>
          tpu.wait_indirect_dma semaphore(%run_scoped3A_197 : memref<!tpu.dma_semaphore, #tpu.memory_space<semaphore_mem>>) src(%arg9 : memref<128x128xf32, #tpu.memory_space<vmem>>) dst(%dma_wait3A_209 : memref<10240x128xf32, #tpu.memory_space<vmem_shared>>)
          tpu.yield
        }) : () -> ()
        %add3A_106 = arith.constant 2 : i32
        %add3A_107 = arith.addi %add3A_98, %add3A_106 : i32
        %lt3A_108 = arith.cmpi slt, %add3A_107, %min3A_22 : i32
        %convert_element_type3A_109 = arith.extui %lt3A_108 : i1 to i32
        %cond3A_110 = arith.constant 0 : i32
        %cond3A_111 = arith.cmpi ne, %convert_element_type3A_109, %cond3A_110 : i32
        scf.if %cond3A_111 {
          %add3A_197 = arith.constant 2 : i32
          %add3A_198 = arith.addi %add3A_98, %add3A_197 : i32
          %dma_start3A_199 = arith.constant 0 : i32
          %dma_start3A_200 = tpu.memref_slice %arg7[%add3A_198, %dma_start3A_199] : memref<64x128xi32, #tpu.memory_space<vmem>> -> memref<1x128xi32, #tpu.memory_space<vmem>>
          %dma_start3A_201 = tpu.memref_squeeze %dma_start3A_200 : memref<1x128xi32, #tpu.memory_space<vmem>> -> memref<128xi32, #tpu.memory_space<vmem>>
          %dma_start3A_202 = arith.constant 0 : i32
          %dma_start3A_203 = arith.constant 0 : i32
          %dma_start3A_204 = tpu.memref_slice %arg2[%dma_start3A_202, %dma_start3A_203] : memref<10000x128xf32, #tpu.memory_space<hbm>> -> memref<10000x128xf32, #tpu.memory_space<hbm>>
          tpu.enqueue_indirect_dma source(%dma_start3A_204 : memref<10000x128xf32, #tpu.memory_space<hbm>>) target(%arg9 : memref<128x128xf32, #tpu.memory_space<vmem>>) offsets(%dma_start3A_201 : memref<128xi32, #tpu.memory_space<vmem>>) semaphore(%arg12 : memref<!tpu.dma_semaphore, #tpu.memory_space<semaphore_mem>>)
        } else {
        }
        %mul3A_112 = arith.constant 8 : i32
        %mul3A_113 = arith.muli %while3A_62, %mul3A_112 : i32
        %add3A_114 = arith.constant 3 : i32
        %add3A_115 = arith.addi %mul3A_113, %add3A_114 : i32
        %dma_wait3A_116 = arith.constant 0 : i32
        %dma_wait3A_117 = tpu.memref_slice %arg7[%add3A_115, %dma_wait3A_116] : memref<64x128xi32, #tpu.memory_space<vmem>> -> memref<1x128xi32, #tpu.memory_space<vmem>>
        %dma_wait3A_118 = tpu.memref_squeeze %dma_wait3A_117 : memref<1x128xi32, #tpu.memory_space<vmem>> -> memref<128xi32, #tpu.memory_space<vmem>>
        %dma_wait3A_119 = arith.constant 0 : i32
        %dma_wait3A_120 = arith.constant 0 : i32
        %dma_wait3A_121 = tpu.memref_slice %arg2[%dma_wait3A_119, %dma_wait3A_120] : memref<10000x128xf32, #tpu.memory_space<hbm>> -> memref<10000x128xf32, #tpu.memory_space<hbm>>
        tpu.wait_indirect_dma semaphore(%arg13 : memref<!tpu.dma_semaphore, #tpu.memory_space<semaphore_mem>>) src(%dma_wait3A_121 : memref<10000x128xf32, #tpu.memory_space<hbm>>) dst(%arg10 : memref<128x128xf32, #tpu.memory_space<vmem>>)
        %run_scoped3A_122 = arith.constant 3 : i32
        "tpu.region"() ({
          %run_scoped3A_197 = tpu.sem_alloc : memref<!tpu.dma_semaphore, #tpu.memory_space<semaphore_mem>>
          %dma_start3A_198 = arith.constant 0 : i32
          %dma_start3A_199 = tpu.memref_slice %arg8[%run_scoped3A_122, %dma_start3A_198] : memref<8x128xi32, #tpu.memory_space<vmem>> -> memref<1x128xi32, #tpu.memory_space<vmem>>
          %dma_start3A_200 = tpu.memref_squeeze %dma_start3A_199 : memref<1x128xi32, #tpu.memory_space<vmem>> -> memref<128xi32, #tpu.memory_space<vmem>>
          %dma_start3A_201 = arith.constant 0 : i32
          %dma_start3A_202 = arith.constant 0 : i32
          %dma_start3A_203 = tpu.memref_slice %arg11[%dma_start3A_201, %dma_start3A_202] : memref<10240x128xf32, #tpu.memory_space<vmem_shared>> -> memref<10240x128xf32, #tpu.memory_space<vmem_shared>>
          tpu.enqueue_indirect_dma source(%arg10 : memref<128x128xf32, #tpu.memory_space<vmem>>) target(%dma_start3A_203 : memref<10240x128xf32, #tpu.memory_space<vmem_shared>>) offsets(%dma_start3A_200 : memref<128xi32, #tpu.memory_space<vmem>>) semaphore(%run_scoped3A_197 : memref<!tpu.dma_semaphore, #tpu.memory_space<semaphore_mem>>) {add = true}
          %dma_wait3A_204 = arith.constant 0 : i32
          %dma_wait3A_205 = tpu.memref_slice %arg8[%run_scoped3A_122, %dma_wait3A_204] : memref<8x128xi32, #tpu.memory_space<vmem>> -> memref<1x128xi32, #tpu.memory_space<vmem>>
          %dma_wait3A_206 = tpu.memref_squeeze %dma_wait3A_205 : memref<1x128xi32, #tpu.memory_space<vmem>> -> memref<128xi32, #tpu.memory_space<vmem>>
          %dma_wait3A_207 = arith.constant 0 : i32
          %dma_wait3A_208 = arith.constant 0 : i32
          %dma_wait3A_209 = tpu.memref_slice %arg11[%dma_wait3A_207, %dma_wait3A_208] : memref<10240x128xf32, #tpu.memory_space<vmem_shared>> -> memref<10240x128xf32, #tpu.memory_space<vmem_shared>>
          tpu.wait_indirect_dma semaphore(%run_scoped3A_197 : memref<!tpu.dma_semaphore, #tpu.memory_space<semaphore_mem>>) src(%arg10 : memref<128x128xf32, #tpu.memory_space<vmem>>) dst(%dma_wait3A_209 : memref<10240x128xf32, #tpu.memory_space<vmem_shared>>)
          tpu.yield
        }) : () -> ()
        %add3A_123 = arith.constant 2 : i32
        %add3A_124 = arith.addi %add3A_115, %add3A_123 : i32
        %lt3A_125 = arith.cmpi slt, %add3A_124, %min3A_22 : i32
        %convert_element_type3A_126 = arith.extui %lt3A_125 : i1 to i32
        %cond3A_127 = arith.constant 0 : i32
        %cond3A_128 = arith.cmpi ne, %convert_element_type3A_126, %cond3A_127 : i32
        scf.if %cond3A_128 {
          %add3A_197 = arith.constant 2 : i32
          %add3A_198 = arith.addi %add3A_115, %add3A_197 : i32
          %dma_start3A_199 = arith.constant 0 : i32
          %dma_start3A_200 = tpu.memref_slice %arg7[%add3A_198, %dma_start3A_199] : memref<64x128xi32, #tpu.memory_space<vmem>> -> memref<1x128xi32, #tpu.memory_space<vmem>>
          %dma_start3A_201 = tpu.memref_squeeze %dma_start3A_200 : memref<1x128xi32, #tpu.memory_space<vmem>> -> memref<128xi32, #tpu.memory_space<vmem>>
          %dma_start3A_202 = arith.constant 0 : i32
          %dma_start3A_203 = arith.constant 0 : i32
          %dma_start3A_204 = tpu.memref_slice %arg2[%dma_start3A_202, %dma_start3A_203] : memref<10000x128xf32, #tpu.memory_space<hbm>> -> memref<10000x128xf32, #tpu.memory_space<hbm>>
          tpu.enqueue_indirect_dma source(%dma_start3A_204 : memref<10000x128xf32, #tpu.memory_space<hbm>>) target(%arg10 : memref<128x128xf32, #tpu.memory_space<vmem>>) offsets(%dma_start3A_201 : memref<128xi32, #tpu.memory_space<vmem>>) semaphore(%arg13 : memref<!tpu.dma_semaphore, #tpu.memory_space<semaphore_mem>>)
        } else {
        }
        %mul3A_129 = arith.constant 8 : i32
        %mul3A_130 = arith.muli %while3A_62, %mul3A_129 : i32
        %add3A_131 = arith.constant 4 : i32
        %add3A_132 = arith.addi %mul3A_130, %add3A_131 : i32
        %dma_wait3A_133 = arith.constant 0 : i32
        %dma_wait3A_134 = tpu.memref_slice %arg7[%add3A_132, %dma_wait3A_133] : memref<64x128xi32, #tpu.memory_space<vmem>> -> memref<1x128xi32, #tpu.memory_space<vmem>>
        %dma_wait3A_135 = tpu.memref_squeeze %dma_wait3A_134 : memref<1x128xi32, #tpu.memory_space<vmem>> -> memref<128xi32, #tpu.memory_space<vmem>>
        %dma_wait3A_136 = arith.constant 0 : i32
        %dma_wait3A_137 = arith.constant 0 : i32
        %dma_wait3A_138 = tpu.memref_slice %arg2[%dma_wait3A_136, %dma_wait3A_137] : memref<10000x128xf32, #tpu.memory_space<hbm>> -> memref<10000x128xf32, #tpu.memory_space<hbm>>
        tpu.wait_indirect_dma semaphore(%arg12 : memref<!tpu.dma_semaphore, #tpu.memory_space<semaphore_mem>>) src(%dma_wait3A_138 : memref<10000x128xf32, #tpu.memory_space<hbm>>) dst(%arg9 : memref<128x128xf32, #tpu.memory_space<vmem>>)
        %run_scoped3A_139 = arith.constant 4 : i32
        "tpu.region"() ({
          %run_scoped3A_197 = tpu.sem_alloc : memref<!tpu.dma_semaphore, #tpu.memory_space<semaphore_mem>>
          %dma_start3A_198 = arith.constant 0 : i32
          %dma_start3A_199 = tpu.memref_slice %arg8[%run_scoped3A_139, %dma_start3A_198] : memref<8x128xi32, #tpu.memory_space<vmem>> -> memref<1x128xi32, #tpu.memory_space<vmem>>
          %dma_start3A_200 = tpu.memref_squeeze %dma_start3A_199 : memref<1x128xi32, #tpu.memory_space<vmem>> -> memref<128xi32, #tpu.memory_space<vmem>>
          %dma_start3A_201 = arith.constant 0 : i32
          %dma_start3A_202 = arith.constant 0 : i32
          %dma_start3A_203 = tpu.memref_slice %arg11[%dma_start3A_201, %dma_start3A_202] : memref<10240x128xf32, #tpu.memory_space<vmem_shared>> -> memref<10240x128xf32, #tpu.memory_space<vmem_shared>>
          tpu.enqueue_indirect_dma source(%arg9 : memref<128x128xf32, #tpu.memory_space<vmem>>) target(%dma_start3A_203 : memref<10240x128xf32, #tpu.memory_space<vmem_shared>>) offsets(%dma_start3A_200 : memref<128xi32, #tpu.memory_space<vmem>>) semaphore(%run_scoped3A_197 : memref<!tpu.dma_semaphore, #tpu.memory_space<semaphore_mem>>) {add = true}
          %dma_wait3A_204 = arith.constant 0 : i32
          %dma_wait3A_205 = tpu.memref_slice %arg8[%run_scoped3A_139, %dma_wait3A_204] : memref<8x128xi32, #tpu.memory_space<vmem>> -> memref<1x128xi32, #tpu.memory_space<vmem>>
          %dma_wait3A_206 = tpu.memref_squeeze %dma_wait3A_205 : memref<1x128xi32, #tpu.memory_space<vmem>> -> memref<128xi32, #tpu.memory_space<vmem>>
          %dma_wait3A_207 = arith.constant 0 : i32
          %dma_wait3A_208 = arith.constant 0 : i32
          %dma_wait3A_209 = tpu.memref_slice %arg11[%dma_wait3A_207, %dma_wait3A_208] : memref<10240x128xf32, #tpu.memory_space<vmem_shared>> -> memref<10240x128xf32, #tpu.memory_space<vmem_shared>>
          tpu.wait_indirect_dma semaphore(%run_scoped3A_197 : memref<!tpu.dma_semaphore, #tpu.memory_space<semaphore_mem>>) src(%arg9 : memref<128x128xf32, #tpu.memory_space<vmem>>) dst(%dma_wait3A_209 : memref<10240x128xf32, #tpu.memory_space<vmem_shared>>)
          tpu.yield
        }) : () -> ()
        %add3A_140 = arith.constant 2 : i32
        %add3A_141 = arith.addi %add3A_132, %add3A_140 : i32
        %lt3A_142 = arith.cmpi slt, %add3A_141, %min3A_22 : i32
        %convert_element_type3A_143 = arith.extui %lt3A_142 : i1 to i32
        %cond3A_144 = arith.constant 0 : i32
        %cond3A_145 = arith.cmpi ne, %convert_element_type3A_143, %cond3A_144 : i32
        scf.if %cond3A_145 {
          %add3A_197 = arith.constant 2 : i32
          %add3A_198 = arith.addi %add3A_132, %add3A_197 : i32
          %dma_start3A_199 = arith.constant 0 : i32
          %dma_start3A_200 = tpu.memref_slice %arg7[%add3A_198, %dma_start3A_199] : memref<64x128xi32, #tpu.memory_space<vmem>> -> memref<1x128xi32, #tpu.memory_space<vmem>>
          %dma_start3A_201 = tpu.memref_squeeze %dma_start3A_200 : memref<1x128xi32, #tpu.memory_space<vmem>> -> memref<128xi32, #tpu.memory_space<vmem>>
          %dma_start3A_202 = arith.constant 0 : i32
          %dma_start3A_203 = arith.constant 0 : i32
          %dma_start3A_204 = tpu.memref_slice %arg2[%dma_start3A_202, %dma_start3A_203] : memref<10000x128xf32, #tpu.memory_space<hbm>> -> memref<10000x128xf32, #tpu.memory_space<hbm>>
          tpu.enqueue_indirect_dma source(%dma_start3A_204 : memref<10000x128xf32, #tpu.memory_space<hbm>>) target(%arg9 : memref<128x128xf32, #tpu.memory_space<vmem>>) offsets(%dma_start3A_201 : memref<128xi32, #tpu.memory_space<vmem>>) semaphore(%arg12 : memref<!tpu.dma_semaphore, #tpu.memory_space<semaphore_mem>>)
        } else {
        }
        %mul3A_146 = arith.constant 8 : i32
        %mul3A_147 = arith.muli %while3A_62, %mul3A_146 : i32
        %add3A_148 = arith.constant 5 : i32
        %add3A_149 = arith.addi %mul3A_147, %add3A_148 : i32
        %dma_wait3A_150 = arith.constant 0 : i32
        %dma_wait3A_151 = tpu.memref_slice %arg7[%add3A_149, %dma_wait3A_150] : memref<64x128xi32, #tpu.memory_space<vmem>> -> memref<1x128xi32, #tpu.memory_space<vmem>>
        %dma_wait3A_152 = tpu.memref_squeeze %dma_wait3A_151 : memref<1x128xi32, #tpu.memory_space<vmem>> -> memref<128xi32, #tpu.memory_space<vmem>>
        %dma_wait3A_153 = arith.constant 0 : i32
        %dma_wait3A_154 = arith.constant 0 : i32
        %dma_wait3A_155 = tpu.memref_slice %arg2[%dma_wait3A_153, %dma_wait3A_154] : memref<10000x128xf32, #tpu.memory_space<hbm>> -> memref<10000x128xf32, #tpu.memory_space<hbm>>
        tpu.wait_indirect_dma semaphore(%arg13 : memref<!tpu.dma_semaphore, #tpu.memory_space<semaphore_mem>>) src(%dma_wait3A_155 : memref<10000x128xf32, #tpu.memory_space<hbm>>) dst(%arg10 : memref<128x128xf32, #tpu.memory_space<vmem>>)
        %run_scoped3A_156 = arith.constant 5 : i32
        "tpu.region"() ({
          %run_scoped3A_197 = tpu.sem_alloc : memref<!tpu.dma_semaphore, #tpu.memory_space<semaphore_mem>>
          %dma_start3A_198 = arith.constant 0 : i32
          %dma_start3A_199 = tpu.memref_slice %arg8[%run_scoped3A_156, %dma_start3A_198] : memref<8x128xi32, #tpu.memory_space<vmem>> -> memref<1x128xi32, #tpu.memory_space<vmem>>
          %dma_start3A_200 = tpu.memref_squeeze %dma_start3A_199 : memref<1x128xi32, #tpu.memory_space<vmem>> -> memref<128xi32, #tpu.memory_space<vmem>>
          %dma_start3A_201 = arith.constant 0 : i32
          %dma_start3A_202 = arith.constant 0 : i32
          %dma_start3A_203 = tpu.memref_slice %arg11[%dma_start3A_201, %dma_start3A_202] : memref<10240x128xf32, #tpu.memory_space<vmem_shared>> -> memref<10240x128xf32, #tpu.memory_space<vmem_shared>>
          tpu.enqueue_indirect_dma source(%arg10 : memref<128x128xf32, #tpu.memory_space<vmem>>) target(%dma_start3A_203 : memref<10240x128xf32, #tpu.memory_space<vmem_shared>>) offsets(%dma_start3A_200 : memref<128xi32, #tpu.memory_space<vmem>>) semaphore(%run_scoped3A_197 : memref<!tpu.dma_semaphore, #tpu.memory_space<semaphore_mem>>) {add = true}
          %dma_wait3A_204 = arith.constant 0 : i32
          %dma_wait3A_205 = tpu.memref_slice %arg8[%run_scoped3A_156, %dma_wait3A_204] : memref<8x128xi32, #tpu.memory_space<vmem>> -> memref<1x128xi32, #tpu.memory_space<vmem>>
          %dma_wait3A_206 = tpu.memref_squeeze %dma_wait3A_205 : memref<1x128xi32, #tpu.memory_space<vmem>> -> memref<128xi32, #tpu.memory_space<vmem>>
          %dma_wait3A_207 = arith.constant 0 : i32
          %dma_wait3A_208 = arith.constant 0 : i32
          %dma_wait3A_209 = tpu.memref_slice %arg11[%dma_wait3A_207, %dma_wait3A_208] : memref<10240x128xf32, #tpu.memory_space<vmem_shared>> -> memref<10240x128xf32, #tpu.memory_space<vmem_shared>>
          tpu.wait_indirect_dma semaphore(%run_scoped3A_197 : memref<!tpu.dma_semaphore, #tpu.memory_space<semaphore_mem>>) src(%arg10 : memref<128x128xf32, #tpu.memory_space<vmem>>) dst(%dma_wait3A_209 : memref<10240x128xf32, #tpu.memory_space<vmem_shared>>)
          tpu.yield
        }) : () -> ()
        %add3A_157 = arith.constant 2 : i32
        %add3A_158 = arith.addi %add3A_149, %add3A_157 : i32
        %lt3A_159 = arith.cmpi slt, %add3A_158, %min3A_22 : i32
        %convert_element_type3A_160 = arith.extui %lt3A_159 : i1 to i32
        %cond3A_161 = arith.constant 0 : i32
        %cond3A_162 = arith.cmpi ne, %convert_element_type3A_160, %cond3A_161 : i32
        scf.if %cond3A_162 {
          %add3A_197 = arith.constant 2 : i32
          %add3A_198 = arith.addi %add3A_149, %add3A_197 : i32
          %dma_start3A_199 = arith.constant 0 : i32
          %dma_start3A_200 = tpu.memref_slice %arg7[%add3A_198, %dma_start3A_199] : memref<64x128xi32, #tpu.memory_space<vmem>> -> memref<1x128xi32, #tpu.memory_space<vmem>>
          %dma_start3A_201 = tpu.memref_squeeze %dma_start3A_200 : memref<1x128xi32, #tpu.memory_space<vmem>> -> memref<128xi32, #tpu.memory_space<vmem>>
          %dma_start3A_202 = arith.constant 0 : i32
          %dma_start3A_203 = arith.constant 0 : i32
          %dma_start3A_204 = tpu.memref_slice %arg2[%dma_start3A_202, %dma_start3A_203] : memref<10000x128xf32, #tpu.memory_space<hbm>> -> memref<10000x128xf32, #tpu.memory_space<hbm>>
          tpu.enqueue_indirect_dma source(%dma_start3A_204 : memref<10000x128xf32, #tpu.memory_space<hbm>>) target(%arg10 : memref<128x128xf32, #tpu.memory_space<vmem>>) offsets(%dma_start3A_201 : memref<128xi32, #tpu.memory_space<vmem>>) semaphore(%arg13 : memref<!tpu.dma_semaphore, #tpu.memory_space<semaphore_mem>>)
        } else {
        }
        %mul3A_163 = arith.constant 8 : i32
        %mul3A_164 = arith.muli %while3A_62, %mul3A_163 : i32
        %add3A_165 = arith.constant 6 : i32
        %add3A_166 = arith.addi %mul3A_164, %add3A_165 : i32
        %dma_wait3A_167 = arith.constant 0 : i32
        %dma_wait3A_168 = tpu.memref_slice %arg7[%add3A_166, %dma_wait3A_167] : memref<64x128xi32, #tpu.memory_space<vmem>> -> memref<1x128xi32, #tpu.memory_space<vmem>>
        %dma_wait3A_169 = tpu.memref_squeeze %dma_wait3A_168 : memref<1x128xi32, #tpu.memory_space<vmem>> -> memref<128xi32, #tpu.memory_space<vmem>>
        %dma_wait3A_170 = arith.constant 0 : i32
        %dma_wait3A_171 = arith.constant 0 : i32
        %dma_wait3A_172 = tpu.memref_slice %arg2[%dma_wait3A_170, %dma_wait3A_171] : memref<10000x128xf32, #tpu.memory_space<hbm>> -> memref<10000x128xf32, #tpu.memory_space<hbm>>
        tpu.wait_indirect_dma semaphore(%arg12 : memref<!tpu.dma_semaphore, #tpu.memory_space<semaphore_mem>>) src(%dma_wait3A_172 : memref<10000x128xf32, #tpu.memory_space<hbm>>) dst(%arg9 : memref<128x128xf32, #tpu.memory_space<vmem>>)
        %run_scoped3A_173 = arith.constant 6 : i32
        "tpu.region"() ({
          %run_scoped3A_197 = tpu.sem_alloc : memref<!tpu.dma_semaphore, #tpu.memory_space<semaphore_mem>>
          %dma_start3A_198 = arith.constant 0 : i32
          %dma_start3A_199 = tpu.memref_slice %arg8[%run_scoped3A_173, %dma_start3A_198] : memref<8x128xi32, #tpu.memory_space<vmem>> -> memref<1x128xi32, #tpu.memory_space<vmem>>
          %dma_start3A_200 = tpu.memref_squeeze %dma_start3A_199 : memref<1x128xi32, #tpu.memory_space<vmem>> -> memref<128xi32, #tpu.memory_space<vmem>>
          %dma_start3A_201 = arith.constant 0 : i32
          %dma_start3A_202 = arith.constant 0 : i32
          %dma_start3A_203 = tpu.memref_slice %arg11[%dma_start3A_201, %dma_start3A_202] : memref<10240x128xf32, #tpu.memory_space<vmem_shared>> -> memref<10240x128xf32, #tpu.memory_space<vmem_shared>>
          tpu.enqueue_indirect_dma source(%arg9 : memref<128x128xf32, #tpu.memory_space<vmem>>) target(%dma_start3A_203 : memref<10240x128xf32, #tpu.memory_space<vmem_shared>>) offsets(%dma_start3A_200 : memref<128xi32, #tpu.memory_space<vmem>>) semaphore(%run_scoped3A_197 : memref<!tpu.dma_semaphore, #tpu.memory_space<semaphore_mem>>) {add = true}
          %dma_wait3A_204 = arith.constant 0 : i32
          %dma_wait3A_205 = tpu.memref_slice %arg8[%run_scoped3A_173, %dma_wait3A_204] : memref<8x128xi32, #tpu.memory_space<vmem>> -> memref<1x128xi32, #tpu.memory_space<vmem>>
          %dma_wait3A_206 = tpu.memref_squeeze %dma_wait3A_205 : memref<1x128xi32, #tpu.memory_space<vmem>> -> memref<128xi32, #tpu.memory_space<vmem>>
          %dma_wait3A_207 = arith.constant 0 : i32
          %dma_wait3A_208 = arith.constant 0 : i32
          %dma_wait3A_209 = tpu.memref_slice %arg11[%dma_wait3A_207, %dma_wait3A_208] : memref<10240x128xf32, #tpu.memory_space<vmem_shared>> -> memref<10240x128xf32, #tpu.memory_space<vmem_shared>>
          tpu.wait_indirect_dma semaphore(%run_scoped3A_197 : memref<!tpu.dma_semaphore, #tpu.memory_space<semaphore_mem>>) src(%arg9 : memref<128x128xf32, #tpu.memory_space<vmem>>) dst(%dma_wait3A_209 : memref<10240x128xf32, #tpu.memory_space<vmem_shared>>)
          tpu.yield
        }) : () -> ()
        %add3A_174 = arith.constant 2 : i32
        %add3A_175 = arith.addi %add3A_166, %add3A_174 : i32
        %lt3A_176 = arith.cmpi slt, %add3A_175, %min3A_22 : i32
        %convert_element_type3A_177 = arith.extui %lt3A_176 : i1 to i32
        %cond3A_178 = arith.constant 0 : i32
        %cond3A_179 = arith.cmpi ne, %convert_element_type3A_177, %cond3A_178 : i32
        scf.if %cond3A_179 {
          %add3A_197 = arith.constant 2 : i32
          %add3A_198 = arith.addi %add3A_166, %add3A_197 : i32
          %dma_start3A_199 = arith.constant 0 : i32
          %dma_start3A_200 = tpu.memref_slice %arg7[%add3A_198, %dma_start3A_199] : memref<64x128xi32, #tpu.memory_space<vmem>> -> memref<1x128xi32, #tpu.memory_space<vmem>>
          %dma_start3A_201 = tpu.memref_squeeze %dma_start3A_200 : memref<1x128xi32, #tpu.memory_space<vmem>> -> memref<128xi32, #tpu.memory_space<vmem>>
          %dma_start3A_202 = arith.constant 0 : i32
          %dma_start3A_203 = arith.constant 0 : i32
          %dma_start3A_204 = tpu.memref_slice %arg2[%dma_start3A_202, %dma_start3A_203] : memref<10000x128xf32, #tpu.memory_space<hbm>> -> memref<10000x128xf32, #tpu.memory_space<hbm>>
          tpu.enqueue_indirect_dma source(%dma_start3A_204 : memref<10000x128xf32, #tpu.memory_space<hbm>>) target(%arg9 : memref<128x128xf32, #tpu.memory_space<vmem>>) offsets(%dma_start3A_201 : memref<128xi32, #tpu.memory_space<vmem>>) semaphore(%arg12 : memref<!tpu.dma_semaphore, #tpu.memory_space<semaphore_mem>>)
        } else {
        }
        %mul3A_180 = arith.constant 8 : i32
        %mul3A_181 = arith.muli %while3A_62, %mul3A_180 : i32
        %add3A_182 = arith.constant 7 : i32
        %add3A_183 = arith.addi %mul3A_181, %add3A_182 : i32
        %dma_wait3A_184 = arith.constant 0 : i32
        %dma_wait3A_185 = tpu.memref_slice %arg7[%add3A_183, %dma_wait3A_184] : memref<64x128xi32, #tpu.memory_space<vmem>> -> memref<1x128xi32, #tpu.memory_space<vmem>>
        %dma_wait3A_186 = tpu.memref_squeeze %dma_wait3A_185 : memref<1x128xi32, #tpu.memory_space<vmem>> -> memref<128xi32, #tpu.memory_space<vmem>>
        %dma_wait3A_187 = arith.constant 0 : i32
        %dma_wait3A_188 = arith.constant 0 : i32
        %dma_wait3A_189 = tpu.memref_slice %arg2[%dma_wait3A_187, %dma_wait3A_188] : memref<10000x128xf32, #tpu.memory_space<hbm>> -> memref<10000x128xf32, #tpu.memory_space<hbm>>
        tpu.wait_indirect_dma semaphore(%arg13 : memref<!tpu.dma_semaphore, #tpu.memory_space<semaphore_mem>>) src(%dma_wait3A_189 : memref<10000x128xf32, #tpu.memory_space<hbm>>) dst(%arg10 : memref<128x128xf32, #tpu.memory_space<vmem>>)
        %run_scoped3A_190 = arith.constant 7 : i32
        "tpu.region"() ({
          %run_scoped3A_197 = tpu.sem_alloc : memref<!tpu.dma_semaphore, #tpu.memory_space<semaphore_mem>>
          %dma_start3A_198 = arith.constant 0 : i32
          %dma_start3A_199 = tpu.memref_slice %arg8[%run_scoped3A_190, %dma_start3A_198] : memref<8x128xi32, #tpu.memory_space<vmem>> -> memref<1x128xi32, #tpu.memory_space<vmem>>
          %dma_start3A_200 = tpu.memref_squeeze %dma_start3A_199 : memref<1x128xi32, #tpu.memory_space<vmem>> -> memref<128xi32, #tpu.memory_space<vmem>>
          %dma_start3A_201 = arith.constant 0 : i32
          %dma_start3A_202 = arith.constant 0 : i32
          %dma_start3A_203 = tpu.memref_slice %arg11[%dma_start3A_201, %dma_start3A_202] : memref<10240x128xf32, #tpu.memory_space<vmem_shared>> -> memref<10240x128xf32, #tpu.memory_space<vmem_shared>>
          tpu.enqueue_indirect_dma source(%arg10 : memref<128x128xf32, #tpu.memory_space<vmem>>) target(%dma_start3A_203 : memref<10240x128xf32, #tpu.memory_space<vmem_shared>>) offsets(%dma_start3A_200 : memref<128xi32, #tpu.memory_space<vmem>>) semaphore(%run_scoped3A_197 : memref<!tpu.dma_semaphore, #tpu.memory_space<semaphore_mem>>) {add = true}
          %dma_wait3A_204 = arith.constant 0 : i32
          %dma_wait3A_205 = tpu.memref_slice %arg8[%run_scoped3A_190, %dma_wait3A_204] : memref<8x128xi32, #tpu.memory_space<vmem>> -> memref<1x128xi32, #tpu.memory_space<vmem>>
          %dma_wait3A_206 = tpu.memref_squeeze %dma_wait3A_205 : memref<1x128xi32, #tpu.memory_space<vmem>> -> memref<128xi32, #tpu.memory_space<vmem>>
          %dma_wait3A_207 = arith.constant 0 : i32
          %dma_wait3A_208 = arith.constant 0 : i32
          %dma_wait3A_209 = tpu.memref_slice %arg11[%dma_wait3A_207, %dma_wait3A_208] : memref<10240x128xf32, #tpu.memory_space<vmem_shared>> -> memref<10240x128xf32, #tpu.memory_space<vmem_shared>>
          tpu.wait_indirect_dma semaphore(%run_scoped3A_197 : memref<!tpu.dma_semaphore, #tpu.memory_space<semaphore_mem>>) src(%arg10 : memref<128x128xf32, #tpu.memory_space<vmem>>) dst(%dma_wait3A_209 : memref<10240x128xf32, #tpu.memory_space<vmem_shared>>)
          tpu.yield
        }) : () -> ()
        %add3A_191 = arith.constant 2 : i32
        %add3A_192 = arith.addi %add3A_183, %add3A_191 : i32
        %lt3A_193 = arith.cmpi slt, %add3A_192, %min3A_22 : i32
        %convert_element_type3A_194 = arith.extui %lt3A_193 : i1 to i32
        %cond3A_195 = arith.constant 0 : i32
        %cond3A_196 = arith.cmpi ne, %convert_element_type3A_194, %cond3A_195 : i32
        scf.if %cond3A_196 {
          %add3A_197 = arith.constant 2 : i32
          %add3A_198 = arith.addi %add3A_183, %add3A_197 : i32
          %dma_start3A_199 = arith.constant 0 : i32
          %dma_start3A_200 = tpu.memref_slice %arg7[%add3A_198, %dma_start3A_199] : memref<64x128xi32, #tpu.memory_space<vmem>> -> memref<1x128xi32, #tpu.memory_space<vmem>>
          %dma_start3A_201 = tpu.memref_squeeze %dma_start3A_200 : memref<1x128xi32, #tpu.memory_space<vmem>> -> memref<128xi32, #tpu.memory_space<vmem>>
          %dma_start3A_202 = arith.constant 0 : i32
          %dma_start3A_203 = arith.constant 0 : i32
          %dma_start3A_204 = tpu.memref_slice %arg2[%dma_start3A_202, %dma_start3A_203] : memref<10000x128xf32, #tpu.memory_space<hbm>> -> memref<10000x128xf32, #tpu.memory_space<hbm>>
          tpu.enqueue_indirect_dma source(%dma_start3A_204 : memref<10000x128xf32, #tpu.memory_space<hbm>>) target(%arg10 : memref<128x128xf32, #tpu.memory_space<vmem>>) offsets(%dma_start3A_201 : memref<128xi32, #tpu.memory_space<vmem>>) semaphore(%arg13 : memref<!tpu.dma_semaphore, #tpu.memory_space<semaphore_mem>>)
        } else {
        }
      }
      %while3A_61 = arith.constant 1 : i32
      scf.for %while3A_62 = %while3A_59 to %while3A_55 step %while3A_61  : i32 {
        %mul3A_63 = arith.constant 8 : i32
        %mul3A_64 = arith.muli %while3A_62, %mul3A_63 : i32
        %add3A_65 = arith.addi %add3A_18, %mul3A_64 : i32
        "tpu.region"() ({
          %run_scoped3A_197 = tpu.sem_alloc : memref<!tpu.dma_semaphore, #tpu.memory_space<semaphore_mem>>
          %dma_start3A_198 = arith.constant 0 : i32
          %dma_start3A_199 = tpu.memref_slice %arg4[%add3A_65, %dma_start3A_198] : memref<2592x128xi32, #tpu.memory_space<hbm>> -> memref<8x128xi32, #tpu.memory_space<hbm>>
          %dma_start3A_200 = arith.constant 0 : i32
          %dma_start3A_201 = tpu.memref_slice %arg4[%add3A_65, %dma_start3A_200] : memref<2592x128xi32, #tpu.memory_space<hbm>> -> memref<8x128xi32, #tpu.memory_space<hbm>>
          tpu.enqueue_dma source(%dma_start3A_201 : memref<8x128xi32, #tpu.memory_space<hbm>>) target(%arg8 : memref<8x128xi32, #tpu.memory_space<vmem>>) target_semaphore(%run_scoped3A_197 : memref<!tpu.dma_semaphore, #tpu.memory_space<semaphore_mem>>)
          %dma_wait3A_202 = arith.constant 0 : i32
          %dma_wait3A_203 = tpu.memref_slice %arg4[%add3A_65, %dma_wait3A_202] : memref<2592x128xi32, #tpu.memory_space<hbm>> -> memref<8x128xi32, #tpu.memory_space<hbm>>
          %dma_wait3A_204 = arith.constant 0 : i32
          %dma_wait3A_205 = tpu.memref_slice %arg4[%add3A_65, %dma_wait3A_204] : memref<2592x128xi32, #tpu.memory_space<hbm>> -> memref<8x128xi32, #tpu.memory_space<hbm>>
          tpu.wait_dma2 semaphore(%run_scoped3A_197 : memref<!tpu.dma_semaphore, #tpu.memory_space<semaphore_mem>>) src(%dma_wait3A_205 : memref<8x128xi32, #tpu.memory_space<hbm>>) dst(%arg8 : memref<8x128xi32, #tpu.memory_space<vmem>>)
          tpu.yield
        }) : () -> ()
        %mul3A_66 = arith.constant 8 : i32
        %mul3A_67 = arith.muli %while3A_62, %mul3A_66 : i32
        %add3A_68 = arith.constant 0 : i32
        %add3A_69 = arith.addi %mul3A_67, %add3A_68 : i32
        %dma_wait3A = arith.constant 0 : i32
        %dma_wait3A_70 = tpu.memref_slice %arg7[%add3A_69, %dma_wait3A] : memref<64x128xi32, #tpu.memory_space<vmem>> -> memref<1x128xi32, #tpu.memory_space<vmem>>
        %dma_wait3A_71 = tpu.memref_squeeze %dma_wait3A_70 : memref<1x128xi32, #tpu.memory_space<vmem>> -> memref<128xi32, #tpu.memory_space<vmem>>
        %dma_wait3A_72 = arith.constant 0 : i32
        %dma_wait3A_73 = arith.constant 0 : i32
        %dma_wait3A_74 = tpu.memref_slice %arg2[%dma_wait3A_72, %dma_wait3A_73] : memref<10000x128xf32, #tpu.memory_space<hbm>> -> memref<10000x128xf32, #tpu.memory_space<hbm>>
        tpu.wait_indirect_dma semaphore(%arg12 : memref<!tpu.dma_semaphore, #tpu.memory_space<semaphore_mem>>) src(%dma_wait3A_74 : memref<10000x128xf32, #tpu.memory_space<hbm>>) dst(%arg9 : memref<128x128xf32, #tpu.memory_space<vmem>>)
        %run_scoped3A = arith.constant 0 : i32
        "tpu.region"() ({
          %run_scoped3A_197 = tpu.sem_alloc : memref<!tpu.dma_semaphore, #tpu.memory_space<semaphore_mem>>
          %dma_start3A_198 = arith.constant 0 : i32
          %dma_start3A_199 = tpu.memref_slice %arg8[%run_scoped3A, %dma_start3A_198] : memref<8x128xi32, #tpu.memory_space<vmem>> -> memref<1x128xi32, #tpu.memory_space<vmem>>
          %dma_start3A_200 = tpu.memref_squeeze %dma_start3A_199 : memref<1x128xi32, #tpu.memory_space<vmem>> -> memref<128xi32, #tpu.memory_space<vmem>>
          %dma_start3A_201 = arith.constant 0 : i32
          %dma_start3A_202 = arith.constant 0 : i32
          %dma_start3A_203 = tpu.memref_slice %arg11[%dma_start3A_201, %dma_start3A_202] : memref<10240x128xf32, #tpu.memory_space<vmem_shared>> -> memref<10240x128xf32, #tpu.memory_space<vmem_shared>>
          tpu.enqueue_indirect_dma source(%arg9 : memref<128x128xf32, #tpu.memory_space<vmem>>) target(%dma_start3A_203 : memref<10240x128xf32, #tpu.memory_space<vmem_shared>>) offsets(%dma_start3A_200 : memref<128xi32, #tpu.memory_space<vmem>>) semaphore(%run_scoped3A_197 : memref<!tpu.dma_semaphore, #tpu.memory_space<semaphore_mem>>) {add = true}
          %dma_wait3A_204 = arith.constant 0 : i32
          %dma_wait3A_205 = tpu.memref_slice %arg8[%run_scoped3A, %dma_wait3A_204] : memref<8x128xi32, #tpu.memory_space<vmem>> -> memref<1x128xi32, #tpu.memory_space<vmem>>
          %dma_wait3A_206 = tpu.memref_squeeze %dma_wait3A_205 : memref<1x128xi32, #tpu.memory_space<vmem>> -> memref<128xi32, #tpu.memory_space<vmem>>
          %dma_wait3A_207 = arith.constant 0 : i32
          %dma_wait3A_208 = arith.constant 0 : i32
          %dma_wait3A_209 = tpu.memref_slice %arg11[%dma_wait3A_207, %dma_wait3A_208] : memref<10240x128xf32, #tpu.memory_space<vmem_shared>> -> memref<10240x128xf32, #tpu.memory_space<vmem_shared>>
          tpu.wait_indirect_dma semaphore(%run_scoped3A_197 : memref<!tpu.dma_semaphore, #tpu.memory_space<semaphore_mem>>) src(%arg9 : memref<128x128xf32, #tpu.memory_space<vmem>>) dst(%dma_wait3A_209 : memref<10240x128xf32, #tpu.memory_space<vmem_shared>>)
          tpu.yield
        }) : () -> ()
        %add3A_75 = arith.constant 2 : i32
        %add3A_76 = arith.addi %add3A_69, %add3A_75 : i32
        %lt3A = arith.cmpi slt, %add3A_76, %min3A_22 : i32
        %convert_element_type3A = arith.extui %lt3A : i1 to i32
        %cond3A = arith.constant 0 : i32
        %cond3A_77 = arith.cmpi ne, %convert_element_type3A, %cond3A : i32
        scf.if %cond3A_77 {
          %add3A_197 = arith.constant 2 : i32
          %add3A_198 = arith.addi %add3A_69, %add3A_197 : i32
          %dma_start3A_199 = arith.constant 0 : i32
          %dma_start3A_200 = tpu.memref_slice %arg7[%add3A_198, %dma_start3A_199] : memref<64x128xi32, #tpu.memory_space<vmem>> -> memref<1x128xi32, #tpu.memory_space<vmem>>
          %dma_start3A_201 = tpu.memref_squeeze %dma_start3A_200 : memref<1x128xi32, #tpu.memory_space<vmem>> -> memref<128xi32, #tpu.memory_space<vmem>>
          %dma_start3A_202 = arith.constant 0 : i32
          %dma_start3A_203 = arith.constant 0 : i32
          %dma_start3A_204 = tpu.memref_slice %arg2[%dma_start3A_202, %dma_start3A_203] : memref<10000x128xf32, #tpu.memory_space<hbm>> -> memref<10000x128xf32, #tpu.memory_space<hbm>>
          tpu.enqueue_indirect_dma source(%dma_start3A_204 : memref<10000x128xf32, #tpu.memory_space<hbm>>) target(%arg9 : memref<128x128xf32, #tpu.memory_space<vmem>>) offsets(%dma_start3A_201 : memref<128xi32, #tpu.memory_space<vmem>>) semaphore(%arg12 : memref<!tpu.dma_semaphore, #tpu.memory_space<semaphore_mem>>)
        } else {
        }
        %mul3A_78 = arith.constant 8 : i32
        %mul3A_79 = arith.muli %while3A_62, %mul3A_78 : i32
        %add3A_80 = arith.constant 1 : i32
        %add3A_81 = arith.addi %mul3A_79, %add3A_80 : i32
        %dma_wait3A_82 = arith.constant 0 : i32
        %dma_wait3A_83 = tpu.memref_slice %arg7[%add3A_81, %dma_wait3A_82] : memref<64x128xi32, #tpu.memory_space<vmem>> -> memref<1x128xi32, #tpu.memory_space<vmem>>
        %dma_wait3A_84 = tpu.memref_squeeze %dma_wait3A_83 : memref<1x128xi32, #tpu.memory_space<vmem>> -> memref<128xi32, #tpu.memory_space<vmem>>
        %dma_wait3A_85 = arith.constant 0 : i32
        %dma_wait3A_86 = arith.constant 0 : i32
        %dma_wait3A_87 = tpu.memref_slice %arg2[%dma_wait3A_85, %dma_wait3A_86] : memref<10000x128xf32, #tpu.memory_space<hbm>> -> memref<10000x128xf32, #tpu.memory_space<hbm>>
        tpu.wait_indirect_dma semaphore(%arg13 : memref<!tpu.dma_semaphore, #tpu.memory_space<semaphore_mem>>) src(%dma_wait3A_87 : memref<10000x128xf32, #tpu.memory_space<hbm>>) dst(%arg10 : memref<128x128xf32, #tpu.memory_space<vmem>>)
        %run_scoped3A_88 = arith.constant 1 : i32
        "tpu.region"() ({
          %run_scoped3A_197 = tpu.sem_alloc : memref<!tpu.dma_semaphore, #tpu.memory_space<semaphore_mem>>
          %dma_start3A_198 = arith.constant 0 : i32
          %dma_start3A_199 = tpu.memref_slice %arg8[%run_scoped3A_88, %dma_start3A_198] : memref<8x128xi32, #tpu.memory_space<vmem>> -> memref<1x128xi32, #tpu.memory_space<vmem>>
          %dma_start3A_200 = tpu.memref_squeeze %dma_start3A_199 : memref<1x128xi32, #tpu.memory_space<vmem>> -> memref<128xi32, #tpu.memory_space<vmem>>
          %dma_start3A_201 = arith.constant 0 : i32
          %dma_start3A_202 = arith.constant 0 : i32
          %dma_start3A_203 = tpu.memref_slice %arg11[%dma_start3A_201, %dma_start3A_202] : memref<10240x128xf32, #tpu.memory_space<vmem_shared>> -> memref<10240x128xf32, #tpu.memory_space<vmem_shared>>
          tpu.enqueue_indirect_dma source(%arg10 : memref<128x128xf32, #tpu.memory_space<vmem>>) target(%dma_start3A_203 : memref<10240x128xf32, #tpu.memory_space<vmem_shared>>) offsets(%dma_start3A_200 : memref<128xi32, #tpu.memory_space<vmem>>) semaphore(%run_scoped3A_197 : memref<!tpu.dma_semaphore, #tpu.memory_space<semaphore_mem>>) {add = true}
          %dma_wait3A_204 = arith.constant 0 : i32
          %dma_wait3A_205 = tpu.memref_slice %arg8[%run_scoped3A_88, %dma_wait3A_204] : memref<8x128xi32, #tpu.memory_space<vmem>> -> memref<1x128xi32, #tpu.memory_space<vmem>>
          %dma_wait3A_206 = tpu.memref_squeeze %dma_wait3A_205 : memref<1x128xi32, #tpu.memory_space<vmem>> -> memref<128xi32, #tpu.memory_space<vmem>>
          %dma_wait3A_207 = arith.constant 0 : i32
          %dma_wait3A_208 = arith.constant 0 : i32
          %dma_wait3A_209 = tpu.memref_slice %arg11[%dma_wait3A_207, %dma_wait3A_208] : memref<10240x128xf32, #tpu.memory_space<vmem_shared>> -> memref<10240x128xf32, #tpu.memory_space<vmem_shared>>
          tpu.wait_indirect_dma semaphore(%run_scoped3A_197 : memref<!tpu.dma_semaphore, #tpu.memory_space<semaphore_mem>>) src(%arg10 : memref<128x128xf32, #tpu.memory_space<vmem>>) dst(%dma_wait3A_209 : memref<10240x128xf32, #tpu.memory_space<vmem_shared>>)
          tpu.yield
        }) : () -> ()
        %add3A_89 = arith.constant 2 : i32
        %add3A_90 = arith.addi %add3A_81, %add3A_89 : i32
        %lt3A_91 = arith.cmpi slt, %add3A_90, %min3A_22 : i32
        %convert_element_type3A_92 = arith.extui %lt3A_91 : i1 to i32
        %cond3A_93 = arith.constant 0 : i32
        %cond3A_94 = arith.cmpi ne, %convert_element_type3A_92, %cond3A_93 : i32
        scf.if %cond3A_94 {
          %add3A_197 = arith.constant 2 : i32
          %add3A_198 = arith.addi %add3A_81, %add3A_197 : i32
          %dma_start3A_199 = arith.constant 0 : i32
          %dma_start3A_200 = tpu.memref_slice %arg7[%add3A_198, %dma_start3A_199] : memref<64x128xi32, #tpu.memory_space<vmem>> -> memref<1x128xi32, #tpu.memory_space<vmem>>
          %dma_start3A_201 = tpu.memref_squeeze %dma_start3A_200 : memref<1x128xi32, #tpu.memory_space<vmem>> -> memref<128xi32, #tpu.memory_space<vmem>>
          %dma_start3A_202 = arith.constant 0 : i32
          %dma_start3A_203 = arith.constant 0 : i32
          %dma_start3A_204 = tpu.memref_slice %arg2[%dma_start3A_202, %dma_start3A_203] : memref<10000x128xf32, #tpu.memory_space<hbm>> -> memref<10000x128xf32, #tpu.memory_space<hbm>>
          tpu.enqueue_indirect_dma source(%dma_start3A_204 : memref<10000x128xf32, #tpu.memory_space<hbm>>) target(%arg10 : memref<128x128xf32, #tpu.memory_space<vmem>>) offsets(%dma_start3A_201 : memref<128xi32, #tpu.memory_space<vmem>>) semaphore(%arg13 : memref<!tpu.dma_semaphore, #tpu.memory_space<semaphore_mem>>)
        } else {
        }
        %mul3A_95 = arith.constant 8 : i32
        %mul3A_96 = arith.muli %while3A_62, %mul3A_95 : i32
        %add3A_97 = arith.constant 2 : i32
        %add3A_98 = arith.addi %mul3A_96, %add3A_97 : i32
        %dma_wait3A_99 = arith.constant 0 : i32
        %dma_wait3A_100 = tpu.memref_slice %arg7[%add3A_98, %dma_wait3A_99] : memref<64x128xi32, #tpu.memory_space<vmem>> -> memref<1x128xi32, #tpu.memory_space<vmem>>
        %dma_wait3A_101 = tpu.memref_squeeze %dma_wait3A_100 : memref<1x128xi32, #tpu.memory_space<vmem>> -> memref<128xi32, #tpu.memory_space<vmem>>
        %dma_wait3A_102 = arith.constant 0 : i32
        %dma_wait3A_103 = arith.constant 0 : i32
        %dma_wait3A_104 = tpu.memref_slice %arg2[%dma_wait3A_102, %dma_wait3A_103] : memref<10000x128xf32, #tpu.memory_space<hbm>> -> memref<10000x128xf32, #tpu.memory_space<hbm>>
        tpu.wait_indirect_dma semaphore(%arg12 : memref<!tpu.dma_semaphore, #tpu.memory_space<semaphore_mem>>) src(%dma_wait3A_104 : memref<10000x128xf32, #tpu.memory_space<hbm>>) dst(%arg9 : memref<128x128xf32, #tpu.memory_space<vmem>>)
        %run_scoped3A_105 = arith.constant 2 : i32
        "tpu.region"() ({
          %run_scoped3A_197 = tpu.sem_alloc : memref<!tpu.dma_semaphore, #tpu.memory_space<semaphore_mem>>
          %dma_start3A_198 = arith.constant 0 : i32
          %dma_start3A_199 = tpu.memref_slice %arg8[%run_scoped3A_105, %dma_start3A_198] : memref<8x128xi32, #tpu.memory_space<vmem>> -> memref<1x128xi32, #tpu.memory_space<vmem>>
          %dma_start3A_200 = tpu.memref_squeeze %dma_start3A_199 : memref<1x128xi32, #tpu.memory_space<vmem>> -> memref<128xi32, #tpu.memory_space<vmem>>
          %dma_start3A_201 = arith.constant 0 : i32
          %dma_start3A_202 = arith.constant 0 : i32
          %dma_start3A_203 = tpu.memref_slice %arg11[%dma_start3A_201, %dma_start3A_202] : memref<10240x128xf32, #tpu.memory_space<vmem_shared>> -> memref<10240x128xf32, #tpu.memory_space<vmem_shared>>
          tpu.enqueue_indirect_dma source(%arg9 : memref<128x128xf32, #tpu.memory_space<vmem>>) target(%dma_start3A_203 : memref<10240x128xf32, #tpu.memory_space<vmem_shared>>) offsets(%dma_start3A_200 : memref<128xi32, #tpu.memory_space<vmem>>) semaphore(%run_scoped3A_197 : memref<!tpu.dma_semaphore, #tpu.memory_space<semaphore_mem>>) {add = true}
          %dma_wait3A_204 = arith.constant 0 : i32
          %dma_wait3A_205 = tpu.memref_slice %arg8[%run_scoped3A_105, %dma_wait3A_204] : memref<8x128xi32, #tpu.memory_space<vmem>> -> memref<1x128xi32, #tpu.memory_space<vmem>>
          %dma_wait3A_206 = tpu.memref_squeeze %dma_wait3A_205 : memref<1x128xi32, #tpu.memory_space<vmem>> -> memref<128xi32, #tpu.memory_space<vmem>>
          %dma_wait3A_207 = arith.constant 0 : i32
          %dma_wait3A_208 = arith.constant 0 : i32
          %dma_wait3A_209 = tpu.memref_slice %arg11[%dma_wait3A_207, %dma_wait3A_208] : memref<10240x128xf32, #tpu.memory_space<vmem_shared>> -> memref<10240x128xf32, #tpu.memory_space<vmem_shared>>
          tpu.wait_indirect_dma semaphore(%run_scoped3A_197 : memref<!tpu.dma_semaphore, #tpu.memory_space<semaphore_mem>>) src(%arg9 : memref<128x128xf32, #tpu.memory_space<vmem>>) dst(%dma_wait3A_209 : memref<10240x128xf32, #tpu.memory_space<vmem_shared>>)
          tpu.yield
        }) : () -> ()
        %add3A_106 = arith.constant 2 : i32
        %add3A_107 = arith.addi %add3A_98, %add3A_106 : i32
        %lt3A_108 = arith.cmpi slt, %add3A_107, %min3A_22 : i32
        %convert_element_type3A_109 = arith.extui %lt3A_108 : i1 to i32
        %cond3A_110 = arith.constant 0 : i32
        %cond3A_111 = arith.cmpi ne, %convert_element_type3A_109, %cond3A_110 : i32
        scf.if %cond3A_111 {
          %add3A_197 = arith.constant 2 : i32
          %add3A_198 = arith.addi %add3A_98, %add3A_197 : i32
          %dma_start3A_199 = arith.constant 0 : i32
          %dma_start3A_200 = tpu.memref_slice %arg7[%add3A_198, %dma_start3A_199] : memref<64x128xi32, #tpu.memory_space<vmem>> -> memref<1x128xi32, #tpu.memory_space<vmem>>
          %dma_start3A_201 = tpu.memref_squeeze %dma_start3A_200 : memref<1x128xi32, #tpu.memory_space<vmem>> -> memref<128xi32, #tpu.memory_space<vmem>>
          %dma_start3A_202 = arith.constant 0 : i32
          %dma_start3A_203 = arith.constant 0 : i32
          %dma_start3A_204 = tpu.memref_slice %arg2[%dma_start3A_202, %dma_start3A_203] : memref<10000x128xf32, #tpu.memory_space<hbm>> -> memref<10000x128xf32, #tpu.memory_space<hbm>>
          tpu.enqueue_indirect_dma source(%dma_start3A_204 : memref<10000x128xf32, #tpu.memory_space<hbm>>) target(%arg9 : memref<128x128xf32, #tpu.memory_space<vmem>>) offsets(%dma_start3A_201 : memref<128xi32, #tpu.memory_space<vmem>>) semaphore(%arg12 : memref<!tpu.dma_semaphore, #tpu.memory_space<semaphore_mem>>)
        } else {
        }
        %mul3A_112 = arith.constant 8 : i32
        %mul3A_113 = arith.muli %while3A_62, %mul3A_112 : i32
        %add3A_114 = arith.constant 3 : i32
        %add3A_115 = arith.addi %mul3A_113, %add3A_114 : i32
        %dma_wait3A_116 = arith.constant 0 : i32
        %dma_wait3A_117 = tpu.memref_slice %arg7[%add3A_115, %dma_wait3A_116] : memref<64x128xi32, #tpu.memory_space<vmem>> -> memref<1x128xi32, #tpu.memory_space<vmem>>
        %dma_wait3A_118 = tpu.memref_squeeze %dma_wait3A_117 : memref<1x128xi32, #tpu.memory_space<vmem>> -> memref<128xi32, #tpu.memory_space<vmem>>
        %dma_wait3A_119 = arith.constant 0 : i32
        %dma_wait3A_120 = arith.constant 0 : i32
        %dma_wait3A_121 = tpu.memref_slice %arg2[%dma_wait3A_119, %dma_wait3A_120] : memref<10000x128xf32, #tpu.memory_space<hbm>> -> memref<10000x128xf32, #tpu.memory_space<hbm>>
        tpu.wait_indirect_dma semaphore(%arg13 : memref<!tpu.dma_semaphore, #tpu.memory_space<semaphore_mem>>) src(%dma_wait3A_121 : memref<10000x128xf32, #tpu.memory_space<hbm>>) dst(%arg10 : memref<128x128xf32, #tpu.memory_space<vmem>>)
        %run_scoped3A_122 = arith.constant 3 : i32
        "tpu.region"() ({
          %run_scoped3A_197 = tpu.sem_alloc : memref<!tpu.dma_semaphore, #tpu.memory_space<semaphore_mem>>
          %dma_start3A_198 = arith.constant 0 : i32
          %dma_start3A_199 = tpu.memref_slice %arg8[%run_scoped3A_122, %dma_start3A_198] : memref<8x128xi32, #tpu.memory_space<vmem>> -> memref<1x128xi32, #tpu.memory_space<vmem>>
          %dma_start3A_200 = tpu.memref_squeeze %dma_start3A_199 : memref<1x128xi32, #tpu.memory_space<vmem>> -> memref<128xi32, #tpu.memory_space<vmem>>
          %dma_start3A_201 = arith.constant 0 : i32
          %dma_start3A_202 = arith.constant 0 : i32
          %dma_start3A_203 = tpu.memref_slice %arg11[%dma_start3A_201, %dma_start3A_202] : memref<10240x128xf32, #tpu.memory_space<vmem_shared>> -> memref<10240x128xf32, #tpu.memory_space<vmem_shared>>
          tpu.enqueue_indirect_dma source(%arg10 : memref<128x128xf32, #tpu.memory_space<vmem>>) target(%dma_start3A_203 : memref<10240x128xf32, #tpu.memory_space<vmem_shared>>) offsets(%dma_start3A_200 : memref<128xi32, #tpu.memory_space<vmem>>) semaphore(%run_scoped3A_197 : memref<!tpu.dma_semaphore, #tpu.memory_space<semaphore_mem>>) {add = true}
          %dma_wait3A_204 = arith.constant 0 : i32
          %dma_wait3A_205 = tpu.memref_slice %arg8[%run_scoped3A_122, %dma_wait3A_204] : memref<8x128xi32, #tpu.memory_space<vmem>> -> memref<1x128xi32, #tpu.memory_space<vmem>>
          %dma_wait3A_206 = tpu.memref_squeeze %dma_wait3A_205 : memref<1x128xi32, #tpu.memory_space<vmem>> -> memref<128xi32, #tpu.memory_space<vmem>>
          %dma_wait3A_207 = arith.constant 0 : i32
          %dma_wait3A_208 = arith.constant 0 : i32
          %dma_wait3A_209 = tpu.memref_slice %arg11[%dma_wait3A_207, %dma_wait3A_208] : memref<10240x128xf32, #tpu.memory_space<vmem_shared>> -> memref<10240x128xf32, #tpu.memory_space<vmem_shared>>
          tpu.wait_indirect_dma semaphore(%run_scoped3A_197 : memref<!tpu.dma_semaphore, #tpu.memory_space<semaphore_mem>>) src(%arg10 : memref<128x128xf32, #tpu.memory_space<vmem>>) dst(%dma_wait3A_209 : memref<10240x128xf32, #tpu.memory_space<vmem_shared>>)
          tpu.yield
        }) : () -> ()
        %add3A_123 = arith.constant 2 : i32
        %add3A_124 = arith.addi %add3A_115, %add3A_123 : i32
        %lt3A_125 = arith.cmpi slt, %add3A_124, %min3A_22 : i32
        %convert_element_type3A_126 = arith.extui %lt3A_125 : i1 to i32
        %cond3A_127 = arith.constant 0 : i32
        %cond3A_128 = arith.cmpi ne, %convert_element_type3A_126, %cond3A_127 : i32
        scf.if %cond3A_128 {
          %add3A_197 = arith.constant 2 : i32
          %add3A_198 = arith.addi %add3A_115, %add3A_197 : i32
          %dma_start3A_199 = arith.constant 0 : i32
          %dma_start3A_200 = tpu.memref_slice %arg7[%add3A_198, %dma_start3A_199] : memref<64x128xi32, #tpu.memory_space<vmem>> -> memref<1x128xi32, #tpu.memory_space<vmem>>
          %dma_start3A_201 = tpu.memref_squeeze %dma_start3A_200 : memref<1x128xi32, #tpu.memory_space<vmem>> -> memref<128xi32, #tpu.memory_space<vmem>>
          %dma_start3A_202 = arith.constant 0 : i32
          %dma_start3A_203 = arith.constant 0 : i32
          %dma_start3A_204 = tpu.memref_slice %arg2[%dma_start3A_202, %dma_start3A_203] : memref<10000x128xf32, #tpu.memory_space<hbm>> -> memref<10000x128xf32, #tpu.memory_space<hbm>>
          tpu.enqueue_indirect_dma source(%dma_start3A_204 : memref<10000x128xf32, #tpu.memory_space<hbm>>) target(%arg10 : memref<128x128xf32, #tpu.memory_space<vmem>>) offsets(%dma_start3A_201 : memref<128xi32, #tpu.memory_space<vmem>>) semaphore(%arg13 : memref<!tpu.dma_semaphore, #tpu.memory_space<semaphore_mem>>)
        } else {
        }
        %mul3A_129 = arith.constant 8 : i32
        %mul3A_130 = arith.muli %while3A_62, %mul3A_129 : i32
        %add3A_131 = arith.constant 4 : i32
        %add3A_132 = arith.addi %mul3A_130, %add3A_131 : i32
        %dma_wait3A_133 = arith.constant 0 : i32
        %dma_wait3A_134 = tpu.memref_slice %arg7[%add3A_132, %dma_wait3A_133] : memref<64x128xi32, #tpu.memory_space<vmem>> -> memref<1x128xi32, #tpu.memory_space<vmem>>
        %dma_wait3A_135 = tpu.memref_squeeze %dma_wait3A_134 : memref<1x128xi32, #tpu.memory_space<vmem>> -> memref<128xi32, #tpu.memory_space<vmem>>
        %dma_wait3A_136 = arith.constant 0 : i32
        %dma_wait3A_137 = arith.constant 0 : i32
        %dma_wait3A_138 = tpu.memref_slice %arg2[%dma_wait3A_136, %dma_wait3A_137] : memref<10000x128xf32, #tpu.memory_space<hbm>> -> memref<10000x128xf32, #tpu.memory_space<hbm>>
        tpu.wait_indirect_dma semaphore(%arg12 : memref<!tpu.dma_semaphore, #tpu.memory_space<semaphore_mem>>) src(%dma_wait3A_138 : memref<10000x128xf32, #tpu.memory_space<hbm>>) dst(%arg9 : memref<128x128xf32, #tpu.memory_space<vmem>>)
        %run_scoped3A_139 = arith.constant 4 : i32
        "tpu.region"() ({
          %run_scoped3A_197 = tpu.sem_alloc : memref<!tpu.dma_semaphore, #tpu.memory_space<semaphore_mem>>
          %dma_start3A_198 = arith.constant 0 : i32
          %dma_start3A_199 = tpu.memref_slice %arg8[%run_scoped3A_139, %dma_start3A_198] : memref<8x128xi32, #tpu.memory_space<vmem>> -> memref<1x128xi32, #tpu.memory_space<vmem>>
          %dma_start3A_200 = tpu.memref_squeeze %dma_start3A_199 : memref<1x128xi32, #tpu.memory_space<vmem>> -> memref<128xi32, #tpu.memory_space<vmem>>
          %dma_start3A_201 = arith.constant 0 : i32
          %dma_start3A_202 = arith.constant 0 : i32
          %dma_start3A_203 = tpu.memref_slice %arg11[%dma_start3A_201, %dma_start3A_202] : memref<10240x128xf32, #tpu.memory_space<vmem_shared>> -> memref<10240x128xf32, #tpu.memory_space<vmem_shared>>
          tpu.enqueue_indirect_dma source(%arg9 : memref<128x128xf32, #tpu.memory_space<vmem>>) target(%dma_start3A_203 : memref<10240x128xf32, #tpu.memory_space<vmem_shared>>) offsets(%dma_start3A_200 : memref<128xi32, #tpu.memory_space<vmem>>) semaphore(%run_scoped3A_197 : memref<!tpu.dma_semaphore, #tpu.memory_space<semaphore_mem>>) {add = true}
          %dma_wait3A_204 = arith.constant 0 : i32
          %dma_wait3A_205 = tpu.memref_slice %arg8[%run_scoped3A_139, %dma_wait3A_204] : memref<8x128xi32, #tpu.memory_space<vmem>> -> memref<1x128xi32, #tpu.memory_space<vmem>>
          %dma_wait3A_206 = tpu.memref_squeeze %dma_wait3A_205 : memref<1x128xi32, #tpu.memory_space<vmem>> -> memref<128xi32, #tpu.memory_space<vmem>>
          %dma_wait3A_207 = arith.constant 0 : i32
          %dma_wait3A_208 = arith.constant 0 : i32
          %dma_wait3A_209 = tpu.memref_slice %arg11[%dma_wait3A_207, %dma_wait3A_208] : memref<10240x128xf32, #tpu.memory_space<vmem_shared>> -> memref<10240x128xf32, #tpu.memory_space<vmem_shared>>
          tpu.wait_indirect_dma semaphore(%run_scoped3A_197 : memref<!tpu.dma_semaphore, #tpu.memory_space<semaphore_mem>>) src(%arg9 : memref<128x128xf32, #tpu.memory_space<vmem>>) dst(%dma_wait3A_209 : memref<10240x128xf32, #tpu.memory_space<vmem_shared>>)
          tpu.yield
        }) : () -> ()
        %add3A_140 = arith.constant 2 : i32
        %add3A_141 = arith.addi %add3A_132, %add3A_140 : i32
        %lt3A_142 = arith.cmpi slt, %add3A_141, %min3A_22 : i32
        %convert_element_type3A_143 = arith.extui %lt3A_142 : i1 to i32
        %cond3A_144 = arith.constant 0 : i32
        %cond3A_145 = arith.cmpi ne, %convert_element_type3A_143, %cond3A_144 : i32
        scf.if %cond3A_145 {
          %add3A_197 = arith.constant 2 : i32
          %add3A_198 = arith.addi %add3A_132, %add3A_197 : i32
          %dma_start3A_199 = arith.constant 0 : i32
          %dma_start3A_200 = tpu.memref_slice %arg7[%add3A_198, %dma_start3A_199] : memref<64x128xi32, #tpu.memory_space<vmem>> -> memref<1x128xi32, #tpu.memory_space<vmem>>
          %dma_start3A_201 = tpu.memref_squeeze %dma_start3A_200 : memref<1x128xi32, #tpu.memory_space<vmem>> -> memref<128xi32, #tpu.memory_space<vmem>>
          %dma_start3A_202 = arith.constant 0 : i32
          %dma_start3A_203 = arith.constant 0 : i32
          %dma_start3A_204 = tpu.memref_slice %arg2[%dma_start3A_202, %dma_start3A_203] : memref<10000x128xf32, #tpu.memory_space<hbm>> -> memref<10000x128xf32, #tpu.memory_space<hbm>>
          tpu.enqueue_indirect_dma source(%dma_start3A_204 : memref<10000x128xf32, #tpu.memory_space<hbm>>) target(%arg9 : memref<128x128xf32, #tpu.memory_space<vmem>>) offsets(%dma_start3A_201 : memref<128xi32, #tpu.memory_space<vmem>>) semaphore(%arg12 : memref<!tpu.dma_semaphore, #tpu.memory_space<semaphore_mem>>)
        } else {
        }
        %mul3A_146 = arith.constant 8 : i32
        %mul3A_147 = arith.muli %while3A_62, %mul3A_146 : i32
        %add3A_148 = arith.constant 5 : i32
        %add3A_149 = arith.addi %mul3A_147, %add3A_148 : i32
        %dma_wait3A_150 = arith.constant 0 : i32
        %dma_wait3A_151 = tpu.memref_slice %arg7[%add3A_149, %dma_wait3A_150] : memref<64x128xi32, #tpu.memory_space<vmem>> -> memref<1x128xi32, #tpu.memory_space<vmem>>
        %dma_wait3A_152 = tpu.memref_squeeze %dma_wait3A_151 : memref<1x128xi32, #tpu.memory_space<vmem>> -> memref<128xi32, #tpu.memory_space<vmem>>
        %dma_wait3A_153 = arith.constant 0 : i32
        %dma_wait3A_154 = arith.constant 0 : i32
        %dma_wait3A_155 = tpu.memref_slice %arg2[%dma_wait3A_153, %dma_wait3A_154] : memref<10000x128xf32, #tpu.memory_space<hbm>> -> memref<10000x128xf32, #tpu.memory_space<hbm>>
        tpu.wait_indirect_dma semaphore(%arg13 : memref<!tpu.dma_semaphore, #tpu.memory_space<semaphore_mem>>) src(%dma_wait3A_155 : memref<10000x128xf32, #tpu.memory_space<hbm>>) dst(%arg10 : memref<128x128xf32, #tpu.memory_space<vmem>>)
        %run_scoped3A_156 = arith.constant 5 : i32
        "tpu.region"() ({
          %run_scoped3A_197 = tpu.sem_alloc : memref<!tpu.dma_semaphore, #tpu.memory_space<semaphore_mem>>
          %dma_start3A_198 = arith.constant 0 : i32
          %dma_start3A_199 = tpu.memref_slice %arg8[%run_scoped3A_156, %dma_start3A_198] : memref<8x128xi32, #tpu.memory_space<vmem>> -> memref<1x128xi32, #tpu.memory_space<vmem>>
          %dma_start3A_200 = tpu.memref_squeeze %dma_start3A_199 : memref<1x128xi32, #tpu.memory_space<vmem>> -> memref<128xi32, #tpu.memory_space<vmem>>
          %dma_start3A_201 = arith.constant 0 : i32
          %dma_start3A_202 = arith.constant 0 : i32
          %dma_start3A_203 = tpu.memref_slice %arg11[%dma_start3A_201, %dma_start3A_202] : memref<10240x128xf32, #tpu.memory_space<vmem_shared>> -> memref<10240x128xf32, #tpu.memory_space<vmem_shared>>
          tpu.enqueue_indirect_dma source(%arg10 : memref<128x128xf32, #tpu.memory_space<vmem>>) target(%dma_start3A_203 : memref<10240x128xf32, #tpu.memory_space<vmem_shared>>) offsets(%dma_start3A_200 : memref<128xi32, #tpu.memory_space<vmem>>) semaphore(%run_scoped3A_197 : memref<!tpu.dma_semaphore, #tpu.memory_space<semaphore_mem>>) {add = true}
          %dma_wait3A_204 = arith.constant 0 : i32
          %dma_wait3A_205 = tpu.memref_slice %arg8[%run_scoped3A_156, %dma_wait3A_204] : memref<8x128xi32, #tpu.memory_space<vmem>> -> memref<1x128xi32, #tpu.memory_space<vmem>>
          %dma_wait3A_206 = tpu.memref_squeeze %dma_wait3A_205 : memref<1x128xi32, #tpu.memory_space<vmem>> -> memref<128xi32, #tpu.memory_space<vmem>>
          %dma_wait3A_207 = arith.constant 0 : i32
          %dma_wait3A_208 = arith.constant 0 : i32
          %dma_wait3A_209 = tpu.memref_slice %arg11[%dma_wait3A_207, %dma_wait3A_208] : memref<10240x128xf32, #tpu.memory_space<vmem_shared>> -> memref<10240x128xf32, #tpu.memory_space<vmem_shared>>
          tpu.wait_indirect_dma semaphore(%run_scoped3A_197 : memref<!tpu.dma_semaphore, #tpu.memory_space<semaphore_mem>>) src(%arg10 : memref<128x128xf32, #tpu.memory_space<vmem>>) dst(%dma_wait3A_209 : memref<10240x128xf32, #tpu.memory_space<vmem_shared>>)
          tpu.yield
        }) : () -> ()
        %add3A_157 = arith.constant 2 : i32
        %add3A_158 = arith.addi %add3A_149, %add3A_157 : i32
        %lt3A_159 = arith.cmpi slt, %add3A_158, %min3A_22 : i32
        %convert_element_type3A_160 = arith.extui %lt3A_159 : i1 to i32
        %cond3A_161 = arith.constant 0 : i32
        %cond3A_162 = arith.cmpi ne, %convert_element_type3A_160, %cond3A_161 : i32
        scf.if %cond3A_162 {
          %add3A_197 = arith.constant 2 : i32
          %add3A_198 = arith.addi %add3A_149, %add3A_197 : i32
          %dma_start3A_199 = arith.constant 0 : i32
          %dma_start3A_200 = tpu.memref_slice %arg7[%add3A_198, %dma_start3A_199] : memref<64x128xi32, #tpu.memory_space<vmem>> -> memref<1x128xi32, #tpu.memory_space<vmem>>
          %dma_start3A_201 = tpu.memref_squeeze %dma_start3A_200 : memref<1x128xi32, #tpu.memory_space<vmem>> -> memref<128xi32, #tpu.memory_space<vmem>>
          %dma_start3A_202 = arith.constant 0 : i32
          %dma_start3A_203 = arith.constant 0 : i32
          %dma_start3A_204 = tpu.memref_slice %arg2[%dma_start3A_202, %dma_start3A_203] : memref<10000x128xf32, #tpu.memory_space<hbm>> -> memref<10000x128xf32, #tpu.memory_space<hbm>>
          tpu.enqueue_indirect_dma source(%dma_start3A_204 : memref<10000x128xf32, #tpu.memory_space<hbm>>) target(%arg10 : memref<128x128xf32, #tpu.memory_space<vmem>>) offsets(%dma_start3A_201 : memref<128xi32, #tpu.memory_space<vmem>>) semaphore(%arg13 : memref<!tpu.dma_semaphore, #tpu.memory_space<semaphore_mem>>)
        } else {
        }
        %mul3A_163 = arith.constant 8 : i32
        %mul3A_164 = arith.muli %while3A_62, %mul3A_163 : i32
        %add3A_165 = arith.constant 6 : i32
        %add3A_166 = arith.addi %mul3A_164, %add3A_165 : i32
        %dma_wait3A_167 = arith.constant 0 : i32
        %dma_wait3A_168 = tpu.memref_slice %arg7[%add3A_166, %dma_wait3A_167] : memref<64x128xi32, #tpu.memory_space<vmem>> -> memref<1x128xi32, #tpu.memory_space<vmem>>
        %dma_wait3A_169 = tpu.memref_squeeze %dma_wait3A_168 : memref<1x128xi32, #tpu.memory_space<vmem>> -> memref<128xi32, #tpu.memory_space<vmem>>
        %dma_wait3A_170 = arith.constant 0 : i32
        %dma_wait3A_171 = arith.constant 0 : i32
        %dma_wait3A_172 = tpu.memref_slice %arg2[%dma_wait3A_170, %dma_wait3A_171] : memref<10000x128xf32, #tpu.memory_space<hbm>> -> memref<10000x128xf32, #tpu.memory_space<hbm>>
        tpu.wait_indirect_dma semaphore(%arg12 : memref<!tpu.dma_semaphore, #tpu.memory_space<semaphore_mem>>) src(%dma_wait3A_172 : memref<10000x128xf32, #tpu.memory_space<hbm>>) dst(%arg9 : memref<128x128xf32, #tpu.memory_space<vmem>>)
        %run_scoped3A_173 = arith.constant 6 : i32
        "tpu.region"() ({
          %run_scoped3A_197 = tpu.sem_alloc : memref<!tpu.dma_semaphore, #tpu.memory_space<semaphore_mem>>
          %dma_start3A_198 = arith.constant 0 : i32
          %dma_start3A_199 = tpu.memref_slice %arg8[%run_scoped3A_173, %dma_start3A_198] : memref<8x128xi32, #tpu.memory_space<vmem>> -> memref<1x128xi32, #tpu.memory_space<vmem>>
          %dma_start3A_200 = tpu.memref_squeeze %dma_start3A_199 : memref<1x128xi32, #tpu.memory_space<vmem>> -> memref<128xi32, #tpu.memory_space<vmem>>
          %dma_start3A_201 = arith.constant 0 : i32
          %dma_start3A_202 = arith.constant 0 : i32
          %dma_start3A_203 = tpu.memref_slice %arg11[%dma_start3A_201, %dma_start3A_202] : memref<10240x128xf32, #tpu.memory_space<vmem_shared>> -> memref<10240x128xf32, #tpu.memory_space<vmem_shared>>
          tpu.enqueue_indirect_dma source(%arg9 : memref<128x128xf32, #tpu.memory_space<vmem>>) target(%dma_start3A_203 : memref<10240x128xf32, #tpu.memory_space<vmem_shared>>) offsets(%dma_start3A_200 : memref<128xi32, #tpu.memory_space<vmem>>) semaphore(%run_scoped3A_197 : memref<!tpu.dma_semaphore, #tpu.memory_space<semaphore_mem>>) {add = true}
          %dma_wait3A_204 = arith.constant 0 : i32
          %dma_wait3A_205 = tpu.memref_slice %arg8[%run_scoped3A_173, %dma_wait3A_204] : memref<8x128xi32, #tpu.memory_space<vmem>> -> memref<1x128xi32, #tpu.memory_space<vmem>>
          %dma_wait3A_206 = tpu.memref_squeeze %dma_wait3A_205 : memref<1x128xi32, #tpu.memory_space<vmem>> -> memref<128xi32, #tpu.memory_space<vmem>>
          %dma_wait3A_207 = arith.constant 0 : i32
          %dma_wait3A_208 = arith.constant 0 : i32
          %dma_wait3A_209 = tpu.memref_slice %arg11[%dma_wait3A_207, %dma_wait3A_208] : memref<10240x128xf32, #tpu.memory_space<vmem_shared>> -> memref<10240x128xf32, #tpu.memory_space<vmem_shared>>
          tpu.wait_indirect_dma semaphore(%run_scoped3A_197 : memref<!tpu.dma_semaphore, #tpu.memory_space<semaphore_mem>>) src(%arg9 : memref<128x128xf32, #tpu.memory_space<vmem>>) dst(%dma_wait3A_209 : memref<10240x128xf32, #tpu.memory_space<vmem_shared>>)
          tpu.yield
        }) : () -> ()
        %add3A_174 = arith.constant 2 : i32
        %add3A_175 = arith.addi %add3A_166, %add3A_174 : i32
        %lt3A_176 = arith.cmpi slt, %add3A_175, %min3A_22 : i32
        %convert_element_type3A_177 = arith.extui %lt3A_176 : i1 to i32
        %cond3A_178 = arith.constant 0 : i32
        %cond3A_179 = arith.cmpi ne, %convert_element_type3A_177, %cond3A_178 : i32
        scf.if %cond3A_179 {
          %add3A_197 = arith.constant 2 : i32
          %add3A_198 = arith.addi %add3A_166, %add3A_197 : i32
          %dma_start3A_199 = arith.constant 0 : i32
          %dma_start3A_200 = tpu.memref_slice %arg7[%add3A_198, %dma_start3A_199] : memref<64x128xi32, #tpu.memory_space<vmem>> -> memref<1x128xi32, #tpu.memory_space<vmem>>
          %dma_start3A_201 = tpu.memref_squeeze %dma_start3A_200 : memref<1x128xi32, #tpu.memory_space<vmem>> -> memref<128xi32, #tpu.memory_space<vmem>>
          %dma_start3A_202 = arith.constant 0 : i32
          %dma_start3A_203 = arith.constant 0 : i32
          %dma_start3A_204 = tpu.memref_slice %arg2[%dma_start3A_202, %dma_start3A_203] : memref<10000x128xf32, #tpu.memory_space<hbm>> -> memref<10000x128xf32, #tpu.memory_space<hbm>>
          tpu.enqueue_indirect_dma source(%dma_start3A_204 : memref<10000x128xf32, #tpu.memory_space<hbm>>) target(%arg9 : memref<128x128xf32, #tpu.memory_space<vmem>>) offsets(%dma_start3A_201 : memref<128xi32, #tpu.memory_space<vmem>>) semaphore(%arg12 : memref<!tpu.dma_semaphore, #tpu.memory_space<semaphore_mem>>)
        } else {
        }
        %mul3A_180 = arith.constant 8 : i32
        %mul3A_181 = arith.muli %while3A_62, %mul3A_180 : i32
        %add3A_182 = arith.constant 7 : i32
        %add3A_183 = arith.addi %mul3A_181, %add3A_182 : i32
        %dma_wait3A_184 = arith.constant 0 : i32
        %dma_wait3A_185 = tpu.memref_slice %arg7[%add3A_183, %dma_wait3A_184] : memref<64x128xi32, #tpu.memory_space<vmem>> -> memref<1x128xi32, #tpu.memory_space<vmem>>
        %dma_wait3A_186 = tpu.memref_squeeze %dma_wait3A_185 : memref<1x128xi32, #tpu.memory_space<vmem>> -> memref<128xi32, #tpu.memory_space<vmem>>
        %dma_wait3A_187 = arith.constant 0 : i32
        %dma_wait3A_188 = arith.constant 0 : i32
        %dma_wait3A_189 = tpu.memref_slice %arg2[%dma_wait3A_187, %dma_wait3A_188] : memref<10000x128xf32, #tpu.memory_space<hbm>> -> memref<10000x128xf32, #tpu.memory_space<hbm>>
        tpu.wait_indirect_dma semaphore(%arg13 : memref<!tpu.dma_semaphore, #tpu.memory_space<semaphore_mem>>) src(%dma_wait3A_189 : memref<10000x128xf32, #tpu.memory_space<hbm>>) dst(%arg10 : memref<128x128xf32, #tpu.memory_space<vmem>>)
        %run_scoped3A_190 = arith.constant 7 : i32
        "tpu.region"() ({
          %run_scoped3A_197 = tpu.sem_alloc : memref<!tpu.dma_semaphore, #tpu.memory_space<semaphore_mem>>
          %dma_start3A_198 = arith.constant 0 : i32
          %dma_start3A_199 = tpu.memref_slice %arg8[%run_scoped3A_190, %dma_start3A_198] : memref<8x128xi32, #tpu.memory_space<vmem>> -> memref<1x128xi32, #tpu.memory_space<vmem>>
          %dma_start3A_200 = tpu.memref_squeeze %dma_start3A_199 : memref<1x128xi32, #tpu.memory_space<vmem>> -> memref<128xi32, #tpu.memory_space<vmem>>
          %dma_start3A_201 = arith.constant 0 : i32
          %dma_start3A_202 = arith.constant 0 : i32
          %dma_start3A_203 = tpu.memref_slice %arg11[%dma_start3A_201, %dma_start3A_202] : memref<10240x128xf32, #tpu.memory_space<vmem_shared>> -> memref<10240x128xf32, #tpu.memory_space<vmem_shared>>
          tpu.enqueue_indirect_dma source(%arg10 : memref<128x128xf32, #tpu.memory_space<vmem>>) target(%dma_start3A_203 : memref<10240x128xf32, #tpu.memory_space<vmem_shared>>) offsets(%dma_start3A_200 : memref<128xi32, #tpu.memory_space<vmem>>) semaphore(%run_scoped3A_197 : memref<!tpu.dma_semaphore, #tpu.memory_space<semaphore_mem>>) {add = true}
          %dma_wait3A_204 = arith.constant 0 : i32
          %dma_wait3A_205 = tpu.memref_slice %arg8[%run_scoped3A_190, %dma_wait3A_204] : memref<8x128xi32, #tpu.memory_space<vmem>> -> memref<1x128xi32, #tpu.memory_space<vmem>>
          %dma_wait3A_206 = tpu.memref_squeeze %dma_wait3A_205 : memref<1x128xi32, #tpu.memory_space<vmem>> -> memref<128xi32, #tpu.memory_space<vmem>>
          %dma_wait3A_207 = arith.constant 0 : i32
          %dma_wait3A_208 = arith.constant 0 : i32
          %dma_wait3A_209 = tpu.memref_slice %arg11[%dma_wait3A_207, %dma_wait3A_208] : memref<10240x128xf32, #tpu.memory_space<vmem_shared>> -> memref<10240x128xf32, #tpu.memory_space<vmem_shared>>
          tpu.wait_indirect_dma semaphore(%run_scoped3A_197 : memref<!tpu.dma_semaphore, #tpu.memory_space<semaphore_mem>>) src(%arg10 : memref<128x128xf32, #tpu.memory_space<vmem>>) dst(%dma_wait3A_209 : memref<10240x128xf32, #tpu.memory_space<vmem_shared>>)
          tpu.yield
        }) : () -> ()
        %add3A_191 = arith.constant 2 : i32
        %add3A_192 = arith.addi %add3A_183, %add3A_191 : i32
        %lt3A_193 = arith.cmpi slt, %add3A_192, %min3A_22 : i32
        %convert_element_type3A_194 = arith.extui %lt3A_193 : i1 to i32
        %cond3A_195 = arith.constant 0 : i32
        %cond3A_196 = arith.cmpi ne, %convert_element_type3A_194, %cond3A_195 : i32
        scf.if %cond3A_196 {
          %add3A_197 = arith.constant 2 : i32
          %add3A_198 = arith.addi %add3A_183, %add3A_197 : i32
          %dma_start3A_199 = arith.constant 0 : i32
          %dma_start3A_200 = tpu.memref_slice %arg7[%add3A_198, %dma_start3A_199] : memref<64x128xi32, #tpu.memory_space<vmem>> -> memref<1x128xi32, #tpu.memory_space<vmem>>
          %dma_start3A_201 = tpu.memref_squeeze %dma_start3A_200 : memref<1x128xi32, #tpu.memory_space<vmem>> -> memref<128xi32, #tpu.memory_space<vmem>>
          %dma_start3A_202 = arith.constant 0 : i32
          %dma_start3A_203 = arith.constant 0 : i32
          %dma_start3A_204 = tpu.memref_slice %arg2[%dma_start3A_202, %dma_start3A_203] : memref<10000x128xf32, #tpu.memory_space<hbm>> -> memref<10000x128xf32, #tpu.memory_space<hbm>>
          tpu.enqueue_indirect_dma source(%dma_start3A_204 : memref<10000x128xf32, #tpu.memory_space<hbm>>) target(%arg10 : memref<128x128xf32, #tpu.memory_space<vmem>>) offsets(%dma_start3A_201 : memref<128xi32, #tpu.memory_space<vmem>>) semaphore(%arg13 : memref<!tpu.dma_semaphore, #tpu.memory_space<semaphore_mem>>)
        } else {
        }
      }
    }
    %scan3A_9 = arith.constant 2 : i32
    %barrier3A_10 = arith.constant 0 : index
    tpu.barrier barrier_id(%barrier3A_10)
    %mul3A_11 = arith.constant 640 : i32
    %mul3A_12 = arith.muli %arg1, %mul3A_11 : i32
    %mul3A_13 = arith.constant 640 : i32
    %mul3A_14 = arith.muli %arg1, %mul3A_13 : i32
    "tpu.region"() ({
      %run_scoped3A = tpu.sem_alloc : memref<!tpu.dma_semaphore, #tpu.memory_space<semaphore_mem>>
      %dma_start3A = arith.constant 0 : i32
      %dma_start3A_15 = tpu.memref_slice %arg6[%arg0, %mul3A_14, %dma_start3A] : memref<2x10240x128xf32, #tpu.memory_space<hbm>> -> memref<1x640x128xf32, #tpu.memory_space<hbm>>
      %dma_start3A_16 = tpu.memref_squeeze %dma_start3A_15 : memref<1x640x128xf32, #tpu.memory_space<hbm>> -> memref<640x128xf32, #tpu.memory_space<hbm>>
      %dma_start3A_17 = arith.constant 0 : i32
      %dma_start3A_18 = tpu.memref_slice %arg11[%mul3A_12, %dma_start3A_17] : memref<10240x128xf32, #tpu.memory_space<vmem_shared>> -> memref<640x128xf32, #tpu.memory_space<vmem_shared>>
      tpu.enqueue_dma source(%dma_start3A_18 : memref<640x128xf32, #tpu.memory_space<vmem_shared>>) target(%dma_start3A_16 : memref<640x128xf32, #tpu.memory_space<hbm>>) target_semaphore(%run_scoped3A : memref<!tpu.dma_semaphore, #tpu.memory_space<semaphore_mem>>)
      %dma_wait3A = arith.constant 0 : i32
      %dma_wait3A_19 = tpu.memref_slice %arg6[%arg0, %mul3A_14, %dma_wait3A] : memref<2x10240x128xf32, #tpu.memory_space<hbm>> -> memref<1x640x128xf32, #tpu.memory_space<hbm>>
      %dma_wait3A_20 = tpu.memref_squeeze %dma_wait3A_19 : memref<1x640x128xf32, #tpu.memory_space<hbm>> -> memref<640x128xf32, #tpu.memory_space<hbm>>
      %dma_wait3A_21 = arith.constant 0 : i32
      %dma_wait3A_22 = tpu.memref_slice %arg11[%mul3A_12, %dma_wait3A_21] : memref<10240x128xf32, #tpu.memory_space<vmem_shared>> -> memref<640x128xf32, #tpu.memory_space<vmem_shared>>
      tpu.wait_dma2 semaphore(%run_scoped3A : memref<!tpu.dma_semaphore, #tpu.memory_space<semaphore_mem>>) src(%dma_wait3A_22 : memref<640x128xf32, #tpu.memory_space<vmem_shared>>) dst(%dma_wait3A_20 : memref<640x128xf32, #tpu.memory_space<hbm>>)
      tpu.yield
    }) : () -> ()
    return
  }
}

#map = affine_map<(d0, d1) -> (0, 0)>
#map1 = affine_map<(d0, d1) -> (0, 0, 0)>
module attributes {stable_mosaic.version = 14 : i64} {
  func.func @sc_aggregate(%arg0: i32, %arg1: i32, %arg2: memref<10000x128xf32, #tpu.memory_space<hbm>>, %arg3: memref<2592x128xi32, #tpu.memory_space<hbm>>, %arg4: memref<2592x128xi32, #tpu.memory_space<hbm>>, %arg5: memref<640x128xf32, #tpu.memory_space<hbm>>, %arg6: memref<2x10240x128xf32, #tpu.memory_space<hbm>>, %arg7: memref<64x128xi32, #tpu.memory_space<vmem>>, %arg8: memref<8x128xi32, #tpu.memory_space<vmem>>, %arg9: memref<128x128xf32, #tpu.memory_space<vmem>>, %arg10: memref<128x128xf32, #tpu.memory_space<vmem>>, %arg11: memref<10240x128xf32, #tpu.memory_space<vmem_shared>>, %arg12: memref<!tpu.dma_semaphore, #tpu.memory_space<semaphore_mem>>, %arg13: memref<!tpu.dma_semaphore, #tpu.memory_space<semaphore_mem>>) attributes {dimension_semantics = [#tpu.dimension_semantics<core_parallel>, #tpu.dimension_semantics<subcore_parallel>], iteration_bounds = array<i64: 2, 16>, scalar_prefetch = 0 : i64, scratch_operands = 7 : i64, tpu.core_type = #tpu.core_type<sc_vector_subcore>, window_params = [{transform_indices = #map}, {transform_indices = #map}, {transform_indices = #map}, {transform_indices = #map}, {transform_indices = #map1}]} {
    %mul3A = arith.constant 2 : i32
    %mul3A_0 = arith.muli %arg1, %mul3A : i32
    %add3A = arith.addi %mul3A_0, %arg0 : i32
    %mul3A_1 = arith.constant 80 : i32
    %mul3A_2 = arith.muli %add3A, %mul3A_1 : i32
    %mul3A_3 = arith.constant 640 : i32
    %mul3A_4 = arith.muli %arg1, %mul3A_3 : i32
    "tpu.region"() ({
      %run_scoped3A = tpu.sem_alloc : memref<!tpu.dma_semaphore, #tpu.memory_space<semaphore_mem>>
      %dma_start3A = arith.constant 0 : i32
      %dma_start3A_15 = tpu.memref_slice %arg11[%mul3A_4, %dma_start3A] : memref<10240x128xf32, #tpu.memory_space<vmem_shared>> -> memref<640x128xf32, #tpu.memory_space<vmem_shared>>
      tpu.enqueue_dma source(%arg5 : memref<640x128xf32, #tpu.memory_space<hbm>>) target(%dma_start3A_15 : memref<640x128xf32, #tpu.memory_space<vmem_shared>>) target_semaphore(%run_scoped3A : memref<!tpu.dma_semaphore, #tpu.memory_space<semaphore_mem>>)
      %dma_wait3A = arith.constant 0 : i32
      %dma_wait3A_16 = tpu.memref_slice %arg11[%mul3A_4, %dma_wait3A] : memref<10240x128xf32, #tpu.memory_space<vmem_shared>> -> memref<640x128xf32, #tpu.memory_space<vmem_shared>>
      tpu.wait_dma2 semaphore(%run_scoped3A : memref<!tpu.dma_semaphore, #tpu.memory_space<semaphore_mem>>) src(%arg5 : memref<640x128xf32, #tpu.memory_space<hbm>>) dst(%dma_wait3A_16 : memref<640x128xf32, #tpu.memory_space<vmem_shared>>)
      tpu.yield
    }) : () -> ()
    %barrier3A = arith.constant 0 : index
    tpu.barrier barrier_id(%barrier3A)
    %scan3A = arith.constant 0 : i32
    %scan3A_5 = arith.constant 0 : i32
    %scan3A_6 = arith.constant 2 : i32
    %scan3A_7 = arith.addi %scan3A_5, %scan3A_6 : i32
    %scan3A_8 = arith.constant 1 : i32
    scf.for %scan3A_15 = %scan3A_5 to %scan3A_7 step %scan3A_8  : i32 {
      %mul3A_16 = arith.constant 64 : i32
      %mul3A_17 = arith.muli %scan3A_15, %mul3A_16 : i32
      %add3A_18 = arith.addi %mul3A_2, %mul3A_17 : i32
      "tpu.region"() ({
        %run_scoped3A = tpu.sem_alloc : memref<!tpu.dma_semaphore, #tpu.memory_space<semaphore_mem>>
        %dma_start3A_62 = arith.constant 0 : i32
        %dma_start3A_63 = tpu.memref_slice %arg3[%add3A_18, %dma_start3A_62] : memref<2592x128xi32, #tpu.memory_space<hbm>> -> memref<64x128xi32, #tpu.memory_space<hbm>>
        %dma_start3A_64 = arith.constant 0 : i32
        %dma_start3A_65 = tpu.memref_slice %arg3[%add3A_18, %dma_start3A_64] : memref<2592x128xi32, #tpu.memory_space<hbm>> -> memref<64x128xi32, #tpu.memory_space<hbm>>
        tpu.enqueue_dma source(%dma_start3A_65 : memref<64x128xi32, #tpu.memory_space<hbm>>) target(%arg7 : memref<64x128xi32, #tpu.memory_space<vmem>>) target_semaphore(%run_scoped3A : memref<!tpu.dma_semaphore, #tpu.memory_space<semaphore_mem>>)
        %dma_wait3A = arith.constant 0 : i32
        %dma_wait3A_66 = tpu.memref_slice %arg3[%add3A_18, %dma_wait3A] : memref<2592x128xi32, #tpu.memory_space<hbm>> -> memref<64x128xi32, #tpu.memory_space<hbm>>
        %dma_wait3A_67 = arith.constant 0 : i32
        %dma_wait3A_68 = tpu.memref_slice %arg3[%add3A_18, %dma_wait3A_67] : memref<2592x128xi32, #tpu.memory_space<hbm>> -> memref<64x128xi32, #tpu.memory_space<hbm>>
        tpu.wait_dma2 semaphore(%run_scoped3A : memref<!tpu.dma_semaphore, #tpu.memory_space<semaphore_mem>>) src(%dma_wait3A_68 : memref<64x128xi32, #tpu.memory_space<hbm>>) dst(%arg7 : memref<64x128xi32, #tpu.memory_space<vmem>>)
        tpu.yield
      }) : () -> ()
      %mul3A_19 = arith.constant 64 : i32
      %mul3A_20 = arith.muli %scan3A_15, %mul3A_19 : i32
      %sub3A = arith.constant 80 : i32
      %sub3A_21 = arith.subi %sub3A, %mul3A_20 : i32
      %min3A = arith.constant 64 : i32
      %min3A_22 = arith.minsi %min3A, %sub3A_21 : i32
      %dma_start3A = arith.constant 0 : i32
      %dma_start3A_23 = arith.constant 0 : i32
      %dma_start3A_24 = tpu.memref_slice %arg7[%dma_start3A, %dma_start3A_23] : memref<64x128xi32, #tpu.memory_space<vmem>> -> memref<1x128xi32, #tpu.memory_space<vmem>>
      %dma_start3A_25 = tpu.memref_squeeze %dma_start3A_24 : memref<1x128xi32, #tpu.memory_space<vmem>> -> memref<128xi32, #tpu.memory_space<vmem>>
      %dma_start3A_26 = arith.constant 0 : i32
      %dma_start3A_27 = arith.constant 0 : i32
      %dma_start3A_28 = tpu.memref_slice %arg2[%dma_start3A_26, %dma_start3A_27] : memref<10000x128xf32, #tpu.memory_space<hbm>> -> memref<10000x128xf32, #tpu.memory_space<hbm>>
      tpu.enqueue_indirect_dma source(%dma_start3A_28 : memref<10000x128xf32, #tpu.memory_space<hbm>>) target(%arg9 : memref<128x128xf32, #tpu.memory_space<vmem>>) offsets(%dma_start3A_25 : memref<128xi32, #tpu.memory_space<vmem>>) semaphore(%arg12 : memref<!tpu.dma_semaphore, #tpu.memory_space<semaphore_mem>>)
      %dma_start3A_29 = arith.constant 1 : i32
      %dma_start3A_30 = arith.constant 0 : i32
      %dma_start3A_31 = tpu.memref_slice %arg7[%dma_start3A_29, %dma_start3A_30] : memref<64x128xi32, #tpu.memory_space<vmem>> -> memref<1x128xi32, #tpu.memory_space<vmem>>
      %dma_start3A_32 = tpu.memref_squeeze %dma_start3A_31 : memref<1x128xi32, #tpu.memory_space<vmem>> -> memref<128xi32, #tpu.memory_space<vmem>>
      %dma_start3A_33 = arith.constant 0 : i32
      %dma_start3A_34 = arith.constant 0 : i32
      %dma_start3A_35 = tpu.memref_slice %arg2[%dma_start3A_33, %dma_start3A_34] : memref<10000x128xf32, #tpu.memory_space<hbm>> -> memref<10000x128xf32, #tpu.memory_space<hbm>>
      tpu.enqueue_indirect_dma source(%dma_start3A_35 : memref<10000x128xf32, #tpu.memory_space<hbm>>) target(%arg10 : memref<128x128xf32, #tpu.memory_space<vmem>>) offsets(%dma_start3A_32 : memref<128xi32, #tpu.memory_space<vmem>>) semaphore(%arg13 : memref<!tpu.dma_semaphore, #tpu.memory_space<semaphore_mem>>)
      %jit3A = arith.constant 8 : i32
      %div3A = arith.divsi %min3A_22, %jit3A : i32
      %sign3A = arith.constant 0 : i32
      %sign3A_36 = arith.cmpi sgt, %min3A_22, %sign3A : i32
      %sign3A_37 = arith.extui %sign3A_36 : i1 to i32
      %sign3A_38 = arith.constant 0 : i32
      %sign3A_39 = arith.cmpi slt, %min3A_22, %sign3A_38 : i32
      %sign3A_40 = arith.extui %sign3A_39 : i1 to i32
      %sign3A_41 = arith.subi %sign3A_37, %sign3A_40 : i32
      %sign3A_42 = arith.constant 0 : i32
      %sign3A_43 = arith.cmpi sgt, %jit3A, %sign3A_42 : i32
      %sign3A_44 = arith.extui %sign3A_43 : i1 to i32
      %sign3A_45 = arith.constant 0 : i32
      %sign3A_46 = arith.cmpi slt, %jit3A, %sign3A_45 : i32
      %sign3A_47 = arith.extui %sign3A_46 : i1 to i32
      %sign3A_48 = arith.subi %sign3A_44, %sign3A_47 : i32
      %ne3A = arith.cmpi ne, %sign3A_41, %sign3A_48 : i32
      %rem3A = arith.remsi %min3A_22, %jit3A : i32
      %ne3A_49 = arith.constant 0 : i32
      %ne3A_50 = arith.cmpi ne, %rem3A, %ne3A_49 : i32
      %and3A = arith.andi %ne3A, %ne3A_50 : i1
      %sub3A_51 = arith.constant 1 : i32
      %sub3A_52 = arith.subi %div3A, %sub3A_51 : i32
      %select_n3A = arith.select %and3A, %sub3A_52, %div3A : i32
      %while3A = arith.constant 0 : i32
      %while3A_53 = arith.constant 0 : i32
      %while3A_54 = arith.subi %select_n3A, %while3A_53 : i32
      %while3A_55 = arith.addi %while3A_53, %while3A_54 : i32
      %while3A_56 = arith.constant 1 : i32
      %while3A_57 = arith.divsi %while3A_54, %while3A_56 : i32
      %while3A_58 = arith.muli %while3A_57, %while3A_56 : i32
      %while3A_59 = arith.addi %while3A_53, %while3A_58 : i32
      %while3A_60 = arith.constant 1 : i32
      scf.for %while3A_62 = %while3A_53 to %while3A_59 step %while3A_60  : i32 {
        %mul3A_63 = arith.constant 8 : i32
        %mul3A_64 = arith.muli %while3A_62, %mul3A_63 : i32
        %add3A_65 = arith.addi %add3A_18, %mul3A_64 : i32
        "tpu.region"() ({
          %run_scoped3A_197 = tpu.sem_alloc : memref<!tpu.dma_semaphore, #tpu.memory_space<semaphore_mem>>
          %dma_start3A_198 = arith.constant 0 : i32
          %dma_start3A_199 = tpu.memref_slice %arg4[%add3A_65, %dma_start3A_198] : memref<2592x128xi32, #tpu.memory_space<hbm>> -> memref<8x128xi32, #tpu.memory_space<hbm>>
          %dma_start3A_200 = arith.constant 0 : i32
          %dma_start3A_201 = tpu.memref_slice %arg4[%add3A_65, %dma_start3A_200] : memref<2592x128xi32, #tpu.memory_space<hbm>> -> memref<8x128xi32, #tpu.memory_space<hbm>>
          tpu.enqueue_dma source(%dma_start3A_201 : memref<8x128xi32, #tpu.memory_space<hbm>>) target(%arg8 : memref<8x128xi32, #tpu.memory_space<vmem>>) target_semaphore(%run_scoped3A_197 : memref<!tpu.dma_semaphore, #tpu.memory_space<semaphore_mem>>)
          %dma_wait3A_202 = arith.constant 0 : i32
          %dma_wait3A_203 = tpu.memref_slice %arg4[%add3A_65, %dma_wait3A_202] : memref<2592x128xi32, #tpu.memory_space<hbm>> -> memref<8x128xi32, #tpu.memory_space<hbm>>
          %dma_wait3A_204 = arith.constant 0 : i32
          %dma_wait3A_205 = tpu.memref_slice %arg4[%add3A_65, %dma_wait3A_204] : memref<2592x128xi32, #tpu.memory_space<hbm>> -> memref<8x128xi32, #tpu.memory_space<hbm>>
          tpu.wait_dma2 semaphore(%run_scoped3A_197 : memref<!tpu.dma_semaphore, #tpu.memory_space<semaphore_mem>>) src(%dma_wait3A_205 : memref<8x128xi32, #tpu.memory_space<hbm>>) dst(%arg8 : memref<8x128xi32, #tpu.memory_space<vmem>>)
          tpu.yield
        }) : () -> ()
        %mul3A_66 = arith.constant 8 : i32
        %mul3A_67 = arith.muli %while3A_62, %mul3A_66 : i32
        %add3A_68 = arith.constant 0 : i32
        %add3A_69 = arith.addi %mul3A_67, %add3A_68 : i32
        %dma_wait3A = arith.constant 0 : i32
        %dma_wait3A_70 = tpu.memref_slice %arg7[%add3A_69, %dma_wait3A] : memref<64x128xi32, #tpu.memory_space<vmem>> -> memref<1x128xi32, #tpu.memory_space<vmem>>
        %dma_wait3A_71 = tpu.memref_squeeze %dma_wait3A_70 : memref<1x128xi32, #tpu.memory_space<vmem>> -> memref<128xi32, #tpu.memory_space<vmem>>
        %dma_wait3A_72 = arith.constant 0 : i32
        %dma_wait3A_73 = arith.constant 0 : i32
        %dma_wait3A_74 = tpu.memref_slice %arg2[%dma_wait3A_72, %dma_wait3A_73] : memref<10000x128xf32, #tpu.memory_space<hbm>> -> memref<10000x128xf32, #tpu.memory_space<hbm>>
        tpu.wait_indirect_dma semaphore(%arg12 : memref<!tpu.dma_semaphore, #tpu.memory_space<semaphore_mem>>) src(%dma_wait3A_74 : memref<10000x128xf32, #tpu.memory_space<hbm>>) dst(%arg9 : memref<128x128xf32, #tpu.memory_space<vmem>>)
        %run_scoped3A = arith.constant 0 : i32
        "tpu.region"() ({
          %run_scoped3A_197 = tpu.sem_alloc : memref<!tpu.dma_semaphore, #tpu.memory_space<semaphore_mem>>
          %dma_start3A_198 = arith.constant 0 : i32
          %dma_start3A_199 = tpu.memref_slice %arg8[%run_scoped3A, %dma_start3A_198] : memref<8x128xi32, #tpu.memory_space<vmem>> -> memref<1x128xi32, #tpu.memory_space<vmem>>
          %dma_start3A_200 = tpu.memref_squeeze %dma_start3A_199 : memref<1x128xi32, #tpu.memory_space<vmem>> -> memref<128xi32, #tpu.memory_space<vmem>>
          %dma_start3A_201 = arith.constant 0 : i32
          %dma_start3A_202 = arith.constant 0 : i32
          %dma_start3A_203 = tpu.memref_slice %arg11[%dma_start3A_201, %dma_start3A_202] : memref<10240x128xf32, #tpu.memory_space<vmem_shared>> -> memref<10240x128xf32, #tpu.memory_space<vmem_shared>>
          tpu.enqueue_indirect_dma source(%arg9 : memref<128x128xf32, #tpu.memory_space<vmem>>) target(%dma_start3A_203 : memref<10240x128xf32, #tpu.memory_space<vmem_shared>>) offsets(%dma_start3A_200 : memref<128xi32, #tpu.memory_space<vmem>>) semaphore(%run_scoped3A_197 : memref<!tpu.dma_semaphore, #tpu.memory_space<semaphore_mem>>) {add = true}
          %dma_wait3A_204 = arith.constant 0 : i32
          %dma_wait3A_205 = tpu.memref_slice %arg8[%run_scoped3A, %dma_wait3A_204] : memref<8x128xi32, #tpu.memory_space<vmem>> -> memref<1x128xi32, #tpu.memory_space<vmem>>
          %dma_wait3A_206 = tpu.memref_squeeze %dma_wait3A_205 : memref<1x128xi32, #tpu.memory_space<vmem>> -> memref<128xi32, #tpu.memory_space<vmem>>
          %dma_wait3A_207 = arith.constant 0 : i32
          %dma_wait3A_208 = arith.constant 0 : i32
          %dma_wait3A_209 = tpu.memref_slice %arg11[%dma_wait3A_207, %dma_wait3A_208] : memref<10240x128xf32, #tpu.memory_space<vmem_shared>> -> memref<10240x128xf32, #tpu.memory_space<vmem_shared>>
          tpu.wait_indirect_dma semaphore(%run_scoped3A_197 : memref<!tpu.dma_semaphore, #tpu.memory_space<semaphore_mem>>) src(%arg9 : memref<128x128xf32, #tpu.memory_space<vmem>>) dst(%dma_wait3A_209 : memref<10240x128xf32, #tpu.memory_space<vmem_shared>>)
          tpu.yield
        }) : () -> ()
        %add3A_75 = arith.constant 2 : i32
        %add3A_76 = arith.addi %add3A_69, %add3A_75 : i32
        %lt3A = arith.cmpi slt, %add3A_76, %min3A_22 : i32
        %convert_element_type3A = arith.extui %lt3A : i1 to i32
        %cond3A = arith.constant 0 : i32
        %cond3A_77 = arith.cmpi ne, %convert_element_type3A, %cond3A : i32
        scf.if %cond3A_77 {
          %add3A_197 = arith.constant 2 : i32
          %add3A_198 = arith.addi %add3A_69, %add3A_197 : i32
          %dma_start3A_199 = arith.constant 0 : i32
          %dma_start3A_200 = tpu.memref_slice %arg7[%add3A_198, %dma_start3A_199] : memref<64x128xi32, #tpu.memory_space<vmem>> -> memref<1x128xi32, #tpu.memory_space<vmem>>
          %dma_start3A_201 = tpu.memref_squeeze %dma_start3A_200 : memref<1x128xi32, #tpu.memory_space<vmem>> -> memref<128xi32, #tpu.memory_space<vmem>>
          %dma_start3A_202 = arith.constant 0 : i32
          %dma_start3A_203 = arith.constant 0 : i32
          %dma_start3A_204 = tpu.memref_slice %arg2[%dma_start3A_202, %dma_start3A_203] : memref<10000x128xf32, #tpu.memory_space<hbm>> -> memref<10000x128xf32, #tpu.memory_space<hbm>>
          tpu.enqueue_indirect_dma source(%dma_start3A_204 : memref<10000x128xf32, #tpu.memory_space<hbm>>) target(%arg9 : memref<128x128xf32, #tpu.memory_space<vmem>>) offsets(%dma_start3A_201 : memref<128xi32, #tpu.memory_space<vmem>>) semaphore(%arg12 : memref<!tpu.dma_semaphore, #tpu.memory_space<semaphore_mem>>)
        } else {
        }
        %mul3A_78 = arith.constant 8 : i32
        %mul3A_79 = arith.muli %while3A_62, %mul3A_78 : i32
        %add3A_80 = arith.constant 1 : i32
        %add3A_81 = arith.addi %mul3A_79, %add3A_80 : i32
        %dma_wait3A_82 = arith.constant 0 : i32
        %dma_wait3A_83 = tpu.memref_slice %arg7[%add3A_81, %dma_wait3A_82] : memref<64x128xi32, #tpu.memory_space<vmem>> -> memref<1x128xi32, #tpu.memory_space<vmem>>
        %dma_wait3A_84 = tpu.memref_squeeze %dma_wait3A_83 : memref<1x128xi32, #tpu.memory_space<vmem>> -> memref<128xi32, #tpu.memory_space<vmem>>
        %dma_wait3A_85 = arith.constant 0 : i32
        %dma_wait3A_86 = arith.constant 0 : i32
        %dma_wait3A_87 = tpu.memref_slice %arg2[%dma_wait3A_85, %dma_wait3A_86] : memref<10000x128xf32, #tpu.memory_space<hbm>> -> memref<10000x128xf32, #tpu.memory_space<hbm>>
        tpu.wait_indirect_dma semaphore(%arg13 : memref<!tpu.dma_semaphore, #tpu.memory_space<semaphore_mem>>) src(%dma_wait3A_87 : memref<10000x128xf32, #tpu.memory_space<hbm>>) dst(%arg10 : memref<128x128xf32, #tpu.memory_space<vmem>>)
        %run_scoped3A_88 = arith.constant 1 : i32
        "tpu.region"() ({
          %run_scoped3A_197 = tpu.sem_alloc : memref<!tpu.dma_semaphore, #tpu.memory_space<semaphore_mem>>
          %dma_start3A_198 = arith.constant 0 : i32
          %dma_start3A_199 = tpu.memref_slice %arg8[%run_scoped3A_88, %dma_start3A_198] : memref<8x128xi32, #tpu.memory_space<vmem>> -> memref<1x128xi32, #tpu.memory_space<vmem>>
          %dma_start3A_200 = tpu.memref_squeeze %dma_start3A_199 : memref<1x128xi32, #tpu.memory_space<vmem>> -> memref<128xi32, #tpu.memory_space<vmem>>
          %dma_start3A_201 = arith.constant 0 : i32
          %dma_start3A_202 = arith.constant 0 : i32
          %dma_start3A_203 = tpu.memref_slice %arg11[%dma_start3A_201, %dma_start3A_202] : memref<10240x128xf32, #tpu.memory_space<vmem_shared>> -> memref<10240x128xf32, #tpu.memory_space<vmem_shared>>
          tpu.enqueue_indirect_dma source(%arg10 : memref<128x128xf32, #tpu.memory_space<vmem>>) target(%dma_start3A_203 : memref<10240x128xf32, #tpu.memory_space<vmem_shared>>) offsets(%dma_start3A_200 : memref<128xi32, #tpu.memory_space<vmem>>) semaphore(%run_scoped3A_197 : memref<!tpu.dma_semaphore, #tpu.memory_space<semaphore_mem>>) {add = true}
          %dma_wait3A_204 = arith.constant 0 : i32
          %dma_wait3A_205 = tpu.memref_slice %arg8[%run_scoped3A_88, %dma_wait3A_204] : memref<8x128xi32, #tpu.memory_space<vmem>> -> memref<1x128xi32, #tpu.memory_space<vmem>>
          %dma_wait3A_206 = tpu.memref_squeeze %dma_wait3A_205 : memref<1x128xi32, #tpu.memory_space<vmem>> -> memref<128xi32, #tpu.memory_space<vmem>>
          %dma_wait3A_207 = arith.constant 0 : i32
          %dma_wait3A_208 = arith.constant 0 : i32
          %dma_wait3A_209 = tpu.memref_slice %arg11[%dma_wait3A_207, %dma_wait3A_208] : memref<10240x128xf32, #tpu.memory_space<vmem_shared>> -> memref<10240x128xf32, #tpu.memory_space<vmem_shared>>
          tpu.wait_indirect_dma semaphore(%run_scoped3A_197 : memref<!tpu.dma_semaphore, #tpu.memory_space<semaphore_mem>>) src(%arg10 : memref<128x128xf32, #tpu.memory_space<vmem>>) dst(%dma_wait3A_209 : memref<10240x128xf32, #tpu.memory_space<vmem_shared>>)
          tpu.yield
        }) : () -> ()
        %add3A_89 = arith.constant 2 : i32
        %add3A_90 = arith.addi %add3A_81, %add3A_89 : i32
        %lt3A_91 = arith.cmpi slt, %add3A_90, %min3A_22 : i32
        %convert_element_type3A_92 = arith.extui %lt3A_91 : i1 to i32
        %cond3A_93 = arith.constant 0 : i32
        %cond3A_94 = arith.cmpi ne, %convert_element_type3A_92, %cond3A_93 : i32
        scf.if %cond3A_94 {
          %add3A_197 = arith.constant 2 : i32
          %add3A_198 = arith.addi %add3A_81, %add3A_197 : i32
          %dma_start3A_199 = arith.constant 0 : i32
          %dma_start3A_200 = tpu.memref_slice %arg7[%add3A_198, %dma_start3A_199] : memref<64x128xi32, #tpu.memory_space<vmem>> -> memref<1x128xi32, #tpu.memory_space<vmem>>
          %dma_start3A_201 = tpu.memref_squeeze %dma_start3A_200 : memref<1x128xi32, #tpu.memory_space<vmem>> -> memref<128xi32, #tpu.memory_space<vmem>>
          %dma_start3A_202 = arith.constant 0 : i32
          %dma_start3A_203 = arith.constant 0 : i32
          %dma_start3A_204 = tpu.memref_slice %arg2[%dma_start3A_202, %dma_start3A_203] : memref<10000x128xf32, #tpu.memory_space<hbm>> -> memref<10000x128xf32, #tpu.memory_space<hbm>>
          tpu.enqueue_indirect_dma source(%dma_start3A_204 : memref<10000x128xf32, #tpu.memory_space<hbm>>) target(%arg10 : memref<128x128xf32, #tpu.memory_space<vmem>>) offsets(%dma_start3A_201 : memref<128xi32, #tpu.memory_space<vmem>>) semaphore(%arg13 : memref<!tpu.dma_semaphore, #tpu.memory_space<semaphore_mem>>)
        } else {
        }
        %mul3A_95 = arith.constant 8 : i32
        %mul3A_96 = arith.muli %while3A_62, %mul3A_95 : i32
        %add3A_97 = arith.constant 2 : i32
        %add3A_98 = arith.addi %mul3A_96, %add3A_97 : i32
        %dma_wait3A_99 = arith.constant 0 : i32
        %dma_wait3A_100 = tpu.memref_slice %arg7[%add3A_98, %dma_wait3A_99] : memref<64x128xi32, #tpu.memory_space<vmem>> -> memref<1x128xi32, #tpu.memory_space<vmem>>
        %dma_wait3A_101 = tpu.memref_squeeze %dma_wait3A_100 : memref<1x128xi32, #tpu.memory_space<vmem>> -> memref<128xi32, #tpu.memory_space<vmem>>
        %dma_wait3A_102 = arith.constant 0 : i32
        %dma_wait3A_103 = arith.constant 0 : i32
        %dma_wait3A_104 = tpu.memref_slice %arg2[%dma_wait3A_102, %dma_wait3A_103] : memref<10000x128xf32, #tpu.memory_space<hbm>> -> memref<10000x128xf32, #tpu.memory_space<hbm>>
        tpu.wait_indirect_dma semaphore(%arg12 : memref<!tpu.dma_semaphore, #tpu.memory_space<semaphore_mem>>) src(%dma_wait3A_104 : memref<10000x128xf32, #tpu.memory_space<hbm>>) dst(%arg9 : memref<128x128xf32, #tpu.memory_space<vmem>>)
        %run_scoped3A_105 = arith.constant 2 : i32
        "tpu.region"() ({
          %run_scoped3A_197 = tpu.sem_alloc : memref<!tpu.dma_semaphore, #tpu.memory_space<semaphore_mem>>
          %dma_start3A_198 = arith.constant 0 : i32
          %dma_start3A_199 = tpu.memref_slice %arg8[%run_scoped3A_105, %dma_start3A_198] : memref<8x128xi32, #tpu.memory_space<vmem>> -> memref<1x128xi32, #tpu.memory_space<vmem>>
          %dma_start3A_200 = tpu.memref_squeeze %dma_start3A_199 : memref<1x128xi32, #tpu.memory_space<vmem>> -> memref<128xi32, #tpu.memory_space<vmem>>
          %dma_start3A_201 = arith.constant 0 : i32
          %dma_start3A_202 = arith.constant 0 : i32
          %dma_start3A_203 = tpu.memref_slice %arg11[%dma_start3A_201, %dma_start3A_202] : memref<10240x128xf32, #tpu.memory_space<vmem_shared>> -> memref<10240x128xf32, #tpu.memory_space<vmem_shared>>
          tpu.enqueue_indirect_dma source(%arg9 : memref<128x128xf32, #tpu.memory_space<vmem>>) target(%dma_start3A_203 : memref<10240x128xf32, #tpu.memory_space<vmem_shared>>) offsets(%dma_start3A_200 : memref<128xi32, #tpu.memory_space<vmem>>) semaphore(%run_scoped3A_197 : memref<!tpu.dma_semaphore, #tpu.memory_space<semaphore_mem>>) {add = true}
          %dma_wait3A_204 = arith.constant 0 : i32
          %dma_wait3A_205 = tpu.memref_slice %arg8[%run_scoped3A_105, %dma_wait3A_204] : memref<8x128xi32, #tpu.memory_space<vmem>> -> memref<1x128xi32, #tpu.memory_space<vmem>>
          %dma_wait3A_206 = tpu.memref_squeeze %dma_wait3A_205 : memref<1x128xi32, #tpu.memory_space<vmem>> -> memref<128xi32, #tpu.memory_space<vmem>>
          %dma_wait3A_207 = arith.constant 0 : i32
          %dma_wait3A_208 = arith.constant 0 : i32
          %dma_wait3A_209 = tpu.memref_slice %arg11[%dma_wait3A_207, %dma_wait3A_208] : memref<10240x128xf32, #tpu.memory_space<vmem_shared>> -> memref<10240x128xf32, #tpu.memory_space<vmem_shared>>
          tpu.wait_indirect_dma semaphore(%run_scoped3A_197 : memref<!tpu.dma_semaphore, #tpu.memory_space<semaphore_mem>>) src(%arg9 : memref<128x128xf32, #tpu.memory_space<vmem>>) dst(%dma_wait3A_209 : memref<10240x128xf32, #tpu.memory_space<vmem_shared>>)
          tpu.yield
        }) : () -> ()
        %add3A_106 = arith.constant 2 : i32
        %add3A_107 = arith.addi %add3A_98, %add3A_106 : i32
        %lt3A_108 = arith.cmpi slt, %add3A_107, %min3A_22 : i32
        %convert_element_type3A_109 = arith.extui %lt3A_108 : i1 to i32
        %cond3A_110 = arith.constant 0 : i32
        %cond3A_111 = arith.cmpi ne, %convert_element_type3A_109, %cond3A_110 : i32
        scf.if %cond3A_111 {
          %add3A_197 = arith.constant 2 : i32
          %add3A_198 = arith.addi %add3A_98, %add3A_197 : i32
          %dma_start3A_199 = arith.constant 0 : i32
          %dma_start3A_200 = tpu.memref_slice %arg7[%add3A_198, %dma_start3A_199] : memref<64x128xi32, #tpu.memory_space<vmem>> -> memref<1x128xi32, #tpu.memory_space<vmem>>
          %dma_start3A_201 = tpu.memref_squeeze %dma_start3A_200 : memref<1x128xi32, #tpu.memory_space<vmem>> -> memref<128xi32, #tpu.memory_space<vmem>>
          %dma_start3A_202 = arith.constant 0 : i32
          %dma_start3A_203 = arith.constant 0 : i32
          %dma_start3A_204 = tpu.memref_slice %arg2[%dma_start3A_202, %dma_start3A_203] : memref<10000x128xf32, #tpu.memory_space<hbm>> -> memref<10000x128xf32, #tpu.memory_space<hbm>>
          tpu.enqueue_indirect_dma source(%dma_start3A_204 : memref<10000x128xf32, #tpu.memory_space<hbm>>) target(%arg9 : memref<128x128xf32, #tpu.memory_space<vmem>>) offsets(%dma_start3A_201 : memref<128xi32, #tpu.memory_space<vmem>>) semaphore(%arg12 : memref<!tpu.dma_semaphore, #tpu.memory_space<semaphore_mem>>)
        } else {
        }
        %mul3A_112 = arith.constant 8 : i32
        %mul3A_113 = arith.muli %while3A_62, %mul3A_112 : i32
        %add3A_114 = arith.constant 3 : i32
        %add3A_115 = arith.addi %mul3A_113, %add3A_114 : i32
        %dma_wait3A_116 = arith.constant 0 : i32
        %dma_wait3A_117 = tpu.memref_slice %arg7[%add3A_115, %dma_wait3A_116] : memref<64x128xi32, #tpu.memory_space<vmem>> -> memref<1x128xi32, #tpu.memory_space<vmem>>
        %dma_wait3A_118 = tpu.memref_squeeze %dma_wait3A_117 : memref<1x128xi32, #tpu.memory_space<vmem>> -> memref<128xi32, #tpu.memory_space<vmem>>
        %dma_wait3A_119 = arith.constant 0 : i32
        %dma_wait3A_120 = arith.constant 0 : i32
        %dma_wait3A_121 = tpu.memref_slice %arg2[%dma_wait3A_119, %dma_wait3A_120] : memref<10000x128xf32, #tpu.memory_space<hbm>> -> memref<10000x128xf32, #tpu.memory_space<hbm>>
        tpu.wait_indirect_dma semaphore(%arg13 : memref<!tpu.dma_semaphore, #tpu.memory_space<semaphore_mem>>) src(%dma_wait3A_121 : memref<10000x128xf32, #tpu.memory_space<hbm>>) dst(%arg10 : memref<128x128xf32, #tpu.memory_space<vmem>>)
        %run_scoped3A_122 = arith.constant 3 : i32
        "tpu.region"() ({
          %run_scoped3A_197 = tpu.sem_alloc : memref<!tpu.dma_semaphore, #tpu.memory_space<semaphore_mem>>
          %dma_start3A_198 = arith.constant 0 : i32
          %dma_start3A_199 = tpu.memref_slice %arg8[%run_scoped3A_122, %dma_start3A_198] : memref<8x128xi32, #tpu.memory_space<vmem>> -> memref<1x128xi32, #tpu.memory_space<vmem>>
          %dma_start3A_200 = tpu.memref_squeeze %dma_start3A_199 : memref<1x128xi32, #tpu.memory_space<vmem>> -> memref<128xi32, #tpu.memory_space<vmem>>
          %dma_start3A_201 = arith.constant 0 : i32
          %dma_start3A_202 = arith.constant 0 : i32
          %dma_start3A_203 = tpu.memref_slice %arg11[%dma_start3A_201, %dma_start3A_202] : memref<10240x128xf32, #tpu.memory_space<vmem_shared>> -> memref<10240x128xf32, #tpu.memory_space<vmem_shared>>
          tpu.enqueue_indirect_dma source(%arg10 : memref<128x128xf32, #tpu.memory_space<vmem>>) target(%dma_start3A_203 : memref<10240x128xf32, #tpu.memory_space<vmem_shared>>) offsets(%dma_start3A_200 : memref<128xi32, #tpu.memory_space<vmem>>) semaphore(%run_scoped3A_197 : memref<!tpu.dma_semaphore, #tpu.memory_space<semaphore_mem>>) {add = true}
          %dma_wait3A_204 = arith.constant 0 : i32
          %dma_wait3A_205 = tpu.memref_slice %arg8[%run_scoped3A_122, %dma_wait3A_204] : memref<8x128xi32, #tpu.memory_space<vmem>> -> memref<1x128xi32, #tpu.memory_space<vmem>>
          %dma_wait3A_206 = tpu.memref_squeeze %dma_wait3A_205 : memref<1x128xi32, #tpu.memory_space<vmem>> -> memref<128xi32, #tpu.memory_space<vmem>>
          %dma_wait3A_207 = arith.constant 0 : i32
          %dma_wait3A_208 = arith.constant 0 : i32
          %dma_wait3A_209 = tpu.memref_slice %arg11[%dma_wait3A_207, %dma_wait3A_208] : memref<10240x128xf32, #tpu.memory_space<vmem_shared>> -> memref<10240x128xf32, #tpu.memory_space<vmem_shared>>
          tpu.wait_indirect_dma semaphore(%run_scoped3A_197 : memref<!tpu.dma_semaphore, #tpu.memory_space<semaphore_mem>>) src(%arg10 : memref<128x128xf32, #tpu.memory_space<vmem>>) dst(%dma_wait3A_209 : memref<10240x128xf32, #tpu.memory_space<vmem_shared>>)
          tpu.yield
        }) : () -> ()
        %add3A_123 = arith.constant 2 : i32
        %add3A_124 = arith.addi %add3A_115, %add3A_123 : i32
        %lt3A_125 = arith.cmpi slt, %add3A_124, %min3A_22 : i32
        %convert_element_type3A_126 = arith.extui %lt3A_125 : i1 to i32
        %cond3A_127 = arith.constant 0 : i32
        %cond3A_128 = arith.cmpi ne, %convert_element_type3A_126, %cond3A_127 : i32
        scf.if %cond3A_128 {
          %add3A_197 = arith.constant 2 : i32
          %add3A_198 = arith.addi %add3A_115, %add3A_197 : i32
          %dma_start3A_199 = arith.constant 0 : i32
          %dma_start3A_200 = tpu.memref_slice %arg7[%add3A_198, %dma_start3A_199] : memref<64x128xi32, #tpu.memory_space<vmem>> -> memref<1x128xi32, #tpu.memory_space<vmem>>
          %dma_start3A_201 = tpu.memref_squeeze %dma_start3A_200 : memref<1x128xi32, #tpu.memory_space<vmem>> -> memref<128xi32, #tpu.memory_space<vmem>>
          %dma_start3A_202 = arith.constant 0 : i32
          %dma_start3A_203 = arith.constant 0 : i32
          %dma_start3A_204 = tpu.memref_slice %arg2[%dma_start3A_202, %dma_start3A_203] : memref<10000x128xf32, #tpu.memory_space<hbm>> -> memref<10000x128xf32, #tpu.memory_space<hbm>>
          tpu.enqueue_indirect_dma source(%dma_start3A_204 : memref<10000x128xf32, #tpu.memory_space<hbm>>) target(%arg10 : memref<128x128xf32, #tpu.memory_space<vmem>>) offsets(%dma_start3A_201 : memref<128xi32, #tpu.memory_space<vmem>>) semaphore(%arg13 : memref<!tpu.dma_semaphore, #tpu.memory_space<semaphore_mem>>)
        } else {
        }
        %mul3A_129 = arith.constant 8 : i32
        %mul3A_130 = arith.muli %while3A_62, %mul3A_129 : i32
        %add3A_131 = arith.constant 4 : i32
        %add3A_132 = arith.addi %mul3A_130, %add3A_131 : i32
        %dma_wait3A_133 = arith.constant 0 : i32
        %dma_wait3A_134 = tpu.memref_slice %arg7[%add3A_132, %dma_wait3A_133] : memref<64x128xi32, #tpu.memory_space<vmem>> -> memref<1x128xi32, #tpu.memory_space<vmem>>
        %dma_wait3A_135 = tpu.memref_squeeze %dma_wait3A_134 : memref<1x128xi32, #tpu.memory_space<vmem>> -> memref<128xi32, #tpu.memory_space<vmem>>
        %dma_wait3A_136 = arith.constant 0 : i32
        %dma_wait3A_137 = arith.constant 0 : i32
        %dma_wait3A_138 = tpu.memref_slice %arg2[%dma_wait3A_136, %dma_wait3A_137] : memref<10000x128xf32, #tpu.memory_space<hbm>> -> memref<10000x128xf32, #tpu.memory_space<hbm>>
        tpu.wait_indirect_dma semaphore(%arg12 : memref<!tpu.dma_semaphore, #tpu.memory_space<semaphore_mem>>) src(%dma_wait3A_138 : memref<10000x128xf32, #tpu.memory_space<hbm>>) dst(%arg9 : memref<128x128xf32, #tpu.memory_space<vmem>>)
        %run_scoped3A_139 = arith.constant 4 : i32
        "tpu.region"() ({
          %run_scoped3A_197 = tpu.sem_alloc : memref<!tpu.dma_semaphore, #tpu.memory_space<semaphore_mem>>
          %dma_start3A_198 = arith.constant 0 : i32
          %dma_start3A_199 = tpu.memref_slice %arg8[%run_scoped3A_139, %dma_start3A_198] : memref<8x128xi32, #tpu.memory_space<vmem>> -> memref<1x128xi32, #tpu.memory_space<vmem>>
          %dma_start3A_200 = tpu.memref_squeeze %dma_start3A_199 : memref<1x128xi32, #tpu.memory_space<vmem>> -> memref<128xi32, #tpu.memory_space<vmem>>
          %dma_start3A_201 = arith.constant 0 : i32
          %dma_start3A_202 = arith.constant 0 : i32
          %dma_start3A_203 = tpu.memref_slice %arg11[%dma_start3A_201, %dma_start3A_202] : memref<10240x128xf32, #tpu.memory_space<vmem_shared>> -> memref<10240x128xf32, #tpu.memory_space<vmem_shared>>
          tpu.enqueue_indirect_dma source(%arg9 : memref<128x128xf32, #tpu.memory_space<vmem>>) target(%dma_start3A_203 : memref<10240x128xf32, #tpu.memory_space<vmem_shared>>) offsets(%dma_start3A_200 : memref<128xi32, #tpu.memory_space<vmem>>) semaphore(%run_scoped3A_197 : memref<!tpu.dma_semaphore, #tpu.memory_space<semaphore_mem>>) {add = true}
          %dma_wait3A_204 = arith.constant 0 : i32
          %dma_wait3A_205 = tpu.memref_slice %arg8[%run_scoped3A_139, %dma_wait3A_204] : memref<8x128xi32, #tpu.memory_space<vmem>> -> memref<1x128xi32, #tpu.memory_space<vmem>>
          %dma_wait3A_206 = tpu.memref_squeeze %dma_wait3A_205 : memref<1x128xi32, #tpu.memory_space<vmem>> -> memref<128xi32, #tpu.memory_space<vmem>>
          %dma_wait3A_207 = arith.constant 0 : i32
          %dma_wait3A_208 = arith.constant 0 : i32
          %dma_wait3A_209 = tpu.memref_slice %arg11[%dma_wait3A_207, %dma_wait3A_208] : memref<10240x128xf32, #tpu.memory_space<vmem_shared>> -> memref<10240x128xf32, #tpu.memory_space<vmem_shared>>
          tpu.wait_indirect_dma semaphore(%run_scoped3A_197 : memref<!tpu.dma_semaphore, #tpu.memory_space<semaphore_mem>>) src(%arg9 : memref<128x128xf32, #tpu.memory_space<vmem>>) dst(%dma_wait3A_209 : memref<10240x128xf32, #tpu.memory_space<vmem_shared>>)
          tpu.yield
        }) : () -> ()
        %add3A_140 = arith.constant 2 : i32
        %add3A_141 = arith.addi %add3A_132, %add3A_140 : i32
        %lt3A_142 = arith.cmpi slt, %add3A_141, %min3A_22 : i32
        %convert_element_type3A_143 = arith.extui %lt3A_142 : i1 to i32
        %cond3A_144 = arith.constant 0 : i32
        %cond3A_145 = arith.cmpi ne, %convert_element_type3A_143, %cond3A_144 : i32
        scf.if %cond3A_145 {
          %add3A_197 = arith.constant 2 : i32
          %add3A_198 = arith.addi %add3A_132, %add3A_197 : i32
          %dma_start3A_199 = arith.constant 0 : i32
          %dma_start3A_200 = tpu.memref_slice %arg7[%add3A_198, %dma_start3A_199] : memref<64x128xi32, #tpu.memory_space<vmem>> -> memref<1x128xi32, #tpu.memory_space<vmem>>
          %dma_start3A_201 = tpu.memref_squeeze %dma_start3A_200 : memref<1x128xi32, #tpu.memory_space<vmem>> -> memref<128xi32, #tpu.memory_space<vmem>>
          %dma_start3A_202 = arith.constant 0 : i32
          %dma_start3A_203 = arith.constant 0 : i32
          %dma_start3A_204 = tpu.memref_slice %arg2[%dma_start3A_202, %dma_start3A_203] : memref<10000x128xf32, #tpu.memory_space<hbm>> -> memref<10000x128xf32, #tpu.memory_space<hbm>>
          tpu.enqueue_indirect_dma source(%dma_start3A_204 : memref<10000x128xf32, #tpu.memory_space<hbm>>) target(%arg9 : memref<128x128xf32, #tpu.memory_space<vmem>>) offsets(%dma_start3A_201 : memref<128xi32, #tpu.memory_space<vmem>>) semaphore(%arg12 : memref<!tpu.dma_semaphore, #tpu.memory_space<semaphore_mem>>)
        } else {
        }
        %mul3A_146 = arith.constant 8 : i32
        %mul3A_147 = arith.muli %while3A_62, %mul3A_146 : i32
        %add3A_148 = arith.constant 5 : i32
        %add3A_149 = arith.addi %mul3A_147, %add3A_148 : i32
        %dma_wait3A_150 = arith.constant 0 : i32
        %dma_wait3A_151 = tpu.memref_slice %arg7[%add3A_149, %dma_wait3A_150] : memref<64x128xi32, #tpu.memory_space<vmem>> -> memref<1x128xi32, #tpu.memory_space<vmem>>
        %dma_wait3A_152 = tpu.memref_squeeze %dma_wait3A_151 : memref<1x128xi32, #tpu.memory_space<vmem>> -> memref<128xi32, #tpu.memory_space<vmem>>
        %dma_wait3A_153 = arith.constant 0 : i32
        %dma_wait3A_154 = arith.constant 0 : i32
        %dma_wait3A_155 = tpu.memref_slice %arg2[%dma_wait3A_153, %dma_wait3A_154] : memref<10000x128xf32, #tpu.memory_space<hbm>> -> memref<10000x128xf32, #tpu.memory_space<hbm>>
        tpu.wait_indirect_dma semaphore(%arg13 : memref<!tpu.dma_semaphore, #tpu.memory_space<semaphore_mem>>) src(%dma_wait3A_155 : memref<10000x128xf32, #tpu.memory_space<hbm>>) dst(%arg10 : memref<128x128xf32, #tpu.memory_space<vmem>>)
        %run_scoped3A_156 = arith.constant 5 : i32
        "tpu.region"() ({
          %run_scoped3A_197 = tpu.sem_alloc : memref<!tpu.dma_semaphore, #tpu.memory_space<semaphore_mem>>
          %dma_start3A_198 = arith.constant 0 : i32
          %dma_start3A_199 = tpu.memref_slice %arg8[%run_scoped3A_156, %dma_start3A_198] : memref<8x128xi32, #tpu.memory_space<vmem>> -> memref<1x128xi32, #tpu.memory_space<vmem>>
          %dma_start3A_200 = tpu.memref_squeeze %dma_start3A_199 : memref<1x128xi32, #tpu.memory_space<vmem>> -> memref<128xi32, #tpu.memory_space<vmem>>
          %dma_start3A_201 = arith.constant 0 : i32
          %dma_start3A_202 = arith.constant 0 : i32
          %dma_start3A_203 = tpu.memref_slice %arg11[%dma_start3A_201, %dma_start3A_202] : memref<10240x128xf32, #tpu.memory_space<vmem_shared>> -> memref<10240x128xf32, #tpu.memory_space<vmem_shared>>
          tpu.enqueue_indirect_dma source(%arg10 : memref<128x128xf32, #tpu.memory_space<vmem>>) target(%dma_start3A_203 : memref<10240x128xf32, #tpu.memory_space<vmem_shared>>) offsets(%dma_start3A_200 : memref<128xi32, #tpu.memory_space<vmem>>) semaphore(%run_scoped3A_197 : memref<!tpu.dma_semaphore, #tpu.memory_space<semaphore_mem>>) {add = true}
          %dma_wait3A_204 = arith.constant 0 : i32
          %dma_wait3A_205 = tpu.memref_slice %arg8[%run_scoped3A_156, %dma_wait3A_204] : memref<8x128xi32, #tpu.memory_space<vmem>> -> memref<1x128xi32, #tpu.memory_space<vmem>>
          %dma_wait3A_206 = tpu.memref_squeeze %dma_wait3A_205 : memref<1x128xi32, #tpu.memory_space<vmem>> -> memref<128xi32, #tpu.memory_space<vmem>>
          %dma_wait3A_207 = arith.constant 0 : i32
          %dma_wait3A_208 = arith.constant 0 : i32
          %dma_wait3A_209 = tpu.memref_slice %arg11[%dma_wait3A_207, %dma_wait3A_208] : memref<10240x128xf32, #tpu.memory_space<vmem_shared>> -> memref<10240x128xf32, #tpu.memory_space<vmem_shared>>
          tpu.wait_indirect_dma semaphore(%run_scoped3A_197 : memref<!tpu.dma_semaphore, #tpu.memory_space<semaphore_mem>>) src(%arg10 : memref<128x128xf32, #tpu.memory_space<vmem>>) dst(%dma_wait3A_209 : memref<10240x128xf32, #tpu.memory_space<vmem_shared>>)
          tpu.yield
        }) : () -> ()
        %add3A_157 = arith.constant 2 : i32
        %add3A_158 = arith.addi %add3A_149, %add3A_157 : i32
        %lt3A_159 = arith.cmpi slt, %add3A_158, %min3A_22 : i32
        %convert_element_type3A_160 = arith.extui %lt3A_159 : i1 to i32
        %cond3A_161 = arith.constant 0 : i32
        %cond3A_162 = arith.cmpi ne, %convert_element_type3A_160, %cond3A_161 : i32
        scf.if %cond3A_162 {
          %add3A_197 = arith.constant 2 : i32
          %add3A_198 = arith.addi %add3A_149, %add3A_197 : i32
          %dma_start3A_199 = arith.constant 0 : i32
          %dma_start3A_200 = tpu.memref_slice %arg7[%add3A_198, %dma_start3A_199] : memref<64x128xi32, #tpu.memory_space<vmem>> -> memref<1x128xi32, #tpu.memory_space<vmem>>
          %dma_start3A_201 = tpu.memref_squeeze %dma_start3A_200 : memref<1x128xi32, #tpu.memory_space<vmem>> -> memref<128xi32, #tpu.memory_space<vmem>>
          %dma_start3A_202 = arith.constant 0 : i32
          %dma_start3A_203 = arith.constant 0 : i32
          %dma_start3A_204 = tpu.memref_slice %arg2[%dma_start3A_202, %dma_start3A_203] : memref<10000x128xf32, #tpu.memory_space<hbm>> -> memref<10000x128xf32, #tpu.memory_space<hbm>>
          tpu.enqueue_indirect_dma source(%dma_start3A_204 : memref<10000x128xf32, #tpu.memory_space<hbm>>) target(%arg10 : memref<128x128xf32, #tpu.memory_space<vmem>>) offsets(%dma_start3A_201 : memref<128xi32, #tpu.memory_space<vmem>>) semaphore(%arg13 : memref<!tpu.dma_semaphore, #tpu.memory_space<semaphore_mem>>)
        } else {
        }
        %mul3A_163 = arith.constant 8 : i32
        %mul3A_164 = arith.muli %while3A_62, %mul3A_163 : i32
        %add3A_165 = arith.constant 6 : i32
        %add3A_166 = arith.addi %mul3A_164, %add3A_165 : i32
        %dma_wait3A_167 = arith.constant 0 : i32
        %dma_wait3A_168 = tpu.memref_slice %arg7[%add3A_166, %dma_wait3A_167] : memref<64x128xi32, #tpu.memory_space<vmem>> -> memref<1x128xi32, #tpu.memory_space<vmem>>
        %dma_wait3A_169 = tpu.memref_squeeze %dma_wait3A_168 : memref<1x128xi32, #tpu.memory_space<vmem>> -> memref<128xi32, #tpu.memory_space<vmem>>
        %dma_wait3A_170 = arith.constant 0 : i32
        %dma_wait3A_171 = arith.constant 0 : i32
        %dma_wait3A_172 = tpu.memref_slice %arg2[%dma_wait3A_170, %dma_wait3A_171] : memref<10000x128xf32, #tpu.memory_space<hbm>> -> memref<10000x128xf32, #tpu.memory_space<hbm>>
        tpu.wait_indirect_dma semaphore(%arg12 : memref<!tpu.dma_semaphore, #tpu.memory_space<semaphore_mem>>) src(%dma_wait3A_172 : memref<10000x128xf32, #tpu.memory_space<hbm>>) dst(%arg9 : memref<128x128xf32, #tpu.memory_space<vmem>>)
        %run_scoped3A_173 = arith.constant 6 : i32
        "tpu.region"() ({
          %run_scoped3A_197 = tpu.sem_alloc : memref<!tpu.dma_semaphore, #tpu.memory_space<semaphore_mem>>
          %dma_start3A_198 = arith.constant 0 : i32
          %dma_start3A_199 = tpu.memref_slice %arg8[%run_scoped3A_173, %dma_start3A_198] : memref<8x128xi32, #tpu.memory_space<vmem>> -> memref<1x128xi32, #tpu.memory_space<vmem>>
          %dma_start3A_200 = tpu.memref_squeeze %dma_start3A_199 : memref<1x128xi32, #tpu.memory_space<vmem>> -> memref<128xi32, #tpu.memory_space<vmem>>
          %dma_start3A_201 = arith.constant 0 : i32
          %dma_start3A_202 = arith.constant 0 : i32
          %dma_start3A_203 = tpu.memref_slice %arg11[%dma_start3A_201, %dma_start3A_202] : memref<10240x128xf32, #tpu.memory_space<vmem_shared>> -> memref<10240x128xf32, #tpu.memory_space<vmem_shared>>
          tpu.enqueue_indirect_dma source(%arg9 : memref<128x128xf32, #tpu.memory_space<vmem>>) target(%dma_start3A_203 : memref<10240x128xf32, #tpu.memory_space<vmem_shared>>) offsets(%dma_start3A_200 : memref<128xi32, #tpu.memory_space<vmem>>) semaphore(%run_scoped3A_197 : memref<!tpu.dma_semaphore, #tpu.memory_space<semaphore_mem>>) {add = true}
          %dma_wait3A_204 = arith.constant 0 : i32
          %dma_wait3A_205 = tpu.memref_slice %arg8[%run_scoped3A_173, %dma_wait3A_204] : memref<8x128xi32, #tpu.memory_space<vmem>> -> memref<1x128xi32, #tpu.memory_space<vmem>>
          %dma_wait3A_206 = tpu.memref_squeeze %dma_wait3A_205 : memref<1x128xi32, #tpu.memory_space<vmem>> -> memref<128xi32, #tpu.memory_space<vmem>>
          %dma_wait3A_207 = arith.constant 0 : i32
          %dma_wait3A_208 = arith.constant 0 : i32
          %dma_wait3A_209 = tpu.memref_slice %arg11[%dma_wait3A_207, %dma_wait3A_208] : memref<10240x128xf32, #tpu.memory_space<vmem_shared>> -> memref<10240x128xf32, #tpu.memory_space<vmem_shared>>
          tpu.wait_indirect_dma semaphore(%run_scoped3A_197 : memref<!tpu.dma_semaphore, #tpu.memory_space<semaphore_mem>>) src(%arg9 : memref<128x128xf32, #tpu.memory_space<vmem>>) dst(%dma_wait3A_209 : memref<10240x128xf32, #tpu.memory_space<vmem_shared>>)
          tpu.yield
        }) : () -> ()
        %add3A_174 = arith.constant 2 : i32
        %add3A_175 = arith.addi %add3A_166, %add3A_174 : i32
        %lt3A_176 = arith.cmpi slt, %add3A_175, %min3A_22 : i32
        %convert_element_type3A_177 = arith.extui %lt3A_176 : i1 to i32
        %cond3A_178 = arith.constant 0 : i32
        %cond3A_179 = arith.cmpi ne, %convert_element_type3A_177, %cond3A_178 : i32
        scf.if %cond3A_179 {
          %add3A_197 = arith.constant 2 : i32
          %add3A_198 = arith.addi %add3A_166, %add3A_197 : i32
          %dma_start3A_199 = arith.constant 0 : i32
          %dma_start3A_200 = tpu.memref_slice %arg7[%add3A_198, %dma_start3A_199] : memref<64x128xi32, #tpu.memory_space<vmem>> -> memref<1x128xi32, #tpu.memory_space<vmem>>
          %dma_start3A_201 = tpu.memref_squeeze %dma_start3A_200 : memref<1x128xi32, #tpu.memory_space<vmem>> -> memref<128xi32, #tpu.memory_space<vmem>>
          %dma_start3A_202 = arith.constant 0 : i32
          %dma_start3A_203 = arith.constant 0 : i32
          %dma_start3A_204 = tpu.memref_slice %arg2[%dma_start3A_202, %dma_start3A_203] : memref<10000x128xf32, #tpu.memory_space<hbm>> -> memref<10000x128xf32, #tpu.memory_space<hbm>>
          tpu.enqueue_indirect_dma source(%dma_start3A_204 : memref<10000x128xf32, #tpu.memory_space<hbm>>) target(%arg9 : memref<128x128xf32, #tpu.memory_space<vmem>>) offsets(%dma_start3A_201 : memref<128xi32, #tpu.memory_space<vmem>>) semaphore(%arg12 : memref<!tpu.dma_semaphore, #tpu.memory_space<semaphore_mem>>)
        } else {
        }
        %mul3A_180 = arith.constant 8 : i32
        %mul3A_181 = arith.muli %while3A_62, %mul3A_180 : i32
        %add3A_182 = arith.constant 7 : i32
        %add3A_183 = arith.addi %mul3A_181, %add3A_182 : i32
        %dma_wait3A_184 = arith.constant 0 : i32
        %dma_wait3A_185 = tpu.memref_slice %arg7[%add3A_183, %dma_wait3A_184] : memref<64x128xi32, #tpu.memory_space<vmem>> -> memref<1x128xi32, #tpu.memory_space<vmem>>
        %dma_wait3A_186 = tpu.memref_squeeze %dma_wait3A_185 : memref<1x128xi32, #tpu.memory_space<vmem>> -> memref<128xi32, #tpu.memory_space<vmem>>
        %dma_wait3A_187 = arith.constant 0 : i32
        %dma_wait3A_188 = arith.constant 0 : i32
        %dma_wait3A_189 = tpu.memref_slice %arg2[%dma_wait3A_187, %dma_wait3A_188] : memref<10000x128xf32, #tpu.memory_space<hbm>> -> memref<10000x128xf32, #tpu.memory_space<hbm>>
        tpu.wait_indirect_dma semaphore(%arg13 : memref<!tpu.dma_semaphore, #tpu.memory_space<semaphore_mem>>) src(%dma_wait3A_189 : memref<10000x128xf32, #tpu.memory_space<hbm>>) dst(%arg10 : memref<128x128xf32, #tpu.memory_space<vmem>>)
        %run_scoped3A_190 = arith.constant 7 : i32
        "tpu.region"() ({
          %run_scoped3A_197 = tpu.sem_alloc : memref<!tpu.dma_semaphore, #tpu.memory_space<semaphore_mem>>
          %dma_start3A_198 = arith.constant 0 : i32
          %dma_start3A_199 = tpu.memref_slice %arg8[%run_scoped3A_190, %dma_start3A_198] : memref<8x128xi32, #tpu.memory_space<vmem>> -> memref<1x128xi32, #tpu.memory_space<vmem>>
          %dma_start3A_200 = tpu.memref_squeeze %dma_start3A_199 : memref<1x128xi32, #tpu.memory_space<vmem>> -> memref<128xi32, #tpu.memory_space<vmem>>
          %dma_start3A_201 = arith.constant 0 : i32
          %dma_start3A_202 = arith.constant 0 : i32
          %dma_start3A_203 = tpu.memref_slice %arg11[%dma_start3A_201, %dma_start3A_202] : memref<10240x128xf32, #tpu.memory_space<vmem_shared>> -> memref<10240x128xf32, #tpu.memory_space<vmem_shared>>
          tpu.enqueue_indirect_dma source(%arg10 : memref<128x128xf32, #tpu.memory_space<vmem>>) target(%dma_start3A_203 : memref<10240x128xf32, #tpu.memory_space<vmem_shared>>) offsets(%dma_start3A_200 : memref<128xi32, #tpu.memory_space<vmem>>) semaphore(%run_scoped3A_197 : memref<!tpu.dma_semaphore, #tpu.memory_space<semaphore_mem>>) {add = true}
          %dma_wait3A_204 = arith.constant 0 : i32
          %dma_wait3A_205 = tpu.memref_slice %arg8[%run_scoped3A_190, %dma_wait3A_204] : memref<8x128xi32, #tpu.memory_space<vmem>> -> memref<1x128xi32, #tpu.memory_space<vmem>>
          %dma_wait3A_206 = tpu.memref_squeeze %dma_wait3A_205 : memref<1x128xi32, #tpu.memory_space<vmem>> -> memref<128xi32, #tpu.memory_space<vmem>>
          %dma_wait3A_207 = arith.constant 0 : i32
          %dma_wait3A_208 = arith.constant 0 : i32
          %dma_wait3A_209 = tpu.memref_slice %arg11[%dma_wait3A_207, %dma_wait3A_208] : memref<10240x128xf32, #tpu.memory_space<vmem_shared>> -> memref<10240x128xf32, #tpu.memory_space<vmem_shared>>
          tpu.wait_indirect_dma semaphore(%run_scoped3A_197 : memref<!tpu.dma_semaphore, #tpu.memory_space<semaphore_mem>>) src(%arg10 : memref<128x128xf32, #tpu.memory_space<vmem>>) dst(%dma_wait3A_209 : memref<10240x128xf32, #tpu.memory_space<vmem_shared>>)
          tpu.yield
        }) : () -> ()
        %add3A_191 = arith.constant 2 : i32
        %add3A_192 = arith.addi %add3A_183, %add3A_191 : i32
        %lt3A_193 = arith.cmpi slt, %add3A_192, %min3A_22 : i32
        %convert_element_type3A_194 = arith.extui %lt3A_193 : i1 to i32
        %cond3A_195 = arith.constant 0 : i32
        %cond3A_196 = arith.cmpi ne, %convert_element_type3A_194, %cond3A_195 : i32
        scf.if %cond3A_196 {
          %add3A_197 = arith.constant 2 : i32
          %add3A_198 = arith.addi %add3A_183, %add3A_197 : i32
          %dma_start3A_199 = arith.constant 0 : i32
          %dma_start3A_200 = tpu.memref_slice %arg7[%add3A_198, %dma_start3A_199] : memref<64x128xi32, #tpu.memory_space<vmem>> -> memref<1x128xi32, #tpu.memory_space<vmem>>
          %dma_start3A_201 = tpu.memref_squeeze %dma_start3A_200 : memref<1x128xi32, #tpu.memory_space<vmem>> -> memref<128xi32, #tpu.memory_space<vmem>>
          %dma_start3A_202 = arith.constant 0 : i32
          %dma_start3A_203 = arith.constant 0 : i32
          %dma_start3A_204 = tpu.memref_slice %arg2[%dma_start3A_202, %dma_start3A_203] : memref<10000x128xf32, #tpu.memory_space<hbm>> -> memref<10000x128xf32, #tpu.memory_space<hbm>>
          tpu.enqueue_indirect_dma source(%dma_start3A_204 : memref<10000x128xf32, #tpu.memory_space<hbm>>) target(%arg10 : memref<128x128xf32, #tpu.memory_space<vmem>>) offsets(%dma_start3A_201 : memref<128xi32, #tpu.memory_space<vmem>>) semaphore(%arg13 : memref<!tpu.dma_semaphore, #tpu.memory_space<semaphore_mem>>)
        } else {
        }
      }
      %while3A_61 = arith.constant 1 : i32
      scf.for %while3A_62 = %while3A_59 to %while3A_55 step %while3A_61  : i32 {
        %mul3A_63 = arith.constant 8 : i32
        %mul3A_64 = arith.muli %while3A_62, %mul3A_63 : i32
        %add3A_65 = arith.addi %add3A_18, %mul3A_64 : i32
        "tpu.region"() ({
          %run_scoped3A_197 = tpu.sem_alloc : memref<!tpu.dma_semaphore, #tpu.memory_space<semaphore_mem>>
          %dma_start3A_198 = arith.constant 0 : i32
          %dma_start3A_199 = tpu.memref_slice %arg4[%add3A_65, %dma_start3A_198] : memref<2592x128xi32, #tpu.memory_space<hbm>> -> memref<8x128xi32, #tpu.memory_space<hbm>>
          %dma_start3A_200 = arith.constant 0 : i32
          %dma_start3A_201 = tpu.memref_slice %arg4[%add3A_65, %dma_start3A_200] : memref<2592x128xi32, #tpu.memory_space<hbm>> -> memref<8x128xi32, #tpu.memory_space<hbm>>
          tpu.enqueue_dma source(%dma_start3A_201 : memref<8x128xi32, #tpu.memory_space<hbm>>) target(%arg8 : memref<8x128xi32, #tpu.memory_space<vmem>>) target_semaphore(%run_scoped3A_197 : memref<!tpu.dma_semaphore, #tpu.memory_space<semaphore_mem>>)
          %dma_wait3A_202 = arith.constant 0 : i32
          %dma_wait3A_203 = tpu.memref_slice %arg4[%add3A_65, %dma_wait3A_202] : memref<2592x128xi32, #tpu.memory_space<hbm>> -> memref<8x128xi32, #tpu.memory_space<hbm>>
          %dma_wait3A_204 = arith.constant 0 : i32
          %dma_wait3A_205 = tpu.memref_slice %arg4[%add3A_65, %dma_wait3A_204] : memref<2592x128xi32, #tpu.memory_space<hbm>> -> memref<8x128xi32, #tpu.memory_space<hbm>>
          tpu.wait_dma2 semaphore(%run_scoped3A_197 : memref<!tpu.dma_semaphore, #tpu.memory_space<semaphore_mem>>) src(%dma_wait3A_205 : memref<8x128xi32, #tpu.memory_space<hbm>>) dst(%arg8 : memref<8x128xi32, #tpu.memory_space<vmem>>)
          tpu.yield
        }) : () -> ()
        %mul3A_66 = arith.constant 8 : i32
        %mul3A_67 = arith.muli %while3A_62, %mul3A_66 : i32
        %add3A_68 = arith.constant 0 : i32
        %add3A_69 = arith.addi %mul3A_67, %add3A_68 : i32
        %dma_wait3A = arith.constant 0 : i32
        %dma_wait3A_70 = tpu.memref_slice %arg7[%add3A_69, %dma_wait3A] : memref<64x128xi32, #tpu.memory_space<vmem>> -> memref<1x128xi32, #tpu.memory_space<vmem>>
        %dma_wait3A_71 = tpu.memref_squeeze %dma_wait3A_70 : memref<1x128xi32, #tpu.memory_space<vmem>> -> memref<128xi32, #tpu.memory_space<vmem>>
        %dma_wait3A_72 = arith.constant 0 : i32
        %dma_wait3A_73 = arith.constant 0 : i32
        %dma_wait3A_74 = tpu.memref_slice %arg2[%dma_wait3A_72, %dma_wait3A_73] : memref<10000x128xf32, #tpu.memory_space<hbm>> -> memref<10000x128xf32, #tpu.memory_space<hbm>>
        tpu.wait_indirect_dma semaphore(%arg12 : memref<!tpu.dma_semaphore, #tpu.memory_space<semaphore_mem>>) src(%dma_wait3A_74 : memref<10000x128xf32, #tpu.memory_space<hbm>>) dst(%arg9 : memref<128x128xf32, #tpu.memory_space<vmem>>)
        %run_scoped3A = arith.constant 0 : i32
        "tpu.region"() ({
          %run_scoped3A_197 = tpu.sem_alloc : memref<!tpu.dma_semaphore, #tpu.memory_space<semaphore_mem>>
          %dma_start3A_198 = arith.constant 0 : i32
          %dma_start3A_199 = tpu.memref_slice %arg8[%run_scoped3A, %dma_start3A_198] : memref<8x128xi32, #tpu.memory_space<vmem>> -> memref<1x128xi32, #tpu.memory_space<vmem>>
          %dma_start3A_200 = tpu.memref_squeeze %dma_start3A_199 : memref<1x128xi32, #tpu.memory_space<vmem>> -> memref<128xi32, #tpu.memory_space<vmem>>
          %dma_start3A_201 = arith.constant 0 : i32
          %dma_start3A_202 = arith.constant 0 : i32
          %dma_start3A_203 = tpu.memref_slice %arg11[%dma_start3A_201, %dma_start3A_202] : memref<10240x128xf32, #tpu.memory_space<vmem_shared>> -> memref<10240x128xf32, #tpu.memory_space<vmem_shared>>
          tpu.enqueue_indirect_dma source(%arg9 : memref<128x128xf32, #tpu.memory_space<vmem>>) target(%dma_start3A_203 : memref<10240x128xf32, #tpu.memory_space<vmem_shared>>) offsets(%dma_start3A_200 : memref<128xi32, #tpu.memory_space<vmem>>) semaphore(%run_scoped3A_197 : memref<!tpu.dma_semaphore, #tpu.memory_space<semaphore_mem>>) {add = true}
          %dma_wait3A_204 = arith.constant 0 : i32
          %dma_wait3A_205 = tpu.memref_slice %arg8[%run_scoped3A, %dma_wait3A_204] : memref<8x128xi32, #tpu.memory_space<vmem>> -> memref<1x128xi32, #tpu.memory_space<vmem>>
          %dma_wait3A_206 = tpu.memref_squeeze %dma_wait3A_205 : memref<1x128xi32, #tpu.memory_space<vmem>> -> memref<128xi32, #tpu.memory_space<vmem>>
          %dma_wait3A_207 = arith.constant 0 : i32
          %dma_wait3A_208 = arith.constant 0 : i32
          %dma_wait3A_209 = tpu.memref_slice %arg11[%dma_wait3A_207, %dma_wait3A_208] : memref<10240x128xf32, #tpu.memory_space<vmem_shared>> -> memref<10240x128xf32, #tpu.memory_space<vmem_shared>>
          tpu.wait_indirect_dma semaphore(%run_scoped3A_197 : memref<!tpu.dma_semaphore, #tpu.memory_space<semaphore_mem>>) src(%arg9 : memref<128x128xf32, #tpu.memory_space<vmem>>) dst(%dma_wait3A_209 : memref<10240x128xf32, #tpu.memory_space<vmem_shared>>)
          tpu.yield
        }) : () -> ()
        %add3A_75 = arith.constant 2 : i32
        %add3A_76 = arith.addi %add3A_69, %add3A_75 : i32
        %lt3A = arith.cmpi slt, %add3A_76, %min3A_22 : i32
        %convert_element_type3A = arith.extui %lt3A : i1 to i32
        %cond3A = arith.constant 0 : i32
        %cond3A_77 = arith.cmpi ne, %convert_element_type3A, %cond3A : i32
        scf.if %cond3A_77 {
          %add3A_197 = arith.constant 2 : i32
          %add3A_198 = arith.addi %add3A_69, %add3A_197 : i32
          %dma_start3A_199 = arith.constant 0 : i32
          %dma_start3A_200 = tpu.memref_slice %arg7[%add3A_198, %dma_start3A_199] : memref<64x128xi32, #tpu.memory_space<vmem>> -> memref<1x128xi32, #tpu.memory_space<vmem>>
          %dma_start3A_201 = tpu.memref_squeeze %dma_start3A_200 : memref<1x128xi32, #tpu.memory_space<vmem>> -> memref<128xi32, #tpu.memory_space<vmem>>
          %dma_start3A_202 = arith.constant 0 : i32
          %dma_start3A_203 = arith.constant 0 : i32
          %dma_start3A_204 = tpu.memref_slice %arg2[%dma_start3A_202, %dma_start3A_203] : memref<10000x128xf32, #tpu.memory_space<hbm>> -> memref<10000x128xf32, #tpu.memory_space<hbm>>
          tpu.enqueue_indirect_dma source(%dma_start3A_204 : memref<10000x128xf32, #tpu.memory_space<hbm>>) target(%arg9 : memref<128x128xf32, #tpu.memory_space<vmem>>) offsets(%dma_start3A_201 : memref<128xi32, #tpu.memory_space<vmem>>) semaphore(%arg12 : memref<!tpu.dma_semaphore, #tpu.memory_space<semaphore_mem>>)
        } else {
        }
        %mul3A_78 = arith.constant 8 : i32
        %mul3A_79 = arith.muli %while3A_62, %mul3A_78 : i32
        %add3A_80 = arith.constant 1 : i32
        %add3A_81 = arith.addi %mul3A_79, %add3A_80 : i32
        %dma_wait3A_82 = arith.constant 0 : i32
        %dma_wait3A_83 = tpu.memref_slice %arg7[%add3A_81, %dma_wait3A_82] : memref<64x128xi32, #tpu.memory_space<vmem>> -> memref<1x128xi32, #tpu.memory_space<vmem>>
        %dma_wait3A_84 = tpu.memref_squeeze %dma_wait3A_83 : memref<1x128xi32, #tpu.memory_space<vmem>> -> memref<128xi32, #tpu.memory_space<vmem>>
        %dma_wait3A_85 = arith.constant 0 : i32
        %dma_wait3A_86 = arith.constant 0 : i32
        %dma_wait3A_87 = tpu.memref_slice %arg2[%dma_wait3A_85, %dma_wait3A_86] : memref<10000x128xf32, #tpu.memory_space<hbm>> -> memref<10000x128xf32, #tpu.memory_space<hbm>>
        tpu.wait_indirect_dma semaphore(%arg13 : memref<!tpu.dma_semaphore, #tpu.memory_space<semaphore_mem>>) src(%dma_wait3A_87 : memref<10000x128xf32, #tpu.memory_space<hbm>>) dst(%arg10 : memref<128x128xf32, #tpu.memory_space<vmem>>)
        %run_scoped3A_88 = arith.constant 1 : i32
        "tpu.region"() ({
          %run_scoped3A_197 = tpu.sem_alloc : memref<!tpu.dma_semaphore, #tpu.memory_space<semaphore_mem>>
          %dma_start3A_198 = arith.constant 0 : i32
          %dma_start3A_199 = tpu.memref_slice %arg8[%run_scoped3A_88, %dma_start3A_198] : memref<8x128xi32, #tpu.memory_space<vmem>> -> memref<1x128xi32, #tpu.memory_space<vmem>>
          %dma_start3A_200 = tpu.memref_squeeze %dma_start3A_199 : memref<1x128xi32, #tpu.memory_space<vmem>> -> memref<128xi32, #tpu.memory_space<vmem>>
          %dma_start3A_201 = arith.constant 0 : i32
          %dma_start3A_202 = arith.constant 0 : i32
          %dma_start3A_203 = tpu.memref_slice %arg11[%dma_start3A_201, %dma_start3A_202] : memref<10240x128xf32, #tpu.memory_space<vmem_shared>> -> memref<10240x128xf32, #tpu.memory_space<vmem_shared>>
          tpu.enqueue_indirect_dma source(%arg10 : memref<128x128xf32, #tpu.memory_space<vmem>>) target(%dma_start3A_203 : memref<10240x128xf32, #tpu.memory_space<vmem_shared>>) offsets(%dma_start3A_200 : memref<128xi32, #tpu.memory_space<vmem>>) semaphore(%run_scoped3A_197 : memref<!tpu.dma_semaphore, #tpu.memory_space<semaphore_mem>>) {add = true}
          %dma_wait3A_204 = arith.constant 0 : i32
          %dma_wait3A_205 = tpu.memref_slice %arg8[%run_scoped3A_88, %dma_wait3A_204] : memref<8x128xi32, #tpu.memory_space<vmem>> -> memref<1x128xi32, #tpu.memory_space<vmem>>
          %dma_wait3A_206 = tpu.memref_squeeze %dma_wait3A_205 : memref<1x128xi32, #tpu.memory_space<vmem>> -> memref<128xi32, #tpu.memory_space<vmem>>
          %dma_wait3A_207 = arith.constant 0 : i32
          %dma_wait3A_208 = arith.constant 0 : i32
          %dma_wait3A_209 = tpu.memref_slice %arg11[%dma_wait3A_207, %dma_wait3A_208] : memref<10240x128xf32, #tpu.memory_space<vmem_shared>> -> memref<10240x128xf32, #tpu.memory_space<vmem_shared>>
          tpu.wait_indirect_dma semaphore(%run_scoped3A_197 : memref<!tpu.dma_semaphore, #tpu.memory_space<semaphore_mem>>) src(%arg10 : memref<128x128xf32, #tpu.memory_space<vmem>>) dst(%dma_wait3A_209 : memref<10240x128xf32, #tpu.memory_space<vmem_shared>>)
          tpu.yield
        }) : () -> ()
        %add3A_89 = arith.constant 2 : i32
        %add3A_90 = arith.addi %add3A_81, %add3A_89 : i32
        %lt3A_91 = arith.cmpi slt, %add3A_90, %min3A_22 : i32
        %convert_element_type3A_92 = arith.extui %lt3A_91 : i1 to i32
        %cond3A_93 = arith.constant 0 : i32
        %cond3A_94 = arith.cmpi ne, %convert_element_type3A_92, %cond3A_93 : i32
        scf.if %cond3A_94 {
          %add3A_197 = arith.constant 2 : i32
          %add3A_198 = arith.addi %add3A_81, %add3A_197 : i32
          %dma_start3A_199 = arith.constant 0 : i32
          %dma_start3A_200 = tpu.memref_slice %arg7[%add3A_198, %dma_start3A_199] : memref<64x128xi32, #tpu.memory_space<vmem>> -> memref<1x128xi32, #tpu.memory_space<vmem>>
          %dma_start3A_201 = tpu.memref_squeeze %dma_start3A_200 : memref<1x128xi32, #tpu.memory_space<vmem>> -> memref<128xi32, #tpu.memory_space<vmem>>
          %dma_start3A_202 = arith.constant 0 : i32
          %dma_start3A_203 = arith.constant 0 : i32
          %dma_start3A_204 = tpu.memref_slice %arg2[%dma_start3A_202, %dma_start3A_203] : memref<10000x128xf32, #tpu.memory_space<hbm>> -> memref<10000x128xf32, #tpu.memory_space<hbm>>
          tpu.enqueue_indirect_dma source(%dma_start3A_204 : memref<10000x128xf32, #tpu.memory_space<hbm>>) target(%arg10 : memref<128x128xf32, #tpu.memory_space<vmem>>) offsets(%dma_start3A_201 : memref<128xi32, #tpu.memory_space<vmem>>) semaphore(%arg13 : memref<!tpu.dma_semaphore, #tpu.memory_space<semaphore_mem>>)
        } else {
        }
        %mul3A_95 = arith.constant 8 : i32
        %mul3A_96 = arith.muli %while3A_62, %mul3A_95 : i32
        %add3A_97 = arith.constant 2 : i32
        %add3A_98 = arith.addi %mul3A_96, %add3A_97 : i32
        %dma_wait3A_99 = arith.constant 0 : i32
        %dma_wait3A_100 = tpu.memref_slice %arg7[%add3A_98, %dma_wait3A_99] : memref<64x128xi32, #tpu.memory_space<vmem>> -> memref<1x128xi32, #tpu.memory_space<vmem>>
        %dma_wait3A_101 = tpu.memref_squeeze %dma_wait3A_100 : memref<1x128xi32, #tpu.memory_space<vmem>> -> memref<128xi32, #tpu.memory_space<vmem>>
        %dma_wait3A_102 = arith.constant 0 : i32
        %dma_wait3A_103 = arith.constant 0 : i32
        %dma_wait3A_104 = tpu.memref_slice %arg2[%dma_wait3A_102, %dma_wait3A_103] : memref<10000x128xf32, #tpu.memory_space<hbm>> -> memref<10000x128xf32, #tpu.memory_space<hbm>>
        tpu.wait_indirect_dma semaphore(%arg12 : memref<!tpu.dma_semaphore, #tpu.memory_space<semaphore_mem>>) src(%dma_wait3A_104 : memref<10000x128xf32, #tpu.memory_space<hbm>>) dst(%arg9 : memref<128x128xf32, #tpu.memory_space<vmem>>)
        %run_scoped3A_105 = arith.constant 2 : i32
        "tpu.region"() ({
          %run_scoped3A_197 = tpu.sem_alloc : memref<!tpu.dma_semaphore, #tpu.memory_space<semaphore_mem>>
          %dma_start3A_198 = arith.constant 0 : i32
          %dma_start3A_199 = tpu.memref_slice %arg8[%run_scoped3A_105, %dma_start3A_198] : memref<8x128xi32, #tpu.memory_space<vmem>> -> memref<1x128xi32, #tpu.memory_space<vmem>>
          %dma_start3A_200 = tpu.memref_squeeze %dma_start3A_199 : memref<1x128xi32, #tpu.memory_space<vmem>> -> memref<128xi32, #tpu.memory_space<vmem>>
          %dma_start3A_201 = arith.constant 0 : i32
          %dma_start3A_202 = arith.constant 0 : i32
          %dma_start3A_203 = tpu.memref_slice %arg11[%dma_start3A_201, %dma_start3A_202] : memref<10240x128xf32, #tpu.memory_space<vmem_shared>> -> memref<10240x128xf32, #tpu.memory_space<vmem_shared>>
          tpu.enqueue_indirect_dma source(%arg9 : memref<128x128xf32, #tpu.memory_space<vmem>>) target(%dma_start3A_203 : memref<10240x128xf32, #tpu.memory_space<vmem_shared>>) offsets(%dma_start3A_200 : memref<128xi32, #tpu.memory_space<vmem>>) semaphore(%run_scoped3A_197 : memref<!tpu.dma_semaphore, #tpu.memory_space<semaphore_mem>>) {add = true}
          %dma_wait3A_204 = arith.constant 0 : i32
          %dma_wait3A_205 = tpu.memref_slice %arg8[%run_scoped3A_105, %dma_wait3A_204] : memref<8x128xi32, #tpu.memory_space<vmem>> -> memref<1x128xi32, #tpu.memory_space<vmem>>
          %dma_wait3A_206 = tpu.memref_squeeze %dma_wait3A_205 : memref<1x128xi32, #tpu.memory_space<vmem>> -> memref<128xi32, #tpu.memory_space<vmem>>
          %dma_wait3A_207 = arith.constant 0 : i32
          %dma_wait3A_208 = arith.constant 0 : i32
          %dma_wait3A_209 = tpu.memref_slice %arg11[%dma_wait3A_207, %dma_wait3A_208] : memref<10240x128xf32, #tpu.memory_space<vmem_shared>> -> memref<10240x128xf32, #tpu.memory_space<vmem_shared>>
          tpu.wait_indirect_dma semaphore(%run_scoped3A_197 : memref<!tpu.dma_semaphore, #tpu.memory_space<semaphore_mem>>) src(%arg9 : memref<128x128xf32, #tpu.memory_space<vmem>>) dst(%dma_wait3A_209 : memref<10240x128xf32, #tpu.memory_space<vmem_shared>>)
          tpu.yield
        }) : () -> ()
        %add3A_106 = arith.constant 2 : i32
        %add3A_107 = arith.addi %add3A_98, %add3A_106 : i32
        %lt3A_108 = arith.cmpi slt, %add3A_107, %min3A_22 : i32
        %convert_element_type3A_109 = arith.extui %lt3A_108 : i1 to i32
        %cond3A_110 = arith.constant 0 : i32
        %cond3A_111 = arith.cmpi ne, %convert_element_type3A_109, %cond3A_110 : i32
        scf.if %cond3A_111 {
          %add3A_197 = arith.constant 2 : i32
          %add3A_198 = arith.addi %add3A_98, %add3A_197 : i32
          %dma_start3A_199 = arith.constant 0 : i32
          %dma_start3A_200 = tpu.memref_slice %arg7[%add3A_198, %dma_start3A_199] : memref<64x128xi32, #tpu.memory_space<vmem>> -> memref<1x128xi32, #tpu.memory_space<vmem>>
          %dma_start3A_201 = tpu.memref_squeeze %dma_start3A_200 : memref<1x128xi32, #tpu.memory_space<vmem>> -> memref<128xi32, #tpu.memory_space<vmem>>
          %dma_start3A_202 = arith.constant 0 : i32
          %dma_start3A_203 = arith.constant 0 : i32
          %dma_start3A_204 = tpu.memref_slice %arg2[%dma_start3A_202, %dma_start3A_203] : memref<10000x128xf32, #tpu.memory_space<hbm>> -> memref<10000x128xf32, #tpu.memory_space<hbm>>
          tpu.enqueue_indirect_dma source(%dma_start3A_204 : memref<10000x128xf32, #tpu.memory_space<hbm>>) target(%arg9 : memref<128x128xf32, #tpu.memory_space<vmem>>) offsets(%dma_start3A_201 : memref<128xi32, #tpu.memory_space<vmem>>) semaphore(%arg12 : memref<!tpu.dma_semaphore, #tpu.memory_space<semaphore_mem>>)
        } else {
        }
        %mul3A_112 = arith.constant 8 : i32
        %mul3A_113 = arith.muli %while3A_62, %mul3A_112 : i32
        %add3A_114 = arith.constant 3 : i32
        %add3A_115 = arith.addi %mul3A_113, %add3A_114 : i32
        %dma_wait3A_116 = arith.constant 0 : i32
        %dma_wait3A_117 = tpu.memref_slice %arg7[%add3A_115, %dma_wait3A_116] : memref<64x128xi32, #tpu.memory_space<vmem>> -> memref<1x128xi32, #tpu.memory_space<vmem>>
        %dma_wait3A_118 = tpu.memref_squeeze %dma_wait3A_117 : memref<1x128xi32, #tpu.memory_space<vmem>> -> memref<128xi32, #tpu.memory_space<vmem>>
        %dma_wait3A_119 = arith.constant 0 : i32
        %dma_wait3A_120 = arith.constant 0 : i32
        %dma_wait3A_121 = tpu.memref_slice %arg2[%dma_wait3A_119, %dma_wait3A_120] : memref<10000x128xf32, #tpu.memory_space<hbm>> -> memref<10000x128xf32, #tpu.memory_space<hbm>>
        tpu.wait_indirect_dma semaphore(%arg13 : memref<!tpu.dma_semaphore, #tpu.memory_space<semaphore_mem>>) src(%dma_wait3A_121 : memref<10000x128xf32, #tpu.memory_space<hbm>>) dst(%arg10 : memref<128x128xf32, #tpu.memory_space<vmem>>)
        %run_scoped3A_122 = arith.constant 3 : i32
        "tpu.region"() ({
          %run_scoped3A_197 = tpu.sem_alloc : memref<!tpu.dma_semaphore, #tpu.memory_space<semaphore_mem>>
          %dma_start3A_198 = arith.constant 0 : i32
          %dma_start3A_199 = tpu.memref_slice %arg8[%run_scoped3A_122, %dma_start3A_198] : memref<8x128xi32, #tpu.memory_space<vmem>> -> memref<1x128xi32, #tpu.memory_space<vmem>>
          %dma_start3A_200 = tpu.memref_squeeze %dma_start3A_199 : memref<1x128xi32, #tpu.memory_space<vmem>> -> memref<128xi32, #tpu.memory_space<vmem>>
          %dma_start3A_201 = arith.constant 0 : i32
          %dma_start3A_202 = arith.constant 0 : i32
          %dma_start3A_203 = tpu.memref_slice %arg11[%dma_start3A_201, %dma_start3A_202] : memref<10240x128xf32, #tpu.memory_space<vmem_shared>> -> memref<10240x128xf32, #tpu.memory_space<vmem_shared>>
          tpu.enqueue_indirect_dma source(%arg10 : memref<128x128xf32, #tpu.memory_space<vmem>>) target(%dma_start3A_203 : memref<10240x128xf32, #tpu.memory_space<vmem_shared>>) offsets(%dma_start3A_200 : memref<128xi32, #tpu.memory_space<vmem>>) semaphore(%run_scoped3A_197 : memref<!tpu.dma_semaphore, #tpu.memory_space<semaphore_mem>>) {add = true}
          %dma_wait3A_204 = arith.constant 0 : i32
          %dma_wait3A_205 = tpu.memref_slice %arg8[%run_scoped3A_122, %dma_wait3A_204] : memref<8x128xi32, #tpu.memory_space<vmem>> -> memref<1x128xi32, #tpu.memory_space<vmem>>
          %dma_wait3A_206 = tpu.memref_squeeze %dma_wait3A_205 : memref<1x128xi32, #tpu.memory_space<vmem>> -> memref<128xi32, #tpu.memory_space<vmem>>
          %dma_wait3A_207 = arith.constant 0 : i32
          %dma_wait3A_208 = arith.constant 0 : i32
          %dma_wait3A_209 = tpu.memref_slice %arg11[%dma_wait3A_207, %dma_wait3A_208] : memref<10240x128xf32, #tpu.memory_space<vmem_shared>> -> memref<10240x128xf32, #tpu.memory_space<vmem_shared>>
          tpu.wait_indirect_dma semaphore(%run_scoped3A_197 : memref<!tpu.dma_semaphore, #tpu.memory_space<semaphore_mem>>) src(%arg10 : memref<128x128xf32, #tpu.memory_space<vmem>>) dst(%dma_wait3A_209 : memref<10240x128xf32, #tpu.memory_space<vmem_shared>>)
          tpu.yield
        }) : () -> ()
        %add3A_123 = arith.constant 2 : i32
        %add3A_124 = arith.addi %add3A_115, %add3A_123 : i32
        %lt3A_125 = arith.cmpi slt, %add3A_124, %min3A_22 : i32
        %convert_element_type3A_126 = arith.extui %lt3A_125 : i1 to i32
        %cond3A_127 = arith.constant 0 : i32
        %cond3A_128 = arith.cmpi ne, %convert_element_type3A_126, %cond3A_127 : i32
        scf.if %cond3A_128 {
          %add3A_197 = arith.constant 2 : i32
          %add3A_198 = arith.addi %add3A_115, %add3A_197 : i32
          %dma_start3A_199 = arith.constant 0 : i32
          %dma_start3A_200 = tpu.memref_slice %arg7[%add3A_198, %dma_start3A_199] : memref<64x128xi32, #tpu.memory_space<vmem>> -> memref<1x128xi32, #tpu.memory_space<vmem>>
          %dma_start3A_201 = tpu.memref_squeeze %dma_start3A_200 : memref<1x128xi32, #tpu.memory_space<vmem>> -> memref<128xi32, #tpu.memory_space<vmem>>
          %dma_start3A_202 = arith.constant 0 : i32
          %dma_start3A_203 = arith.constant 0 : i32
          %dma_start3A_204 = tpu.memref_slice %arg2[%dma_start3A_202, %dma_start3A_203] : memref<10000x128xf32, #tpu.memory_space<hbm>> -> memref<10000x128xf32, #tpu.memory_space<hbm>>
          tpu.enqueue_indirect_dma source(%dma_start3A_204 : memref<10000x128xf32, #tpu.memory_space<hbm>>) target(%arg10 : memref<128x128xf32, #tpu.memory_space<vmem>>) offsets(%dma_start3A_201 : memref<128xi32, #tpu.memory_space<vmem>>) semaphore(%arg13 : memref<!tpu.dma_semaphore, #tpu.memory_space<semaphore_mem>>)
        } else {
        }
        %mul3A_129 = arith.constant 8 : i32
        %mul3A_130 = arith.muli %while3A_62, %mul3A_129 : i32
        %add3A_131 = arith.constant 4 : i32
        %add3A_132 = arith.addi %mul3A_130, %add3A_131 : i32
        %dma_wait3A_133 = arith.constant 0 : i32
        %dma_wait3A_134 = tpu.memref_slice %arg7[%add3A_132, %dma_wait3A_133] : memref<64x128xi32, #tpu.memory_space<vmem>> -> memref<1x128xi32, #tpu.memory_space<vmem>>
        %dma_wait3A_135 = tpu.memref_squeeze %dma_wait3A_134 : memref<1x128xi32, #tpu.memory_space<vmem>> -> memref<128xi32, #tpu.memory_space<vmem>>
        %dma_wait3A_136 = arith.constant 0 : i32
        %dma_wait3A_137 = arith.constant 0 : i32
        %dma_wait3A_138 = tpu.memref_slice %arg2[%dma_wait3A_136, %dma_wait3A_137] : memref<10000x128xf32, #tpu.memory_space<hbm>> -> memref<10000x128xf32, #tpu.memory_space<hbm>>
        tpu.wait_indirect_dma semaphore(%arg12 : memref<!tpu.dma_semaphore, #tpu.memory_space<semaphore_mem>>) src(%dma_wait3A_138 : memref<10000x128xf32, #tpu.memory_space<hbm>>) dst(%arg9 : memref<128x128xf32, #tpu.memory_space<vmem>>)
        %run_scoped3A_139 = arith.constant 4 : i32
        "tpu.region"() ({
          %run_scoped3A_197 = tpu.sem_alloc : memref<!tpu.dma_semaphore, #tpu.memory_space<semaphore_mem>>
          %dma_start3A_198 = arith.constant 0 : i32
          %dma_start3A_199 = tpu.memref_slice %arg8[%run_scoped3A_139, %dma_start3A_198] : memref<8x128xi32, #tpu.memory_space<vmem>> -> memref<1x128xi32, #tpu.memory_space<vmem>>
          %dma_start3A_200 = tpu.memref_squeeze %dma_start3A_199 : memref<1x128xi32, #tpu.memory_space<vmem>> -> memref<128xi32, #tpu.memory_space<vmem>>
          %dma_start3A_201 = arith.constant 0 : i32
          %dma_start3A_202 = arith.constant 0 : i32
          %dma_start3A_203 = tpu.memref_slice %arg11[%dma_start3A_201, %dma_start3A_202] : memref<10240x128xf32, #tpu.memory_space<vmem_shared>> -> memref<10240x128xf32, #tpu.memory_space<vmem_shared>>
          tpu.enqueue_indirect_dma source(%arg9 : memref<128x128xf32, #tpu.memory_space<vmem>>) target(%dma_start3A_203 : memref<10240x128xf32, #tpu.memory_space<vmem_shared>>) offsets(%dma_start3A_200 : memref<128xi32, #tpu.memory_space<vmem>>) semaphore(%run_scoped3A_197 : memref<!tpu.dma_semaphore, #tpu.memory_space<semaphore_mem>>) {add = true}
          %dma_wait3A_204 = arith.constant 0 : i32
          %dma_wait3A_205 = tpu.memref_slice %arg8[%run_scoped3A_139, %dma_wait3A_204] : memref<8x128xi32, #tpu.memory_space<vmem>> -> memref<1x128xi32, #tpu.memory_space<vmem>>
          %dma_wait3A_206 = tpu.memref_squeeze %dma_wait3A_205 : memref<1x128xi32, #tpu.memory_space<vmem>> -> memref<128xi32, #tpu.memory_space<vmem>>
          %dma_wait3A_207 = arith.constant 0 : i32
          %dma_wait3A_208 = arith.constant 0 : i32
          %dma_wait3A_209 = tpu.memref_slice %arg11[%dma_wait3A_207, %dma_wait3A_208] : memref<10240x128xf32, #tpu.memory_space<vmem_shared>> -> memref<10240x128xf32, #tpu.memory_space<vmem_shared>>
          tpu.wait_indirect_dma semaphore(%run_scoped3A_197 : memref<!tpu.dma_semaphore, #tpu.memory_space<semaphore_mem>>) src(%arg9 : memref<128x128xf32, #tpu.memory_space<vmem>>) dst(%dma_wait3A_209 : memref<10240x128xf32, #tpu.memory_space<vmem_shared>>)
          tpu.yield
        }) : () -> ()
        %add3A_140 = arith.constant 2 : i32
        %add3A_141 = arith.addi %add3A_132, %add3A_140 : i32
        %lt3A_142 = arith.cmpi slt, %add3A_141, %min3A_22 : i32
        %convert_element_type3A_143 = arith.extui %lt3A_142 : i1 to i32
        %cond3A_144 = arith.constant 0 : i32
        %cond3A_145 = arith.cmpi ne, %convert_element_type3A_143, %cond3A_144 : i32
        scf.if %cond3A_145 {
          %add3A_197 = arith.constant 2 : i32
          %add3A_198 = arith.addi %add3A_132, %add3A_197 : i32
          %dma_start3A_199 = arith.constant 0 : i32
          %dma_start3A_200 = tpu.memref_slice %arg7[%add3A_198, %dma_start3A_199] : memref<64x128xi32, #tpu.memory_space<vmem>> -> memref<1x128xi32, #tpu.memory_space<vmem>>
          %dma_start3A_201 = tpu.memref_squeeze %dma_start3A_200 : memref<1x128xi32, #tpu.memory_space<vmem>> -> memref<128xi32, #tpu.memory_space<vmem>>
          %dma_start3A_202 = arith.constant 0 : i32
          %dma_start3A_203 = arith.constant 0 : i32
          %dma_start3A_204 = tpu.memref_slice %arg2[%dma_start3A_202, %dma_start3A_203] : memref<10000x128xf32, #tpu.memory_space<hbm>> -> memref<10000x128xf32, #tpu.memory_space<hbm>>
          tpu.enqueue_indirect_dma source(%dma_start3A_204 : memref<10000x128xf32, #tpu.memory_space<hbm>>) target(%arg9 : memref<128x128xf32, #tpu.memory_space<vmem>>) offsets(%dma_start3A_201 : memref<128xi32, #tpu.memory_space<vmem>>) semaphore(%arg12 : memref<!tpu.dma_semaphore, #tpu.memory_space<semaphore_mem>>)
        } else {
        }
        %mul3A_146 = arith.constant 8 : i32
        %mul3A_147 = arith.muli %while3A_62, %mul3A_146 : i32
        %add3A_148 = arith.constant 5 : i32
        %add3A_149 = arith.addi %mul3A_147, %add3A_148 : i32
        %dma_wait3A_150 = arith.constant 0 : i32
        %dma_wait3A_151 = tpu.memref_slice %arg7[%add3A_149, %dma_wait3A_150] : memref<64x128xi32, #tpu.memory_space<vmem>> -> memref<1x128xi32, #tpu.memory_space<vmem>>
        %dma_wait3A_152 = tpu.memref_squeeze %dma_wait3A_151 : memref<1x128xi32, #tpu.memory_space<vmem>> -> memref<128xi32, #tpu.memory_space<vmem>>
        %dma_wait3A_153 = arith.constant 0 : i32
        %dma_wait3A_154 = arith.constant 0 : i32
        %dma_wait3A_155 = tpu.memref_slice %arg2[%dma_wait3A_153, %dma_wait3A_154] : memref<10000x128xf32, #tpu.memory_space<hbm>> -> memref<10000x128xf32, #tpu.memory_space<hbm>>
        tpu.wait_indirect_dma semaphore(%arg13 : memref<!tpu.dma_semaphore, #tpu.memory_space<semaphore_mem>>) src(%dma_wait3A_155 : memref<10000x128xf32, #tpu.memory_space<hbm>>) dst(%arg10 : memref<128x128xf32, #tpu.memory_space<vmem>>)
        %run_scoped3A_156 = arith.constant 5 : i32
        "tpu.region"() ({
          %run_scoped3A_197 = tpu.sem_alloc : memref<!tpu.dma_semaphore, #tpu.memory_space<semaphore_mem>>
          %dma_start3A_198 = arith.constant 0 : i32
          %dma_start3A_199 = tpu.memref_slice %arg8[%run_scoped3A_156, %dma_start3A_198] : memref<8x128xi32, #tpu.memory_space<vmem>> -> memref<1x128xi32, #tpu.memory_space<vmem>>
          %dma_start3A_200 = tpu.memref_squeeze %dma_start3A_199 : memref<1x128xi32, #tpu.memory_space<vmem>> -> memref<128xi32, #tpu.memory_space<vmem>>
          %dma_start3A_201 = arith.constant 0 : i32
          %dma_start3A_202 = arith.constant 0 : i32
          %dma_start3A_203 = tpu.memref_slice %arg11[%dma_start3A_201, %dma_start3A_202] : memref<10240x128xf32, #tpu.memory_space<vmem_shared>> -> memref<10240x128xf32, #tpu.memory_space<vmem_shared>>
          tpu.enqueue_indirect_dma source(%arg10 : memref<128x128xf32, #tpu.memory_space<vmem>>) target(%dma_start3A_203 : memref<10240x128xf32, #tpu.memory_space<vmem_shared>>) offsets(%dma_start3A_200 : memref<128xi32, #tpu.memory_space<vmem>>) semaphore(%run_scoped3A_197 : memref<!tpu.dma_semaphore, #tpu.memory_space<semaphore_mem>>) {add = true}
          %dma_wait3A_204 = arith.constant 0 : i32
          %dma_wait3A_205 = tpu.memref_slice %arg8[%run_scoped3A_156, %dma_wait3A_204] : memref<8x128xi32, #tpu.memory_space<vmem>> -> memref<1x128xi32, #tpu.memory_space<vmem>>
          %dma_wait3A_206 = tpu.memref_squeeze %dma_wait3A_205 : memref<1x128xi32, #tpu.memory_space<vmem>> -> memref<128xi32, #tpu.memory_space<vmem>>
          %dma_wait3A_207 = arith.constant 0 : i32
          %dma_wait3A_208 = arith.constant 0 : i32
          %dma_wait3A_209 = tpu.memref_slice %arg11[%dma_wait3A_207, %dma_wait3A_208] : memref<10240x128xf32, #tpu.memory_space<vmem_shared>> -> memref<10240x128xf32, #tpu.memory_space<vmem_shared>>
          tpu.wait_indirect_dma semaphore(%run_scoped3A_197 : memref<!tpu.dma_semaphore, #tpu.memory_space<semaphore_mem>>) src(%arg10 : memref<128x128xf32, #tpu.memory_space<vmem>>) dst(%dma_wait3A_209 : memref<10240x128xf32, #tpu.memory_space<vmem_shared>>)
          tpu.yield
        }) : () -> ()
        %add3A_157 = arith.constant 2 : i32
        %add3A_158 = arith.addi %add3A_149, %add3A_157 : i32
        %lt3A_159 = arith.cmpi slt, %add3A_158, %min3A_22 : i32
        %convert_element_type3A_160 = arith.extui %lt3A_159 : i1 to i32
        %cond3A_161 = arith.constant 0 : i32
        %cond3A_162 = arith.cmpi ne, %convert_element_type3A_160, %cond3A_161 : i32
        scf.if %cond3A_162 {
          %add3A_197 = arith.constant 2 : i32
          %add3A_198 = arith.addi %add3A_149, %add3A_197 : i32
          %dma_start3A_199 = arith.constant 0 : i32
          %dma_start3A_200 = tpu.memref_slice %arg7[%add3A_198, %dma_start3A_199] : memref<64x128xi32, #tpu.memory_space<vmem>> -> memref<1x128xi32, #tpu.memory_space<vmem>>
          %dma_start3A_201 = tpu.memref_squeeze %dma_start3A_200 : memref<1x128xi32, #tpu.memory_space<vmem>> -> memref<128xi32, #tpu.memory_space<vmem>>
          %dma_start3A_202 = arith.constant 0 : i32
          %dma_start3A_203 = arith.constant 0 : i32
          %dma_start3A_204 = tpu.memref_slice %arg2[%dma_start3A_202, %dma_start3A_203] : memref<10000x128xf32, #tpu.memory_space<hbm>> -> memref<10000x128xf32, #tpu.memory_space<hbm>>
          tpu.enqueue_indirect_dma source(%dma_start3A_204 : memref<10000x128xf32, #tpu.memory_space<hbm>>) target(%arg10 : memref<128x128xf32, #tpu.memory_space<vmem>>) offsets(%dma_start3A_201 : memref<128xi32, #tpu.memory_space<vmem>>) semaphore(%arg13 : memref<!tpu.dma_semaphore, #tpu.memory_space<semaphore_mem>>)
        } else {
        }
        %mul3A_163 = arith.constant 8 : i32
        %mul3A_164 = arith.muli %while3A_62, %mul3A_163 : i32
        %add3A_165 = arith.constant 6 : i32
        %add3A_166 = arith.addi %mul3A_164, %add3A_165 : i32
        %dma_wait3A_167 = arith.constant 0 : i32
        %dma_wait3A_168 = tpu.memref_slice %arg7[%add3A_166, %dma_wait3A_167] : memref<64x128xi32, #tpu.memory_space<vmem>> -> memref<1x128xi32, #tpu.memory_space<vmem>>
        %dma_wait3A_169 = tpu.memref_squeeze %dma_wait3A_168 : memref<1x128xi32, #tpu.memory_space<vmem>> -> memref<128xi32, #tpu.memory_space<vmem>>
        %dma_wait3A_170 = arith.constant 0 : i32
        %dma_wait3A_171 = arith.constant 0 : i32
        %dma_wait3A_172 = tpu.memref_slice %arg2[%dma_wait3A_170, %dma_wait3A_171] : memref<10000x128xf32, #tpu.memory_space<hbm>> -> memref<10000x128xf32, #tpu.memory_space<hbm>>
        tpu.wait_indirect_dma semaphore(%arg12 : memref<!tpu.dma_semaphore, #tpu.memory_space<semaphore_mem>>) src(%dma_wait3A_172 : memref<10000x128xf32, #tpu.memory_space<hbm>>) dst(%arg9 : memref<128x128xf32, #tpu.memory_space<vmem>>)
        %run_scoped3A_173 = arith.constant 6 : i32
        "tpu.region"() ({
          %run_scoped3A_197 = tpu.sem_alloc : memref<!tpu.dma_semaphore, #tpu.memory_space<semaphore_mem>>
          %dma_start3A_198 = arith.constant 0 : i32
          %dma_start3A_199 = tpu.memref_slice %arg8[%run_scoped3A_173, %dma_start3A_198] : memref<8x128xi32, #tpu.memory_space<vmem>> -> memref<1x128xi32, #tpu.memory_space<vmem>>
          %dma_start3A_200 = tpu.memref_squeeze %dma_start3A_199 : memref<1x128xi32, #tpu.memory_space<vmem>> -> memref<128xi32, #tpu.memory_space<vmem>>
          %dma_start3A_201 = arith.constant 0 : i32
          %dma_start3A_202 = arith.constant 0 : i32
          %dma_start3A_203 = tpu.memref_slice %arg11[%dma_start3A_201, %dma_start3A_202] : memref<10240x128xf32, #tpu.memory_space<vmem_shared>> -> memref<10240x128xf32, #tpu.memory_space<vmem_shared>>
          tpu.enqueue_indirect_dma source(%arg9 : memref<128x128xf32, #tpu.memory_space<vmem>>) target(%dma_start3A_203 : memref<10240x128xf32, #tpu.memory_space<vmem_shared>>) offsets(%dma_start3A_200 : memref<128xi32, #tpu.memory_space<vmem>>) semaphore(%run_scoped3A_197 : memref<!tpu.dma_semaphore, #tpu.memory_space<semaphore_mem>>) {add = true}
          %dma_wait3A_204 = arith.constant 0 : i32
          %dma_wait3A_205 = tpu.memref_slice %arg8[%run_scoped3A_173, %dma_wait3A_204] : memref<8x128xi32, #tpu.memory_space<vmem>> -> memref<1x128xi32, #tpu.memory_space<vmem>>
          %dma_wait3A_206 = tpu.memref_squeeze %dma_wait3A_205 : memref<1x128xi32, #tpu.memory_space<vmem>> -> memref<128xi32, #tpu.memory_space<vmem>>
          %dma_wait3A_207 = arith.constant 0 : i32
          %dma_wait3A_208 = arith.constant 0 : i32
          %dma_wait3A_209 = tpu.memref_slice %arg11[%dma_wait3A_207, %dma_wait3A_208] : memref<10240x128xf32, #tpu.memory_space<vmem_shared>> -> memref<10240x128xf32, #tpu.memory_space<vmem_shared>>
          tpu.wait_indirect_dma semaphore(%run_scoped3A_197 : memref<!tpu.dma_semaphore, #tpu.memory_space<semaphore_mem>>) src(%arg9 : memref<128x128xf32, #tpu.memory_space<vmem>>) dst(%dma_wait3A_209 : memref<10240x128xf32, #tpu.memory_space<vmem_shared>>)
          tpu.yield
        }) : () -> ()
        %add3A_174 = arith.constant 2 : i32
        %add3A_175 = arith.addi %add3A_166, %add3A_174 : i32
        %lt3A_176 = arith.cmpi slt, %add3A_175, %min3A_22 : i32
        %convert_element_type3A_177 = arith.extui %lt3A_176 : i1 to i32
        %cond3A_178 = arith.constant 0 : i32
        %cond3A_179 = arith.cmpi ne, %convert_element_type3A_177, %cond3A_178 : i32
        scf.if %cond3A_179 {
          %add3A_197 = arith.constant 2 : i32
          %add3A_198 = arith.addi %add3A_166, %add3A_197 : i32
          %dma_start3A_199 = arith.constant 0 : i32
          %dma_start3A_200 = tpu.memref_slice %arg7[%add3A_198, %dma_start3A_199] : memref<64x128xi32, #tpu.memory_space<vmem>> -> memref<1x128xi32, #tpu.memory_space<vmem>>
          %dma_start3A_201 = tpu.memref_squeeze %dma_start3A_200 : memref<1x128xi32, #tpu.memory_space<vmem>> -> memref<128xi32, #tpu.memory_space<vmem>>
          %dma_start3A_202 = arith.constant 0 : i32
          %dma_start3A_203 = arith.constant 0 : i32
          %dma_start3A_204 = tpu.memref_slice %arg2[%dma_start3A_202, %dma_start3A_203] : memref<10000x128xf32, #tpu.memory_space<hbm>> -> memref<10000x128xf32, #tpu.memory_space<hbm>>
          tpu.enqueue_indirect_dma source(%dma_start3A_204 : memref<10000x128xf32, #tpu.memory_space<hbm>>) target(%arg9 : memref<128x128xf32, #tpu.memory_space<vmem>>) offsets(%dma_start3A_201 : memref<128xi32, #tpu.memory_space<vmem>>) semaphore(%arg12 : memref<!tpu.dma_semaphore, #tpu.memory_space<semaphore_mem>>)
        } else {
        }
        %mul3A_180 = arith.constant 8 : i32
        %mul3A_181 = arith.muli %while3A_62, %mul3A_180 : i32
        %add3A_182 = arith.constant 7 : i32
        %add3A_183 = arith.addi %mul3A_181, %add3A_182 : i32
        %dma_wait3A_184 = arith.constant 0 : i32
        %dma_wait3A_185 = tpu.memref_slice %arg7[%add3A_183, %dma_wait3A_184] : memref<64x128xi32, #tpu.memory_space<vmem>> -> memref<1x128xi32, #tpu.memory_space<vmem>>
        %dma_wait3A_186 = tpu.memref_squeeze %dma_wait3A_185 : memref<1x128xi32, #tpu.memory_space<vmem>> -> memref<128xi32, #tpu.memory_space<vmem>>
        %dma_wait3A_187 = arith.constant 0 : i32
        %dma_wait3A_188 = arith.constant 0 : i32
        %dma_wait3A_189 = tpu.memref_slice %arg2[%dma_wait3A_187, %dma_wait3A_188] : memref<10000x128xf32, #tpu.memory_space<hbm>> -> memref<10000x128xf32, #tpu.memory_space<hbm>>
        tpu.wait_indirect_dma semaphore(%arg13 : memref<!tpu.dma_semaphore, #tpu.memory_space<semaphore_mem>>) src(%dma_wait3A_189 : memref<10000x128xf32, #tpu.memory_space<hbm>>) dst(%arg10 : memref<128x128xf32, #tpu.memory_space<vmem>>)
        %run_scoped3A_190 = arith.constant 7 : i32
        "tpu.region"() ({
          %run_scoped3A_197 = tpu.sem_alloc : memref<!tpu.dma_semaphore, #tpu.memory_space<semaphore_mem>>
          %dma_start3A_198 = arith.constant 0 : i32
          %dma_start3A_199 = tpu.memref_slice %arg8[%run_scoped3A_190, %dma_start3A_198] : memref<8x128xi32, #tpu.memory_space<vmem>> -> memref<1x128xi32, #tpu.memory_space<vmem>>
          %dma_start3A_200 = tpu.memref_squeeze %dma_start3A_199 : memref<1x128xi32, #tpu.memory_space<vmem>> -> memref<128xi32, #tpu.memory_space<vmem>>
          %dma_start3A_201 = arith.constant 0 : i32
          %dma_start3A_202 = arith.constant 0 : i32
          %dma_start3A_203 = tpu.memref_slice %arg11[%dma_start3A_201, %dma_start3A_202] : memref<10240x128xf32, #tpu.memory_space<vmem_shared>> -> memref<10240x128xf32, #tpu.memory_space<vmem_shared>>
          tpu.enqueue_indirect_dma source(%arg10 : memref<128x128xf32, #tpu.memory_space<vmem>>) target(%dma_start3A_203 : memref<10240x128xf32, #tpu.memory_space<vmem_shared>>) offsets(%dma_start3A_200 : memref<128xi32, #tpu.memory_space<vmem>>) semaphore(%run_scoped3A_197 : memref<!tpu.dma_semaphore, #tpu.memory_space<semaphore_mem>>) {add = true}
          %dma_wait3A_204 = arith.constant 0 : i32
          %dma_wait3A_205 = tpu.memref_slice %arg8[%run_scoped3A_190, %dma_wait3A_204] : memref<8x128xi32, #tpu.memory_space<vmem>> -> memref<1x128xi32, #tpu.memory_space<vmem>>
          %dma_wait3A_206 = tpu.memref_squeeze %dma_wait3A_205 : memref<1x128xi32, #tpu.memory_space<vmem>> -> memref<128xi32, #tpu.memory_space<vmem>>
          %dma_wait3A_207 = arith.constant 0 : i32
          %dma_wait3A_208 = arith.constant 0 : i32
          %dma_wait3A_209 = tpu.memref_slice %arg11[%dma_wait3A_207, %dma_wait3A_208] : memref<10240x128xf32, #tpu.memory_space<vmem_shared>> -> memref<10240x128xf32, #tpu.memory_space<vmem_shared>>
          tpu.wait_indirect_dma semaphore(%run_scoped3A_197 : memref<!tpu.dma_semaphore, #tpu.memory_space<semaphore_mem>>) src(%arg10 : memref<128x128xf32, #tpu.memory_space<vmem>>) dst(%dma_wait3A_209 : memref<10240x128xf32, #tpu.memory_space<vmem_shared>>)
          tpu.yield
        }) : () -> ()
        %add3A_191 = arith.constant 2 : i32
        %add3A_192 = arith.addi %add3A_183, %add3A_191 : i32
        %lt3A_193 = arith.cmpi slt, %add3A_192, %min3A_22 : i32
        %convert_element_type3A_194 = arith.extui %lt3A_193 : i1 to i32
        %cond3A_195 = arith.constant 0 : i32
        %cond3A_196 = arith.cmpi ne, %convert_element_type3A_194, %cond3A_195 : i32
        scf.if %cond3A_196 {
          %add3A_197 = arith.constant 2 : i32
          %add3A_198 = arith.addi %add3A_183, %add3A_197 : i32
          %dma_start3A_199 = arith.constant 0 : i32
          %dma_start3A_200 = tpu.memref_slice %arg7[%add3A_198, %dma_start3A_199] : memref<64x128xi32, #tpu.memory_space<vmem>> -> memref<1x128xi32, #tpu.memory_space<vmem>>
          %dma_start3A_201 = tpu.memref_squeeze %dma_start3A_200 : memref<1x128xi32, #tpu.memory_space<vmem>> -> memref<128xi32, #tpu.memory_space<vmem>>
          %dma_start3A_202 = arith.constant 0 : i32
          %dma_start3A_203 = arith.constant 0 : i32
          %dma_start3A_204 = tpu.memref_slice %arg2[%dma_start3A_202, %dma_start3A_203] : memref<10000x128xf32, #tpu.memory_space<hbm>> -> memref<10000x128xf32, #tpu.memory_space<hbm>>
          tpu.enqueue_indirect_dma source(%dma_start3A_204 : memref<10000x128xf32, #tpu.memory_space<hbm>>) target(%arg10 : memref<128x128xf32, #tpu.memory_space<vmem>>) offsets(%dma_start3A_201 : memref<128xi32, #tpu.memory_space<vmem>>) semaphore(%arg13 : memref<!tpu.dma_semaphore, #tpu.memory_space<semaphore_mem>>)
        } else {
        }
      }
    }
    %scan3A_9 = arith.constant 2 : i32
    %barrier3A_10 = arith.constant 0 : index
    tpu.barrier barrier_id(%barrier3A_10)
    %mul3A_11 = arith.constant 640 : i32
    %mul3A_12 = arith.muli %arg1, %mul3A_11 : i32
    %mul3A_13 = arith.constant 640 : i32
    %mul3A_14 = arith.muli %arg1, %mul3A_13 : i32
    "tpu.region"() ({
      %run_scoped3A = tpu.sem_alloc : memref<!tpu.dma_semaphore, #tpu.memory_space<semaphore_mem>>
      %dma_start3A = arith.constant 0 : i32
      %dma_start3A_15 = tpu.memref_slice %arg6[%arg0, %mul3A_14, %dma_start3A] : memref<2x10240x128xf32, #tpu.memory_space<hbm>> -> memref<1x640x128xf32, #tpu.memory_space<hbm>>
      %dma_start3A_16 = tpu.memref_squeeze %dma_start3A_15 : memref<1x640x128xf32, #tpu.memory_space<hbm>> -> memref<640x128xf32, #tpu.memory_space<hbm>>
      %dma_start3A_17 = arith.constant 0 : i32
      %dma_start3A_18 = tpu.memref_slice %arg11[%mul3A_12, %dma_start3A_17] : memref<10240x128xf32, #tpu.memory_space<vmem_shared>> -> memref<640x128xf32, #tpu.memory_space<vmem_shared>>
      tpu.enqueue_dma source(%dma_start3A_18 : memref<640x128xf32, #tpu.memory_space<vmem_shared>>) target(%dma_start3A_16 : memref<640x128xf32, #tpu.memory_space<hbm>>) target_semaphore(%run_scoped3A : memref<!tpu.dma_semaphore, #tpu.memory_space<semaphore_mem>>)
      %dma_wait3A = arith.constant 0 : i32
      %dma_wait3A_19 = tpu.memref_slice %arg6[%arg0, %mul3A_14, %dma_wait3A] : memref<2x10240x128xf32, #tpu.memory_space<hbm>> -> memref<1x640x128xf32, #tpu.memory_space<hbm>>
      %dma_wait3A_20 = tpu.memref_squeeze %dma_wait3A_19 : memref<1x640x128xf32, #tpu.memory_space<hbm>> -> memref<640x128xf32, #tpu.memory_space<hbm>>
      %dma_wait3A_21 = arith.constant 0 : i32
      %dma_wait3A_22 = tpu.memref_slice %arg11[%mul3A_12, %dma_wait3A_21] : memref<10240x128xf32, #tpu.memory_space<vmem_shared>> -> memref<640x128xf32, #tpu.memory_space<vmem_shared>>
      tpu.wait_dma2 semaphore(%run_scoped3A : memref<!tpu.dma_semaphore, #tpu.memory_space<semaphore_mem>>) src(%dma_wait3A_22 : memref<640x128xf32, #tpu.memory_space<vmem_shared>>) dst(%dma_wait3A_20 : memref<640x128xf32, #tpu.memory_space<hbm>>)
      tpu.yield
    }) : () -> ()
    return
  }
}

#map = affine_map<(d0, d1) -> (0, 0)>
#map1 = affine_map<(d0, d1) -> (0, 0, 0)>
module attributes {stable_mosaic.version = 14 : i64} {
  func.func @sc_aggregate(%arg0: i32, %arg1: i32, %arg2: memref<10000x128xf32, #tpu.memory_space<hbm>>, %arg3: memref<2592x128xi32, #tpu.memory_space<hbm>>, %arg4: memref<2592x128xi32, #tpu.memory_space<hbm>>, %arg5: memref<640x128xf32, #tpu.memory_space<hbm>>, %arg6: memref<2x10240x128xf32, #tpu.memory_space<hbm>>, %arg7: memref<64x128xi32, #tpu.memory_space<vmem>>, %arg8: memref<8x128xi32, #tpu.memory_space<vmem>>, %arg9: memref<128x128xf32, #tpu.memory_space<vmem>>, %arg10: memref<128x128xf32, #tpu.memory_space<vmem>>, %arg11: memref<10240x128xf32, #tpu.memory_space<vmem_shared>>, %arg12: memref<!tpu.dma_semaphore, #tpu.memory_space<semaphore_mem>>, %arg13: memref<!tpu.dma_semaphore, #tpu.memory_space<semaphore_mem>>) attributes {dimension_semantics = [#tpu.dimension_semantics<core_parallel>, #tpu.dimension_semantics<subcore_parallel>], iteration_bounds = array<i64: 2, 16>, scalar_prefetch = 0 : i64, scratch_operands = 7 : i64, tpu.core_type = #tpu.core_type<sc_vector_subcore>, window_params = [{transform_indices = #map}, {transform_indices = #map}, {transform_indices = #map}, {transform_indices = #map}, {transform_indices = #map1}]} {
    %mul3A = arith.constant 2 : i32
    %mul3A_0 = arith.muli %arg1, %mul3A : i32
    %add3A = arith.addi %mul3A_0, %arg0 : i32
    %mul3A_1 = arith.constant 80 : i32
    %mul3A_2 = arith.muli %add3A, %mul3A_1 : i32
    %mul3A_3 = arith.constant 640 : i32
    %mul3A_4 = arith.muli %arg1, %mul3A_3 : i32
    "tpu.region"() ({
      %run_scoped3A = tpu.sem_alloc : memref<!tpu.dma_semaphore, #tpu.memory_space<semaphore_mem>>
      %dma_start3A = arith.constant 0 : i32
      %dma_start3A_15 = tpu.memref_slice %arg11[%mul3A_4, %dma_start3A] : memref<10240x128xf32, #tpu.memory_space<vmem_shared>> -> memref<640x128xf32, #tpu.memory_space<vmem_shared>>
      tpu.enqueue_dma source(%arg5 : memref<640x128xf32, #tpu.memory_space<hbm>>) target(%dma_start3A_15 : memref<640x128xf32, #tpu.memory_space<vmem_shared>>) target_semaphore(%run_scoped3A : memref<!tpu.dma_semaphore, #tpu.memory_space<semaphore_mem>>)
      %dma_wait3A = arith.constant 0 : i32
      %dma_wait3A_16 = tpu.memref_slice %arg11[%mul3A_4, %dma_wait3A] : memref<10240x128xf32, #tpu.memory_space<vmem_shared>> -> memref<640x128xf32, #tpu.memory_space<vmem_shared>>
      tpu.wait_dma2 semaphore(%run_scoped3A : memref<!tpu.dma_semaphore, #tpu.memory_space<semaphore_mem>>) src(%arg5 : memref<640x128xf32, #tpu.memory_space<hbm>>) dst(%dma_wait3A_16 : memref<640x128xf32, #tpu.memory_space<vmem_shared>>)
      tpu.yield
    }) : () -> ()
    %barrier3A = arith.constant 0 : index
    tpu.barrier barrier_id(%barrier3A)
    %scan3A = arith.constant 0 : i32
    %scan3A_5 = arith.constant 0 : i32
    %scan3A_6 = arith.constant 2 : i32
    %scan3A_7 = arith.addi %scan3A_5, %scan3A_6 : i32
    %scan3A_8 = arith.constant 1 : i32
    scf.for %scan3A_15 = %scan3A_5 to %scan3A_7 step %scan3A_8  : i32 {
      %mul3A_16 = arith.constant 64 : i32
      %mul3A_17 = arith.muli %scan3A_15, %mul3A_16 : i32
      %add3A_18 = arith.addi %mul3A_2, %mul3A_17 : i32
      "tpu.region"() ({
        %run_scoped3A = tpu.sem_alloc : memref<!tpu.dma_semaphore, #tpu.memory_space<semaphore_mem>>
        %dma_start3A_62 = arith.constant 0 : i32
        %dma_start3A_63 = tpu.memref_slice %arg3[%add3A_18, %dma_start3A_62] : memref<2592x128xi32, #tpu.memory_space<hbm>> -> memref<64x128xi32, #tpu.memory_space<hbm>>
        %dma_start3A_64 = arith.constant 0 : i32
        %dma_start3A_65 = tpu.memref_slice %arg3[%add3A_18, %dma_start3A_64] : memref<2592x128xi32, #tpu.memory_space<hbm>> -> memref<64x128xi32, #tpu.memory_space<hbm>>
        tpu.enqueue_dma source(%dma_start3A_65 : memref<64x128xi32, #tpu.memory_space<hbm>>) target(%arg7 : memref<64x128xi32, #tpu.memory_space<vmem>>) target_semaphore(%run_scoped3A : memref<!tpu.dma_semaphore, #tpu.memory_space<semaphore_mem>>)
        %dma_wait3A = arith.constant 0 : i32
        %dma_wait3A_66 = tpu.memref_slice %arg3[%add3A_18, %dma_wait3A] : memref<2592x128xi32, #tpu.memory_space<hbm>> -> memref<64x128xi32, #tpu.memory_space<hbm>>
        %dma_wait3A_67 = arith.constant 0 : i32
        %dma_wait3A_68 = tpu.memref_slice %arg3[%add3A_18, %dma_wait3A_67] : memref<2592x128xi32, #tpu.memory_space<hbm>> -> memref<64x128xi32, #tpu.memory_space<hbm>>
        tpu.wait_dma2 semaphore(%run_scoped3A : memref<!tpu.dma_semaphore, #tpu.memory_space<semaphore_mem>>) src(%dma_wait3A_68 : memref<64x128xi32, #tpu.memory_space<hbm>>) dst(%arg7 : memref<64x128xi32, #tpu.memory_space<vmem>>)
        tpu.yield
      }) : () -> ()
      %mul3A_19 = arith.constant 64 : i32
      %mul3A_20 = arith.muli %scan3A_15, %mul3A_19 : i32
      %sub3A = arith.constant 80 : i32
      %sub3A_21 = arith.subi %sub3A, %mul3A_20 : i32
      %min3A = arith.constant 64 : i32
      %min3A_22 = arith.minsi %min3A, %sub3A_21 : i32
      %dma_start3A = arith.constant 0 : i32
      %dma_start3A_23 = arith.constant 0 : i32
      %dma_start3A_24 = tpu.memref_slice %arg7[%dma_start3A, %dma_start3A_23] : memref<64x128xi32, #tpu.memory_space<vmem>> -> memref<1x128xi32, #tpu.memory_space<vmem>>
      %dma_start3A_25 = tpu.memref_squeeze %dma_start3A_24 : memref<1x128xi32, #tpu.memory_space<vmem>> -> memref<128xi32, #tpu.memory_space<vmem>>
      %dma_start3A_26 = arith.constant 0 : i32
      %dma_start3A_27 = arith.constant 0 : i32
      %dma_start3A_28 = tpu.memref_slice %arg2[%dma_start3A_26, %dma_start3A_27] : memref<10000x128xf32, #tpu.memory_space<hbm>> -> memref<10000x128xf32, #tpu.memory_space<hbm>>
      tpu.enqueue_indirect_dma source(%dma_start3A_28 : memref<10000x128xf32, #tpu.memory_space<hbm>>) target(%arg9 : memref<128x128xf32, #tpu.memory_space<vmem>>) offsets(%dma_start3A_25 : memref<128xi32, #tpu.memory_space<vmem>>) semaphore(%arg12 : memref<!tpu.dma_semaphore, #tpu.memory_space<semaphore_mem>>)
      %dma_start3A_29 = arith.constant 1 : i32
      %dma_start3A_30 = arith.constant 0 : i32
      %dma_start3A_31 = tpu.memref_slice %arg7[%dma_start3A_29, %dma_start3A_30] : memref<64x128xi32, #tpu.memory_space<vmem>> -> memref<1x128xi32, #tpu.memory_space<vmem>>
      %dma_start3A_32 = tpu.memref_squeeze %dma_start3A_31 : memref<1x128xi32, #tpu.memory_space<vmem>> -> memref<128xi32, #tpu.memory_space<vmem>>
      %dma_start3A_33 = arith.constant 0 : i32
      %dma_start3A_34 = arith.constant 0 : i32
      %dma_start3A_35 = tpu.memref_slice %arg2[%dma_start3A_33, %dma_start3A_34] : memref<10000x128xf32, #tpu.memory_space<hbm>> -> memref<10000x128xf32, #tpu.memory_space<hbm>>
      tpu.enqueue_indirect_dma source(%dma_start3A_35 : memref<10000x128xf32, #tpu.memory_space<hbm>>) target(%arg10 : memref<128x128xf32, #tpu.memory_space<vmem>>) offsets(%dma_start3A_32 : memref<128xi32, #tpu.memory_space<vmem>>) semaphore(%arg13 : memref<!tpu.dma_semaphore, #tpu.memory_space<semaphore_mem>>)
      %jit3A = arith.constant 8 : i32
      %div3A = arith.divsi %min3A_22, %jit3A : i32
      %sign3A = arith.constant 0 : i32
      %sign3A_36 = arith.cmpi sgt, %min3A_22, %sign3A : i32
      %sign3A_37 = arith.extui %sign3A_36 : i1 to i32
      %sign3A_38 = arith.constant 0 : i32
      %sign3A_39 = arith.cmpi slt, %min3A_22, %sign3A_38 : i32
      %sign3A_40 = arith.extui %sign3A_39 : i1 to i32
      %sign3A_41 = arith.subi %sign3A_37, %sign3A_40 : i32
      %sign3A_42 = arith.constant 0 : i32
      %sign3A_43 = arith.cmpi sgt, %jit3A, %sign3A_42 : i32
      %sign3A_44 = arith.extui %sign3A_43 : i1 to i32
      %sign3A_45 = arith.constant 0 : i32
      %sign3A_46 = arith.cmpi slt, %jit3A, %sign3A_45 : i32
      %sign3A_47 = arith.extui %sign3A_46 : i1 to i32
      %sign3A_48 = arith.subi %sign3A_44, %sign3A_47 : i32
      %ne3A = arith.cmpi ne, %sign3A_41, %sign3A_48 : i32
      %rem3A = arith.remsi %min3A_22, %jit3A : i32
      %ne3A_49 = arith.constant 0 : i32
      %ne3A_50 = arith.cmpi ne, %rem3A, %ne3A_49 : i32
      %and3A = arith.andi %ne3A, %ne3A_50 : i1
      %sub3A_51 = arith.constant 1 : i32
      %sub3A_52 = arith.subi %div3A, %sub3A_51 : i32
      %select_n3A = arith.select %and3A, %sub3A_52, %div3A : i32
      %while3A = arith.constant 0 : i32
      %while3A_53 = arith.constant 0 : i32
      %while3A_54 = arith.subi %select_n3A, %while3A_53 : i32
      %while3A_55 = arith.addi %while3A_53, %while3A_54 : i32
      %while3A_56 = arith.constant 1 : i32
      %while3A_57 = arith.divsi %while3A_54, %while3A_56 : i32
      %while3A_58 = arith.muli %while3A_57, %while3A_56 : i32
      %while3A_59 = arith.addi %while3A_53, %while3A_58 : i32
      %while3A_60 = arith.constant 1 : i32
      scf.for %while3A_62 = %while3A_53 to %while3A_59 step %while3A_60  : i32 {
        %mul3A_63 = arith.constant 8 : i32
        %mul3A_64 = arith.muli %while3A_62, %mul3A_63 : i32
        %add3A_65 = arith.addi %add3A_18, %mul3A_64 : i32
        "tpu.region"() ({
          %run_scoped3A_197 = tpu.sem_alloc : memref<!tpu.dma_semaphore, #tpu.memory_space<semaphore_mem>>
          %dma_start3A_198 = arith.constant 0 : i32
          %dma_start3A_199 = tpu.memref_slice %arg4[%add3A_65, %dma_start3A_198] : memref<2592x128xi32, #tpu.memory_space<hbm>> -> memref<8x128xi32, #tpu.memory_space<hbm>>
          %dma_start3A_200 = arith.constant 0 : i32
          %dma_start3A_201 = tpu.memref_slice %arg4[%add3A_65, %dma_start3A_200] : memref<2592x128xi32, #tpu.memory_space<hbm>> -> memref<8x128xi32, #tpu.memory_space<hbm>>
          tpu.enqueue_dma source(%dma_start3A_201 : memref<8x128xi32, #tpu.memory_space<hbm>>) target(%arg8 : memref<8x128xi32, #tpu.memory_space<vmem>>) target_semaphore(%run_scoped3A_197 : memref<!tpu.dma_semaphore, #tpu.memory_space<semaphore_mem>>)
          %dma_wait3A_202 = arith.constant 0 : i32
          %dma_wait3A_203 = tpu.memref_slice %arg4[%add3A_65, %dma_wait3A_202] : memref<2592x128xi32, #tpu.memory_space<hbm>> -> memref<8x128xi32, #tpu.memory_space<hbm>>
          %dma_wait3A_204 = arith.constant 0 : i32
          %dma_wait3A_205 = tpu.memref_slice %arg4[%add3A_65, %dma_wait3A_204] : memref<2592x128xi32, #tpu.memory_space<hbm>> -> memref<8x128xi32, #tpu.memory_space<hbm>>
          tpu.wait_dma2 semaphore(%run_scoped3A_197 : memref<!tpu.dma_semaphore, #tpu.memory_space<semaphore_mem>>) src(%dma_wait3A_205 : memref<8x128xi32, #tpu.memory_space<hbm>>) dst(%arg8 : memref<8x128xi32, #tpu.memory_space<vmem>>)
          tpu.yield
        }) : () -> ()
        %mul3A_66 = arith.constant 8 : i32
        %mul3A_67 = arith.muli %while3A_62, %mul3A_66 : i32
        %add3A_68 = arith.constant 0 : i32
        %add3A_69 = arith.addi %mul3A_67, %add3A_68 : i32
        %dma_wait3A = arith.constant 0 : i32
        %dma_wait3A_70 = tpu.memref_slice %arg7[%add3A_69, %dma_wait3A] : memref<64x128xi32, #tpu.memory_space<vmem>> -> memref<1x128xi32, #tpu.memory_space<vmem>>
        %dma_wait3A_71 = tpu.memref_squeeze %dma_wait3A_70 : memref<1x128xi32, #tpu.memory_space<vmem>> -> memref<128xi32, #tpu.memory_space<vmem>>
        %dma_wait3A_72 = arith.constant 0 : i32
        %dma_wait3A_73 = arith.constant 0 : i32
        %dma_wait3A_74 = tpu.memref_slice %arg2[%dma_wait3A_72, %dma_wait3A_73] : memref<10000x128xf32, #tpu.memory_space<hbm>> -> memref<10000x128xf32, #tpu.memory_space<hbm>>
        tpu.wait_indirect_dma semaphore(%arg12 : memref<!tpu.dma_semaphore, #tpu.memory_space<semaphore_mem>>) src(%dma_wait3A_74 : memref<10000x128xf32, #tpu.memory_space<hbm>>) dst(%arg9 : memref<128x128xf32, #tpu.memory_space<vmem>>)
        %run_scoped3A = arith.constant 0 : i32
        "tpu.region"() ({
          %run_scoped3A_197 = tpu.sem_alloc : memref<!tpu.dma_semaphore, #tpu.memory_space<semaphore_mem>>
          %dma_start3A_198 = arith.constant 0 : i32
          %dma_start3A_199 = tpu.memref_slice %arg8[%run_scoped3A, %dma_start3A_198] : memref<8x128xi32, #tpu.memory_space<vmem>> -> memref<1x128xi32, #tpu.memory_space<vmem>>
          %dma_start3A_200 = tpu.memref_squeeze %dma_start3A_199 : memref<1x128xi32, #tpu.memory_space<vmem>> -> memref<128xi32, #tpu.memory_space<vmem>>
          %dma_start3A_201 = arith.constant 0 : i32
          %dma_start3A_202 = arith.constant 0 : i32
          %dma_start3A_203 = tpu.memref_slice %arg11[%dma_start3A_201, %dma_start3A_202] : memref<10240x128xf32, #tpu.memory_space<vmem_shared>> -> memref<10240x128xf32, #tpu.memory_space<vmem_shared>>
          tpu.enqueue_indirect_dma source(%arg9 : memref<128x128xf32, #tpu.memory_space<vmem>>) target(%dma_start3A_203 : memref<10240x128xf32, #tpu.memory_space<vmem_shared>>) offsets(%dma_start3A_200 : memref<128xi32, #tpu.memory_space<vmem>>) semaphore(%run_scoped3A_197 : memref<!tpu.dma_semaphore, #tpu.memory_space<semaphore_mem>>) {add = true}
          %dma_wait3A_204 = arith.constant 0 : i32
          %dma_wait3A_205 = tpu.memref_slice %arg8[%run_scoped3A, %dma_wait3A_204] : memref<8x128xi32, #tpu.memory_space<vmem>> -> memref<1x128xi32, #tpu.memory_space<vmem>>
          %dma_wait3A_206 = tpu.memref_squeeze %dma_wait3A_205 : memref<1x128xi32, #tpu.memory_space<vmem>> -> memref<128xi32, #tpu.memory_space<vmem>>
          %dma_wait3A_207 = arith.constant 0 : i32
          %dma_wait3A_208 = arith.constant 0 : i32
          %dma_wait3A_209 = tpu.memref_slice %arg11[%dma_wait3A_207, %dma_wait3A_208] : memref<10240x128xf32, #tpu.memory_space<vmem_shared>> -> memref<10240x128xf32, #tpu.memory_space<vmem_shared>>
          tpu.wait_indirect_dma semaphore(%run_scoped3A_197 : memref<!tpu.dma_semaphore, #tpu.memory_space<semaphore_mem>>) src(%arg9 : memref<128x128xf32, #tpu.memory_space<vmem>>) dst(%dma_wait3A_209 : memref<10240x128xf32, #tpu.memory_space<vmem_shared>>)
          tpu.yield
        }) : () -> ()
        %add3A_75 = arith.constant 2 : i32
        %add3A_76 = arith.addi %add3A_69, %add3A_75 : i32
        %lt3A = arith.cmpi slt, %add3A_76, %min3A_22 : i32
        %convert_element_type3A = arith.extui %lt3A : i1 to i32
        %cond3A = arith.constant 0 : i32
        %cond3A_77 = arith.cmpi ne, %convert_element_type3A, %cond3A : i32
        scf.if %cond3A_77 {
          %add3A_197 = arith.constant 2 : i32
          %add3A_198 = arith.addi %add3A_69, %add3A_197 : i32
          %dma_start3A_199 = arith.constant 0 : i32
          %dma_start3A_200 = tpu.memref_slice %arg7[%add3A_198, %dma_start3A_199] : memref<64x128xi32, #tpu.memory_space<vmem>> -> memref<1x128xi32, #tpu.memory_space<vmem>>
          %dma_start3A_201 = tpu.memref_squeeze %dma_start3A_200 : memref<1x128xi32, #tpu.memory_space<vmem>> -> memref<128xi32, #tpu.memory_space<vmem>>
          %dma_start3A_202 = arith.constant 0 : i32
          %dma_start3A_203 = arith.constant 0 : i32
          %dma_start3A_204 = tpu.memref_slice %arg2[%dma_start3A_202, %dma_start3A_203] : memref<10000x128xf32, #tpu.memory_space<hbm>> -> memref<10000x128xf32, #tpu.memory_space<hbm>>
          tpu.enqueue_indirect_dma source(%dma_start3A_204 : memref<10000x128xf32, #tpu.memory_space<hbm>>) target(%arg9 : memref<128x128xf32, #tpu.memory_space<vmem>>) offsets(%dma_start3A_201 : memref<128xi32, #tpu.memory_space<vmem>>) semaphore(%arg12 : memref<!tpu.dma_semaphore, #tpu.memory_space<semaphore_mem>>)
        } else {
        }
        %mul3A_78 = arith.constant 8 : i32
        %mul3A_79 = arith.muli %while3A_62, %mul3A_78 : i32
        %add3A_80 = arith.constant 1 : i32
        %add3A_81 = arith.addi %mul3A_79, %add3A_80 : i32
        %dma_wait3A_82 = arith.constant 0 : i32
        %dma_wait3A_83 = tpu.memref_slice %arg7[%add3A_81, %dma_wait3A_82] : memref<64x128xi32, #tpu.memory_space<vmem>> -> memref<1x128xi32, #tpu.memory_space<vmem>>
        %dma_wait3A_84 = tpu.memref_squeeze %dma_wait3A_83 : memref<1x128xi32, #tpu.memory_space<vmem>> -> memref<128xi32, #tpu.memory_space<vmem>>
        %dma_wait3A_85 = arith.constant 0 : i32
        %dma_wait3A_86 = arith.constant 0 : i32
        %dma_wait3A_87 = tpu.memref_slice %arg2[%dma_wait3A_85, %dma_wait3A_86] : memref<10000x128xf32, #tpu.memory_space<hbm>> -> memref<10000x128xf32, #tpu.memory_space<hbm>>
        tpu.wait_indirect_dma semaphore(%arg13 : memref<!tpu.dma_semaphore, #tpu.memory_space<semaphore_mem>>) src(%dma_wait3A_87 : memref<10000x128xf32, #tpu.memory_space<hbm>>) dst(%arg10 : memref<128x128xf32, #tpu.memory_space<vmem>>)
        %run_scoped3A_88 = arith.constant 1 : i32
        "tpu.region"() ({
          %run_scoped3A_197 = tpu.sem_alloc : memref<!tpu.dma_semaphore, #tpu.memory_space<semaphore_mem>>
          %dma_start3A_198 = arith.constant 0 : i32
          %dma_start3A_199 = tpu.memref_slice %arg8[%run_scoped3A_88, %dma_start3A_198] : memref<8x128xi32, #tpu.memory_space<vmem>> -> memref<1x128xi32, #tpu.memory_space<vmem>>
          %dma_start3A_200 = tpu.memref_squeeze %dma_start3A_199 : memref<1x128xi32, #tpu.memory_space<vmem>> -> memref<128xi32, #tpu.memory_space<vmem>>
          %dma_start3A_201 = arith.constant 0 : i32
          %dma_start3A_202 = arith.constant 0 : i32
          %dma_start3A_203 = tpu.memref_slice %arg11[%dma_start3A_201, %dma_start3A_202] : memref<10240x128xf32, #tpu.memory_space<vmem_shared>> -> memref<10240x128xf32, #tpu.memory_space<vmem_shared>>
          tpu.enqueue_indirect_dma source(%arg10 : memref<128x128xf32, #tpu.memory_space<vmem>>) target(%dma_start3A_203 : memref<10240x128xf32, #tpu.memory_space<vmem_shared>>) offsets(%dma_start3A_200 : memref<128xi32, #tpu.memory_space<vmem>>) semaphore(%run_scoped3A_197 : memref<!tpu.dma_semaphore, #tpu.memory_space<semaphore_mem>>) {add = true}
          %dma_wait3A_204 = arith.constant 0 : i32
          %dma_wait3A_205 = tpu.memref_slice %arg8[%run_scoped3A_88, %dma_wait3A_204] : memref<8x128xi32, #tpu.memory_space<vmem>> -> memref<1x128xi32, #tpu.memory_space<vmem>>
          %dma_wait3A_206 = tpu.memref_squeeze %dma_wait3A_205 : memref<1x128xi32, #tpu.memory_space<vmem>> -> memref<128xi32, #tpu.memory_space<vmem>>
          %dma_wait3A_207 = arith.constant 0 : i32
          %dma_wait3A_208 = arith.constant 0 : i32
          %dma_wait3A_209 = tpu.memref_slice %arg11[%dma_wait3A_207, %dma_wait3A_208] : memref<10240x128xf32, #tpu.memory_space<vmem_shared>> -> memref<10240x128xf32, #tpu.memory_space<vmem_shared>>
          tpu.wait_indirect_dma semaphore(%run_scoped3A_197 : memref<!tpu.dma_semaphore, #tpu.memory_space<semaphore_mem>>) src(%arg10 : memref<128x128xf32, #tpu.memory_space<vmem>>) dst(%dma_wait3A_209 : memref<10240x128xf32, #tpu.memory_space<vmem_shared>>)
          tpu.yield
        }) : () -> ()
        %add3A_89 = arith.constant 2 : i32
        %add3A_90 = arith.addi %add3A_81, %add3A_89 : i32
        %lt3A_91 = arith.cmpi slt, %add3A_90, %min3A_22 : i32
        %convert_element_type3A_92 = arith.extui %lt3A_91 : i1 to i32
        %cond3A_93 = arith.constant 0 : i32
        %cond3A_94 = arith.cmpi ne, %convert_element_type3A_92, %cond3A_93 : i32
        scf.if %cond3A_94 {
          %add3A_197 = arith.constant 2 : i32
          %add3A_198 = arith.addi %add3A_81, %add3A_197 : i32
          %dma_start3A_199 = arith.constant 0 : i32
          %dma_start3A_200 = tpu.memref_slice %arg7[%add3A_198, %dma_start3A_199] : memref<64x128xi32, #tpu.memory_space<vmem>> -> memref<1x128xi32, #tpu.memory_space<vmem>>
          %dma_start3A_201 = tpu.memref_squeeze %dma_start3A_200 : memref<1x128xi32, #tpu.memory_space<vmem>> -> memref<128xi32, #tpu.memory_space<vmem>>
          %dma_start3A_202 = arith.constant 0 : i32
          %dma_start3A_203 = arith.constant 0 : i32
          %dma_start3A_204 = tpu.memref_slice %arg2[%dma_start3A_202, %dma_start3A_203] : memref<10000x128xf32, #tpu.memory_space<hbm>> -> memref<10000x128xf32, #tpu.memory_space<hbm>>
          tpu.enqueue_indirect_dma source(%dma_start3A_204 : memref<10000x128xf32, #tpu.memory_space<hbm>>) target(%arg10 : memref<128x128xf32, #tpu.memory_space<vmem>>) offsets(%dma_start3A_201 : memref<128xi32, #tpu.memory_space<vmem>>) semaphore(%arg13 : memref<!tpu.dma_semaphore, #tpu.memory_space<semaphore_mem>>)
        } else {
        }
        %mul3A_95 = arith.constant 8 : i32
        %mul3A_96 = arith.muli %while3A_62, %mul3A_95 : i32
        %add3A_97 = arith.constant 2 : i32
        %add3A_98 = arith.addi %mul3A_96, %add3A_97 : i32
        %dma_wait3A_99 = arith.constant 0 : i32
        %dma_wait3A_100 = tpu.memref_slice %arg7[%add3A_98, %dma_wait3A_99] : memref<64x128xi32, #tpu.memory_space<vmem>> -> memref<1x128xi32, #tpu.memory_space<vmem>>
        %dma_wait3A_101 = tpu.memref_squeeze %dma_wait3A_100 : memref<1x128xi32, #tpu.memory_space<vmem>> -> memref<128xi32, #tpu.memory_space<vmem>>
        %dma_wait3A_102 = arith.constant 0 : i32
        %dma_wait3A_103 = arith.constant 0 : i32
        %dma_wait3A_104 = tpu.memref_slice %arg2[%dma_wait3A_102, %dma_wait3A_103] : memref<10000x128xf32, #tpu.memory_space<hbm>> -> memref<10000x128xf32, #tpu.memory_space<hbm>>
        tpu.wait_indirect_dma semaphore(%arg12 : memref<!tpu.dma_semaphore, #tpu.memory_space<semaphore_mem>>) src(%dma_wait3A_104 : memref<10000x128xf32, #tpu.memory_space<hbm>>) dst(%arg9 : memref<128x128xf32, #tpu.memory_space<vmem>>)
        %run_scoped3A_105 = arith.constant 2 : i32
        "tpu.region"() ({
          %run_scoped3A_197 = tpu.sem_alloc : memref<!tpu.dma_semaphore, #tpu.memory_space<semaphore_mem>>
          %dma_start3A_198 = arith.constant 0 : i32
          %dma_start3A_199 = tpu.memref_slice %arg8[%run_scoped3A_105, %dma_start3A_198] : memref<8x128xi32, #tpu.memory_space<vmem>> -> memref<1x128xi32, #tpu.memory_space<vmem>>
          %dma_start3A_200 = tpu.memref_squeeze %dma_start3A_199 : memref<1x128xi32, #tpu.memory_space<vmem>> -> memref<128xi32, #tpu.memory_space<vmem>>
          %dma_start3A_201 = arith.constant 0 : i32
          %dma_start3A_202 = arith.constant 0 : i32
          %dma_start3A_203 = tpu.memref_slice %arg11[%dma_start3A_201, %dma_start3A_202] : memref<10240x128xf32, #tpu.memory_space<vmem_shared>> -> memref<10240x128xf32, #tpu.memory_space<vmem_shared>>
          tpu.enqueue_indirect_dma source(%arg9 : memref<128x128xf32, #tpu.memory_space<vmem>>) target(%dma_start3A_203 : memref<10240x128xf32, #tpu.memory_space<vmem_shared>>) offsets(%dma_start3A_200 : memref<128xi32, #tpu.memory_space<vmem>>) semaphore(%run_scoped3A_197 : memref<!tpu.dma_semaphore, #tpu.memory_space<semaphore_mem>>) {add = true}
          %dma_wait3A_204 = arith.constant 0 : i32
          %dma_wait3A_205 = tpu.memref_slice %arg8[%run_scoped3A_105, %dma_wait3A_204] : memref<8x128xi32, #tpu.memory_space<vmem>> -> memref<1x128xi32, #tpu.memory_space<vmem>>
          %dma_wait3A_206 = tpu.memref_squeeze %dma_wait3A_205 : memref<1x128xi32, #tpu.memory_space<vmem>> -> memref<128xi32, #tpu.memory_space<vmem>>
          %dma_wait3A_207 = arith.constant 0 : i32
          %dma_wait3A_208 = arith.constant 0 : i32
          %dma_wait3A_209 = tpu.memref_slice %arg11[%dma_wait3A_207, %dma_wait3A_208] : memref<10240x128xf32, #tpu.memory_space<vmem_shared>> -> memref<10240x128xf32, #tpu.memory_space<vmem_shared>>
          tpu.wait_indirect_dma semaphore(%run_scoped3A_197 : memref<!tpu.dma_semaphore, #tpu.memory_space<semaphore_mem>>) src(%arg9 : memref<128x128xf32, #tpu.memory_space<vmem>>) dst(%dma_wait3A_209 : memref<10240x128xf32, #tpu.memory_space<vmem_shared>>)
          tpu.yield
        }) : () -> ()
        %add3A_106 = arith.constant 2 : i32
        %add3A_107 = arith.addi %add3A_98, %add3A_106 : i32
        %lt3A_108 = arith.cmpi slt, %add3A_107, %min3A_22 : i32
        %convert_element_type3A_109 = arith.extui %lt3A_108 : i1 to i32
        %cond3A_110 = arith.constant 0 : i32
        %cond3A_111 = arith.cmpi ne, %convert_element_type3A_109, %cond3A_110 : i32
        scf.if %cond3A_111 {
          %add3A_197 = arith.constant 2 : i32
          %add3A_198 = arith.addi %add3A_98, %add3A_197 : i32
          %dma_start3A_199 = arith.constant 0 : i32
          %dma_start3A_200 = tpu.memref_slice %arg7[%add3A_198, %dma_start3A_199] : memref<64x128xi32, #tpu.memory_space<vmem>> -> memref<1x128xi32, #tpu.memory_space<vmem>>
          %dma_start3A_201 = tpu.memref_squeeze %dma_start3A_200 : memref<1x128xi32, #tpu.memory_space<vmem>> -> memref<128xi32, #tpu.memory_space<vmem>>
          %dma_start3A_202 = arith.constant 0 : i32
          %dma_start3A_203 = arith.constant 0 : i32
          %dma_start3A_204 = tpu.memref_slice %arg2[%dma_start3A_202, %dma_start3A_203] : memref<10000x128xf32, #tpu.memory_space<hbm>> -> memref<10000x128xf32, #tpu.memory_space<hbm>>
          tpu.enqueue_indirect_dma source(%dma_start3A_204 : memref<10000x128xf32, #tpu.memory_space<hbm>>) target(%arg9 : memref<128x128xf32, #tpu.memory_space<vmem>>) offsets(%dma_start3A_201 : memref<128xi32, #tpu.memory_space<vmem>>) semaphore(%arg12 : memref<!tpu.dma_semaphore, #tpu.memory_space<semaphore_mem>>)
        } else {
        }
        %mul3A_112 = arith.constant 8 : i32
        %mul3A_113 = arith.muli %while3A_62, %mul3A_112 : i32
        %add3A_114 = arith.constant 3 : i32
        %add3A_115 = arith.addi %mul3A_113, %add3A_114 : i32
        %dma_wait3A_116 = arith.constant 0 : i32
        %dma_wait3A_117 = tpu.memref_slice %arg7[%add3A_115, %dma_wait3A_116] : memref<64x128xi32, #tpu.memory_space<vmem>> -> memref<1x128xi32, #tpu.memory_space<vmem>>
        %dma_wait3A_118 = tpu.memref_squeeze %dma_wait3A_117 : memref<1x128xi32, #tpu.memory_space<vmem>> -> memref<128xi32, #tpu.memory_space<vmem>>
        %dma_wait3A_119 = arith.constant 0 : i32
        %dma_wait3A_120 = arith.constant 0 : i32
        %dma_wait3A_121 = tpu.memref_slice %arg2[%dma_wait3A_119, %dma_wait3A_120] : memref<10000x128xf32, #tpu.memory_space<hbm>> -> memref<10000x128xf32, #tpu.memory_space<hbm>>
        tpu.wait_indirect_dma semaphore(%arg13 : memref<!tpu.dma_semaphore, #tpu.memory_space<semaphore_mem>>) src(%dma_wait3A_121 : memref<10000x128xf32, #tpu.memory_space<hbm>>) dst(%arg10 : memref<128x128xf32, #tpu.memory_space<vmem>>)
        %run_scoped3A_122 = arith.constant 3 : i32
        "tpu.region"() ({
          %run_scoped3A_197 = tpu.sem_alloc : memref<!tpu.dma_semaphore, #tpu.memory_space<semaphore_mem>>
          %dma_start3A_198 = arith.constant 0 : i32
          %dma_start3A_199 = tpu.memref_slice %arg8[%run_scoped3A_122, %dma_start3A_198] : memref<8x128xi32, #tpu.memory_space<vmem>> -> memref<1x128xi32, #tpu.memory_space<vmem>>
          %dma_start3A_200 = tpu.memref_squeeze %dma_start3A_199 : memref<1x128xi32, #tpu.memory_space<vmem>> -> memref<128xi32, #tpu.memory_space<vmem>>
          %dma_start3A_201 = arith.constant 0 : i32
          %dma_start3A_202 = arith.constant 0 : i32
          %dma_start3A_203 = tpu.memref_slice %arg11[%dma_start3A_201, %dma_start3A_202] : memref<10240x128xf32, #tpu.memory_space<vmem_shared>> -> memref<10240x128xf32, #tpu.memory_space<vmem_shared>>
          tpu.enqueue_indirect_dma source(%arg10 : memref<128x128xf32, #tpu.memory_space<vmem>>) target(%dma_start3A_203 : memref<10240x128xf32, #tpu.memory_space<vmem_shared>>) offsets(%dma_start3A_200 : memref<128xi32, #tpu.memory_space<vmem>>) semaphore(%run_scoped3A_197 : memref<!tpu.dma_semaphore, #tpu.memory_space<semaphore_mem>>) {add = true}
          %dma_wait3A_204 = arith.constant 0 : i32
          %dma_wait3A_205 = tpu.memref_slice %arg8[%run_scoped3A_122, %dma_wait3A_204] : memref<8x128xi32, #tpu.memory_space<vmem>> -> memref<1x128xi32, #tpu.memory_space<vmem>>
          %dma_wait3A_206 = tpu.memref_squeeze %dma_wait3A_205 : memref<1x128xi32, #tpu.memory_space<vmem>> -> memref<128xi32, #tpu.memory_space<vmem>>
          %dma_wait3A_207 = arith.constant 0 : i32
          %dma_wait3A_208 = arith.constant 0 : i32
          %dma_wait3A_209 = tpu.memref_slice %arg11[%dma_wait3A_207, %dma_wait3A_208] : memref<10240x128xf32, #tpu.memory_space<vmem_shared>> -> memref<10240x128xf32, #tpu.memory_space<vmem_shared>>
          tpu.wait_indirect_dma semaphore(%run_scoped3A_197 : memref<!tpu.dma_semaphore, #tpu.memory_space<semaphore_mem>>) src(%arg10 : memref<128x128xf32, #tpu.memory_space<vmem>>) dst(%dma_wait3A_209 : memref<10240x128xf32, #tpu.memory_space<vmem_shared>>)
          tpu.yield
        }) : () -> ()
        %add3A_123 = arith.constant 2 : i32
        %add3A_124 = arith.addi %add3A_115, %add3A_123 : i32
        %lt3A_125 = arith.cmpi slt, %add3A_124, %min3A_22 : i32
        %convert_element_type3A_126 = arith.extui %lt3A_125 : i1 to i32
        %cond3A_127 = arith.constant 0 : i32
        %cond3A_128 = arith.cmpi ne, %convert_element_type3A_126, %cond3A_127 : i32
        scf.if %cond3A_128 {
          %add3A_197 = arith.constant 2 : i32
          %add3A_198 = arith.addi %add3A_115, %add3A_197 : i32
          %dma_start3A_199 = arith.constant 0 : i32
          %dma_start3A_200 = tpu.memref_slice %arg7[%add3A_198, %dma_start3A_199] : memref<64x128xi32, #tpu.memory_space<vmem>> -> memref<1x128xi32, #tpu.memory_space<vmem>>
          %dma_start3A_201 = tpu.memref_squeeze %dma_start3A_200 : memref<1x128xi32, #tpu.memory_space<vmem>> -> memref<128xi32, #tpu.memory_space<vmem>>
          %dma_start3A_202 = arith.constant 0 : i32
          %dma_start3A_203 = arith.constant 0 : i32
          %dma_start3A_204 = tpu.memref_slice %arg2[%dma_start3A_202, %dma_start3A_203] : memref<10000x128xf32, #tpu.memory_space<hbm>> -> memref<10000x128xf32, #tpu.memory_space<hbm>>
          tpu.enqueue_indirect_dma source(%dma_start3A_204 : memref<10000x128xf32, #tpu.memory_space<hbm>>) target(%arg10 : memref<128x128xf32, #tpu.memory_space<vmem>>) offsets(%dma_start3A_201 : memref<128xi32, #tpu.memory_space<vmem>>) semaphore(%arg13 : memref<!tpu.dma_semaphore, #tpu.memory_space<semaphore_mem>>)
        } else {
        }
        %mul3A_129 = arith.constant 8 : i32
        %mul3A_130 = arith.muli %while3A_62, %mul3A_129 : i32
        %add3A_131 = arith.constant 4 : i32
        %add3A_132 = arith.addi %mul3A_130, %add3A_131 : i32
        %dma_wait3A_133 = arith.constant 0 : i32
        %dma_wait3A_134 = tpu.memref_slice %arg7[%add3A_132, %dma_wait3A_133] : memref<64x128xi32, #tpu.memory_space<vmem>> -> memref<1x128xi32, #tpu.memory_space<vmem>>
        %dma_wait3A_135 = tpu.memref_squeeze %dma_wait3A_134 : memref<1x128xi32, #tpu.memory_space<vmem>> -> memref<128xi32, #tpu.memory_space<vmem>>
        %dma_wait3A_136 = arith.constant 0 : i32
        %dma_wait3A_137 = arith.constant 0 : i32
        %dma_wait3A_138 = tpu.memref_slice %arg2[%dma_wait3A_136, %dma_wait3A_137] : memref<10000x128xf32, #tpu.memory_space<hbm>> -> memref<10000x128xf32, #tpu.memory_space<hbm>>
        tpu.wait_indirect_dma semaphore(%arg12 : memref<!tpu.dma_semaphore, #tpu.memory_space<semaphore_mem>>) src(%dma_wait3A_138 : memref<10000x128xf32, #tpu.memory_space<hbm>>) dst(%arg9 : memref<128x128xf32, #tpu.memory_space<vmem>>)
        %run_scoped3A_139 = arith.constant 4 : i32
        "tpu.region"() ({
          %run_scoped3A_197 = tpu.sem_alloc : memref<!tpu.dma_semaphore, #tpu.memory_space<semaphore_mem>>
          %dma_start3A_198 = arith.constant 0 : i32
          %dma_start3A_199 = tpu.memref_slice %arg8[%run_scoped3A_139, %dma_start3A_198] : memref<8x128xi32, #tpu.memory_space<vmem>> -> memref<1x128xi32, #tpu.memory_space<vmem>>
          %dma_start3A_200 = tpu.memref_squeeze %dma_start3A_199 : memref<1x128xi32, #tpu.memory_space<vmem>> -> memref<128xi32, #tpu.memory_space<vmem>>
          %dma_start3A_201 = arith.constant 0 : i32
          %dma_start3A_202 = arith.constant 0 : i32
          %dma_start3A_203 = tpu.memref_slice %arg11[%dma_start3A_201, %dma_start3A_202] : memref<10240x128xf32, #tpu.memory_space<vmem_shared>> -> memref<10240x128xf32, #tpu.memory_space<vmem_shared>>
          tpu.enqueue_indirect_dma source(%arg9 : memref<128x128xf32, #tpu.memory_space<vmem>>) target(%dma_start3A_203 : memref<10240x128xf32, #tpu.memory_space<vmem_shared>>) offsets(%dma_start3A_200 : memref<128xi32, #tpu.memory_space<vmem>>) semaphore(%run_scoped3A_197 : memref<!tpu.dma_semaphore, #tpu.memory_space<semaphore_mem>>) {add = true}
          %dma_wait3A_204 = arith.constant 0 : i32
          %dma_wait3A_205 = tpu.memref_slice %arg8[%run_scoped3A_139, %dma_wait3A_204] : memref<8x128xi32, #tpu.memory_space<vmem>> -> memref<1x128xi32, #tpu.memory_space<vmem>>
          %dma_wait3A_206 = tpu.memref_squeeze %dma_wait3A_205 : memref<1x128xi32, #tpu.memory_space<vmem>> -> memref<128xi32, #tpu.memory_space<vmem>>
          %dma_wait3A_207 = arith.constant 0 : i32
          %dma_wait3A_208 = arith.constant 0 : i32
          %dma_wait3A_209 = tpu.memref_slice %arg11[%dma_wait3A_207, %dma_wait3A_208] : memref<10240x128xf32, #tpu.memory_space<vmem_shared>> -> memref<10240x128xf32, #tpu.memory_space<vmem_shared>>
          tpu.wait_indirect_dma semaphore(%run_scoped3A_197 : memref<!tpu.dma_semaphore, #tpu.memory_space<semaphore_mem>>) src(%arg9 : memref<128x128xf32, #tpu.memory_space<vmem>>) dst(%dma_wait3A_209 : memref<10240x128xf32, #tpu.memory_space<vmem_shared>>)
          tpu.yield
        }) : () -> ()
        %add3A_140 = arith.constant 2 : i32
        %add3A_141 = arith.addi %add3A_132, %add3A_140 : i32
        %lt3A_142 = arith.cmpi slt, %add3A_141, %min3A_22 : i32
        %convert_element_type3A_143 = arith.extui %lt3A_142 : i1 to i32
        %cond3A_144 = arith.constant 0 : i32
        %cond3A_145 = arith.cmpi ne, %convert_element_type3A_143, %cond3A_144 : i32
        scf.if %cond3A_145 {
          %add3A_197 = arith.constant 2 : i32
          %add3A_198 = arith.addi %add3A_132, %add3A_197 : i32
          %dma_start3A_199 = arith.constant 0 : i32
          %dma_start3A_200 = tpu.memref_slice %arg7[%add3A_198, %dma_start3A_199] : memref<64x128xi32, #tpu.memory_space<vmem>> -> memref<1x128xi32, #tpu.memory_space<vmem>>
          %dma_start3A_201 = tpu.memref_squeeze %dma_start3A_200 : memref<1x128xi32, #tpu.memory_space<vmem>> -> memref<128xi32, #tpu.memory_space<vmem>>
          %dma_start3A_202 = arith.constant 0 : i32
          %dma_start3A_203 = arith.constant 0 : i32
          %dma_start3A_204 = tpu.memref_slice %arg2[%dma_start3A_202, %dma_start3A_203] : memref<10000x128xf32, #tpu.memory_space<hbm>> -> memref<10000x128xf32, #tpu.memory_space<hbm>>
          tpu.enqueue_indirect_dma source(%dma_start3A_204 : memref<10000x128xf32, #tpu.memory_space<hbm>>) target(%arg9 : memref<128x128xf32, #tpu.memory_space<vmem>>) offsets(%dma_start3A_201 : memref<128xi32, #tpu.memory_space<vmem>>) semaphore(%arg12 : memref<!tpu.dma_semaphore, #tpu.memory_space<semaphore_mem>>)
        } else {
        }
        %mul3A_146 = arith.constant 8 : i32
        %mul3A_147 = arith.muli %while3A_62, %mul3A_146 : i32
        %add3A_148 = arith.constant 5 : i32
        %add3A_149 = arith.addi %mul3A_147, %add3A_148 : i32
        %dma_wait3A_150 = arith.constant 0 : i32
        %dma_wait3A_151 = tpu.memref_slice %arg7[%add3A_149, %dma_wait3A_150] : memref<64x128xi32, #tpu.memory_space<vmem>> -> memref<1x128xi32, #tpu.memory_space<vmem>>
        %dma_wait3A_152 = tpu.memref_squeeze %dma_wait3A_151 : memref<1x128xi32, #tpu.memory_space<vmem>> -> memref<128xi32, #tpu.memory_space<vmem>>
        %dma_wait3A_153 = arith.constant 0 : i32
        %dma_wait3A_154 = arith.constant 0 : i32
        %dma_wait3A_155 = tpu.memref_slice %arg2[%dma_wait3A_153, %dma_wait3A_154] : memref<10000x128xf32, #tpu.memory_space<hbm>> -> memref<10000x128xf32, #tpu.memory_space<hbm>>
        tpu.wait_indirect_dma semaphore(%arg13 : memref<!tpu.dma_semaphore, #tpu.memory_space<semaphore_mem>>) src(%dma_wait3A_155 : memref<10000x128xf32, #tpu.memory_space<hbm>>) dst(%arg10 : memref<128x128xf32, #tpu.memory_space<vmem>>)
        %run_scoped3A_156 = arith.constant 5 : i32
        "tpu.region"() ({
          %run_scoped3A_197 = tpu.sem_alloc : memref<!tpu.dma_semaphore, #tpu.memory_space<semaphore_mem>>
          %dma_start3A_198 = arith.constant 0 : i32
          %dma_start3A_199 = tpu.memref_slice %arg8[%run_scoped3A_156, %dma_start3A_198] : memref<8x128xi32, #tpu.memory_space<vmem>> -> memref<1x128xi32, #tpu.memory_space<vmem>>
          %dma_start3A_200 = tpu.memref_squeeze %dma_start3A_199 : memref<1x128xi32, #tpu.memory_space<vmem>> -> memref<128xi32, #tpu.memory_space<vmem>>
          %dma_start3A_201 = arith.constant 0 : i32
          %dma_start3A_202 = arith.constant 0 : i32
          %dma_start3A_203 = tpu.memref_slice %arg11[%dma_start3A_201, %dma_start3A_202] : memref<10240x128xf32, #tpu.memory_space<vmem_shared>> -> memref<10240x128xf32, #tpu.memory_space<vmem_shared>>
          tpu.enqueue_indirect_dma source(%arg10 : memref<128x128xf32, #tpu.memory_space<vmem>>) target(%dma_start3A_203 : memref<10240x128xf32, #tpu.memory_space<vmem_shared>>) offsets(%dma_start3A_200 : memref<128xi32, #tpu.memory_space<vmem>>) semaphore(%run_scoped3A_197 : memref<!tpu.dma_semaphore, #tpu.memory_space<semaphore_mem>>) {add = true}
          %dma_wait3A_204 = arith.constant 0 : i32
          %dma_wait3A_205 = tpu.memref_slice %arg8[%run_scoped3A_156, %dma_wait3A_204] : memref<8x128xi32, #tpu.memory_space<vmem>> -> memref<1x128xi32, #tpu.memory_space<vmem>>
          %dma_wait3A_206 = tpu.memref_squeeze %dma_wait3A_205 : memref<1x128xi32, #tpu.memory_space<vmem>> -> memref<128xi32, #tpu.memory_space<vmem>>
          %dma_wait3A_207 = arith.constant 0 : i32
          %dma_wait3A_208 = arith.constant 0 : i32
          %dma_wait3A_209 = tpu.memref_slice %arg11[%dma_wait3A_207, %dma_wait3A_208] : memref<10240x128xf32, #tpu.memory_space<vmem_shared>> -> memref<10240x128xf32, #tpu.memory_space<vmem_shared>>
          tpu.wait_indirect_dma semaphore(%run_scoped3A_197 : memref<!tpu.dma_semaphore, #tpu.memory_space<semaphore_mem>>) src(%arg10 : memref<128x128xf32, #tpu.memory_space<vmem>>) dst(%dma_wait3A_209 : memref<10240x128xf32, #tpu.memory_space<vmem_shared>>)
          tpu.yield
        }) : () -> ()
        %add3A_157 = arith.constant 2 : i32
        %add3A_158 = arith.addi %add3A_149, %add3A_157 : i32
        %lt3A_159 = arith.cmpi slt, %add3A_158, %min3A_22 : i32
        %convert_element_type3A_160 = arith.extui %lt3A_159 : i1 to i32
        %cond3A_161 = arith.constant 0 : i32
        %cond3A_162 = arith.cmpi ne, %convert_element_type3A_160, %cond3A_161 : i32
        scf.if %cond3A_162 {
          %add3A_197 = arith.constant 2 : i32
          %add3A_198 = arith.addi %add3A_149, %add3A_197 : i32
          %dma_start3A_199 = arith.constant 0 : i32
          %dma_start3A_200 = tpu.memref_slice %arg7[%add3A_198, %dma_start3A_199] : memref<64x128xi32, #tpu.memory_space<vmem>> -> memref<1x128xi32, #tpu.memory_space<vmem>>
          %dma_start3A_201 = tpu.memref_squeeze %dma_start3A_200 : memref<1x128xi32, #tpu.memory_space<vmem>> -> memref<128xi32, #tpu.memory_space<vmem>>
          %dma_start3A_202 = arith.constant 0 : i32
          %dma_start3A_203 = arith.constant 0 : i32
          %dma_start3A_204 = tpu.memref_slice %arg2[%dma_start3A_202, %dma_start3A_203] : memref<10000x128xf32, #tpu.memory_space<hbm>> -> memref<10000x128xf32, #tpu.memory_space<hbm>>
          tpu.enqueue_indirect_dma source(%dma_start3A_204 : memref<10000x128xf32, #tpu.memory_space<hbm>>) target(%arg10 : memref<128x128xf32, #tpu.memory_space<vmem>>) offsets(%dma_start3A_201 : memref<128xi32, #tpu.memory_space<vmem>>) semaphore(%arg13 : memref<!tpu.dma_semaphore, #tpu.memory_space<semaphore_mem>>)
        } else {
        }
        %mul3A_163 = arith.constant 8 : i32
        %mul3A_164 = arith.muli %while3A_62, %mul3A_163 : i32
        %add3A_165 = arith.constant 6 : i32
        %add3A_166 = arith.addi %mul3A_164, %add3A_165 : i32
        %dma_wait3A_167 = arith.constant 0 : i32
        %dma_wait3A_168 = tpu.memref_slice %arg7[%add3A_166, %dma_wait3A_167] : memref<64x128xi32, #tpu.memory_space<vmem>> -> memref<1x128xi32, #tpu.memory_space<vmem>>
        %dma_wait3A_169 = tpu.memref_squeeze %dma_wait3A_168 : memref<1x128xi32, #tpu.memory_space<vmem>> -> memref<128xi32, #tpu.memory_space<vmem>>
        %dma_wait3A_170 = arith.constant 0 : i32
        %dma_wait3A_171 = arith.constant 0 : i32
        %dma_wait3A_172 = tpu.memref_slice %arg2[%dma_wait3A_170, %dma_wait3A_171] : memref<10000x128xf32, #tpu.memory_space<hbm>> -> memref<10000x128xf32, #tpu.memory_space<hbm>>
        tpu.wait_indirect_dma semaphore(%arg12 : memref<!tpu.dma_semaphore, #tpu.memory_space<semaphore_mem>>) src(%dma_wait3A_172 : memref<10000x128xf32, #tpu.memory_space<hbm>>) dst(%arg9 : memref<128x128xf32, #tpu.memory_space<vmem>>)
        %run_scoped3A_173 = arith.constant 6 : i32
        "tpu.region"() ({
          %run_scoped3A_197 = tpu.sem_alloc : memref<!tpu.dma_semaphore, #tpu.memory_space<semaphore_mem>>
          %dma_start3A_198 = arith.constant 0 : i32
          %dma_start3A_199 = tpu.memref_slice %arg8[%run_scoped3A_173, %dma_start3A_198] : memref<8x128xi32, #tpu.memory_space<vmem>> -> memref<1x128xi32, #tpu.memory_space<vmem>>
          %dma_start3A_200 = tpu.memref_squeeze %dma_start3A_199 : memref<1x128xi32, #tpu.memory_space<vmem>> -> memref<128xi32, #tpu.memory_space<vmem>>
          %dma_start3A_201 = arith.constant 0 : i32
          %dma_start3A_202 = arith.constant 0 : i32
          %dma_start3A_203 = tpu.memref_slice %arg11[%dma_start3A_201, %dma_start3A_202] : memref<10240x128xf32, #tpu.memory_space<vmem_shared>> -> memref<10240x128xf32, #tpu.memory_space<vmem_shared>>
          tpu.enqueue_indirect_dma source(%arg9 : memref<128x128xf32, #tpu.memory_space<vmem>>) target(%dma_start3A_203 : memref<10240x128xf32, #tpu.memory_space<vmem_shared>>) offsets(%dma_start3A_200 : memref<128xi32, #tpu.memory_space<vmem>>) semaphore(%run_scoped3A_197 : memref<!tpu.dma_semaphore, #tpu.memory_space<semaphore_mem>>) {add = true}
          %dma_wait3A_204 = arith.constant 0 : i32
          %dma_wait3A_205 = tpu.memref_slice %arg8[%run_scoped3A_173, %dma_wait3A_204] : memref<8x128xi32, #tpu.memory_space<vmem>> -> memref<1x128xi32, #tpu.memory_space<vmem>>
          %dma_wait3A_206 = tpu.memref_squeeze %dma_wait3A_205 : memref<1x128xi32, #tpu.memory_space<vmem>> -> memref<128xi32, #tpu.memory_space<vmem>>
          %dma_wait3A_207 = arith.constant 0 : i32
          %dma_wait3A_208 = arith.constant 0 : i32
          %dma_wait3A_209 = tpu.memref_slice %arg11[%dma_wait3A_207, %dma_wait3A_208] : memref<10240x128xf32, #tpu.memory_space<vmem_shared>> -> memref<10240x128xf32, #tpu.memory_space<vmem_shared>>
          tpu.wait_indirect_dma semaphore(%run_scoped3A_197 : memref<!tpu.dma_semaphore, #tpu.memory_space<semaphore_mem>>) src(%arg9 : memref<128x128xf32, #tpu.memory_space<vmem>>) dst(%dma_wait3A_209 : memref<10240x128xf32, #tpu.memory_space<vmem_shared>>)
          tpu.yield
        }) : () -> ()
        %add3A_174 = arith.constant 2 : i32
        %add3A_175 = arith.addi %add3A_166, %add3A_174 : i32
        %lt3A_176 = arith.cmpi slt, %add3A_175, %min3A_22 : i32
        %convert_element_type3A_177 = arith.extui %lt3A_176 : i1 to i32
        %cond3A_178 = arith.constant 0 : i32
        %cond3A_179 = arith.cmpi ne, %convert_element_type3A_177, %cond3A_178 : i32
        scf.if %cond3A_179 {
          %add3A_197 = arith.constant 2 : i32
          %add3A_198 = arith.addi %add3A_166, %add3A_197 : i32
          %dma_start3A_199 = arith.constant 0 : i32
          %dma_start3A_200 = tpu.memref_slice %arg7[%add3A_198, %dma_start3A_199] : memref<64x128xi32, #tpu.memory_space<vmem>> -> memref<1x128xi32, #tpu.memory_space<vmem>>
          %dma_start3A_201 = tpu.memref_squeeze %dma_start3A_200 : memref<1x128xi32, #tpu.memory_space<vmem>> -> memref<128xi32, #tpu.memory_space<vmem>>
          %dma_start3A_202 = arith.constant 0 : i32
          %dma_start3A_203 = arith.constant 0 : i32
          %dma_start3A_204 = tpu.memref_slice %arg2[%dma_start3A_202, %dma_start3A_203] : memref<10000x128xf32, #tpu.memory_space<hbm>> -> memref<10000x128xf32, #tpu.memory_space<hbm>>
          tpu.enqueue_indirect_dma source(%dma_start3A_204 : memref<10000x128xf32, #tpu.memory_space<hbm>>) target(%arg9 : memref<128x128xf32, #tpu.memory_space<vmem>>) offsets(%dma_start3A_201 : memref<128xi32, #tpu.memory_space<vmem>>) semaphore(%arg12 : memref<!tpu.dma_semaphore, #tpu.memory_space<semaphore_mem>>)
        } else {
        }
        %mul3A_180 = arith.constant 8 : i32
        %mul3A_181 = arith.muli %while3A_62, %mul3A_180 : i32
        %add3A_182 = arith.constant 7 : i32
        %add3A_183 = arith.addi %mul3A_181, %add3A_182 : i32
        %dma_wait3A_184 = arith.constant 0 : i32
        %dma_wait3A_185 = tpu.memref_slice %arg7[%add3A_183, %dma_wait3A_184] : memref<64x128xi32, #tpu.memory_space<vmem>> -> memref<1x128xi32, #tpu.memory_space<vmem>>
        %dma_wait3A_186 = tpu.memref_squeeze %dma_wait3A_185 : memref<1x128xi32, #tpu.memory_space<vmem>> -> memref<128xi32, #tpu.memory_space<vmem>>
        %dma_wait3A_187 = arith.constant 0 : i32
        %dma_wait3A_188 = arith.constant 0 : i32
        %dma_wait3A_189 = tpu.memref_slice %arg2[%dma_wait3A_187, %dma_wait3A_188] : memref<10000x128xf32, #tpu.memory_space<hbm>> -> memref<10000x128xf32, #tpu.memory_space<hbm>>
        tpu.wait_indirect_dma semaphore(%arg13 : memref<!tpu.dma_semaphore, #tpu.memory_space<semaphore_mem>>) src(%dma_wait3A_189 : memref<10000x128xf32, #tpu.memory_space<hbm>>) dst(%arg10 : memref<128x128xf32, #tpu.memory_space<vmem>>)
        %run_scoped3A_190 = arith.constant 7 : i32
        "tpu.region"() ({
          %run_scoped3A_197 = tpu.sem_alloc : memref<!tpu.dma_semaphore, #tpu.memory_space<semaphore_mem>>
          %dma_start3A_198 = arith.constant 0 : i32
          %dma_start3A_199 = tpu.memref_slice %arg8[%run_scoped3A_190, %dma_start3A_198] : memref<8x128xi32, #tpu.memory_space<vmem>> -> memref<1x128xi32, #tpu.memory_space<vmem>>
          %dma_start3A_200 = tpu.memref_squeeze %dma_start3A_199 : memref<1x128xi32, #tpu.memory_space<vmem>> -> memref<128xi32, #tpu.memory_space<vmem>>
          %dma_start3A_201 = arith.constant 0 : i32
          %dma_start3A_202 = arith.constant 0 : i32
          %dma_start3A_203 = tpu.memref_slice %arg11[%dma_start3A_201, %dma_start3A_202] : memref<10240x128xf32, #tpu.memory_space<vmem_shared>> -> memref<10240x128xf32, #tpu.memory_space<vmem_shared>>
          tpu.enqueue_indirect_dma source(%arg10 : memref<128x128xf32, #tpu.memory_space<vmem>>) target(%dma_start3A_203 : memref<10240x128xf32, #tpu.memory_space<vmem_shared>>) offsets(%dma_start3A_200 : memref<128xi32, #tpu.memory_space<vmem>>) semaphore(%run_scoped3A_197 : memref<!tpu.dma_semaphore, #tpu.memory_space<semaphore_mem>>) {add = true}
          %dma_wait3A_204 = arith.constant 0 : i32
          %dma_wait3A_205 = tpu.memref_slice %arg8[%run_scoped3A_190, %dma_wait3A_204] : memref<8x128xi32, #tpu.memory_space<vmem>> -> memref<1x128xi32, #tpu.memory_space<vmem>>
          %dma_wait3A_206 = tpu.memref_squeeze %dma_wait3A_205 : memref<1x128xi32, #tpu.memory_space<vmem>> -> memref<128xi32, #tpu.memory_space<vmem>>
          %dma_wait3A_207 = arith.constant 0 : i32
          %dma_wait3A_208 = arith.constant 0 : i32
          %dma_wait3A_209 = tpu.memref_slice %arg11[%dma_wait3A_207, %dma_wait3A_208] : memref<10240x128xf32, #tpu.memory_space<vmem_shared>> -> memref<10240x128xf32, #tpu.memory_space<vmem_shared>>
          tpu.wait_indirect_dma semaphore(%run_scoped3A_197 : memref<!tpu.dma_semaphore, #tpu.memory_space<semaphore_mem>>) src(%arg10 : memref<128x128xf32, #tpu.memory_space<vmem>>) dst(%dma_wait3A_209 : memref<10240x128xf32, #tpu.memory_space<vmem_shared>>)
          tpu.yield
        }) : () -> ()
        %add3A_191 = arith.constant 2 : i32
        %add3A_192 = arith.addi %add3A_183, %add3A_191 : i32
        %lt3A_193 = arith.cmpi slt, %add3A_192, %min3A_22 : i32
        %convert_element_type3A_194 = arith.extui %lt3A_193 : i1 to i32
        %cond3A_195 = arith.constant 0 : i32
        %cond3A_196 = arith.cmpi ne, %convert_element_type3A_194, %cond3A_195 : i32
        scf.if %cond3A_196 {
          %add3A_197 = arith.constant 2 : i32
          %add3A_198 = arith.addi %add3A_183, %add3A_197 : i32
          %dma_start3A_199 = arith.constant 0 : i32
          %dma_start3A_200 = tpu.memref_slice %arg7[%add3A_198, %dma_start3A_199] : memref<64x128xi32, #tpu.memory_space<vmem>> -> memref<1x128xi32, #tpu.memory_space<vmem>>
          %dma_start3A_201 = tpu.memref_squeeze %dma_start3A_200 : memref<1x128xi32, #tpu.memory_space<vmem>> -> memref<128xi32, #tpu.memory_space<vmem>>
          %dma_start3A_202 = arith.constant 0 : i32
          %dma_start3A_203 = arith.constant 0 : i32
          %dma_start3A_204 = tpu.memref_slice %arg2[%dma_start3A_202, %dma_start3A_203] : memref<10000x128xf32, #tpu.memory_space<hbm>> -> memref<10000x128xf32, #tpu.memory_space<hbm>>
          tpu.enqueue_indirect_dma source(%dma_start3A_204 : memref<10000x128xf32, #tpu.memory_space<hbm>>) target(%arg10 : memref<128x128xf32, #tpu.memory_space<vmem>>) offsets(%dma_start3A_201 : memref<128xi32, #tpu.memory_space<vmem>>) semaphore(%arg13 : memref<!tpu.dma_semaphore, #tpu.memory_space<semaphore_mem>>)
        } else {
        }
      }
      %while3A_61 = arith.constant 1 : i32
      scf.for %while3A_62 = %while3A_59 to %while3A_55 step %while3A_61  : i32 {
        %mul3A_63 = arith.constant 8 : i32
        %mul3A_64 = arith.muli %while3A_62, %mul3A_63 : i32
        %add3A_65 = arith.addi %add3A_18, %mul3A_64 : i32
        "tpu.region"() ({
          %run_scoped3A_197 = tpu.sem_alloc : memref<!tpu.dma_semaphore, #tpu.memory_space<semaphore_mem>>
          %dma_start3A_198 = arith.constant 0 : i32
          %dma_start3A_199 = tpu.memref_slice %arg4[%add3A_65, %dma_start3A_198] : memref<2592x128xi32, #tpu.memory_space<hbm>> -> memref<8x128xi32, #tpu.memory_space<hbm>>
          %dma_start3A_200 = arith.constant 0 : i32
          %dma_start3A_201 = tpu.memref_slice %arg4[%add3A_65, %dma_start3A_200] : memref<2592x128xi32, #tpu.memory_space<hbm>> -> memref<8x128xi32, #tpu.memory_space<hbm>>
          tpu.enqueue_dma source(%dma_start3A_201 : memref<8x128xi32, #tpu.memory_space<hbm>>) target(%arg8 : memref<8x128xi32, #tpu.memory_space<vmem>>) target_semaphore(%run_scoped3A_197 : memref<!tpu.dma_semaphore, #tpu.memory_space<semaphore_mem>>)
          %dma_wait3A_202 = arith.constant 0 : i32
          %dma_wait3A_203 = tpu.memref_slice %arg4[%add3A_65, %dma_wait3A_202] : memref<2592x128xi32, #tpu.memory_space<hbm>> -> memref<8x128xi32, #tpu.memory_space<hbm>>
          %dma_wait3A_204 = arith.constant 0 : i32
          %dma_wait3A_205 = tpu.memref_slice %arg4[%add3A_65, %dma_wait3A_204] : memref<2592x128xi32, #tpu.memory_space<hbm>> -> memref<8x128xi32, #tpu.memory_space<hbm>>
          tpu.wait_dma2 semaphore(%run_scoped3A_197 : memref<!tpu.dma_semaphore, #tpu.memory_space<semaphore_mem>>) src(%dma_wait3A_205 : memref<8x128xi32, #tpu.memory_space<hbm>>) dst(%arg8 : memref<8x128xi32, #tpu.memory_space<vmem>>)
          tpu.yield
        }) : () -> ()
        %mul3A_66 = arith.constant 8 : i32
        %mul3A_67 = arith.muli %while3A_62, %mul3A_66 : i32
        %add3A_68 = arith.constant 0 : i32
        %add3A_69 = arith.addi %mul3A_67, %add3A_68 : i32
        %dma_wait3A = arith.constant 0 : i32
        %dma_wait3A_70 = tpu.memref_slice %arg7[%add3A_69, %dma_wait3A] : memref<64x128xi32, #tpu.memory_space<vmem>> -> memref<1x128xi32, #tpu.memory_space<vmem>>
        %dma_wait3A_71 = tpu.memref_squeeze %dma_wait3A_70 : memref<1x128xi32, #tpu.memory_space<vmem>> -> memref<128xi32, #tpu.memory_space<vmem>>
        %dma_wait3A_72 = arith.constant 0 : i32
        %dma_wait3A_73 = arith.constant 0 : i32
        %dma_wait3A_74 = tpu.memref_slice %arg2[%dma_wait3A_72, %dma_wait3A_73] : memref<10000x128xf32, #tpu.memory_space<hbm>> -> memref<10000x128xf32, #tpu.memory_space<hbm>>
        tpu.wait_indirect_dma semaphore(%arg12 : memref<!tpu.dma_semaphore, #tpu.memory_space<semaphore_mem>>) src(%dma_wait3A_74 : memref<10000x128xf32, #tpu.memory_space<hbm>>) dst(%arg9 : memref<128x128xf32, #tpu.memory_space<vmem>>)
        %run_scoped3A = arith.constant 0 : i32
        "tpu.region"() ({
          %run_scoped3A_197 = tpu.sem_alloc : memref<!tpu.dma_semaphore, #tpu.memory_space<semaphore_mem>>
          %dma_start3A_198 = arith.constant 0 : i32
          %dma_start3A_199 = tpu.memref_slice %arg8[%run_scoped3A, %dma_start3A_198] : memref<8x128xi32, #tpu.memory_space<vmem>> -> memref<1x128xi32, #tpu.memory_space<vmem>>
          %dma_start3A_200 = tpu.memref_squeeze %dma_start3A_199 : memref<1x128xi32, #tpu.memory_space<vmem>> -> memref<128xi32, #tpu.memory_space<vmem>>
          %dma_start3A_201 = arith.constant 0 : i32
          %dma_start3A_202 = arith.constant 0 : i32
          %dma_start3A_203 = tpu.memref_slice %arg11[%dma_start3A_201, %dma_start3A_202] : memref<10240x128xf32, #tpu.memory_space<vmem_shared>> -> memref<10240x128xf32, #tpu.memory_space<vmem_shared>>
          tpu.enqueue_indirect_dma source(%arg9 : memref<128x128xf32, #tpu.memory_space<vmem>>) target(%dma_start3A_203 : memref<10240x128xf32, #tpu.memory_space<vmem_shared>>) offsets(%dma_start3A_200 : memref<128xi32, #tpu.memory_space<vmem>>) semaphore(%run_scoped3A_197 : memref<!tpu.dma_semaphore, #tpu.memory_space<semaphore_mem>>) {add = true}
          %dma_wait3A_204 = arith.constant 0 : i32
          %dma_wait3A_205 = tpu.memref_slice %arg8[%run_scoped3A, %dma_wait3A_204] : memref<8x128xi32, #tpu.memory_space<vmem>> -> memref<1x128xi32, #tpu.memory_space<vmem>>
          %dma_wait3A_206 = tpu.memref_squeeze %dma_wait3A_205 : memref<1x128xi32, #tpu.memory_space<vmem>> -> memref<128xi32, #tpu.memory_space<vmem>>
          %dma_wait3A_207 = arith.constant 0 : i32
          %dma_wait3A_208 = arith.constant 0 : i32
          %dma_wait3A_209 = tpu.memref_slice %arg11[%dma_wait3A_207, %dma_wait3A_208] : memref<10240x128xf32, #tpu.memory_space<vmem_shared>> -> memref<10240x128xf32, #tpu.memory_space<vmem_shared>>
          tpu.wait_indirect_dma semaphore(%run_scoped3A_197 : memref<!tpu.dma_semaphore, #tpu.memory_space<semaphore_mem>>) src(%arg9 : memref<128x128xf32, #tpu.memory_space<vmem>>) dst(%dma_wait3A_209 : memref<10240x128xf32, #tpu.memory_space<vmem_shared>>)
          tpu.yield
        }) : () -> ()
        %add3A_75 = arith.constant 2 : i32
        %add3A_76 = arith.addi %add3A_69, %add3A_75 : i32
        %lt3A = arith.cmpi slt, %add3A_76, %min3A_22 : i32
        %convert_element_type3A = arith.extui %lt3A : i1 to i32
        %cond3A = arith.constant 0 : i32
        %cond3A_77 = arith.cmpi ne, %convert_element_type3A, %cond3A : i32
        scf.if %cond3A_77 {
          %add3A_197 = arith.constant 2 : i32
          %add3A_198 = arith.addi %add3A_69, %add3A_197 : i32
          %dma_start3A_199 = arith.constant 0 : i32
          %dma_start3A_200 = tpu.memref_slice %arg7[%add3A_198, %dma_start3A_199] : memref<64x128xi32, #tpu.memory_space<vmem>> -> memref<1x128xi32, #tpu.memory_space<vmem>>
          %dma_start3A_201 = tpu.memref_squeeze %dma_start3A_200 : memref<1x128xi32, #tpu.memory_space<vmem>> -> memref<128xi32, #tpu.memory_space<vmem>>
          %dma_start3A_202 = arith.constant 0 : i32
          %dma_start3A_203 = arith.constant 0 : i32
          %dma_start3A_204 = tpu.memref_slice %arg2[%dma_start3A_202, %dma_start3A_203] : memref<10000x128xf32, #tpu.memory_space<hbm>> -> memref<10000x128xf32, #tpu.memory_space<hbm>>
          tpu.enqueue_indirect_dma source(%dma_start3A_204 : memref<10000x128xf32, #tpu.memory_space<hbm>>) target(%arg9 : memref<128x128xf32, #tpu.memory_space<vmem>>) offsets(%dma_start3A_201 : memref<128xi32, #tpu.memory_space<vmem>>) semaphore(%arg12 : memref<!tpu.dma_semaphore, #tpu.memory_space<semaphore_mem>>)
        } else {
        }
        %mul3A_78 = arith.constant 8 : i32
        %mul3A_79 = arith.muli %while3A_62, %mul3A_78 : i32
        %add3A_80 = arith.constant 1 : i32
        %add3A_81 = arith.addi %mul3A_79, %add3A_80 : i32
        %dma_wait3A_82 = arith.constant 0 : i32
        %dma_wait3A_83 = tpu.memref_slice %arg7[%add3A_81, %dma_wait3A_82] : memref<64x128xi32, #tpu.memory_space<vmem>> -> memref<1x128xi32, #tpu.memory_space<vmem>>
        %dma_wait3A_84 = tpu.memref_squeeze %dma_wait3A_83 : memref<1x128xi32, #tpu.memory_space<vmem>> -> memref<128xi32, #tpu.memory_space<vmem>>
        %dma_wait3A_85 = arith.constant 0 : i32
        %dma_wait3A_86 = arith.constant 0 : i32
        %dma_wait3A_87 = tpu.memref_slice %arg2[%dma_wait3A_85, %dma_wait3A_86] : memref<10000x128xf32, #tpu.memory_space<hbm>> -> memref<10000x128xf32, #tpu.memory_space<hbm>>
        tpu.wait_indirect_dma semaphore(%arg13 : memref<!tpu.dma_semaphore, #tpu.memory_space<semaphore_mem>>) src(%dma_wait3A_87 : memref<10000x128xf32, #tpu.memory_space<hbm>>) dst(%arg10 : memref<128x128xf32, #tpu.memory_space<vmem>>)
        %run_scoped3A_88 = arith.constant 1 : i32
        "tpu.region"() ({
          %run_scoped3A_197 = tpu.sem_alloc : memref<!tpu.dma_semaphore, #tpu.memory_space<semaphore_mem>>
          %dma_start3A_198 = arith.constant 0 : i32
          %dma_start3A_199 = tpu.memref_slice %arg8[%run_scoped3A_88, %dma_start3A_198] : memref<8x128xi32, #tpu.memory_space<vmem>> -> memref<1x128xi32, #tpu.memory_space<vmem>>
          %dma_start3A_200 = tpu.memref_squeeze %dma_start3A_199 : memref<1x128xi32, #tpu.memory_space<vmem>> -> memref<128xi32, #tpu.memory_space<vmem>>
          %dma_start3A_201 = arith.constant 0 : i32
          %dma_start3A_202 = arith.constant 0 : i32
          %dma_start3A_203 = tpu.memref_slice %arg11[%dma_start3A_201, %dma_start3A_202] : memref<10240x128xf32, #tpu.memory_space<vmem_shared>> -> memref<10240x128xf32, #tpu.memory_space<vmem_shared>>
          tpu.enqueue_indirect_dma source(%arg10 : memref<128x128xf32, #tpu.memory_space<vmem>>) target(%dma_start3A_203 : memref<10240x128xf32, #tpu.memory_space<vmem_shared>>) offsets(%dma_start3A_200 : memref<128xi32, #tpu.memory_space<vmem>>) semaphore(%run_scoped3A_197 : memref<!tpu.dma_semaphore, #tpu.memory_space<semaphore_mem>>) {add = true}
          %dma_wait3A_204 = arith.constant 0 : i32
          %dma_wait3A_205 = tpu.memref_slice %arg8[%run_scoped3A_88, %dma_wait3A_204] : memref<8x128xi32, #tpu.memory_space<vmem>> -> memref<1x128xi32, #tpu.memory_space<vmem>>
          %dma_wait3A_206 = tpu.memref_squeeze %dma_wait3A_205 : memref<1x128xi32, #tpu.memory_space<vmem>> -> memref<128xi32, #tpu.memory_space<vmem>>
          %dma_wait3A_207 = arith.constant 0 : i32
          %dma_wait3A_208 = arith.constant 0 : i32
          %dma_wait3A_209 = tpu.memref_slice %arg11[%dma_wait3A_207, %dma_wait3A_208] : memref<10240x128xf32, #tpu.memory_space<vmem_shared>> -> memref<10240x128xf32, #tpu.memory_space<vmem_shared>>
          tpu.wait_indirect_dma semaphore(%run_scoped3A_197 : memref<!tpu.dma_semaphore, #tpu.memory_space<semaphore_mem>>) src(%arg10 : memref<128x128xf32, #tpu.memory_space<vmem>>) dst(%dma_wait3A_209 : memref<10240x128xf32, #tpu.memory_space<vmem_shared>>)
          tpu.yield
        }) : () -> ()
        %add3A_89 = arith.constant 2 : i32
        %add3A_90 = arith.addi %add3A_81, %add3A_89 : i32
        %lt3A_91 = arith.cmpi slt, %add3A_90, %min3A_22 : i32
        %convert_element_type3A_92 = arith.extui %lt3A_91 : i1 to i32
        %cond3A_93 = arith.constant 0 : i32
        %cond3A_94 = arith.cmpi ne, %convert_element_type3A_92, %cond3A_93 : i32
        scf.if %cond3A_94 {
          %add3A_197 = arith.constant 2 : i32
          %add3A_198 = arith.addi %add3A_81, %add3A_197 : i32
          %dma_start3A_199 = arith.constant 0 : i32
          %dma_start3A_200 = tpu.memref_slice %arg7[%add3A_198, %dma_start3A_199] : memref<64x128xi32, #tpu.memory_space<vmem>> -> memref<1x128xi32, #tpu.memory_space<vmem>>
          %dma_start3A_201 = tpu.memref_squeeze %dma_start3A_200 : memref<1x128xi32, #tpu.memory_space<vmem>> -> memref<128xi32, #tpu.memory_space<vmem>>
          %dma_start3A_202 = arith.constant 0 : i32
          %dma_start3A_203 = arith.constant 0 : i32
          %dma_start3A_204 = tpu.memref_slice %arg2[%dma_start3A_202, %dma_start3A_203] : memref<10000x128xf32, #tpu.memory_space<hbm>> -> memref<10000x128xf32, #tpu.memory_space<hbm>>
          tpu.enqueue_indirect_dma source(%dma_start3A_204 : memref<10000x128xf32, #tpu.memory_space<hbm>>) target(%arg10 : memref<128x128xf32, #tpu.memory_space<vmem>>) offsets(%dma_start3A_201 : memref<128xi32, #tpu.memory_space<vmem>>) semaphore(%arg13 : memref<!tpu.dma_semaphore, #tpu.memory_space<semaphore_mem>>)
        } else {
        }
        %mul3A_95 = arith.constant 8 : i32
        %mul3A_96 = arith.muli %while3A_62, %mul3A_95 : i32
        %add3A_97 = arith.constant 2 : i32
        %add3A_98 = arith.addi %mul3A_96, %add3A_97 : i32
        %dma_wait3A_99 = arith.constant 0 : i32
        %dma_wait3A_100 = tpu.memref_slice %arg7[%add3A_98, %dma_wait3A_99] : memref<64x128xi32, #tpu.memory_space<vmem>> -> memref<1x128xi32, #tpu.memory_space<vmem>>
        %dma_wait3A_101 = tpu.memref_squeeze %dma_wait3A_100 : memref<1x128xi32, #tpu.memory_space<vmem>> -> memref<128xi32, #tpu.memory_space<vmem>>
        %dma_wait3A_102 = arith.constant 0 : i32
        %dma_wait3A_103 = arith.constant 0 : i32
        %dma_wait3A_104 = tpu.memref_slice %arg2[%dma_wait3A_102, %dma_wait3A_103] : memref<10000x128xf32, #tpu.memory_space<hbm>> -> memref<10000x128xf32, #tpu.memory_space<hbm>>
        tpu.wait_indirect_dma semaphore(%arg12 : memref<!tpu.dma_semaphore, #tpu.memory_space<semaphore_mem>>) src(%dma_wait3A_104 : memref<10000x128xf32, #tpu.memory_space<hbm>>) dst(%arg9 : memref<128x128xf32, #tpu.memory_space<vmem>>)
        %run_scoped3A_105 = arith.constant 2 : i32
        "tpu.region"() ({
          %run_scoped3A_197 = tpu.sem_alloc : memref<!tpu.dma_semaphore, #tpu.memory_space<semaphore_mem>>
          %dma_start3A_198 = arith.constant 0 : i32
          %dma_start3A_199 = tpu.memref_slice %arg8[%run_scoped3A_105, %dma_start3A_198] : memref<8x128xi32, #tpu.memory_space<vmem>> -> memref<1x128xi32, #tpu.memory_space<vmem>>
          %dma_start3A_200 = tpu.memref_squeeze %dma_start3A_199 : memref<1x128xi32, #tpu.memory_space<vmem>> -> memref<128xi32, #tpu.memory_space<vmem>>
          %dma_start3A_201 = arith.constant 0 : i32
          %dma_start3A_202 = arith.constant 0 : i32
          %dma_start3A_203 = tpu.memref_slice %arg11[%dma_start3A_201, %dma_start3A_202] : memref<10240x128xf32, #tpu.memory_space<vmem_shared>> -> memref<10240x128xf32, #tpu.memory_space<vmem_shared>>
          tpu.enqueue_indirect_dma source(%arg9 : memref<128x128xf32, #tpu.memory_space<vmem>>) target(%dma_start3A_203 : memref<10240x128xf32, #tpu.memory_space<vmem_shared>>) offsets(%dma_start3A_200 : memref<128xi32, #tpu.memory_space<vmem>>) semaphore(%run_scoped3A_197 : memref<!tpu.dma_semaphore, #tpu.memory_space<semaphore_mem>>) {add = true}
          %dma_wait3A_204 = arith.constant 0 : i32
          %dma_wait3A_205 = tpu.memref_slice %arg8[%run_scoped3A_105, %dma_wait3A_204] : memref<8x128xi32, #tpu.memory_space<vmem>> -> memref<1x128xi32, #tpu.memory_space<vmem>>
          %dma_wait3A_206 = tpu.memref_squeeze %dma_wait3A_205 : memref<1x128xi32, #tpu.memory_space<vmem>> -> memref<128xi32, #tpu.memory_space<vmem>>
          %dma_wait3A_207 = arith.constant 0 : i32
          %dma_wait3A_208 = arith.constant 0 : i32
          %dma_wait3A_209 = tpu.memref_slice %arg11[%dma_wait3A_207, %dma_wait3A_208] : memref<10240x128xf32, #tpu.memory_space<vmem_shared>> -> memref<10240x128xf32, #tpu.memory_space<vmem_shared>>
          tpu.wait_indirect_dma semaphore(%run_scoped3A_197 : memref<!tpu.dma_semaphore, #tpu.memory_space<semaphore_mem>>) src(%arg9 : memref<128x128xf32, #tpu.memory_space<vmem>>) dst(%dma_wait3A_209 : memref<10240x128xf32, #tpu.memory_space<vmem_shared>>)
          tpu.yield
        }) : () -> ()
        %add3A_106 = arith.constant 2 : i32
        %add3A_107 = arith.addi %add3A_98, %add3A_106 : i32
        %lt3A_108 = arith.cmpi slt, %add3A_107, %min3A_22 : i32
        %convert_element_type3A_109 = arith.extui %lt3A_108 : i1 to i32
        %cond3A_110 = arith.constant 0 : i32
        %cond3A_111 = arith.cmpi ne, %convert_element_type3A_109, %cond3A_110 : i32
        scf.if %cond3A_111 {
          %add3A_197 = arith.constant 2 : i32
          %add3A_198 = arith.addi %add3A_98, %add3A_197 : i32
          %dma_start3A_199 = arith.constant 0 : i32
          %dma_start3A_200 = tpu.memref_slice %arg7[%add3A_198, %dma_start3A_199] : memref<64x128xi32, #tpu.memory_space<vmem>> -> memref<1x128xi32, #tpu.memory_space<vmem>>
          %dma_start3A_201 = tpu.memref_squeeze %dma_start3A_200 : memref<1x128xi32, #tpu.memory_space<vmem>> -> memref<128xi32, #tpu.memory_space<vmem>>
          %dma_start3A_202 = arith.constant 0 : i32
          %dma_start3A_203 = arith.constant 0 : i32
          %dma_start3A_204 = tpu.memref_slice %arg2[%dma_start3A_202, %dma_start3A_203] : memref<10000x128xf32, #tpu.memory_space<hbm>> -> memref<10000x128xf32, #tpu.memory_space<hbm>>
          tpu.enqueue_indirect_dma source(%dma_start3A_204 : memref<10000x128xf32, #tpu.memory_space<hbm>>) target(%arg9 : memref<128x128xf32, #tpu.memory_space<vmem>>) offsets(%dma_start3A_201 : memref<128xi32, #tpu.memory_space<vmem>>) semaphore(%arg12 : memref<!tpu.dma_semaphore, #tpu.memory_space<semaphore_mem>>)
        } else {
        }
        %mul3A_112 = arith.constant 8 : i32
        %mul3A_113 = arith.muli %while3A_62, %mul3A_112 : i32
        %add3A_114 = arith.constant 3 : i32
        %add3A_115 = arith.addi %mul3A_113, %add3A_114 : i32
        %dma_wait3A_116 = arith.constant 0 : i32
        %dma_wait3A_117 = tpu.memref_slice %arg7[%add3A_115, %dma_wait3A_116] : memref<64x128xi32, #tpu.memory_space<vmem>> -> memref<1x128xi32, #tpu.memory_space<vmem>>
        %dma_wait3A_118 = tpu.memref_squeeze %dma_wait3A_117 : memref<1x128xi32, #tpu.memory_space<vmem>> -> memref<128xi32, #tpu.memory_space<vmem>>
        %dma_wait3A_119 = arith.constant 0 : i32
        %dma_wait3A_120 = arith.constant 0 : i32
        %dma_wait3A_121 = tpu.memref_slice %arg2[%dma_wait3A_119, %dma_wait3A_120] : memref<10000x128xf32, #tpu.memory_space<hbm>> -> memref<10000x128xf32, #tpu.memory_space<hbm>>
        tpu.wait_indirect_dma semaphore(%arg13 : memref<!tpu.dma_semaphore, #tpu.memory_space<semaphore_mem>>) src(%dma_wait3A_121 : memref<10000x128xf32, #tpu.memory_space<hbm>>) dst(%arg10 : memref<128x128xf32, #tpu.memory_space<vmem>>)
        %run_scoped3A_122 = arith.constant 3 : i32
        "tpu.region"() ({
          %run_scoped3A_197 = tpu.sem_alloc : memref<!tpu.dma_semaphore, #tpu.memory_space<semaphore_mem>>
          %dma_start3A_198 = arith.constant 0 : i32
          %dma_start3A_199 = tpu.memref_slice %arg8[%run_scoped3A_122, %dma_start3A_198] : memref<8x128xi32, #tpu.memory_space<vmem>> -> memref<1x128xi32, #tpu.memory_space<vmem>>
          %dma_start3A_200 = tpu.memref_squeeze %dma_start3A_199 : memref<1x128xi32, #tpu.memory_space<vmem>> -> memref<128xi32, #tpu.memory_space<vmem>>
          %dma_start3A_201 = arith.constant 0 : i32
          %dma_start3A_202 = arith.constant 0 : i32
          %dma_start3A_203 = tpu.memref_slice %arg11[%dma_start3A_201, %dma_start3A_202] : memref<10240x128xf32, #tpu.memory_space<vmem_shared>> -> memref<10240x128xf32, #tpu.memory_space<vmem_shared>>
          tpu.enqueue_indirect_dma source(%arg10 : memref<128x128xf32, #tpu.memory_space<vmem>>) target(%dma_start3A_203 : memref<10240x128xf32, #tpu.memory_space<vmem_shared>>) offsets(%dma_start3A_200 : memref<128xi32, #tpu.memory_space<vmem>>) semaphore(%run_scoped3A_197 : memref<!tpu.dma_semaphore, #tpu.memory_space<semaphore_mem>>) {add = true}
          %dma_wait3A_204 = arith.constant 0 : i32
          %dma_wait3A_205 = tpu.memref_slice %arg8[%run_scoped3A_122, %dma_wait3A_204] : memref<8x128xi32, #tpu.memory_space<vmem>> -> memref<1x128xi32, #tpu.memory_space<vmem>>
          %dma_wait3A_206 = tpu.memref_squeeze %dma_wait3A_205 : memref<1x128xi32, #tpu.memory_space<vmem>> -> memref<128xi32, #tpu.memory_space<vmem>>
          %dma_wait3A_207 = arith.constant 0 : i32
          %dma_wait3A_208 = arith.constant 0 : i32
          %dma_wait3A_209 = tpu.memref_slice %arg11[%dma_wait3A_207, %dma_wait3A_208] : memref<10240x128xf32, #tpu.memory_space<vmem_shared>> -> memref<10240x128xf32, #tpu.memory_space<vmem_shared>>
          tpu.wait_indirect_dma semaphore(%run_scoped3A_197 : memref<!tpu.dma_semaphore, #tpu.memory_space<semaphore_mem>>) src(%arg10 : memref<128x128xf32, #tpu.memory_space<vmem>>) dst(%dma_wait3A_209 : memref<10240x128xf32, #tpu.memory_space<vmem_shared>>)
          tpu.yield
        }) : () -> ()
        %add3A_123 = arith.constant 2 : i32
        %add3A_124 = arith.addi %add3A_115, %add3A_123 : i32
        %lt3A_125 = arith.cmpi slt, %add3A_124, %min3A_22 : i32
        %convert_element_type3A_126 = arith.extui %lt3A_125 : i1 to i32
        %cond3A_127 = arith.constant 0 : i32
        %cond3A_128 = arith.cmpi ne, %convert_element_type3A_126, %cond3A_127 : i32
        scf.if %cond3A_128 {
          %add3A_197 = arith.constant 2 : i32
          %add3A_198 = arith.addi %add3A_115, %add3A_197 : i32
          %dma_start3A_199 = arith.constant 0 : i32
          %dma_start3A_200 = tpu.memref_slice %arg7[%add3A_198, %dma_start3A_199] : memref<64x128xi32, #tpu.memory_space<vmem>> -> memref<1x128xi32, #tpu.memory_space<vmem>>
          %dma_start3A_201 = tpu.memref_squeeze %dma_start3A_200 : memref<1x128xi32, #tpu.memory_space<vmem>> -> memref<128xi32, #tpu.memory_space<vmem>>
          %dma_start3A_202 = arith.constant 0 : i32
          %dma_start3A_203 = arith.constant 0 : i32
          %dma_start3A_204 = tpu.memref_slice %arg2[%dma_start3A_202, %dma_start3A_203] : memref<10000x128xf32, #tpu.memory_space<hbm>> -> memref<10000x128xf32, #tpu.memory_space<hbm>>
          tpu.enqueue_indirect_dma source(%dma_start3A_204 : memref<10000x128xf32, #tpu.memory_space<hbm>>) target(%arg10 : memref<128x128xf32, #tpu.memory_space<vmem>>) offsets(%dma_start3A_201 : memref<128xi32, #tpu.memory_space<vmem>>) semaphore(%arg13 : memref<!tpu.dma_semaphore, #tpu.memory_space<semaphore_mem>>)
        } else {
        }
        %mul3A_129 = arith.constant 8 : i32
        %mul3A_130 = arith.muli %while3A_62, %mul3A_129 : i32
        %add3A_131 = arith.constant 4 : i32
        %add3A_132 = arith.addi %mul3A_130, %add3A_131 : i32
        %dma_wait3A_133 = arith.constant 0 : i32
        %dma_wait3A_134 = tpu.memref_slice %arg7[%add3A_132, %dma_wait3A_133] : memref<64x128xi32, #tpu.memory_space<vmem>> -> memref<1x128xi32, #tpu.memory_space<vmem>>
        %dma_wait3A_135 = tpu.memref_squeeze %dma_wait3A_134 : memref<1x128xi32, #tpu.memory_space<vmem>> -> memref<128xi32, #tpu.memory_space<vmem>>
        %dma_wait3A_136 = arith.constant 0 : i32
        %dma_wait3A_137 = arith.constant 0 : i32
        %dma_wait3A_138 = tpu.memref_slice %arg2[%dma_wait3A_136, %dma_wait3A_137] : memref<10000x128xf32, #tpu.memory_space<hbm>> -> memref<10000x128xf32, #tpu.memory_space<hbm>>
        tpu.wait_indirect_dma semaphore(%arg12 : memref<!tpu.dma_semaphore, #tpu.memory_space<semaphore_mem>>) src(%dma_wait3A_138 : memref<10000x128xf32, #tpu.memory_space<hbm>>) dst(%arg9 : memref<128x128xf32, #tpu.memory_space<vmem>>)
        %run_scoped3A_139 = arith.constant 4 : i32
        "tpu.region"() ({
          %run_scoped3A_197 = tpu.sem_alloc : memref<!tpu.dma_semaphore, #tpu.memory_space<semaphore_mem>>
          %dma_start3A_198 = arith.constant 0 : i32
          %dma_start3A_199 = tpu.memref_slice %arg8[%run_scoped3A_139, %dma_start3A_198] : memref<8x128xi32, #tpu.memory_space<vmem>> -> memref<1x128xi32, #tpu.memory_space<vmem>>
          %dma_start3A_200 = tpu.memref_squeeze %dma_start3A_199 : memref<1x128xi32, #tpu.memory_space<vmem>> -> memref<128xi32, #tpu.memory_space<vmem>>
          %dma_start3A_201 = arith.constant 0 : i32
          %dma_start3A_202 = arith.constant 0 : i32
          %dma_start3A_203 = tpu.memref_slice %arg11[%dma_start3A_201, %dma_start3A_202] : memref<10240x128xf32, #tpu.memory_space<vmem_shared>> -> memref<10240x128xf32, #tpu.memory_space<vmem_shared>>
          tpu.enqueue_indirect_dma source(%arg9 : memref<128x128xf32, #tpu.memory_space<vmem>>) target(%dma_start3A_203 : memref<10240x128xf32, #tpu.memory_space<vmem_shared>>) offsets(%dma_start3A_200 : memref<128xi32, #tpu.memory_space<vmem>>) semaphore(%run_scoped3A_197 : memref<!tpu.dma_semaphore, #tpu.memory_space<semaphore_mem>>) {add = true}
          %dma_wait3A_204 = arith.constant 0 : i32
          %dma_wait3A_205 = tpu.memref_slice %arg8[%run_scoped3A_139, %dma_wait3A_204] : memref<8x128xi32, #tpu.memory_space<vmem>> -> memref<1x128xi32, #tpu.memory_space<vmem>>
          %dma_wait3A_206 = tpu.memref_squeeze %dma_wait3A_205 : memref<1x128xi32, #tpu.memory_space<vmem>> -> memref<128xi32, #tpu.memory_space<vmem>>
          %dma_wait3A_207 = arith.constant 0 : i32
          %dma_wait3A_208 = arith.constant 0 : i32
          %dma_wait3A_209 = tpu.memref_slice %arg11[%dma_wait3A_207, %dma_wait3A_208] : memref<10240x128xf32, #tpu.memory_space<vmem_shared>> -> memref<10240x128xf32, #tpu.memory_space<vmem_shared>>
          tpu.wait_indirect_dma semaphore(%run_scoped3A_197 : memref<!tpu.dma_semaphore, #tpu.memory_space<semaphore_mem>>) src(%arg9 : memref<128x128xf32, #tpu.memory_space<vmem>>) dst(%dma_wait3A_209 : memref<10240x128xf32, #tpu.memory_space<vmem_shared>>)
          tpu.yield
        }) : () -> ()
        %add3A_140 = arith.constant 2 : i32
        %add3A_141 = arith.addi %add3A_132, %add3A_140 : i32
        %lt3A_142 = arith.cmpi slt, %add3A_141, %min3A_22 : i32
        %convert_element_type3A_143 = arith.extui %lt3A_142 : i1 to i32
        %cond3A_144 = arith.constant 0 : i32
        %cond3A_145 = arith.cmpi ne, %convert_element_type3A_143, %cond3A_144 : i32
        scf.if %cond3A_145 {
          %add3A_197 = arith.constant 2 : i32
          %add3A_198 = arith.addi %add3A_132, %add3A_197 : i32
          %dma_start3A_199 = arith.constant 0 : i32
          %dma_start3A_200 = tpu.memref_slice %arg7[%add3A_198, %dma_start3A_199] : memref<64x128xi32, #tpu.memory_space<vmem>> -> memref<1x128xi32, #tpu.memory_space<vmem>>
          %dma_start3A_201 = tpu.memref_squeeze %dma_start3A_200 : memref<1x128xi32, #tpu.memory_space<vmem>> -> memref<128xi32, #tpu.memory_space<vmem>>
          %dma_start3A_202 = arith.constant 0 : i32
          %dma_start3A_203 = arith.constant 0 : i32
          %dma_start3A_204 = tpu.memref_slice %arg2[%dma_start3A_202, %dma_start3A_203] : memref<10000x128xf32, #tpu.memory_space<hbm>> -> memref<10000x128xf32, #tpu.memory_space<hbm>>
          tpu.enqueue_indirect_dma source(%dma_start3A_204 : memref<10000x128xf32, #tpu.memory_space<hbm>>) target(%arg9 : memref<128x128xf32, #tpu.memory_space<vmem>>) offsets(%dma_start3A_201 : memref<128xi32, #tpu.memory_space<vmem>>) semaphore(%arg12 : memref<!tpu.dma_semaphore, #tpu.memory_space<semaphore_mem>>)
        } else {
        }
        %mul3A_146 = arith.constant 8 : i32
        %mul3A_147 = arith.muli %while3A_62, %mul3A_146 : i32
        %add3A_148 = arith.constant 5 : i32
        %add3A_149 = arith.addi %mul3A_147, %add3A_148 : i32
        %dma_wait3A_150 = arith.constant 0 : i32
        %dma_wait3A_151 = tpu.memref_slice %arg7[%add3A_149, %dma_wait3A_150] : memref<64x128xi32, #tpu.memory_space<vmem>> -> memref<1x128xi32, #tpu.memory_space<vmem>>
        %dma_wait3A_152 = tpu.memref_squeeze %dma_wait3A_151 : memref<1x128xi32, #tpu.memory_space<vmem>> -> memref<128xi32, #tpu.memory_space<vmem>>
        %dma_wait3A_153 = arith.constant 0 : i32
        %dma_wait3A_154 = arith.constant 0 : i32
        %dma_wait3A_155 = tpu.memref_slice %arg2[%dma_wait3A_153, %dma_wait3A_154] : memref<10000x128xf32, #tpu.memory_space<hbm>> -> memref<10000x128xf32, #tpu.memory_space<hbm>>
        tpu.wait_indirect_dma semaphore(%arg13 : memref<!tpu.dma_semaphore, #tpu.memory_space<semaphore_mem>>) src(%dma_wait3A_155 : memref<10000x128xf32, #tpu.memory_space<hbm>>) dst(%arg10 : memref<128x128xf32, #tpu.memory_space<vmem>>)
        %run_scoped3A_156 = arith.constant 5 : i32
        "tpu.region"() ({
          %run_scoped3A_197 = tpu.sem_alloc : memref<!tpu.dma_semaphore, #tpu.memory_space<semaphore_mem>>
          %dma_start3A_198 = arith.constant 0 : i32
          %dma_start3A_199 = tpu.memref_slice %arg8[%run_scoped3A_156, %dma_start3A_198] : memref<8x128xi32, #tpu.memory_space<vmem>> -> memref<1x128xi32, #tpu.memory_space<vmem>>
          %dma_start3A_200 = tpu.memref_squeeze %dma_start3A_199 : memref<1x128xi32, #tpu.memory_space<vmem>> -> memref<128xi32, #tpu.memory_space<vmem>>
          %dma_start3A_201 = arith.constant 0 : i32
          %dma_start3A_202 = arith.constant 0 : i32
          %dma_start3A_203 = tpu.memref_slice %arg11[%dma_start3A_201, %dma_start3A_202] : memref<10240x128xf32, #tpu.memory_space<vmem_shared>> -> memref<10240x128xf32, #tpu.memory_space<vmem_shared>>
          tpu.enqueue_indirect_dma source(%arg10 : memref<128x128xf32, #tpu.memory_space<vmem>>) target(%dma_start3A_203 : memref<10240x128xf32, #tpu.memory_space<vmem_shared>>) offsets(%dma_start3A_200 : memref<128xi32, #tpu.memory_space<vmem>>) semaphore(%run_scoped3A_197 : memref<!tpu.dma_semaphore, #tpu.memory_space<semaphore_mem>>) {add = true}
          %dma_wait3A_204 = arith.constant 0 : i32
          %dma_wait3A_205 = tpu.memref_slice %arg8[%run_scoped3A_156, %dma_wait3A_204] : memref<8x128xi32, #tpu.memory_space<vmem>> -> memref<1x128xi32, #tpu.memory_space<vmem>>
          %dma_wait3A_206 = tpu.memref_squeeze %dma_wait3A_205 : memref<1x128xi32, #tpu.memory_space<vmem>> -> memref<128xi32, #tpu.memory_space<vmem>>
          %dma_wait3A_207 = arith.constant 0 : i32
          %dma_wait3A_208 = arith.constant 0 : i32
          %dma_wait3A_209 = tpu.memref_slice %arg11[%dma_wait3A_207, %dma_wait3A_208] : memref<10240x128xf32, #tpu.memory_space<vmem_shared>> -> memref<10240x128xf32, #tpu.memory_space<vmem_shared>>
          tpu.wait_indirect_dma semaphore(%run_scoped3A_197 : memref<!tpu.dma_semaphore, #tpu.memory_space<semaphore_mem>>) src(%arg10 : memref<128x128xf32, #tpu.memory_space<vmem>>) dst(%dma_wait3A_209 : memref<10240x128xf32, #tpu.memory_space<vmem_shared>>)
          tpu.yield
        }) : () -> ()
        %add3A_157 = arith.constant 2 : i32
        %add3A_158 = arith.addi %add3A_149, %add3A_157 : i32
        %lt3A_159 = arith.cmpi slt, %add3A_158, %min3A_22 : i32
        %convert_element_type3A_160 = arith.extui %lt3A_159 : i1 to i32
        %cond3A_161 = arith.constant 0 : i32
        %cond3A_162 = arith.cmpi ne, %convert_element_type3A_160, %cond3A_161 : i32
        scf.if %cond3A_162 {
          %add3A_197 = arith.constant 2 : i32
          %add3A_198 = arith.addi %add3A_149, %add3A_197 : i32
          %dma_start3A_199 = arith.constant 0 : i32
          %dma_start3A_200 = tpu.memref_slice %arg7[%add3A_198, %dma_start3A_199] : memref<64x128xi32, #tpu.memory_space<vmem>> -> memref<1x128xi32, #tpu.memory_space<vmem>>
          %dma_start3A_201 = tpu.memref_squeeze %dma_start3A_200 : memref<1x128xi32, #tpu.memory_space<vmem>> -> memref<128xi32, #tpu.memory_space<vmem>>
          %dma_start3A_202 = arith.constant 0 : i32
          %dma_start3A_203 = arith.constant 0 : i32
          %dma_start3A_204 = tpu.memref_slice %arg2[%dma_start3A_202, %dma_start3A_203] : memref<10000x128xf32, #tpu.memory_space<hbm>> -> memref<10000x128xf32, #tpu.memory_space<hbm>>
          tpu.enqueue_indirect_dma source(%dma_start3A_204 : memref<10000x128xf32, #tpu.memory_space<hbm>>) target(%arg10 : memref<128x128xf32, #tpu.memory_space<vmem>>) offsets(%dma_start3A_201 : memref<128xi32, #tpu.memory_space<vmem>>) semaphore(%arg13 : memref<!tpu.dma_semaphore, #tpu.memory_space<semaphore_mem>>)
        } else {
        }
        %mul3A_163 = arith.constant 8 : i32
        %mul3A_164 = arith.muli %while3A_62, %mul3A_163 : i32
        %add3A_165 = arith.constant 6 : i32
        %add3A_166 = arith.addi %mul3A_164, %add3A_165 : i32
        %dma_wait3A_167 = arith.constant 0 : i32
        %dma_wait3A_168 = tpu.memref_slice %arg7[%add3A_166, %dma_wait3A_167] : memref<64x128xi32, #tpu.memory_space<vmem>> -> memref<1x128xi32, #tpu.memory_space<vmem>>
        %dma_wait3A_169 = tpu.memref_squeeze %dma_wait3A_168 : memref<1x128xi32, #tpu.memory_space<vmem>> -> memref<128xi32, #tpu.memory_space<vmem>>
        %dma_wait3A_170 = arith.constant 0 : i32
        %dma_wait3A_171 = arith.constant 0 : i32
        %dma_wait3A_172 = tpu.memref_slice %arg2[%dma_wait3A_170, %dma_wait3A_171] : memref<10000x128xf32, #tpu.memory_space<hbm>> -> memref<10000x128xf32, #tpu.memory_space<hbm>>
        tpu.wait_indirect_dma semaphore(%arg12 : memref<!tpu.dma_semaphore, #tpu.memory_space<semaphore_mem>>) src(%dma_wait3A_172 : memref<10000x128xf32, #tpu.memory_space<hbm>>) dst(%arg9 : memref<128x128xf32, #tpu.memory_space<vmem>>)
        %run_scoped3A_173 = arith.constant 6 : i32
        "tpu.region"() ({
          %run_scoped3A_197 = tpu.sem_alloc : memref<!tpu.dma_semaphore, #tpu.memory_space<semaphore_mem>>
          %dma_start3A_198 = arith.constant 0 : i32
          %dma_start3A_199 = tpu.memref_slice %arg8[%run_scoped3A_173, %dma_start3A_198] : memref<8x128xi32, #tpu.memory_space<vmem>> -> memref<1x128xi32, #tpu.memory_space<vmem>>
          %dma_start3A_200 = tpu.memref_squeeze %dma_start3A_199 : memref<1x128xi32, #tpu.memory_space<vmem>> -> memref<128xi32, #tpu.memory_space<vmem>>
          %dma_start3A_201 = arith.constant 0 : i32
          %dma_start3A_202 = arith.constant 0 : i32
          %dma_start3A_203 = tpu.memref_slice %arg11[%dma_start3A_201, %dma_start3A_202] : memref<10240x128xf32, #tpu.memory_space<vmem_shared>> -> memref<10240x128xf32, #tpu.memory_space<vmem_shared>>
          tpu.enqueue_indirect_dma source(%arg9 : memref<128x128xf32, #tpu.memory_space<vmem>>) target(%dma_start3A_203 : memref<10240x128xf32, #tpu.memory_space<vmem_shared>>) offsets(%dma_start3A_200 : memref<128xi32, #tpu.memory_space<vmem>>) semaphore(%run_scoped3A_197 : memref<!tpu.dma_semaphore, #tpu.memory_space<semaphore_mem>>) {add = true}
          %dma_wait3A_204 = arith.constant 0 : i32
          %dma_wait3A_205 = tpu.memref_slice %arg8[%run_scoped3A_173, %dma_wait3A_204] : memref<8x128xi32, #tpu.memory_space<vmem>> -> memref<1x128xi32, #tpu.memory_space<vmem>>
          %dma_wait3A_206 = tpu.memref_squeeze %dma_wait3A_205 : memref<1x128xi32, #tpu.memory_space<vmem>> -> memref<128xi32, #tpu.memory_space<vmem>>
          %dma_wait3A_207 = arith.constant 0 : i32
          %dma_wait3A_208 = arith.constant 0 : i32
          %dma_wait3A_209 = tpu.memref_slice %arg11[%dma_wait3A_207, %dma_wait3A_208] : memref<10240x128xf32, #tpu.memory_space<vmem_shared>> -> memref<10240x128xf32, #tpu.memory_space<vmem_shared>>
          tpu.wait_indirect_dma semaphore(%run_scoped3A_197 : memref<!tpu.dma_semaphore, #tpu.memory_space<semaphore_mem>>) src(%arg9 : memref<128x128xf32, #tpu.memory_space<vmem>>) dst(%dma_wait3A_209 : memref<10240x128xf32, #tpu.memory_space<vmem_shared>>)
          tpu.yield
        }) : () -> ()
        %add3A_174 = arith.constant 2 : i32
        %add3A_175 = arith.addi %add3A_166, %add3A_174 : i32
        %lt3A_176 = arith.cmpi slt, %add3A_175, %min3A_22 : i32
        %convert_element_type3A_177 = arith.extui %lt3A_176 : i1 to i32
        %cond3A_178 = arith.constant 0 : i32
        %cond3A_179 = arith.cmpi ne, %convert_element_type3A_177, %cond3A_178 : i32
        scf.if %cond3A_179 {
          %add3A_197 = arith.constant 2 : i32
          %add3A_198 = arith.addi %add3A_166, %add3A_197 : i32
          %dma_start3A_199 = arith.constant 0 : i32
          %dma_start3A_200 = tpu.memref_slice %arg7[%add3A_198, %dma_start3A_199] : memref<64x128xi32, #tpu.memory_space<vmem>> -> memref<1x128xi32, #tpu.memory_space<vmem>>
          %dma_start3A_201 = tpu.memref_squeeze %dma_start3A_200 : memref<1x128xi32, #tpu.memory_space<vmem>> -> memref<128xi32, #tpu.memory_space<vmem>>
          %dma_start3A_202 = arith.constant 0 : i32
          %dma_start3A_203 = arith.constant 0 : i32
          %dma_start3A_204 = tpu.memref_slice %arg2[%dma_start3A_202, %dma_start3A_203] : memref<10000x128xf32, #tpu.memory_space<hbm>> -> memref<10000x128xf32, #tpu.memory_space<hbm>>
          tpu.enqueue_indirect_dma source(%dma_start3A_204 : memref<10000x128xf32, #tpu.memory_space<hbm>>) target(%arg9 : memref<128x128xf32, #tpu.memory_space<vmem>>) offsets(%dma_start3A_201 : memref<128xi32, #tpu.memory_space<vmem>>) semaphore(%arg12 : memref<!tpu.dma_semaphore, #tpu.memory_space<semaphore_mem>>)
        } else {
        }
        %mul3A_180 = arith.constant 8 : i32
        %mul3A_181 = arith.muli %while3A_62, %mul3A_180 : i32
        %add3A_182 = arith.constant 7 : i32
        %add3A_183 = arith.addi %mul3A_181, %add3A_182 : i32
        %dma_wait3A_184 = arith.constant 0 : i32
        %dma_wait3A_185 = tpu.memref_slice %arg7[%add3A_183, %dma_wait3A_184] : memref<64x128xi32, #tpu.memory_space<vmem>> -> memref<1x128xi32, #tpu.memory_space<vmem>>
        %dma_wait3A_186 = tpu.memref_squeeze %dma_wait3A_185 : memref<1x128xi32, #tpu.memory_space<vmem>> -> memref<128xi32, #tpu.memory_space<vmem>>
        %dma_wait3A_187 = arith.constant 0 : i32
        %dma_wait3A_188 = arith.constant 0 : i32
        %dma_wait3A_189 = tpu.memref_slice %arg2[%dma_wait3A_187, %dma_wait3A_188] : memref<10000x128xf32, #tpu.memory_space<hbm>> -> memref<10000x128xf32, #tpu.memory_space<hbm>>
        tpu.wait_indirect_dma semaphore(%arg13 : memref<!tpu.dma_semaphore, #tpu.memory_space<semaphore_mem>>) src(%dma_wait3A_189 : memref<10000x128xf32, #tpu.memory_space<hbm>>) dst(%arg10 : memref<128x128xf32, #tpu.memory_space<vmem>>)
        %run_scoped3A_190 = arith.constant 7 : i32
        "tpu.region"() ({
          %run_scoped3A_197 = tpu.sem_alloc : memref<!tpu.dma_semaphore, #tpu.memory_space<semaphore_mem>>
          %dma_start3A_198 = arith.constant 0 : i32
          %dma_start3A_199 = tpu.memref_slice %arg8[%run_scoped3A_190, %dma_start3A_198] : memref<8x128xi32, #tpu.memory_space<vmem>> -> memref<1x128xi32, #tpu.memory_space<vmem>>
          %dma_start3A_200 = tpu.memref_squeeze %dma_start3A_199 : memref<1x128xi32, #tpu.memory_space<vmem>> -> memref<128xi32, #tpu.memory_space<vmem>>
          %dma_start3A_201 = arith.constant 0 : i32
          %dma_start3A_202 = arith.constant 0 : i32
          %dma_start3A_203 = tpu.memref_slice %arg11[%dma_start3A_201, %dma_start3A_202] : memref<10240x128xf32, #tpu.memory_space<vmem_shared>> -> memref<10240x128xf32, #tpu.memory_space<vmem_shared>>
          tpu.enqueue_indirect_dma source(%arg10 : memref<128x128xf32, #tpu.memory_space<vmem>>) target(%dma_start3A_203 : memref<10240x128xf32, #tpu.memory_space<vmem_shared>>) offsets(%dma_start3A_200 : memref<128xi32, #tpu.memory_space<vmem>>) semaphore(%run_scoped3A_197 : memref<!tpu.dma_semaphore, #tpu.memory_space<semaphore_mem>>) {add = true}
          %dma_wait3A_204 = arith.constant 0 : i32
          %dma_wait3A_205 = tpu.memref_slice %arg8[%run_scoped3A_190, %dma_wait3A_204] : memref<8x128xi32, #tpu.memory_space<vmem>> -> memref<1x128xi32, #tpu.memory_space<vmem>>
          %dma_wait3A_206 = tpu.memref_squeeze %dma_wait3A_205 : memref<1x128xi32, #tpu.memory_space<vmem>> -> memref<128xi32, #tpu.memory_space<vmem>>
          %dma_wait3A_207 = arith.constant 0 : i32
          %dma_wait3A_208 = arith.constant 0 : i32
          %dma_wait3A_209 = tpu.memref_slice %arg11[%dma_wait3A_207, %dma_wait3A_208] : memref<10240x128xf32, #tpu.memory_space<vmem_shared>> -> memref<10240x128xf32, #tpu.memory_space<vmem_shared>>
          tpu.wait_indirect_dma semaphore(%run_scoped3A_197 : memref<!tpu.dma_semaphore, #tpu.memory_space<semaphore_mem>>) src(%arg10 : memref<128x128xf32, #tpu.memory_space<vmem>>) dst(%dma_wait3A_209 : memref<10240x128xf32, #tpu.memory_space<vmem_shared>>)
          tpu.yield
        }) : () -> ()
        %add3A_191 = arith.constant 2 : i32
        %add3A_192 = arith.addi %add3A_183, %add3A_191 : i32
        %lt3A_193 = arith.cmpi slt, %add3A_192, %min3A_22 : i32
        %convert_element_type3A_194 = arith.extui %lt3A_193 : i1 to i32
        %cond3A_195 = arith.constant 0 : i32
        %cond3A_196 = arith.cmpi ne, %convert_element_type3A_194, %cond3A_195 : i32
        scf.if %cond3A_196 {
          %add3A_197 = arith.constant 2 : i32
          %add3A_198 = arith.addi %add3A_183, %add3A_197 : i32
          %dma_start3A_199 = arith.constant 0 : i32
          %dma_start3A_200 = tpu.memref_slice %arg7[%add3A_198, %dma_start3A_199] : memref<64x128xi32, #tpu.memory_space<vmem>> -> memref<1x128xi32, #tpu.memory_space<vmem>>
          %dma_start3A_201 = tpu.memref_squeeze %dma_start3A_200 : memref<1x128xi32, #tpu.memory_space<vmem>> -> memref<128xi32, #tpu.memory_space<vmem>>
          %dma_start3A_202 = arith.constant 0 : i32
          %dma_start3A_203 = arith.constant 0 : i32
          %dma_start3A_204 = tpu.memref_slice %arg2[%dma_start3A_202, %dma_start3A_203] : memref<10000x128xf32, #tpu.memory_space<hbm>> -> memref<10000x128xf32, #tpu.memory_space<hbm>>
          tpu.enqueue_indirect_dma source(%dma_start3A_204 : memref<10000x128xf32, #tpu.memory_space<hbm>>) target(%arg10 : memref<128x128xf32, #tpu.memory_space<vmem>>) offsets(%dma_start3A_201 : memref<128xi32, #tpu.memory_space<vmem>>) semaphore(%arg13 : memref<!tpu.dma_semaphore, #tpu.memory_space<semaphore_mem>>)
        } else {
        }
      }
    }
    %scan3A_9 = arith.constant 2 : i32
    %barrier3A_10 = arith.constant 0 : index
    tpu.barrier barrier_id(%barrier3A_10)
    %mul3A_11 = arith.constant 640 : i32
    %mul3A_12 = arith.muli %arg1, %mul3A_11 : i32
    %mul3A_13 = arith.constant 640 : i32
    %mul3A_14 = arith.muli %arg1, %mul3A_13 : i32
    "tpu.region"() ({
      %run_scoped3A = tpu.sem_alloc : memref<!tpu.dma_semaphore, #tpu.memory_space<semaphore_mem>>
      %dma_start3A = arith.constant 0 : i32
      %dma_start3A_15 = tpu.memref_slice %arg6[%arg0, %mul3A_14, %dma_start3A] : memref<2x10240x128xf32, #tpu.memory_space<hbm>> -> memref<1x640x128xf32, #tpu.memory_space<hbm>>
      %dma_start3A_16 = tpu.memref_squeeze %dma_start3A_15 : memref<1x640x128xf32, #tpu.memory_space<hbm>> -> memref<640x128xf32, #tpu.memory_space<hbm>>
      %dma_start3A_17 = arith.constant 0 : i32
      %dma_start3A_18 = tpu.memref_slice %arg11[%mul3A_12, %dma_start3A_17] : memref<10240x128xf32, #tpu.memory_space<vmem_shared>> -> memref<640x128xf32, #tpu.memory_space<vmem_shared>>
      tpu.enqueue_dma source(%dma_start3A_18 : memref<640x128xf32, #tpu.memory_space<vmem_shared>>) target(%dma_start3A_16 : memref<640x128xf32, #tpu.memory_space<hbm>>) target_semaphore(%run_scoped3A : memref<!tpu.dma_semaphore, #tpu.memory_space<semaphore_mem>>)
      %dma_wait3A = arith.constant 0 : i32
      %dma_wait3A_19 = tpu.memref_slice %arg6[%arg0, %mul3A_14, %dma_wait3A] : memref<2x10240x128xf32, #tpu.memory_space<hbm>> -> memref<1x640x128xf32, #tpu.memory_space<hbm>>
      %dma_wait3A_20 = tpu.memref_squeeze %dma_wait3A_19 : memref<1x640x128xf32, #tpu.memory_space<hbm>> -> memref<640x128xf32, #tpu.memory_space<hbm>>
      %dma_wait3A_21 = arith.constant 0 : i32
      %dma_wait3A_22 = tpu.memref_slice %arg11[%mul3A_12, %dma_wait3A_21] : memref<10240x128xf32, #tpu.memory_space<vmem_shared>> -> memref<640x128xf32, #tpu.memory_space<vmem_shared>>
      tpu.wait_dma2 semaphore(%run_scoped3A : memref<!tpu.dma_semaphore, #tpu.memory_space<semaphore_mem>>) src(%dma_wait3A_22 : memref<640x128xf32, #tpu.memory_space<vmem_shared>>) dst(%dma_wait3A_20 : memref<640x128xf32, #tpu.memory_space<hbm>>)
      tpu.yield
    }) : () -> ()
    return
  }
}

module attributes {stable_mosaic.version = 14 : i64} {
  func.func @body(%arg0: i32, %arg1: memref<2x1000x128xf32, #tpu.memory_space<vmem>>, %arg2: memref<1000x128xf32, #tpu.memory_space<vmem>>, %arg3: memref<128x128xf32, #tpu.memory_space<vmem>>, %arg4: memref<1000x128xf32, #tpu.memory_space<vmem>>, %arg5: memref<1000x128xf32, #tpu.memory_space<vmem>>) attributes {dimension_semantics = [#tpu.dimension_semantics<arbitrary>], iteration_bounds = array<i64: 10>, scalar_prefetch = 0 : i64, scratch_operands = 0 : i64, tpu.core_type = #tpu.core_type<tc>, window_params = [{transform_indices = @transform_0, window_bounds = array<i64: 2, 1000, 128>}, {transform_indices = @transform_1, window_bounds = array<i64: 1000, 128>}, {pipeline_mode = #tpu.pipeline_mode<synchronous>, transform_indices = @transform_2, window_bounds = array<i64: 128, 128>}, {transform_indices = @transform_3, window_bounds = array<i64: 1000, 128>}, {transform_indices = @transform_4, window_bounds = array<i64: 1000, 128>}]} {
    %get3A = arith.constant 0 : index
    %get3A_0 = arith.constant 0 : index
    %get3A_1 = arith.constant 0 : index
    %get3A_2 = vector.load %arg1[%get3A, %get3A_0, %get3A_1] : memref<2x1000x128xf32, #tpu.memory_space<vmem>>, vector<2x1000x128xf32>
    %slice3A = vector.extract_strided_slice %get3A_2 {offsets = [0, 0, 0], sizes = [1, 1000, 1], strides = [1, 1, 1]} : vector<2x1000x128xf32> to vector<1x1000x1xf32>
    %squeeze3A = vector.shape_cast %slice3A : vector<1x1000x1xf32> to vector<1000x1xf32>
    %slice3A_3 = vector.extract_strided_slice %get3A_2 {offsets = [1, 0, 0], sizes = [1, 1000, 1], strides = [1, 1, 1]} : vector<2x1000x128xf32> to vector<1x1000x1xf32>
    %squeeze3A_4 = vector.shape_cast %slice3A_3 : vector<1x1000x1xf32> to vector<1000x1xf32>
    %add3A = arith.addf %squeeze3A, %squeeze3A_4 : vector<1000x1xf32>
    %add3A_5 = arith.constant 1.000000e+00 : f32
    %add3A_6 = vector.broadcast %add3A_5 : f32 to vector<1000x1xf32>
    %add3A_7 = arith.addf %add3A, %add3A_6 : vector<1000x1xf32>
    %rsqrt3A = math.rsqrt %add3A_7 : vector<1000x1xf32>
    %broadcast_in_dim3A = vector.shape_cast %rsqrt3A : vector<1000x1xf32> to vector<1000x1xf32>
    %broadcast_in_dim3A_8 = vector.broadcast %broadcast_in_dim3A : vector<1000x1xf32> to vector<1000x128xf32>
    %swap3A = arith.constant 0 : index
    %swap3A_9 = arith.constant 0 : index
    %swap3A_10 = vector.load %arg4[%swap3A, %swap3A_9] : memref<1000x128xf32, #tpu.memory_space<vmem>>, vector<1000x128xf32>
    tpu.vector_store %arg4[%swap3A, %swap3A_9], %broadcast_in_dim3A_8 {strides = array<i32>} : memref<1000x128xf32, #tpu.memory_space<vmem>>, vector<1000x128xf32>,
    %get3A_11 = arith.constant 0 : index
    %get3A_12 = arith.constant 0 : index
    %get3A_13 = vector.load %arg2[%get3A_11, %get3A_12] : memref<1000x128xf32, #tpu.memory_space<vmem>>, vector<1000x128xf32>
    %get3A_14 = arith.constant 0 : index
    %get3A_15 = arith.constant 0 : index
    %get3A_16 = vector.load %arg3[%get3A_14, %get3A_15] : memref<128x128xf32, #tpu.memory_space<vmem>>, vector<128x128xf32>
    %dot_general3A = arith.constant dense<0.000000e+00> : vector<1000x128xf32>
    %dot_general3A_17 = tpu.matmul %get3A_13, %get3A_16, %dot_general3A {dimension_numbers = #tpu.dot_dimension_numbers<[1], [0], [0], [1], [0, 0, 1, 1], [], []>, transpose_lhs_hint = false} : vector<1000x128xf32>, vector<128x128xf32>, vector<1000x128xf32> -> vector<1000x128xf32>
    %mul3A = arith.mulf %dot_general3A_17, %broadcast_in_dim3A_8 : vector<1000x128xf32>
    %swap3A_18 = arith.constant 0 : index
    %swap3A_19 = arith.constant 0 : index
    %swap3A_20 = vector.load %arg5[%swap3A_18, %swap3A_19] : memref<1000x128xf32, #tpu.memory_space<vmem>>, vector<1000x128xf32>
    tpu.vector_store %arg5[%swap3A_18, %swap3A_19], %mul3A {strides = array<i32>} : memref<1000x128xf32, #tpu.memory_space<vmem>>, vector<1000x128xf32>,
    return
  }
  func.func @transform_0(%arg0: i32) -> (i32, i32, i32) {
    %c0_i32 = arith.constant 0 : i32
    %c0_i32_0 = arith.constant 0 : i32
    %c0_i32_1 = arith.constant 0 : i32
    return %c0_i32, %arg0, %c0_i32_0 : i32, i32, i32
  }
  func.func @transform_1(%arg0: i32) -> (i32, i32) {
    %c0_i32 = arith.constant 0 : i32
    %c0_i32_0 = arith.constant 0 : i32
    return %arg0, %c0_i32 : i32, i32
  }
  func.func @transform_2(%arg0: i32) -> (i32, i32) {
    %c0_i32 = arith.constant 0 : i32
    %c0_i32_0 = arith.constant 0 : i32
    %c0_i32_1 = arith.constant 0 : i32
    return %c0_i32, %c0_i32_0 : i32, i32
  }
  func.func @transform_3(%arg0: i32) -> (i32, i32) {
    %c0_i32 = arith.constant 0 : i32
    %c0_i32_0 = arith.constant 0 : i32
    return %arg0, %c0_i32 : i32, i32
  }
  func.func @transform_4(%arg0: i32) -> (i32, i32) {
    %c0_i32 = arith.constant 0 : i32
    %c0_i32_0 = arith.constant 0 : i32
    return %arg0, %c0_i32 : i32, i32
  }
}

module attributes {stable_mosaic.version = 14 : i64} {
  func.func @body(%arg0: i32, %arg1: memref<2x1000x128xf32, #tpu.memory_space<vmem>>, %arg2: memref<1000x128xf32, #tpu.memory_space<vmem>>, %arg3: memref<1000x128xf32, #tpu.memory_space<vmem>>, %arg4: memref<1x128xf32, #tpu.memory_space<vmem>>, %arg5: memref<128x128xf32, #tpu.memory_space<vmem>>, %arg6: memref<1000x128xf32, #tpu.memory_space<vmem>>) attributes {dimension_semantics = [#tpu.dimension_semantics<arbitrary>], iteration_bounds = array<i64: 10>, scalar_prefetch = 0 : i64, scratch_operands = 0 : i64, tpu.core_type = #tpu.core_type<tc>, window_params = [{transform_indices = @transform_0, window_bounds = array<i64: 2, 1000, 128>}, {transform_indices = @transform_1, window_bounds = array<i64: 1000, 128>}, {transform_indices = @transform_2, window_bounds = array<i64: 1000, 128>}, {pipeline_mode = #tpu.pipeline_mode<synchronous>, transform_indices = @transform_3, window_bounds = array<i64: 1, 128>}, {pipeline_mode = #tpu.pipeline_mode<synchronous>, transform_indices = @transform_4, window_bounds = array<i64: 128, 128>}, {transform_indices = @transform_5, window_bounds = array<i64: 1000, 128>}]} {
    %get3A = arith.constant 0 : index
    %get3A_0 = arith.constant 0 : index
    %get3A_1 = arith.constant 0 : index
    %get3A_2 = vector.load %arg1[%get3A, %get3A_0, %get3A_1] : memref<2x1000x128xf32, #tpu.memory_space<vmem>>, vector<1x1000x128xf32>
    %get3A_3 = vector.shape_cast %get3A_2 : vector<1x1000x128xf32> to vector<1000x128xf32>
    %get3A_4 = arith.constant 1 : index
    %get3A_5 = arith.constant 0 : index
    %get3A_6 = arith.constant 0 : index
    %get3A_7 = vector.load %arg1[%get3A_4, %get3A_5, %get3A_6] : memref<2x1000x128xf32, #tpu.memory_space<vmem>>, vector<1x1000x128xf32>
    %get3A_8 = vector.shape_cast %get3A_7 : vector<1x1000x128xf32> to vector<1000x128xf32>
    %add3A = arith.addf %get3A_3, %get3A_8 : vector<1000x128xf32>
    %get3A_9 = arith.constant 0 : index
    %get3A_10 = arith.constant 0 : index
    %get3A_11 = vector.load %arg2[%get3A_9, %get3A_10] : memref<1000x128xf32, #tpu.memory_space<vmem>>, vector<1000x128xf32>
    %add3A_12 = arith.addf %add3A, %get3A_11 : vector<1000x128xf32>
    %get3A_13 = arith.constant 0 : index
    %get3A_14 = arith.constant 0 : index
    %get3A_15 = vector.load %arg3[%get3A_13, %get3A_14] : memref<1000x128xf32, #tpu.memory_space<vmem>>, vector<1000x128xf32>
    %mul3A = arith.mulf %get3A_15, %add3A_12 : vector<1000x128xf32>
    %get3A_16 = arith.constant 0 : index
    %get3A_17 = arith.constant 0 : index
    %get3A_18 = vector.load %arg4[%get3A_16, %get3A_17] : memref<1x128xf32, #tpu.memory_space<vmem>>, vector<1x128xf32>
    %add3A_19 = vector.broadcast %get3A_18 : vector<1x128xf32> to vector<1000x128xf32>
    %add3A_20 = arith.addf %mul3A, %add3A_19 : vector<1000x128xf32>
    %max3A = arith.constant 0.000000e+00 : f32
    %max3A_21 = vector.broadcast %max3A : f32 to vector<1000x128xf32>
    %max3A_22 = arith.maximumf %add3A_20, %max3A_21 : vector<1000x128xf32>
    %get3A_23 = arith.constant 0 : index
    %get3A_24 = arith.constant 0 : index
    %get3A_25 = vector.load %arg5[%get3A_23, %get3A_24] : memref<128x128xf32, #tpu.memory_space<vmem>>, vector<128x128xf32>
    %dot_general3A = arith.constant dense<0.000000e+00> : vector<1000x128xf32>
    %dot_general3A_26 = tpu.matmul %max3A_22, %get3A_25, %dot_general3A {dimension_numbers = #tpu.dot_dimension_numbers<[1], [0], [0], [1], [0, 0, 1, 1], [], []>, transpose_lhs_hint = false} : vector<1000x128xf32>, vector<128x128xf32>, vector<1000x128xf32> -> vector<1000x128xf32>
    %get3A_27 = arith.constant 0 : index
    %get3A_28 = arith.constant 0 : index
    %get3A_29 = vector.load %arg3[%get3A_27, %get3A_28] : memref<1000x128xf32, #tpu.memory_space<vmem>>, vector<1000x128xf32>
    %mul3A_30 = arith.mulf %dot_general3A_26, %get3A_29 : vector<1000x128xf32>
    %swap3A = arith.constant 0 : index
    %swap3A_31 = arith.constant 0 : index
    %swap3A_32 = vector.load %arg6[%swap3A, %swap3A_31] : memref<1000x128xf32, #tpu.memory_space<vmem>>, vector<1000x128xf32>
    tpu.vector_store %arg6[%swap3A, %swap3A_31], %mul3A_30 {strides = array<i32>} : memref<1000x128xf32, #tpu.memory_space<vmem>>, vector<1000x128xf32>,
    return
  }
  func.func @transform_0(%arg0: i32) -> (i32, i32, i32) {
    %c0_i32 = arith.constant 0 : i32
    %c0_i32_0 = arith.constant 0 : i32
    %c0_i32_1 = arith.constant 0 : i32
    return %c0_i32, %arg0, %c0_i32_0 : i32, i32, i32
  }
  func.func @transform_1(%arg0: i32) -> (i32, i32) {
    %c0_i32 = arith.constant 0 : i32
    %c0_i32_0 = arith.constant 0 : i32
    return %arg0, %c0_i32 : i32, i32
  }
  func.func @transform_2(%arg0: i32) -> (i32, i32) {
    %c0_i32 = arith.constant 0 : i32
    %c0_i32_0 = arith.constant 0 : i32
    return %arg0, %c0_i32 : i32, i32
  }
  func.func @transform_3(%arg0: i32) -> (i32, i32) {
    %c0_i32 = arith.constant 0 : i32
    %c0_i32_0 = arith.constant 0 : i32
    %c0_i32_1 = arith.constant 0 : i32
    return %c0_i32, %c0_i32_0 : i32, i32
  }
  func.func @transform_4(%arg0: i32) -> (i32, i32) {
    %c0_i32 = arith.constant 0 : i32
    %c0_i32_0 = arith.constant 0 : i32
    %c0_i32_1 = arith.constant 0 : i32
    return %c0_i32, %c0_i32_0 : i32, i32
  }
  func.func @transform_5(%arg0: i32) -> (i32, i32) {
    %c0_i32 = arith.constant 0 : i32
    %c0_i32_0 = arith.constant 0 : i32
    return %arg0, %c0_i32 : i32, i32
  }
}

module attributes {stable_mosaic.version = 14 : i64} {
  func.func @body(%arg0: i32, %arg1: memref<2x1000x128xf32, #tpu.memory_space<vmem>>, %arg2: memref<1000x128xf32, #tpu.memory_space<vmem>>, %arg3: memref<1000x128xf32, #tpu.memory_space<vmem>>, %arg4: memref<1x128xf32, #tpu.memory_space<vmem>>, %arg5: memref<128x128xf32, #tpu.memory_space<vmem>>, %arg6: memref<1x128xf32, #tpu.memory_space<vmem>>, %arg7: memref<1000x128xf32, #tpu.memory_space<vmem>>) attributes {dimension_semantics = [#tpu.dimension_semantics<arbitrary>], iteration_bounds = array<i64: 10>, scalar_prefetch = 0 : i64, scratch_operands = 0 : i64, tpu.core_type = #tpu.core_type<tc>, window_params = [{transform_indices = @transform_0, window_bounds = array<i64: 2, 1000, 128>}, {transform_indices = @transform_1, window_bounds = array<i64: 1000, 128>}, {transform_indices = @transform_2, window_bounds = array<i64: 1000, 128>}, {pipeline_mode = #tpu.pipeline_mode<synchronous>, transform_indices = @transform_3, window_bounds = array<i64: 1, 128>}, {pipeline_mode = #tpu.pipeline_mode<synchronous>, transform_indices = @transform_4, window_bounds = array<i64: 128, 128>}, {pipeline_mode = #tpu.pipeline_mode<synchronous>, transform_indices = @transform_5, window_bounds = array<i64: 1, 128>}, {transform_indices = @transform_6, window_bounds = array<i64: 1000, 128>}]} {
    %get3A = arith.constant 0 : index
    %get3A_0 = arith.constant 0 : index
    %get3A_1 = arith.constant 0 : index
    %get3A_2 = vector.load %arg1[%get3A, %get3A_0, %get3A_1] : memref<2x1000x128xf32, #tpu.memory_space<vmem>>, vector<1x1000x128xf32>
    %get3A_3 = vector.shape_cast %get3A_2 : vector<1x1000x128xf32> to vector<1000x128xf32>
    %get3A_4 = arith.constant 1 : index
    %get3A_5 = arith.constant 0 : index
    %get3A_6 = arith.constant 0 : index
    %get3A_7 = vector.load %arg1[%get3A_4, %get3A_5, %get3A_6] : memref<2x1000x128xf32, #tpu.memory_space<vmem>>, vector<1x1000x128xf32>
    %get3A_8 = vector.shape_cast %get3A_7 : vector<1x1000x128xf32> to vector<1000x128xf32>
    %add3A = arith.addf %get3A_3, %get3A_8 : vector<1000x128xf32>
    %get3A_9 = arith.constant 0 : index
    %get3A_10 = arith.constant 0 : index
    %get3A_11 = vector.load %arg2[%get3A_9, %get3A_10] : memref<1000x128xf32, #tpu.memory_space<vmem>>, vector<1000x128xf32>
    %add3A_12 = arith.addf %add3A, %get3A_11 : vector<1000x128xf32>
    %get3A_13 = arith.constant 0 : index
    %get3A_14 = arith.constant 0 : index
    %get3A_15 = vector.load %arg3[%get3A_13, %get3A_14] : memref<1000x128xf32, #tpu.memory_space<vmem>>, vector<1000x128xf32>
    %mul3A = arith.mulf %get3A_15, %add3A_12 : vector<1000x128xf32>
    %get3A_16 = arith.constant 0 : index
    %get3A_17 = arith.constant 0 : index
    %get3A_18 = vector.load %arg4[%get3A_16, %get3A_17] : memref<1x128xf32, #tpu.memory_space<vmem>>, vector<1x128xf32>
    %add3A_19 = vector.broadcast %get3A_18 : vector<1x128xf32> to vector<1000x128xf32>
    %add3A_20 = arith.addf %mul3A, %add3A_19 : vector<1000x128xf32>
    %max3A = arith.constant 0.000000e+00 : f32
    %max3A_21 = vector.broadcast %max3A : f32 to vector<1000x128xf32>
    %max3A_22 = arith.maximumf %add3A_20, %max3A_21 : vector<1000x128xf32>
    %get3A_23 = arith.constant 0 : index
    %get3A_24 = arith.constant 0 : index
    %get3A_25 = vector.load %arg5[%get3A_23, %get3A_24] : memref<128x128xf32, #tpu.memory_space<vmem>>, vector<128x128xf32>
    %dot_general3A = arith.constant dense<0.000000e+00> : vector<1000x128xf32>
    %dot_general3A_26 = tpu.matmul %max3A_22, %get3A_25, %dot_general3A {dimension_numbers = #tpu.dot_dimension_numbers<[1], [0], [0], [1], [0, 0, 1, 1], [], []>, transpose_lhs_hint = false} : vector<1000x128xf32>, vector<128x128xf32>, vector<1000x128xf32> -> vector<1000x128xf32>
    %get3A_27 = arith.constant 0 : index
    %get3A_28 = arith.constant 0 : index
    %get3A_29 = vector.load %arg6[%get3A_27, %get3A_28] : memref<1x128xf32, #tpu.memory_space<vmem>>, vector<1x128xf32>
    %add3A_30 = vector.broadcast %get3A_29 : vector<1x128xf32> to vector<1000x128xf32>
    %add3A_31 = arith.addf %dot_general3A_26, %add3A_30 : vector<1000x128xf32>
    %swap3A = arith.constant 0 : index
    %swap3A_32 = arith.constant 0 : index
    %swap3A_33 = vector.load %arg7[%swap3A, %swap3A_32] : memref<1000x128xf32, #tpu.memory_space<vmem>>, vector<1000x128xf32>
    tpu.vector_store %arg7[%swap3A, %swap3A_32], %add3A_31 {strides = array<i32>} : memref<1000x128xf32, #tpu.memory_space<vmem>>, vector<1000x128xf32>,
    return
  }
  func.func @transform_0(%arg0: i32) -> (i32, i32, i32) {
    %c0_i32 = arith.constant 0 : i32
    %c0_i32_0 = arith.constant 0 : i32
    %c0_i32_1 = arith.constant 0 : i32
    return %c0_i32, %arg0, %c0_i32_0 : i32, i32, i32
  }
  func.func @transform_1(%arg0: i32) -> (i32, i32) {
    %c0_i32 = arith.constant 0 : i32
    %c0_i32_0 = arith.constant 0 : i32
    return %arg0, %c0_i32 : i32, i32
  }
  func.func @transform_2(%arg0: i32) -> (i32, i32) {
    %c0_i32 = arith.constant 0 : i32
    %c0_i32_0 = arith.constant 0 : i32
    return %arg0, %c0_i32 : i32, i32
  }
  func.func @transform_3(%arg0: i32) -> (i32, i32) {
    %c0_i32 = arith.constant 0 : i32
    %c0_i32_0 = arith.constant 0 : i32
    %c0_i32_1 = arith.constant 0 : i32
    return %c0_i32, %c0_i32_0 : i32, i32
  }
  func.func @transform_4(%arg0: i32) -> (i32, i32) {
    %c0_i32 = arith.constant 0 : i32
    %c0_i32_0 = arith.constant 0 : i32
    %c0_i32_1 = arith.constant 0 : i32
    return %c0_i32, %c0_i32_0 : i32, i32
  }
  func.func @transform_5(%arg0: i32) -> (i32, i32) {
    %c0_i32 = arith.constant 0 : i32
    %c0_i32_0 = arith.constant 0 : i32
    %c0_i32_1 = arith.constant 0 : i32
    return %c0_i32, %c0_i32_0 : i32, i32
  }
  func.func @transform_6(%arg0: i32) -> (i32, i32) {
    %c0_i32 = arith.constant 0 : i32
    %c0_i32_0 = arith.constant 0 : i32
    return %arg0, %c0_i32 : i32, i32
  }
}

</mosaic_0001>

<sc_bundles>
// kernel: kernel.10.cloned.1.call-start
scs
__scs_entry_jumppad:
0x0: {  	(pc) =	sbr.rel $0x88, $3  }
0x1: {  	(tag) =	ssettag $0x0;
	lr =	simm.s32 $0x1  }
0x2: {  	[smem:$0x3F97] =	sst lr;
	_ =	strace $0xD0000000  }
0x3: {  	_ = 	snop  }
0x4: {  	_ = 	snop  }
0x5: {  	_ = 	snop  }
0x6: {  	_ = 	snop  }
0x7: {  	_ = 	snop  }
__scs_overlays_trampoline_lowered:
0x8: {  	[smem:$0x3FA6] =	sst s0  }
0x9: {  	[smem:$0x3FA7] =	sst s1  }
0xa: {  	[smem:$0x3FA8] =	sst s2  }
0xb: {  	[smem:$0x3FA9] =	sst s3  }
0xc: {  	[smem:$0x3FAA] =	sst s4  }
0xd: {  	[smem:$0x3FAB] =	sst s5  }
0xe: {  	[smem:$0x3FAC] =	sst s6  }
0xf: {  	[smem:$0x3FAD] =	sst s7  }
0x10: {  	[smem:$0x3FAE] =	sst s8  }
0x11: {  	[smem:$0x3FAF] =	sst s9;
	s0 =	simm.s32 @!p0 $0x0  }
0x12: {  	s1 =	sld [smem:$0x3F95];
	s0 =	simm.s32 @p0 $0x1  }
0x13: {  	[smem:$0x3FB0] =	sst s0;
	s0 =	simm.s32 @!p1 $0x0  }
0x14: {  	s2 =	sld [smem:$0x3F94];
	s0 =	simm.s32 @p1 $0x1  }
0x15: {  	[smem:$0x3FB1] =	sst s0;
	s0 =	simm.s32 @!p2 $0x0  }
0x16: {  	s3 =	sld [smem:$0x3FDB];
	s0 =	simm.s32 @p2 $0x1  }
0x17: {  	s4 =	simm.s32 $0x1BF5;
	[smem:$0x3FB3] =	sst s0  }
0x18: {  	s0 =	sld [smem:$0x3F96];
	_ =	swait.ge [sflag:s4], $0x0  }
0x19: {  	s7 =	sld [smem:$0x3F97]  }
0x1a: {  	s8 =	sadd.s32 $0xFFFFE003, lr  }
0x1b: {  	s9 =	sadd.s32 $0xFFFFFEF7, lr;
	s5 =	simm.s32 $0xFFFFFFFF;
	p2 =	slt.u32 s8, $0xFFFFF086  }
0x1c: {  	p1 =	slt.u32 s9, $0xF7A;
	s5 =	simm.s32 @!p2 $0x0  }
0x1d: {  	s5 =	simm.s32 @p1 $0x1;
	p0 =	seq.s32 s7, s2  }
0x1e: {  	s7 =	smul.u32 @!p0 $0xF7A, s2;
	p2 =	seq.s32 @!p0 s5, $0x0  }
0x1f: {  	s9 =	smul.u32 $0xF7A, s1;
	s8 =	simm.s32 @!p0 $0x1BF5;
	p2 =	por !p2, p0  }
0x20: {  	[sflag:s8] =	ssyncset.s32 @!p0 $0xFFFFF086;
	s6 =	sadd.s32 @!p0 s3, s7;
	s7 =	simm.s32 @!p0 $0x108  }
0x21: {  	s3 =	sadd.s32 s3, s9;
	s6 =	sadd.s32 @!p0 $0x88, s6;
	s7 =	simm.s32 @p2 $0x1082  }
0x22: {  	[simem:s7], [sflag:s8] =	dma.local @!p0 [hbm:s6], $0xF7A  }
0x23: {  	s9 =	sor.u32 $0xD0000000, s2;
	s6 =	simm.s32 $0x108;
	_ =	swait.ge @!p0 [sflag:s8], $0x0  }
0x24: {  	s3 =	sadd.s32 $0x88, s3;
	s6 =	simm.s32 @!p1 $0x1082;
	[sflag:s4] =	ssyncset.s32 $0xFFFFF086  }
0x25: {  	[simem:s6], [sflag:s4] =	dma.local [hbm:s3], $0xF7A  }
0x26: {  	[smem:$0x3F97] =	sst s1;
	(tag) =	ssettag s2;
	_ =	strace s9  }
0x27: {  	s1 =	sld [smem:$0x3FA7]  }
0x28: {  	s2 =	sld [smem:$0x3FA8]  }
0x29: {  	s4 =	sld [smem:$0x3FAA]  }
0x2a: {  	p0 =	seq.s32 s5, $0x0;
	s5 =	sld [smem:$0x3FAB]  }
0x2b: {  	s6 =	sld [smem:$0x3FAC]  }
0x2c: {  	s7 =	sld [smem:$0x3FAD]  }
0x2d: {  	s3 =	simm.s32 $0x108;
	s8 =	sld [smem:$0x3FAE]  }
0x2e: {  	s3 =	simm.s32 @!p0 $0x1082;
	s9 =	sld [smem:$0x3FAF]  }
0x2f: {  	lr =	sadd.s32 s0, s3;
	s0 =	sld [smem:$0x3FA6]  }
0x30: {  	s3 =	sld [smem:$0x3FA9]  }
0x31: {  	[smem:$0x3FB2] =	sst s10  }
0x32: {  	s10 =	sld [smem:$0x3FB0];
	_ =	sdelay $0x3  }
0x33: {  	p0 =	seq.s32 s10, $0x1;
	s10 =	sld [smem:$0x3FB2];
	_ =	sdelay $0x3  }
0x34: {  	[smem:$0x3FB2] =	sst s10  }
0x35: {  	s10 =	sld [smem:$0x3FB1];
	_ =	sdelay $0x3  }
0x36: {  	p1 =	seq.s32 s10, $0x1;
	s10 =	sld [smem:$0x3FB2];
	_ =	sdelay $0x3  }
0x37: {  	[smem:$0x3FB2] =	sst s10  }
0x38: {  	s10 =	sld [smem:$0x3FB3]  }
0x39: {  	_ = 	snop;
	(pc) =	sbr.ind lr, $3  }
0x3a: {  	_ = 	snop  }
0x3b: {  	_ = 	snop  }
0x3c: {  	p2 =	seq.s32 s10, $0x1;
	s10 =	sld [smem:$0x3FB2]  }
0x3d: {  	_ =	shalt  }
0x3e: {  	_ =	shalt  }
0x3f: {  	_ =	shalt  }
0x40: {  	_ =	shalt  }
0x41: {  	_ =	shalt  }
0x42: {  	_ =	shalt  }
0x43: {  	_ =	shalt  }
0x44: {  	_ =	shalt  }
0x45: {  	_ =	shalt  }
0x46: {  	_ =	shalt  }
0x47: {  	_ =	shalt  }
0x48: {  	_ =	shalt  }
0x49: {  	_ =	shalt  }
0x4a: {  	_ =	shalt  }
0x4b: {  	_ =	shalt  }
0x4c: {  	_ =	shalt  }
0x4d: {  	_ =	shalt  }
0x4e: {  	_ =	shalt  }
0x4f: {  	_ =	shalt  }
0x50: {  	_ =	shalt  }
0x51: {  	_ =	shalt  }
0x52: {  	_ =	shalt  }
0x53: {  	_ =	shalt  }
0x54: {  	_ =	shalt  }
0x55: {  	_ =	shalt  }
0x56: {  	_ =	shalt  }
0x57: {  	_ =	shalt  }
0x58: {  	_ =	shalt  }
0x59: {  	_ =	shalt  }
0x5a: {  	_ =	shalt  }
0x5b: {  	_ =	shalt  }
0x5c: {  	_ =	shalt  }
0x5d: {  	_ =	shalt  }
0x5e: {  	_ =	shalt  }
0x5f: {  	_ =	shalt  }
0x60: {  	_ =	shalt  }
0x61: {  	_ =	shalt  }
0x62: {  	_ =	shalt  }
0x63: {  	_ =	shalt  }
0x64: {  	_ =	shalt  }
0x65: {  	_ =	shalt  }
0x66: {  	_ =	shalt  }
0x67: {  	_ =	shalt  }
0x68: {  	_ =	shalt  }
0x69: {  	_ =	shalt  }
0x6a: {  	_ =	shalt  }
0x6b: {  	_ =	shalt  }
0x6c: {  	_ =	shalt  }
0x6d: {  	_ =	shalt  }
0x6e: {  	_ =	shalt  }
0x6f: {  	_ =	shalt  }
0x70: {  	_ =	shalt  }
0x71: {  	_ =	shalt  }
0x72: {  	_ =	shalt  }
0x73: {  	_ =	shalt  }
0x74: {  	_ =	shalt  }
0x75: {  	_ =	shalt  }
0x76: {  	_ =	shalt  }
0x77: {  	_ =	shalt  }
0x78: {  	_ =	shalt  }
0x79: {  	_ =	shalt  }
0x7a: {  	_ =	shalt  }
0x7b: {  	_ =	shalt  }
0x7c: {  	_ =	shalt  }
0x7d: {  	_ =	shalt  }
0x7e: {  	_ =	shalt  }
0x7f: {  	_ =	shalt  }
0x80: {  	_ =	shalt  }
0x81: {  	_ =	shalt  }
0x82: {  	_ =	shalt  }
0x83: {  	_ =	shalt  }
0x84: {  	_ =	shalt  }
0x85: {  	_ =	shalt  }
0x86: {  	_ =	shalt  }
0x87: {  	_ =	shalt  }
.Lfunc_end0:
.L_simem_size_0:
called_computation_lowered:
.L_overlay_start_0:
0x88: {  	s2 =	sld [smem:$0x3FD9]  }
0x89: {  	s3 =	sld [smem:$0x3FFE];
	_ =	sdelay $0x1  }
0x8a: {  	s1 =	srdreg.scid  }
0x8b: {  	s0 =	sand.u32 $0x1, s1  }
0x8c: {  	s17 =	sshll.u32 s0, $0xA;
	s2 =	sadd.s32 s3, s2  }
0x8d: {  	s2 =	sadd.s32 s2, s17  }
0x8e: {  	[smem:$0x3FBE] =	sst s2  }
0x8f: {  	_ = 	snop  }
0x90: {  	s2 =	sld [smem:$0x3FD0];
	(tm) =	ssettm $0x1  }
0x91: {  	s18 =	sld [smem:$0x3FFB];
	_ =	sdelay $0x3  }
0x92: {  	_ =	strace s18  }
0x93: {  	s3 =	sld [smem:$0x3FFC];
	_ =	sdelay $0x3  }
0x94: {  	_ =	strace s3  }
0x95: {  	s3 =	sld [smem:$0x3FFD];
	_ =	sdelay $0x3  }
0x96: {  	_ =	strace s3  }
0x97: {  	_ =	strace $0x8FFFFFFF  }
0x98: {  	s19 =	sld [smem:$0x3FDB];
	_ =	sdelay $0x1  }
0x99: {  	s4 =	simm.s32 $_scs_section_size  }
0x9a: {  	s5 =	simm.s32 $_size__tile_overlayer_lowered;
	s6 =	simm.s32 $_tile_overlayer_lowered  }
0x9b: {  	s22 =	simm.s32 $0x1BFF;
	s21 =	sshll.u32 s6, $0x1;
	s3 =	sadd.s32 s4, s19  }
0x9c: {  	s7 =	simm.s32 $0x0;
	s20 =	sshll.u32 s5, $0x1;
	s5 =	sadd.s32 s21, s3  }
0x9d: {  	[timem:s7], [sflag:s22] =	dma.local [hbm:s5], s20  }
0x9e: {  	_ =	swait.ge [sflag:s22], s20  }
0x9f: {  	s4 =	ssub.s32 $0x0, s20;
	[sflag:s22] =	ssyncset.done $0x0  }
0xa0: {  	[sflag:s22] =	ssyncadd.s32 s4;
	_ =	sdelay $0x1  }
0xa1: {  	s23 =	simm.s32 $0x1B8B  }
0xa2: {  	_ =	swait.ge [sflag:s23], $0x1  }
0xa3: {  	[sflag:s23] =	ssyncset.done $0x0  }
0xa4: {  	s25 =	simm.s32 $0x1B8E;
	s24 =	sld [smem:$0x3FFE];
	[sflag:s23] =	ssyncadd.s32 $0xFFFFFFFF  }
0xa5: {  	s26 =	simm.s32 $execute0_lowered;
	[smem:$0x3FD2] =	sst s25  }
0xa6: {  	s5 =	sshll.u32 s26, $0x1;
	_ =	strace $0x80000046;
	[dreg:$0x1] =	wrdreg $0xFFFFFFFF  }
0xa7: {  	s28 =	simm.s32 $_size_execute0_lowered;
	s3 =	sadd.s32 s3, s5;
	[dreg:$0x0] =	wrdreg $0x0  }
0xa8: {  	s5 =	sshll.u32 s28, $0x1;
	[dreg:$0x2] =	wrdreg s3  }
0xa9: {  	[dreg:$0x3] =	wrdreg s5  }
0xaa: {  	[dreg:$0x4] =	wrdreg $0xC0  }
0xab: {  	_ =	task [dreg:s7], $0x5FFFF  }
0xac: {  	[dreg:$0x1] =	wrdreg $0xFFFFFFFF  }
0xad: {  	[dreg:$0x0] =	wrdreg $0x60  }
0xae: {  	[dreg:$0x2] =	wrdreg s24  }
0xaf: {  	[dreg:$0x3] =	wrdreg s2  }
0xb0: {  	[dreg:$0x4] =	wrdreg $0x44000  }
0xb1: {  	[dreg:$0x5] =	wrdreg $0x9  }
0xb2: {  	_ =	task.clear_ibuf [dreg:s7], $0x6FFFF;
	_ =	strace $0x90000046  }
0xb3: {  	s29 =	simm.s32 $0x9;
	_ =	strace $0x80000048  }
0xb4: {  	_ =	swait.ge [sflag:s29], $0x1  }
0xb5: {  	[sflag:s29] =	ssyncadd.s32 $0xFFFFFFFF  }
0xb6: {  	_ =	strace $0x90000048  }
0xb7: {  	_ =	sfence  }
0xb8: {  	s30 =	sld [smem:$0x0];
	_ =	sdelay $0x2  }
0xb9: {  	s31 =	sshll.u32 s1, $0xD;
	s1 =	sshrl.u32 s1, $0x2  }
0xba: {  	s3 =	sand.u32 $0x4000, s31;
	s1 =	sadd.s32 s1, s30  }
0xbb: {  	s0 =	sor.u32 s3, s0;
	s1 =	sshll.u32 s1, $0x11  }
0xbc: {  	s0 =	sor.u32 s1, s0  }
0xbd: {  	s0 =	sadd.s32 $0x8F2B, s0  }
0xbe: {  	[sflag:s0] =	ssyncadd.remote.s32 $0x1  }
0xbf: {  	_ =	sfence.sel $0xFFFF  }
0xc0: {  	[dreg:$0x0] =	wrdreg $0xFFFFFFFF;
	(pc) =	sbr.abs _section_cstart, $3  }
0xc1: {  	[dreg:$0x1] =	wrdreg $0xFFFFFFFF  }
0xc2: {  	_ =	task.clear_ibuf [dreg:s7], $0x2FFFF;
	_ =	strace $0x9FFFFFFF  }
0xc3: {  	(tm) =	ssettm $0x7FFFFFFF  }
tec
execute0_lowered:
.L_overlay_start_1:
0x0: {  	(tag) =	ssettag $0x1  }
0x1: {  	s6 =	rddreg [dreg:$0x0]  }
0x2: {  	s2 =	rddreg [dreg:$0x1]  }
0x3: {  	s0 =	stileid.u32;
	s1 =	srdreg.scid  }
0x4: {  	s3 =	rddreg [dreg:$0x2];
	s4 =	simm.s32 $0x0;
	s13 =	simm.s32 $0x80  }
0x5: {  	s14 =	simm.s32 $0x100;
	s15 =	simm.s32 $0x180;
	s16 =	simm.s32 $0x200  }
0x6: {  	s17 =	simm.s32 $0x280;
	s18 =	simm.s32 $0x300;
	s19 =	simm.s32 $0x380  }
0x7: {  	s20 =	simm.s32 $0x1;
	s21 =	simm.s32 $0x0;
	s5 =	smul.u32 $0xA00, s0  }
0x8: {  	s7 =	sand.u32 $0x1, s1;
	s1 =	rddreg [dreg:$0x3];
	s9 =	smul.u32 $0x14000, s0  }
0x9: {  	[smem:$0x7FF] =	sst s4;
	s11 =	smul.u32 $0x50000, s0;
	s31 =	sshll.u32 s0, $0x6  }
0xa: {  	s8 =	smul.u32 $0x140000, s7;
	_ =	strace $0x80000047;
	s28 =	ssub.s32 $0x2, s7  }
0xb: {  	s7 =	smul.u32 $0x500, s7;
	s10 =	sadd.s32 s5, s6;
	s5 =	sadd.s32 $0x16E00, s6  }
0xc: {  	s29 =	sshrl.u32 s28, $0x1;
	s30 =	sshrl.u32 s11, $0x2;
	s8 =	sadd.s32 s9, s8  }
0xd: {  	s11 =	simm.s32 $0x2;
	s9 =	ssub.s32 s28, s29;
	s8 =	sshrl.u32 s8, $0x3  }
0xe: {  	s12 =	sadd.s32 s30, s3;
	s10 =	sadd.s32 s7, s10;
	s8 =	sadd.s32 s8, s6  }
0xf: {  	s6 =	sor.u32 $0x1C02, s31;
	s7 =	sadd.s32 $0x19600, s8;
	s8 =	smax.u32 s9, $0x1  }
0x10: {  	s9 =	sadd.s32 $0x2A00, s10;
	s10 =	sshrl.u32 s12, $0x3;
	s12 =	simm.s32 $0x400  }
.LBB2_1:
0x11: {  	[spmem:s10], [sflag:s6] =	dma.local [hbm:s5], $0x2800  }
0x12: {  	_ =	swait.ge [sflag:s11], $0x2800  }
0x13: {  	[sflag:s11] =	ssyncset.done $0x0  }
0x14: {  	[sflag:s11] =	ssyncadd.s32 $0xFFFFD800  }
0x15: {  	[tilespmem:s12], [sflag:$0x2] =	stream.linear.gather [hbm4b:s2+s4], $0x4000, $0x38;
	[tilespmem:$0x18400] =	vst v63  }
0x16: {  	_ =	swait.ge [sflag:s11], $0x4000  }
0x17: {  	[sflag:s11] =	ssyncset.done $0x0  }
0x18: {  	[sflag:s11] =	ssyncadd.s32 $0xFFFFC000  }
0x19: {  	s22 =	sadd.s32 $0x0, s9;
	[bflag:$0x0] =	sbarrier.arrive $0xFFFF  }
0x1a: {  	[tilespmem:s4], [sflag:$0x2] =	stream.linear.gather [hbm4b:s22+s4], $0x400, $0x38;
	[tilespmem:$0x18400] =	vst v63  }
0x1b: {  	_ =	swait.ge [sflag:s11], $0x400  }
0x1c: {  	[sflag:s11] =	ssyncset.done $0x0  }
0x1d: {  	[sflag:s11] =	ssyncadd.s32 $0xFFFFFC00  }
0x1e: {  	[spmem:s3] =	stream.indirect.scatter.add.f32 [tilespmem:s12], [sflag:$0x1], $0x80, s4, s13, $0xb8;
	[tilespmem:$0x18400] =	vst v63  }
0x1f: {  	_ = 	snop  }
0x20: {  	[spmem:s3] =	stream.indirect.scatter.add.f32 [tilespmem:s12], [sflag:$0x1], $0x80, s13, s13, $0xb8;
	[tilespmem:$0x18400] =	vst v63  }
0x21: {  	_ = 	snop  }
0x22: {  	[spmem:s3] =	stream.indirect.scatter.add.f32 [tilespmem:s12], [sflag:$0x1], $0x80, s14, s13, $0xb8;
	[tilespmem:$0x18400] =	vst v63  }
0x23: {  	_ = 	snop  }
0x24: {  	[spmem:s3] =	stream.indirect.scatter.add.f32 [tilespmem:s12], [sflag:$0x1], $0x80, s15, s13, $0xb8;
	[tilespmem:$0x18400] =	vst v63  }
0x25: {  	_ = 	snop  }
0x26: {  	[spmem:s3] =	stream.indirect.scatter.add.f32 [tilespmem:s12], [sflag:$0x1], $0x80, s16, s13, $0xb8;
	[tilespmem:$0x18400] =	vst v63  }
0x27: {  	_ = 	snop  }
0x28: {  	[spmem:s3] =	stream.indirect.scatter.add.f32 [tilespmem:s12], [sflag:$0x1], $0x80, s17, s13, $0xb8;
	[tilespmem:$0x18400] =	vst v63  }
0x29: {  	_ = 	snop  }
0x2a: {  	[spmem:s3] =	stream.indirect.scatter.add.f32 [tilespmem:s12], [sflag:$0x1], $0x80, s18, s13, $0xb8;
	[tilespmem:$0x18400] =	vst v63  }
0x2b: {  	_ = 	snop  }
0x2c: {  	[spmem:s3] =	stream.indirect.scatter.add.f32 [tilespmem:s12], [sflag:$0x1], $0x80, s19, s13, $0xb8;
	[tilespmem:$0x18400] =	vst v63  }
0x2d: {  	_ =	swait.ge [sflag:s20], $0x4000  }
0x2e: {  	[sflag:s20] =	ssyncset.done $0x0  }
0x2f: {  	[sflag:s20] =	ssyncadd.s32 $0xFFFFC000  }
0x30: {  	_ =	swait.ge [sflag:s20], $0x4000  }
0x31: {  	[sflag:s20] =	ssyncset.done $0x0  }
0x32: {  	[sflag:s20] =	ssyncadd.s32 $0xFFFFC000  }
0x33: {  	_ =	swait.ge [sflag:s20], $0x4000  }
0x34: {  	[sflag:s20] =	ssyncset.done $0x0  }
0x35: {  	[sflag:s20] =	ssyncadd.s32 $0xFFFFC000  }
0x36: {  	_ =	swait.ge [sflag:s20], $0x4000  }
0x37: {  	[sflag:s20] =	ssyncset.done $0x0  }
0x38: {  	[sflag:s20] =	ssyncadd.s32 $0xFFFFC000  }
0x39: {  	_ =	swait.ge [sflag:s20], $0x4000  }
0x3a: {  	[sflag:s20] =	ssyncset.done $0x0  }
0x3b: {  	[sflag:s20] =	ssyncadd.s32 $0xFFFFC000  }
0x3c: {  	_ =	swait.ge [sflag:s20], $0x4000  }
0x3d: {  	[sflag:s20] =	ssyncset.done $0x0  }
0x3e: {  	[sflag:s20] =	ssyncadd.s32 $0xFFFFC000  }
0x3f: {  	_ =	swait.ge [sflag:s20], $0x4000  }
0x40: {  	[sflag:s20] =	ssyncset.done $0x0  }
0x41: {  	[sflag:s20] =	ssyncadd.s32 $0xFFFFC000  }
0x42: {  	_ =	swait.ge [sflag:s20], $0x4000  }
0x43: {  	s24 =	simm.s32 $0x100;
	s22 =	simm.s32 $0x80;
	[sflag:s20] =	ssyncset.done $0x0  }
.LBB2_2:
0x44: {  	s25 =	sadd.s32 s22, s9  }
0x45: {  	[sflag:s20] =	ssyncadd.s32 $0xFFFFC000;
	s22 =	smov.u32 s24;
	s23 =	sadd.s32 $0x80, s24  }
0x46: {  	[tilespmem:s4], [sflag:$0x2] =	stream.linear.gather [hbm4b:s25+s4], $0x400, $0x38;
	[tilespmem:$0x18400] =	vst v63  }
0x47: {  	p0 =	sne.s32 s24, $0x480;
	_ =	swait.ge [sflag:s11], $0x400  }
0x48: {  	[sflag:s11] =	ssyncset.done $0x0  }
0x49: {  	[sflag:s11] =	ssyncadd.s32 $0xFFFFFC00  }
0x4a: {  	[spmem:s3] =	stream.indirect.scatter.add.f32 [tilespmem:s12], [sflag:$0x1], $0x80, s4, s13, $0xb8;
	[tilespmem:$0x18400] =	vst v63  }
0x4b: {  	_ = 	snop  }
0x4c: {  	[spmem:s3] =	stream.indirect.scatter.add.f32 [tilespmem:s12], [sflag:$0x1], $0x80, s13, s13, $0xb8;
	[tilespmem:$0x18400] =	vst v63  }
0x4d: {  	_ = 	snop  }
0x4e: {  	[spmem:s3] =	stream.indirect.scatter.add.f32 [tilespmem:s12], [sflag:$0x1], $0x80, s14, s13, $0xb8;
	[tilespmem:$0x18400] =	vst v63  }
0x4f: {  	_ = 	snop  }
0x50: {  	[spmem:s3] =	stream.indirect.scatter.add.f32 [tilespmem:s12], [sflag:$0x1], $0x80, s15, s13, $0xb8;
	[tilespmem:$0x18400] =	vst v63  }
0x51: {  	_ = 	snop  }
0x52: {  	[spmem:s3] =	stream.indirect.scatter.add.f32 [tilespmem:s12], [sflag:$0x1], $0x80, s16, s13, $0xb8;
	[tilespmem:$0x18400] =	vst v63  }
0x53: {  	_ = 	snop  }
0x54: {  	[spmem:s3] =	stream.indirect.scatter.add.f32 [tilespmem:s12], [sflag:$0x1], $0x80, s17, s13, $0xb8;
	[tilespmem:$0x18400] =	vst v63  }
0x55: {  	_ = 	snop  }
0x56: {  	[spmem:s3] =	stream.indirect.scatter.add.f32 [tilespmem:s12], [sflag:$0x1], $0x80, s18, s13, $0xb8;
	[tilespmem:$0x18400] =	vst v63  }
0x57: {  	_ = 	snop  }
0x58: {  	[spmem:s3] =	stream.indirect.scatter.add.f32 [tilespmem:s12], [sflag:$0x1], $0x80, s19, s13, $0xb8;
	[tilespmem:$0x18400] =	vst v63  }
0x59: {  	_ =	swait.ge [sflag:s20], $0x4000  }
0x5a: {  	[sflag:s20] =	ssyncset.done $0x0  }
0x5b: {  	[sflag:s20] =	ssyncadd.s32 $0xFFFFC000  }
0x5c: {  	_ =	swait.ge [sflag:s20], $0x4000  }
0x5d: {  	[sflag:s20] =	ssyncset.done $0x0  }
0x5e: {  	[sflag:s20] =	ssyncadd.s32 $0xFFFFC000  }
0x5f: {  	_ =	swait.ge [sflag:s20], $0x4000  }
0x60: {  	[sflag:s20] =	ssyncset.done $0x0  }
0x61: {  	[sflag:s20] =	ssyncadd.s32 $0xFFFFC000  }
0x62: {  	_ =	swait.ge [sflag:s20], $0x4000  }
0x63: {  	[sflag:s20] =	ssyncset.done $0x0  }
0x64: {  	[sflag:s20] =	ssyncadd.s32 $0xFFFFC000  }
0x65: {  	_ =	swait.ge [sflag:s20], $0x4000  }
0x66: {  	[sflag:s20] =	ssyncset.done $0x0  }
0x67: {  	[sflag:s20] =	ssyncadd.s32 $0xFFFFC000  }
0x68: {  	_ =	swait.ge [sflag:s20], $0x4000  }
0x69: {  	[sflag:s20] =	ssyncset.done $0x0  }
0x6a: {  	[sflag:s20] =	ssyncadd.s32 $0xFFFFC000  }
.Ltmp0:
0x6b: {  	_ =	swait.ge [sflag:s20], $0x4000;
	(pc) =	sbr.rel @p0 .LBB2_2-.Ltmp0, $4  }
0x6c: {  	[sflag:s20] =	ssyncset.done $0x0  }
0x6d: {  	[sflag:s20] =	ssyncadd.s32 $0xFFFFC000  }
0x6e: {  	_ =	swait.ge [sflag:s20], $0x4000  }
0x6f: {  	s24 =	smov.u32 s23;
	[sflag:s20] =	ssyncset.done $0x0  }
0x70: {  	s22 =	sadd.s32 s22, s9;
	[sflag:s20] =	ssyncadd.s32 $0xFFFFC000  }
0x71: {  	[tilespmem:s4], [sflag:$0x2] =	stream.linear.gather [hbm4b:s22+s4], $0x400, $0x38;
	[tilespmem:$0x18400] =	vst v63  }
0x72: {  	_ =	swait.ge [sflag:s11], $0x400  }
0x73: {  	[sflag:s11] =	ssyncset.done $0x0  }
0x74: {  	[sflag:s11] =	ssyncadd.s32 $0xFFFFFC00  }
0x75: {  	[spmem:s3] =	stream.indirect.scatter.add.f32 [tilespmem:s12], [sflag:$0x1], $0x80, s4, s13, $0xb8;
	[tilespmem:$0x18400] =	vst v63  }
0x76: {  	_ = 	snop  }
0x77: {  	[spmem:s3] =	stream.indirect.scatter.add.f32 [tilespmem:s12], [sflag:$0x1], $0x80, s13, s13, $0xb8;
	[tilespmem:$0x18400] =	vst v63  }
0x78: {  	_ = 	snop  }
0x79: {  	[spmem:s3] =	stream.indirect.scatter.add.f32 [tilespmem:s12], [sflag:$0x1], $0x80, s14, s13, $0xb8;
	[tilespmem:$0x18400] =	vst v63  }
0x7a: {  	_ = 	snop  }
0x7b: {  	[spmem:s3] =	stream.indirect.scatter.add.f32 [tilespmem:s12], [sflag:$0x1], $0x80, s15, s13, $0xb8;
	[tilespmem:$0x18400] =	vst v63  }
0x7c: {  	_ = 	snop  }
0x7d: {  	[spmem:s3] =	stream.indirect.scatter.add.f32 [tilespmem:s12], [sflag:$0x1], $0x80, s16, s13, $0xb8;
	[tilespmem:$0x18400] =	vst v63  }
0x7e: {  	_ = 	snop  }
0x7f: {  	[spmem:s3] =	stream.indirect.scatter.add.f32 [tilespmem:s12], [sflag:$0x1], $0x80, s17, s13, $0xb8;
	[tilespmem:$0x18400] =	vst v63  }
0x80: {  	_ = 	snop  }
0x81: {  	[spmem:s3] =	stream.indirect.scatter.add.f32 [tilespmem:s12], [sflag:$0x1], $0x80, s18, s13, $0xb8;
	[tilespmem:$0x18400] =	vst v63  }
0x82: {  	_ = 	snop  }
0x83: {  	[spmem:s3] =	stream.indirect.scatter.add.f32 [tilespmem:s12], [sflag:$0x1], $0x80, s19, s13, $0xb8;
	[tilespmem:$0x18400] =	vst v63  }
0x84: {  	_ =	swait.ge [sflag:s20], $0x4000  }
0x85: {  	[sflag:s20] =	ssyncset.done $0x0  }
0x86: {  	[sflag:s20] =	ssyncadd.s32 $0xFFFFC000  }
0x87: {  	_ =	swait.ge [sflag:s20], $0x4000  }
0x88: {  	[sflag:s20] =	ssyncset.done $0x0  }
0x89: {  	[sflag:s20] =	ssyncadd.s32 $0xFFFFC000  }
0x8a: {  	_ =	swait.ge [sflag:s20], $0x4000  }
0x8b: {  	[sflag:s20] =	ssyncset.done $0x0  }
0x8c: {  	[sflag:s20] =	ssyncadd.s32 $0xFFFFC000  }
0x8d: {  	_ =	swait.ge [sflag:s20], $0x4000  }
0x8e: {  	[sflag:s20] =	ssyncset.done $0x0  }
0x8f: {  	[sflag:s20] =	ssyncadd.s32 $0xFFFFC000  }
0x90: {  	_ =	swait.ge [sflag:s20], $0x4000  }
0x91: {  	[sflag:s20] =	ssyncset.done $0x0  }
0x92: {  	[sflag:s20] =	ssyncadd.s32 $0xFFFFC000  }
0x93: {  	_ =	swait.ge [sflag:s20], $0x4000  }
0x94: {  	[sflag:s20] =	ssyncset.done $0x0  }
0x95: {  	[sflag:s20] =	ssyncadd.s32 $0xFFFFC000  }
0x96: {  	_ =	swait.ge [sflag:s20], $0x4000  }
0x97: {  	[sflag:s20] =	ssyncset.done $0x0  }
0x98: {  	[sflag:s20] =	ssyncadd.s32 $0xFFFFC000  }
0x99: {  	_ =	swait.ge [sflag:s20], $0x4000  }
0x9a: {  	s21 =	sadd.s32 $0x1, s21;
	[sflag:s20] =	ssyncset.done $0x0  }
0x9b: {  	p0 =	sne.s32 s21, s8;
	[sflag:s20] =	ssyncadd.s32 $0xFFFFC000  }
.Ltmp1:
0x9c: {  	[bflag:$0x0] =	sbarrier.arrive $0xFFFF;
	(pc) =	sbr.rel @p0 .LBB2_1-.Ltmp1, $4  }
0x9d: {  	[hbm:s7], [sflag:s6] =	dma.local [spmem:s10], $0x2800  }
0x9e: {  	_ =	swait.ge [sflag:s11], $0x2800  }
0x9f: {  	[sflag:s11] =	ssyncset.done $0x0  }
0xa0: {  	[sflag:s11] =	ssyncadd.s32 $0xFFFFD800  }
0xa1: {  	_ =	sfence.sel $0x180000  }
0xa2: {  	[bflag:$0x0] =	sbarrier.arrive $0xFFFF  }
0xa3: {  	p0 =	sne.s32 s0, $0x0;
	_ =	strace $0x90000047  }
0xa4: {  	s0 =	sadd.s32 @!p0 $0x100000, s1;
	[bflag:$0x2] =	sbarrier.arrive $0xFFFF  }
0xa5: {  	[sflag:s0] =	ssyncadd.tile.s32 @!p0 $0x1;
	_ =	shalt  }
.Lfunc_end2:
_tile_overlayer_lowered:
.L_overlay_start_2:
0xa6: {  	(tag) =	ssettag $0x2  }
0xa7: {  	s0 =	rddreg [dreg:$0x0];
	s2 =	stileid.u32  }
0xa8: {  	s1 =	rddreg [dreg:$0x1];
	p0 =	sne.s32 s2, $0x0  }
0xa9: {  	s3 =	rddreg [dreg:$0x2];
	[bflag:$0x3] =	sbarrier.arrive $0xFFFF;
	s2 =	simm.s32 @!p0 $0x1C02  }
0xaa: {  	[timem:s3], [sflag:s2] =	dma.local @!p0 [hbm:s0], s1  }
0xab: {  	s0 =	simm.s32 @!p0 $0x2  }
0xac: {  	_ =	swait.ge @!p0 [sflag:s0], s1  }
0xad: {  	s1 =	ssub.s32 @!p0 $0x0, s1;
	[sflag:s0] =	ssyncset.done @!p0 $0x0  }
0xae: {  	[sflag:s0] =	ssyncadd.s32 @!p0 s1  }
0xaf: {  	[bflag:$0x3] =	sbarrier.arrive $0xFFFF  }
0xb0: {  	_ =	shalt  }

// kernel: kernel.13.cloned.1.call-start
scs
__scs_entry_jumppad:
0x0: {  	(pc) =	sbr.rel $0x88, $3  }
0x1: {  	(tag) =	ssettag $0x0;
	lr =	simm.s32 $0x1  }
0x2: {  	[smem:$0x3F97] =	sst lr;
	_ =	strace $0xD0000000  }
0x3: {  	_ = 	snop  }
0x4: {  	_ = 	snop  }
0x5: {  	_ = 	snop  }
0x6: {  	_ = 	snop  }
0x7: {  	_ = 	snop  }
__scs_overlays_trampoline_lowered:
0x8: {  	[smem:$0x3FA6] =	sst s0  }
0x9: {  	[smem:$0x3FA7] =	sst s1  }
0xa: {  	[smem:$0x3FA8] =	sst s2  }
0xb: {  	[smem:$0x3FA9] =	sst s3  }
0xc: {  	[smem:$0x3FAA] =	sst s4  }
0xd: {  	[smem:$0x3FAB] =	sst s5  }
0xe: {  	[smem:$0x3FAC] =	sst s6  }
0xf: {  	[smem:$0x3FAD] =	sst s7  }
0x10: {  	[smem:$0x3FAE] =	sst s8  }
0x11: {  	[smem:$0x3FAF] =	sst s9;
	s0 =	simm.s32 @!p0 $0x0  }
0x12: {  	s1 =	sld [smem:$0x3F95];
	s0 =	simm.s32 @p0 $0x1  }
0x13: {  	[smem:$0x3FB0] =	sst s0;
	s0 =	simm.s32 @!p1 $0x0  }
0x14: {  	s2 =	sld [smem:$0x3F94];
	s0 =	simm.s32 @p1 $0x1  }
0x15: {  	[smem:$0x3FB1] =	sst s0;
	s0 =	simm.s32 @!p2 $0x0  }
0x16: {  	s3 =	sld [smem:$0x3FDB];
	s0 =	simm.s32 @p2 $0x1  }
0x17: {  	s4 =	simm.s32 $0x1BF5;
	[smem:$0x3FB3] =	sst s0  }
0x18: {  	s0 =	sld [smem:$0x3F96];
	_ =	swait.ge [sflag:s4], $0x0  }
0x19: {  	s7 =	sld [smem:$0x3F97]  }
0x1a: {  	s8 =	sadd.s32 $0xFFFFE003, lr  }
0x1b: {  	s9 =	sadd.s32 $0xFFFFFEF7, lr;
	s5 =	simm.s32 $0xFFFFFFFF;
	p2 =	slt.u32 s8, $0xFFFFF086  }
0x1c: {  	p1 =	slt.u32 s9, $0xF7A;
	s5 =	simm.s32 @!p2 $0x0  }
0x1d: {  	s5 =	simm.s32 @p1 $0x1;
	p0 =	seq.s32 s7, s2  }
0x1e: {  	s7 =	smul.u32 @!p0 $0xF7A, s2;
	p2 =	seq.s32 @!p0 s5, $0x0  }
0x1f: {  	s9 =	smul.u32 $0xF7A, s1;
	s8 =	simm.s32 @!p0 $0x1BF5;
	p2 =	por !p2, p0  }
0x20: {  	[sflag:s8] =	ssyncset.s32 @!p0 $0xFFFFF086;
	s6 =	sadd.s32 @!p0 s3, s7;
	s7 =	simm.s32 @!p0 $0x108  }
0x21: {  	s3 =	sadd.s32 s3, s9;
	s6 =	sadd.s32 @!p0 $0x88, s6;
	s7 =	simm.s32 @p2 $0x1082  }
0x22: {  	[simem:s7], [sflag:s8] =	dma.local @!p0 [hbm:s6], $0xF7A  }
0x23: {  	s9 =	sor.u32 $0xD0000000, s2;
	s6 =	simm.s32 $0x108;
	_ =	swait.ge @!p0 [sflag:s8], $0x0  }
0x24: {  	s3 =	sadd.s32 $0x88, s3;
	s6 =	simm.s32 @!p1 $0x1082;
	[sflag:s4] =	ssyncset.s32 $0xFFFFF086  }
0x25: {  	[simem:s6], [sflag:s4] =	dma.local [hbm:s3], $0xF7A  }
0x26: {  	[smem:$0x3F97] =	sst s1;
	(tag) =	ssettag s2;
	_ =	strace s9  }
0x27: {  	s1 =	sld [smem:$0x3FA7]  }
0x28: {  	s2 =	sld [smem:$0x3FA8]  }
0x29: {  	s4 =	sld [smem:$0x3FAA]  }
0x2a: {  	p0 =	seq.s32 s5, $0x0;
	s5 =	sld [smem:$0x3FAB]  }
0x2b: {  	s6 =	sld [smem:$0x3FAC]  }
0x2c: {  	s7 =	sld [smem:$0x3FAD]  }
0x2d: {  	s3 =	simm.s32 $0x108;
	s8 =	sld [smem:$0x3FAE]  }
0x2e: {  	s3 =	simm.s32 @!p0 $0x1082;
	s9 =	sld [smem:$0x3FAF]  }
0x2f: {  	lr =	sadd.s32 s0, s3;
	s0 =	sld [smem:$0x3FA6]  }
0x30: {  	s3 =	sld [smem:$0x3FA9]  }
0x31: {  	[smem:$0x3FB2] =	sst s10  }
0x32: {  	s10 =	sld [smem:$0x3FB0];
	_ =	sdelay $0x3  }
0x33: {  	p0 =	seq.s32 s10, $0x1;
	s10 =	sld [smem:$0x3FB2];
	_ =	sdelay $0x3  }
0x34: {  	[smem:$0x3FB2] =	sst s10  }
0x35: {  	s10 =	sld [smem:$0x3FB1];
	_ =	sdelay $0x3  }
0x36: {  	p1 =	seq.s32 s10, $0x1;
	s10 =	sld [smem:$0x3FB2];
	_ =	sdelay $0x3  }
0x37: {  	[smem:$0x3FB2] =	sst s10  }
0x38: {  	s10 =	sld [smem:$0x3FB3]  }
0x39: {  	_ = 	snop;
	(pc) =	sbr.ind lr, $3  }
0x3a: {  	_ = 	snop  }
0x3b: {  	_ = 	snop  }
0x3c: {  	p2 =	seq.s32 s10, $0x1;
	s10 =	sld [smem:$0x3FB2]  }
0x3d: {  	_ =	shalt  }
0x3e: {  	_ =	shalt  }
0x3f: {  	_ =	shalt  }
0x40: {  	_ =	shalt  }
0x41: {  	_ =	shalt  }
0x42: {  	_ =	shalt  }
0x43: {  	_ =	shalt  }
0x44: {  	_ =	shalt  }
0x45: {  	_ =	shalt  }
0x46: {  	_ =	shalt  }
0x47: {  	_ =	shalt  }
0x48: {  	_ =	shalt  }
0x49: {  	_ =	shalt  }
0x4a: {  	_ =	shalt  }
0x4b: {  	_ =	shalt  }
0x4c: {  	_ =	shalt  }
0x4d: {  	_ =	shalt  }
0x4e: {  	_ =	shalt  }
0x4f: {  	_ =	shalt  }
0x50: {  	_ =	shalt  }
0x51: {  	_ =	shalt  }
0x52: {  	_ =	shalt  }
0x53: {  	_ =	shalt  }
0x54: {  	_ =	shalt  }
0x55: {  	_ =	shalt  }
0x56: {  	_ =	shalt  }
0x57: {  	_ =	shalt  }
0x58: {  	_ =	shalt  }
0x59: {  	_ =	shalt  }
0x5a: {  	_ =	shalt  }
0x5b: {  	_ =	shalt  }
0x5c: {  	_ =	shalt  }
0x5d: {  	_ =	shalt  }
0x5e: {  	_ =	shalt  }
0x5f: {  	_ =	shalt  }
0x60: {  	_ =	shalt  }
0x61: {  	_ =	shalt  }
0x62: {  	_ =	shalt  }
0x63: {  	_ =	shalt  }
0x64: {  	_ =	shalt  }
0x65: {  	_ =	shalt  }
0x66: {  	_ =	shalt  }
0x67: {  	_ =	shalt  }
0x68: {  	_ =	shalt  }
0x69: {  	_ =	shalt  }
0x6a: {  	_ =	shalt  }
0x6b: {  	_ =	shalt  }
0x6c: {  	_ =	shalt  }
0x6d: {  	_ =	shalt  }
0x6e: {  	_ =	shalt  }
0x6f: {  	_ =	shalt  }
0x70: {  	_ =	shalt  }
0x71: {  	_ =	shalt  }
0x72: {  	_ =	shalt  }
0x73: {  	_ =	shalt  }
0x74: {  	_ =	shalt  }
0x75: {  	_ =	shalt  }
0x76: {  	_ =	shalt  }
0x77: {  	_ =	shalt  }
0x78: {  	_ =	shalt  }
0x79: {  	_ =	shalt  }
0x7a: {  	_ =	shalt  }
0x7b: {  	_ =	shalt  }
0x7c: {  	_ =	shalt  }
0x7d: {  	_ =	shalt  }
0x7e: {  	_ =	shalt  }
0x7f: {  	_ =	shalt  }
0x80: {  	_ =	shalt  }
0x81: {  	_ =	shalt  }
0x82: {  	_ =	shalt  }
0x83: {  	_ =	shalt  }
0x84: {  	_ =	shalt  }
0x85: {  	_ =	shalt  }
0x86: {  	_ =	shalt  }
0x87: {  	_ =	shalt  }
.Lfunc_end0:
.L_simem_size_0:
called_computation.1_lowered:
.L_overlay_start_0:
0x88: {  	s2 =	sld [smem:$0x3FD9]  }
0x89: {  	s3 =	sld [smem:$0x3FFE];
	_ =	sdelay $0x1  }
0x8a: {  	s1 =	srdreg.scid  }
0x8b: {  	s0 =	sand.u32 $0x1, s1  }
0x8c: {  	s16 =	sshll.u32 s0, $0xA;
	s2 =	sadd.s32 s3, s2  }
0x8d: {  	s2 =	sadd.s32 s2, s16  }
0x8e: {  	[smem:$0x3FBE] =	sst s2  }
0x8f: {  	_ = 	snop  }
0x90: {  	(tm) =	ssettm $0x1  }
0x91: {  	s17 =	sld [smem:$0x3FFB];
	_ =	sdelay $0x3  }
0x92: {  	_ =	strace s17  }
0x93: {  	s2 =	sld [smem:$0x3FFC];
	_ =	sdelay $0x3  }
0x94: {  	_ =	strace s2  }
0x95: {  	s2 =	sld [smem:$0x3FFD];
	_ =	sdelay $0x3  }
0x96: {  	_ =	strace s2  }
0x97: {  	_ =	strace $0x8FFFFFFF  }
0x98: {  	s18 =	sld [smem:$0x3FDB];
	_ =	sdelay $0x1  }
0x99: {  	s19 =	simm.s32 $_scs_section_size  }
0x9a: {  	s4 =	simm.s32 $_size__tile_overlayer_lowered;
	s5 =	simm.s32 $_tile_overlayer_lowered  }
0x9b: {  	s22 =	simm.s32 $0x1BFF;
	s21 =	sshll.u32 s5, $0x1;
	s2 =	sadd.s32 s19, s18  }
0x9c: {  	s6 =	simm.s32 $0x0;
	s20 =	sshll.u32 s4, $0x1;
	s4 =	sadd.s32 s21, s2  }
0x9d: {  	[timem:s6], [sflag:s22] =	dma.local [hbm:s4], s20  }
0x9e: {  	_ =	swait.ge [sflag:s22], s20  }
0x9f: {  	s3 =	ssub.s32 $0x0, s20;
	[sflag:s22] =	ssyncset.done $0x0  }
0xa0: {  	[sflag:s22] =	ssyncadd.s32 s3;
	_ =	sdelay $0x1  }
0xa1: {  	s23 =	simm.s32 $0x1B8B  }
0xa2: {  	_ =	swait.ge [sflag:s23], $0x1  }
0xa3: {  	[sflag:s23] =	ssyncset.done $0x0  }
0xa4: {  	s25 =	simm.s32 $0x1B8E;
	s24 =	sld [smem:$0x3FFE];
	[sflag:s23] =	ssyncadd.s32 $0xFFFFFFFF  }
0xa5: {  	s26 =	simm.s32 $execute0_lowered;
	[smem:$0x3FD2] =	sst s25  }
0xa6: {  	s4 =	sshll.u32 s26, $0x1;
	_ =	strace $0x80000049;
	[dreg:$0x1] =	wrdreg $0xFFFFFFFF  }
0xa7: {  	s28 =	simm.s32 $_size_execute0_lowered;
	s2 =	sadd.s32 s2, s4;
	[dreg:$0x0] =	wrdreg $0x0  }
0xa8: {  	s4 =	sshll.u32 s28, $0x1;
	[dreg:$0x2] =	wrdreg s2  }
0xa9: {  	[dreg:$0x3] =	wrdreg s4  }
0xaa: {  	[dreg:$0x4] =	wrdreg $0xC0  }
0xab: {  	_ =	task [dreg:s6], $0x5FFFF  }
0xac: {  	[dreg:$0x1] =	wrdreg $0xFFFFFFFF  }
0xad: {  	[dreg:$0x0] =	wrdreg $0x60  }
0xae: {  	[dreg:$0x2] =	wrdreg s24  }
0xaf: {  	[dreg:$0x3] =	wrdreg $0xA4000  }
0xb0: {  	[dreg:$0x4] =	wrdreg $0x9  }
0xb1: {  	_ =	task.clear_ibuf [dreg:s6], $0x5FFFF;
	_ =	strace $0x90000049  }
0xb2: {  	s29 =	simm.s32 $0x9;
	_ =	strace $0x8000004B  }
0xb3: {  	_ =	swait.ge [sflag:s29], $0x1  }
0xb4: {  	[sflag:s29] =	ssyncadd.s32 $0xFFFFFFFF  }
0xb5: {  	_ =	strace $0x9000004B  }
0xb6: {  	_ =	sfence  }
0xb7: {  	s30 =	sld [smem:$0x0];
	_ =	sdelay $0x2  }
0xb8: {  	s31 =	sshll.u32 s1, $0xD;
	s1 =	sshrl.u32 s1, $0x2  }
0xb9: {  	s3 =	sand.u32 $0x4000, s31;
	s1 =	sadd.s32 s1, s30  }
0xba: {  	s0 =	sor.u32 s3, s0;
	s1 =	sshll.u32 s1, $0x11  }
0xbb: {  	s0 =	sor.u32 s1, s0  }
0xbc: {  	s0 =	sadd.s32 $0x8F2B, s0  }
0xbd: {  	[sflag:s0] =	ssyncadd.remote.s32 $0x1  }
0xbe: {  	_ =	sfence.sel $0xFFFF  }
0xbf: {  	[dreg:$0x0] =	wrdreg $0xFFFFFFFF;
	(pc) =	sbr.abs _section_cstart, $3  }
0xc0: {  	[dreg:$0x1] =	wrdreg $0xFFFFFFFF  }
0xc1: {  	_ =	task.clear_ibuf [dreg:s6], $0x2FFFF;
	_ =	strace $0x9FFFFFFF  }
0xc2: {  	(tm) =	ssettm $0x7FFFFFFF  }
0xc3: {  	_ =	shalt  }
tec
execute0_lowered:
.L_overlay_start_1:
0x0: {  	(tag) =	ssettag $0x1  }
0x1: {  	s8 =	rddreg [dreg:$0x0]  }
0x2: {  	s1 =	rddreg [dreg:$0x1];
	s2 =	srdreg.scid  }
0x3: {  	s0 =	rddreg [dreg:$0x2];
	s3 =	simm.s32 $0x0;
	s31 =	simm.s32 $0x2080  }
0x4: {  	s16 =	simm.s32 $0x2100;
	s17 =	simm.s32 $0x2180;
	s18 =	simm.s32 $0x2200  }
0x5: {  	s19 =	simm.s32 $0x2280;
	s20 =	simm.s32 $0x2300;
	s21 =	simm.s32 $0x2380  }
0x6: {  	s9 =	sand.u32 $0x1, s2;
	s2 =	stileid.u32;
	[smem:$0x7FF] =	sst s3  }
0x7: {  	s4 =	sadd.s32 $0x19600, s8;
	s5 =	sadd.s32 $0xCC00, s8;
	s6 =	sadd.s32 $0x2A00, s8  }
0x8: {  	s7 =	smul.u32 $0x140000, s9;
	_ =	strace $0x8000004A;
	[dreg:$0x4] =	wrdreg s31  }
0x9: {  	s10 =	smul.u32 $0x14000, s2;
	s11 =	sshll.u32 s2, $0x1;
	[dreg:$0x5] =	wrdreg s16  }
0xa: {  	s12 =	ssub.s32 $0x2, s9;
	s13 =	smul.u32 $0x50000, s2;
	[dreg:$0x6] =	wrdreg s17  }
0xb: {  	s28 =	smul.u32 $0xA0, s2;
	s30 =	sshll.u32 s2, $0x6;
	[dreg:$0x7] =	wrdreg s18  }
0xc: {  	s15 =	smul.u32 $0x50, s9;
	s16 =	simm.s32 $0x2400;
	[dreg:$0x8] =	wrdreg s19  }
0xd: {  	s17 =	simm.s32 $0x6400;
	s18 =	simm.s32 $0x2000;
	[dreg:$0x9] =	wrdreg s20  }
0xe: {  	s19 =	simm.s32 $0x1;
	s20 =	simm.s32 $0x2;
	[dreg:$0xa] =	wrdreg s21  }
0xf: {  	s21 =	simm.s32 $0x0;
	s11 =	sor.u32 s9, s11;
	s14 =	sshrl.u32 s12, $0x1  }
0x10: {  	s9 =	sor.u32 $0x1C03, s30;
	s10 =	sadd.s32 s10, s7;
	s7 =	sadd.s32 $0x16E00, s8  }
0x11: {  	s25 =	ssub.s32 s12, s14;
	s26 =	sshrl.u32 s13, $0x2;
	s12 =	sadd.s32 s15, s28  }
0x12: {  	s14 =	simm.s32 $0x3;
	s15 =	simm.s32 $0x80;
	s10 =	sshrl.u32 s10, $0x3  }
0x13: {  	s29 =	sadd.s32 s26, s1;
	s10 =	sadd.s32 s10, s8;
	s8 =	smul.u32 $0x50, s11  }
0x14: {  	s11 =	smax.u32 s25, $0x1;
	s13 =	sshrl.u32 s29, $0x3;
	s10 =	sadd.s32 $0x40800, s10  }
.LBB2_1:
0x15: {  	[spmem:s13], [sflag:s9] =	dma.local [hbm:s7], $0x2800  }
0x16: {  	_ =	swait.ge [sflag:s14], $0x2800  }
0x17: {  	[sflag:s14] =	ssyncset.done $0x0  }
0x18: {  	p1 =	por $0x1, $0x1;
	[sflag:s14] =	ssyncadd.s32 $0xFFFFD800  }
0x19: {  	s22 =	simm.s32 $0x50;
	s24 =	simm.s32 $0x0;
	[bflag:$0x0] =	sbarrier.arrive $0xFFFF  }
.LBB2_2:
0x1a: {  	s23 =	smin.u32 s22, $0x40  }
0x1b: {  	s25 =	sadd.s32 s8, s24;
	s23 =	sshll.u32 s23, $0x9  }
0x1c: {  	s25 =	sshll.u32 s25, $0x4;
	s23 =	sand.u32 $0xF000, s23  }
0x1d: {  	s25 =	sadd.s32 s5, s25;
	[dreg:$0x3] =	wrdreg s23;
	s23 =	simm.s32 $0x0  }
0x1e: {  	[tilespmem:s23], [sflag:$0x3] =	stream.linear.gather [hbm4b:s25+s23], $0x2000, $0x38;
	[tilespmem:$0x1E400] =	vst v63  }
0x1f: {  	_ =	swait.ge [sflag:s14], $0x2000  }
0x20: {  	s30 =	sadd.s32 s24, s12;
	s31 =	ssub.s32 $0x50, s24;
	[sflag:s14] =	ssyncset.done $0x0  }
0x21: {  	p0 =	por p1, p1;
	s25 =	sshll.u32 s30, $0x4;
	[sflag:s14] =	ssyncadd.s32 $0xFFFFE000  }
0x22: {  	[tilespmem:s16], [sflag:$0x1] =	stream.indirect.gather [hbm4b:s4+s15], $0x80, s23, s15, $0xb8;
	[tilespmem:$0x1E400] =	vst v63  }
0x23: {  	s26 =	simm.s32 $0x4;
	s24 =	smin.u32 s31, $0x40;
	s25 =	sadd.s32 s25, s6  }
0x24: {  	[tilespmem:s17], [sflag:$0x2] =	stream.indirect.gather [hbm4b:s4+s15], $0x80, s15, s15, $0xb8;
	[tilespmem:$0x1E400] =	vst v63  }
.LBB2_3:
0x25: {  	[tilespmem:s18], [sflag:$0x3] =	stream.linear.gather [hbm4b:s25+s3], $0x400, $0x38;
	[tilespmem:$0x1E400] =	vst v63  }
0x26: {  	_ =	swait.ge [sflag:s14], $0x400  }
0x27: {  	[sflag:s14] =	ssyncset.done $0x0  }
0x28: {  	[sflag:s14] =	ssyncadd.s32 $0xFFFFFC00  }
0x29: {  	_ =	swait.ge [sflag:s19], $0x4000  }
0x2a: {  	[sflag:s19] =	ssyncset.done $0x0  }
0x2b: {  	s28 =	sadd.s32 $0xFFFFFFFE, s26;
	[sflag:s19] =	ssyncadd.s32 $0xFFFFC000  }
0x2c: {  	[spmem:s1] =	stream.indirect.scatter.add.f32 [tilespmem:s16], [sflag:$0x3], $0x80, s18, s15, $0xb8;
	[tilespmem:$0x1E400] =	vst v63  }
0x2d: {  	p1 =	sge.u32 s28, s24;
	_ =	swait.ge [sflag:s14], $0x4000  }
0x2e: {  	s28 =	sshra.s32 @!p1 s23, $0x2;
	s29 =	simm.s32 @!p1 $0x80;
	[sflag:s14] =	ssyncset.done $0x0  }
0x2f: {  	s30 =	simm.s32 @!p1 $0x2400;
	s28 =	sadd.s32 @!p1 $0x100, s28;
	[sflag:s14] =	ssyncadd.s32 $0xFFFFC000  }
0x30: {  	[tilespmem:s30], [sflag:$0x1] =	stream.indirect.gather @!p1 [hbm4b:s4+s29], $0x80, s28, s29, $0xb8;
	[tilespmem:$0x1E400] =	vst v63  }
0x31: {  	_ =	swait.ge [sflag:s20], $0x4000  }
0x32: {  	[sflag:s20] =	ssyncset.done $0x0  }
0x33: {  	s29 =	sadd.s32 $0xFFFFFFFF, s26;
	s31 =	rddreg [dreg:$0x4];
	[sflag:s20] =	ssyncadd.s32 $0xFFFFC000  }
0x34: {  	[spmem:s1] =	stream.indirect.scatter.add.f32 [tilespmem:s17], [sflag:$0x3], $0x80, s31, s15, $0xb8;
	[tilespmem:$0x1E400] =	vst v63  }
0x35: {  	p1 =	sge.u32 s29, s24;
	_ =	swait.ge [sflag:s14], $0x4000  }
0x36: {  	s28 =	sshra.s32 @!p1 s23, $0x2;
	s29 =	simm.s32 @!p1 $0x80;
	[sflag:s14] =	ssyncset.done $0x0  }
0x37: {  	s30 =	simm.s32 @!p1 $0x6400;
	s28 =	sadd.s32 @!p1 $0x180, s28;
	[sflag:s14] =	ssyncadd.s32 $0xFFFFC000  }
0x38: {  	[tilespmem:s30], [sflag:$0x2] =	stream.indirect.gather @!p1 [hbm4b:s4+s29], $0x80, s28, s29, $0xb8;
	[tilespmem:$0x1E400] =	vst v63  }
0x39: {  	_ =	swait.ge [sflag:s19], $0x4000  }
0x3a: {  	[sflag:s19] =	ssyncset.done $0x0  }
0x3b: {  	s30 =	rddreg [dreg:$0x5];
	[sflag:s19] =	ssyncadd.s32 $0xFFFFC000  }
0x3c: {  	[spmem:s1] =	stream.indirect.scatter.add.f32 [tilespmem:s16], [sflag:$0x3], $0x80, s30, s15, $0xb8;
	[tilespmem:$0x1E400] =	vst v63  }
0x3d: {  	p1 =	sge.u32 s26, s24;
	_ =	swait.ge [sflag:s14], $0x4000  }
0x3e: {  	s28 =	sshra.s32 @!p1 s23, $0x2;
	s29 =	simm.s32 @!p1 $0x80;
	[sflag:s14] =	ssyncset.done $0x0  }
0x3f: {  	s28 =	sadd.s32 @!p1 $0x200, s28;
	s30 =	simm.s32 @!p1 $0x2400;
	[sflag:s14] =	ssyncadd.s32 $0xFFFFC000  }
0x40: {  	[tilespmem:s30], [sflag:$0x1] =	stream.indirect.gather @!p1 [hbm4b:s4+s29], $0x80, s28, s29, $0xb8;
	[tilespmem:$0x1E400] =	vst v63  }
0x41: {  	_ =	swait.ge [sflag:s20], $0x4000  }
0x42: {  	[sflag:s20] =	ssyncset.done $0x0  }
0x43: {  	s29 =	sadd.s32 $0x1, s26;
	s31 =	rddreg [dreg:$0x6];
	[sflag:s20] =	ssyncadd.s32 $0xFFFFC000  }
0x44: {  	[spmem:s1] =	stream.indirect.scatter.add.f32 [tilespmem:s17], [sflag:$0x3], $0x80, s31, s15, $0xb8;
	[tilespmem:$0x1E400] =	vst v63  }
0x45: {  	p1 =	sge.u32 s29, s24;
	_ =	swait.ge [sflag:s14], $0x4000  }
0x46: {  	s28 =	sshra.s32 @!p1 s23, $0x2;
	s29 =	simm.s32 @!p1 $0x80;
	[sflag:s14] =	ssyncset.done $0x0  }
0x47: {  	s30 =	simm.s32 @!p1 $0x6400;
	s28 =	sadd.s32 @!p1 $0x280, s28;
	[sflag:s14] =	ssyncadd.s32 $0xFFFFC000  }
0x48: {  	[tilespmem:s30], [sflag:$0x2] =	stream.indirect.gather @!p1 [hbm4b:s4+s29], $0x80, s28, s29, $0xb8;
	[tilespmem:$0x1E400] =	vst v63  }
0x49: {  	_ =	swait.ge [sflag:s19], $0x4000  }
0x4a: {  	[sflag:s19] =	ssyncset.done $0x0  }
0x4b: {  	s31 =	sadd.s32 $0x2, s26;
	s30 =	rddreg [dreg:$0x7];
	[sflag:s19] =	ssyncadd.s32 $0xFFFFC000  }
0x4c: {  	[spmem:s1] =	stream.indirect.scatter.add.f32 [tilespmem:s16], [sflag:$0x3], $0x80, s30, s15, $0xb8;
	[tilespmem:$0x1E400] =	vst v63  }
0x4d: {  	p1 =	sge.u32 s31, s24;
	_ =	swait.ge [sflag:s14], $0x4000  }
0x4e: {  	s28 =	sshra.s32 @!p1 s23, $0x2;
	s29 =	simm.s32 @!p1 $0x80;
	[sflag:s14] =	ssyncset.done $0x0  }
0x4f: {  	s28 =	sadd.s32 @!p1 $0x300, s28;
	s30 =	simm.s32 @!p1 $0x2400;
	[sflag:s14] =	ssyncadd.s32 $0xFFFFC000  }
0x50: {  	[tilespmem:s30], [sflag:$0x1] =	stream.indirect.gather @!p1 [hbm4b:s4+s29], $0x80, s28, s29, $0xb8;
	[tilespmem:$0x1E400] =	vst v63  }
0x51: {  	_ =	swait.ge [sflag:s20], $0x4000  }
0x52: {  	[sflag:s20] =	ssyncset.done $0x0  }
0x53: {  	s30 =	sadd.s32 $0x3, s26;
	s29 =	rddreg [dreg:$0x8];
	[sflag:s20] =	ssyncadd.s32 $0xFFFFC000  }
0x54: {  	[spmem:s1] =	stream.indirect.scatter.add.f32 [tilespmem:s17], [sflag:$0x3], $0x80, s29, s15, $0xb8;
	[tilespmem:$0x1E400] =	vst v63  }
0x55: {  	p1 =	sge.u32 s30, s24;
	_ =	swait.ge [sflag:s14], $0x4000  }
0x56: {  	s28 =	sshra.s32 @!p1 s23, $0x2;
	s30 =	simm.s32 @!p1 $0x6400;
	[sflag:s14] =	ssyncset.done $0x0  }
0x57: {  	s28 =	sadd.s32 @!p1 $0x380, s28;
	s29 =	simm.s32 @!p1 $0x80;
	[sflag:s14] =	ssyncadd.s32 $0xFFFFC000  }
0x58: {  	[tilespmem:s30], [sflag:$0x2] =	stream.indirect.gather @!p1 [hbm4b:s4+s29], $0x80, s28, s29, $0xb8;
	[tilespmem:$0x1E400] =	vst v63  }
0x59: {  	_ =	swait.ge [sflag:s19], $0x4000  }
0x5a: {  	[sflag:s19] =	ssyncset.done $0x0  }
0x5b: {  	s29 =	sadd.s32 $0x4, s26;
	s31 =	rddreg [dreg:$0x9];
	[sflag:s19] =	ssyncadd.s32 $0xFFFFC000  }
0x5c: {  	[spmem:s1] =	stream.indirect.scatter.add.f32 [tilespmem:s16], [sflag:$0x3], $0x80, s31, s15, $0xb8;
	[tilespmem:$0x1E400] =	vst v63  }
0x5d: {  	p1 =	sge.u32 s29, s24;
	_ =	swait.ge [sflag:s14], $0x4000  }
0x5e: {  	s28 =	sshra.s32 @!p1 s23, $0x2;
	s29 =	simm.s32 @!p1 $0x80;
	[sflag:s14] =	ssyncset.done $0x0  }
0x5f: {  	s30 =	simm.s32 @!p1 $0x2400;
	s28 =	sadd.s32 @!p1 $0x400, s28;
	[sflag:s14] =	ssyncadd.s32 $0xFFFFC000  }
0x60: {  	[tilespmem:s30], [sflag:$0x1] =	stream.indirect.gather @!p1 [hbm4b:s4+s29], $0x80, s28, s29, $0xb8;
	[tilespmem:$0x1E400] =	vst v63  }
0x61: {  	_ =	swait.ge [sflag:s20], $0x4000  }
0x62: {  	s31 =	sadd.s32 $0x5, s26;
	[sflag:s20] =	ssyncset.done $0x0  }
0x63: {  	p1 =	sge.u32 s31, s24;
	s30 =	rddreg [dreg:$0xa];
	[sflag:s20] =	ssyncadd.s32 $0xFFFFC000  }
0x64: {  	[spmem:s1] =	stream.indirect.scatter.add.f32 [tilespmem:s17], [sflag:$0x3], $0x80, s30, s15, $0xb8;
	[tilespmem:$0x1E400] =	vst v63  }
0x65: {  	s28 =	sshra.s32 @!p1 s23, $0x2;
	s29 =	simm.s32 @!p1 $0x80;
	_ =	swait.ge [sflag:s14], $0x4000  }
0x66: {  	s23 =	sadd.s32 $0x1000, s23;
	s28 =	sadd.s32 @!p1 $0x480, s28;
	[sflag:s14] =	ssyncset.done $0x0  }
0x67: {  	s30 =	simm.s32 @!p1 $0x6400;
	s31 =	rddreg [dreg:$0x3];
	[sflag:s14] =	ssyncadd.s32 $0xFFFFC000  }
0x68: {  	[tilespmem:s30], [sflag:$0x2] =	stream.indirect.gather @!p1 [hbm4b:s4+s29], $0x80, s28, s29, $0xb8;
	[tilespmem:$0x1E400] =	vst v63  }
0x69: {  	p1 =	sne.s32 s31, s23  }
.Ltmp0:
0x6a: {  	_ = 	snop;
	(pc) =	sbr.rel @p1 .LBB2_3-.Ltmp0, $2  }
0x6b: {  	_ =	sdelay $0x2  }
0x6c: {  	s25 =	sadd.s32 $0x80, s25;
	s26 =	sadd.s32 $0x8, s26  }
.Ltmp1:
0x6d: {  	(pc) =	sbr.rel @p0 .LBB2_2-.Ltmp1, $2  }
0x6e: {  	_ =	sdelay $0x2  }
0x6f: {  	s22 =	sadd.s32 $0xFFFFFFC0, s22;
	s24 =	simm.s32 $0x40;
	p1 =	por $0x0, $0x0  }
0x70: {  	s21 =	sadd.s32 $0x1, s21  }
0x71: {  	p0 =	sne.s32 s21, s11  }
.Ltmp2:
0x72: {  	[bflag:$0x0] =	sbarrier.arrive $0xFFFF;
	(pc) =	sbr.rel @p0 .LBB2_1-.Ltmp2, $4  }
0x73: {  	[hbm:s10], [sflag:s9] =	dma.local [spmem:s13], $0x2800  }
0x74: {  	_ =	swait.ge [sflag:s14], $0x2800  }
0x75: {  	[sflag:s14] =	ssyncset.done $0x0  }
0x76: {  	[sflag:s14] =	ssyncadd.s32 $0xFFFFD800  }
0x77: {  	_ =	sfence.sel $0x180000  }
0x78: {  	[bflag:$0x0] =	sbarrier.arrive $0xFFFF  }
0x79: {  	p0 =	sne.s32 s2, $0x0;
	_ =	strace $0x9000004A  }
0x7a: {  	s0 =	sadd.s32 @!p0 $0x100000, s0;
	[bflag:$0x2] =	sbarrier.arrive $0xFFFF  }
0x7b: {  	[sflag:s0] =	ssyncadd.tile.s32 @!p0 $0x1;
	_ =	shalt  }
.Lfunc_end2:
_tile_overlayer_lowered:
.L_overlay_start_2:
0x7c: {  	(tag) =	ssettag $0x2  }
0x7d: {  	s0 =	rddreg [dreg:$0x0];
	s2 =	stileid.u32  }
0x7e: {  	s1 =	rddreg [dreg:$0x1];
	p0 =	sne.s32 s2, $0x0  }
0x7f: {  	s3 =	rddreg [dreg:$0x2];
	[bflag:$0x3] =	sbarrier.arrive $0xFFFF;
	s2 =	simm.s32 @!p0 $0x1C03  }
0x80: {  	[timem:s3], [sflag:s2] =	dma.local @!p0 [hbm:s0], s1  }
0x81: {  	s0 =	simm.s32 @!p0 $0x3  }
0x82: {  	_ =	swait.ge @!p0 [sflag:s0], s1  }
0x83: {  	s1 =	ssub.s32 @!p0 $0x0, s1;
	[sflag:s0] =	ssyncset.done @!p0 $0x0  }
0x84: {  	[sflag:s0] =	ssyncadd.s32 @!p0 s1  }
0x85: {  	[bflag:$0x3] =	sbarrier.arrive $0xFFFF  }
0x86: {  	_ =	shalt  }

// kernel: kernel.16.cloned.1.call-start
scs
__scs_entry_jumppad:
0x0: {  	(pc) =	sbr.rel $0x88, $3  }
0x1: {  	(tag) =	ssettag $0x0;
	lr =	simm.s32 $0x1  }
0x2: {  	[smem:$0x3F97] =	sst lr;
	_ =	strace $0xD0000000  }
0x3: {  	_ = 	snop  }
0x4: {  	_ = 	snop  }
0x5: {  	_ = 	snop  }
0x6: {  	_ = 	snop  }
0x7: {  	_ = 	snop  }
__scs_overlays_trampoline_lowered:
0x8: {  	[smem:$0x3FA6] =	sst s0  }
0x9: {  	[smem:$0x3FA7] =	sst s1  }
0xa: {  	[smem:$0x3FA8] =	sst s2  }
0xb: {  	[smem:$0x3FA9] =	sst s3  }
0xc: {  	[smem:$0x3FAA] =	sst s4  }
0xd: {  	[smem:$0x3FAB] =	sst s5  }
0xe: {  	[smem:$0x3FAC] =	sst s6  }
0xf: {  	[smem:$0x3FAD] =	sst s7  }
0x10: {  	[smem:$0x3FAE] =	sst s8  }
0x11: {  	[smem:$0x3FAF] =	sst s9;
	s0 =	simm.s32 @!p0 $0x0  }
0x12: {  	s1 =	sld [smem:$0x3F95];
	s0 =	simm.s32 @p0 $0x1  }
0x13: {  	[smem:$0x3FB0] =	sst s0;
	s0 =	simm.s32 @!p1 $0x0  }
0x14: {  	s2 =	sld [smem:$0x3F94];
	s0 =	simm.s32 @p1 $0x1  }
0x15: {  	[smem:$0x3FB1] =	sst s0;
	s0 =	simm.s32 @!p2 $0x0  }
0x16: {  	s3 =	sld [smem:$0x3FDB];
	s0 =	simm.s32 @p2 $0x1  }
0x17: {  	s4 =	simm.s32 $0x1BF5;
	[smem:$0x3FB3] =	sst s0  }
0x18: {  	s0 =	sld [smem:$0x3F96];
	_ =	swait.ge [sflag:s4], $0x0  }
0x19: {  	s7 =	sld [smem:$0x3F97]  }
0x1a: {  	s8 =	sadd.s32 $0xFFFFE003, lr  }
0x1b: {  	s9 =	sadd.s32 $0xFFFFFEF7, lr;
	s5 =	simm.s32 $0xFFFFFFFF;
	p2 =	slt.u32 s8, $0xFFFFF086  }
0x1c: {  	p1 =	slt.u32 s9, $0xF7A;
	s5 =	simm.s32 @!p2 $0x0  }
0x1d: {  	s5 =	simm.s32 @p1 $0x1;
	p0 =	seq.s32 s7, s2  }
0x1e: {  	s7 =	smul.u32 @!p0 $0xF7A, s2;
	p2 =	seq.s32 @!p0 s5, $0x0  }
0x1f: {  	s9 =	smul.u32 $0xF7A, s1;
	s8 =	simm.s32 @!p0 $0x1BF5;
	p2 =	por !p2, p0  }
0x20: {  	[sflag:s8] =	ssyncset.s32 @!p0 $0xFFFFF086;
	s6 =	sadd.s32 @!p0 s3, s7;
	s7 =	simm.s32 @!p0 $0x108  }
0x21: {  	s3 =	sadd.s32 s3, s9;
	s6 =	sadd.s32 @!p0 $0x88, s6;
	s7 =	simm.s32 @p2 $0x1082  }
0x22: {  	[simem:s7], [sflag:s8] =	dma.local @!p0 [hbm:s6], $0xF7A  }
0x23: {  	s9 =	sor.u32 $0xD0000000, s2;
	s6 =	simm.s32 $0x108;
	_ =	swait.ge @!p0 [sflag:s8], $0x0  }
0x24: {  	s3 =	sadd.s32 $0x88, s3;
	s6 =	simm.s32 @!p1 $0x1082;
	[sflag:s4] =	ssyncset.s32 $0xFFFFF086  }
0x25: {  	[simem:s6], [sflag:s4] =	dma.local [hbm:s3], $0xF7A  }
0x26: {  	[smem:$0x3F97] =	sst s1;
	(tag) =	ssettag s2;
	_ =	strace s9  }
0x27: {  	s1 =	sld [smem:$0x3FA7]  }
0x28: {  	s2 =	sld [smem:$0x3FA8]  }
0x29: {  	s4 =	sld [smem:$0x3FAA]  }
0x2a: {  	p0 =	seq.s32 s5, $0x0;
	s5 =	sld [smem:$0x3FAB]  }
0x2b: {  	s6 =	sld [smem:$0x3FAC]  }
0x2c: {  	s7 =	sld [smem:$0x3FAD]  }
0x2d: {  	s3 =	simm.s32 $0x108;
	s8 =	sld [smem:$0x3FAE]  }
0x2e: {  	s3 =	simm.s32 @!p0 $0x1082;
	s9 =	sld [smem:$0x3FAF]  }
0x2f: {  	lr =	sadd.s32 s0, s3;
	s0 =	sld [smem:$0x3FA6]  }
0x30: {  	s3 =	sld [smem:$0x3FA9]  }
0x31: {  	[smem:$0x3FB2] =	sst s10  }
0x32: {  	s10 =	sld [smem:$0x3FB0];
	_ =	sdelay $0x3  }
0x33: {  	p0 =	seq.s32 s10, $0x1;
	s10 =	sld [smem:$0x3FB2];
	_ =	sdelay $0x3  }
0x34: {  	[smem:$0x3FB2] =	sst s10  }
0x35: {  	s10 =	sld [smem:$0x3FB1];
	_ =	sdelay $0x3  }
0x36: {  	p1 =	seq.s32 s10, $0x1;
	s10 =	sld [smem:$0x3FB2];
	_ =	sdelay $0x3  }
0x37: {  	[smem:$0x3FB2] =	sst s10  }
0x38: {  	s10 =	sld [smem:$0x3FB3]  }
0x39: {  	_ = 	snop;
	(pc) =	sbr.ind lr, $3  }
0x3a: {  	_ = 	snop  }
0x3b: {  	_ = 	snop  }
0x3c: {  	p2 =	seq.s32 s10, $0x1;
	s10 =	sld [smem:$0x3FB2]  }
0x3d: {  	_ =	shalt  }
0x3e: {  	_ =	shalt  }
0x3f: {  	_ =	shalt  }
0x40: {  	_ =	shalt  }
0x41: {  	_ =	shalt  }
0x42: {  	_ =	shalt  }
0x43: {  	_ =	shalt  }
0x44: {  	_ =	shalt  }
0x45: {  	_ =	shalt  }
0x46: {  	_ =	shalt  }
0x47: {  	_ =	shalt  }
0x48: {  	_ =	shalt  }
0x49: {  	_ =	shalt  }
0x4a: {  	_ =	shalt  }
0x4b: {  	_ =	shalt  }
0x4c: {  	_ =	shalt  }
0x4d: {  	_ =	shalt  }
0x4e: {  	_ =	shalt  }
0x4f: {  	_ =	shalt  }
0x50: {  	_ =	shalt  }
0x51: {  	_ =	shalt  }
0x52: {  	_ =	shalt  }
0x53: {  	_ =	shalt  }
0x54: {  	_ =	shalt  }
0x55: {  	_ =	shalt  }
0x56: {  	_ =	shalt  }
0x57: {  	_ =	shalt  }
0x58: {  	_ =	shalt  }
0x59: {  	_ =	shalt  }
0x5a: {  	_ =	shalt  }
0x5b: {  	_ =	shalt  }
0x5c: {  	_ =	shalt  }
0x5d: {  	_ =	shalt  }
0x5e: {  	_ =	shalt  }
0x5f: {  	_ =	shalt  }
0x60: {  	_ =	shalt  }
0x61: {  	_ =	shalt  }
0x62: {  	_ =	shalt  }
0x63: {  	_ =	shalt  }
0x64: {  	_ =	shalt  }
0x65: {  	_ =	shalt  }
0x66: {  	_ =	shalt  }
0x67: {  	_ =	shalt  }
0x68: {  	_ =	shalt  }
0x69: {  	_ =	shalt  }
0x6a: {  	_ =	shalt  }
0x6b: {  	_ =	shalt  }
0x6c: {  	_ =	shalt  }
0x6d: {  	_ =	shalt  }
0x6e: {  	_ =	shalt  }
0x6f: {  	_ =	shalt  }
0x70: {  	_ =	shalt  }
0x71: {  	_ =	shalt  }
0x72: {  	_ =	shalt  }
0x73: {  	_ =	shalt  }
0x74: {  	_ =	shalt  }
0x75: {  	_ =	shalt  }
0x76: {  	_ =	shalt  }
0x77: {  	_ =	shalt  }
0x78: {  	_ =	shalt  }
0x79: {  	_ =	shalt  }
0x7a: {  	_ =	shalt  }
0x7b: {  	_ =	shalt  }
0x7c: {  	_ =	shalt  }
0x7d: {  	_ =	shalt  }
0x7e: {  	_ =	shalt  }
0x7f: {  	_ =	shalt  }
0x80: {  	_ =	shalt  }
0x81: {  	_ =	shalt  }
0x82: {  	_ =	shalt  }
0x83: {  	_ =	shalt  }
0x84: {  	_ =	shalt  }
0x85: {  	_ =	shalt  }
0x86: {  	_ =	shalt  }
0x87: {  	_ =	shalt  }
.Lfunc_end0:
.L_simem_size_0:
called_computation.2_lowered:
.L_overlay_start_0:
0x88: {  	s2 =	sld [smem:$0x3FD9]  }
0x89: {  	s3 =	sld [smem:$0x3FFE];
	_ =	sdelay $0x1  }
0x8a: {  	s1 =	srdreg.scid  }
0x8b: {  	s0 =	sand.u32 $0x1, s1  }
0x8c: {  	s16 =	sshll.u32 s0, $0xA;
	s2 =	sadd.s32 s3, s2  }
0x8d: {  	s2 =	sadd.s32 s2, s16  }
0x8e: {  	[smem:$0x3FBE] =	sst s2  }
0x8f: {  	_ = 	snop  }
0x90: {  	(tm) =	ssettm $0x1  }
0x91: {  	s17 =	sld [smem:$0x3FFB];
	_ =	sdelay $0x3  }
0x92: {  	_ =	strace s17  }
0x93: {  	s2 =	sld [smem:$0x3FFC];
	_ =	sdelay $0x3  }
0x94: {  	_ =	strace s2  }
0x95: {  	s2 =	sld [smem:$0x3FFD];
	_ =	sdelay $0x3  }
0x96: {  	_ =	strace s2  }
0x97: {  	_ =	strace $0x8FFFFFFF  }
0x98: {  	s18 =	sld [smem:$0x3FDB];
	_ =	sdelay $0x1  }
0x99: {  	s19 =	simm.s32 $_scs_section_size  }
0x9a: {  	s4 =	simm.s32 $_size__tile_overlayer_lowered;
	s5 =	simm.s32 $_tile_overlayer_lowered  }
0x9b: {  	s22 =	simm.s32 $0x1BFF;
	s21 =	sshll.u32 s5, $0x1;
	s2 =	sadd.s32 s19, s18  }
0x9c: {  	s6 =	simm.s32 $0x0;
	s20 =	sshll.u32 s4, $0x1;
	s4 =	sadd.s32 s21, s2  }
0x9d: {  	[timem:s6], [sflag:s22] =	dma.local [hbm:s4], s20  }
0x9e: {  	_ =	swait.ge [sflag:s22], s20  }
0x9f: {  	s3 =	ssub.s32 $0x0, s20;
	[sflag:s22] =	ssyncset.done $0x0  }
0xa0: {  	[sflag:s22] =	ssyncadd.s32 s3;
	_ =	sdelay $0x1  }
0xa1: {  	s23 =	simm.s32 $0x1B8B  }
0xa2: {  	_ =	swait.ge [sflag:s23], $0x1  }
0xa3: {  	[sflag:s23] =	ssyncset.done $0x0  }
0xa4: {  	s25 =	simm.s32 $0x1B8E;
	s24 =	sld [smem:$0x3FFE];
	[sflag:s23] =	ssyncadd.s32 $0xFFFFFFFF  }
0xa5: {  	s26 =	simm.s32 $execute0_lowered;
	[smem:$0x3FD2] =	sst s25  }
0xa6: {  	s4 =	sshll.u32 s26, $0x1;
	_ =	strace $0x8000004C;
	[dreg:$0x1] =	wrdreg $0xFFFFFFFF  }
0xa7: {  	s28 =	simm.s32 $_size_execute0_lowered;
	s2 =	sadd.s32 s2, s4;
	[dreg:$0x0] =	wrdreg $0x0  }
0xa8: {  	s4 =	sshll.u32 s28, $0x1;
	[dreg:$0x2] =	wrdreg s2  }
0xa9: {  	[dreg:$0x3] =	wrdreg s4  }
0xaa: {  	[dreg:$0x4] =	wrdreg $0xC0  }
0xab: {  	_ =	task [dreg:s6], $0x5FFFF  }
0xac: {  	[dreg:$0x1] =	wrdreg $0xFFFFFFFF  }
0xad: {  	[dreg:$0x0] =	wrdreg $0x60  }
0xae: {  	[dreg:$0x2] =	wrdreg s24  }
0xaf: {  	[dreg:$0x3] =	wrdreg $0xA4000  }
0xb0: {  	[dreg:$0x4] =	wrdreg $0x9  }
0xb1: {  	_ =	task.clear_ibuf [dreg:s6], $0x5FFFF;
	_ =	strace $0x9000004C  }
0xb2: {  	s29 =	simm.s32 $0x9;
	_ =	strace $0x8000004E  }
0xb3: {  	_ =	swait.ge [sflag:s29], $0x1  }
0xb4: {  	[sflag:s29] =	ssyncadd.s32 $0xFFFFFFFF  }
0xb5: {  	_ =	strace $0x9000004E  }
0xb6: {  	_ =	sfence  }
0xb7: {  	s30 =	sld [smem:$0x0];
	_ =	sdelay $0x2  }
0xb8: {  	s31 =	sshll.u32 s1, $0xD;
	s1 =	sshrl.u32 s1, $0x2  }
0xb9: {  	s3 =	sand.u32 $0x4000, s31;
	s1 =	sadd.s32 s1, s30  }
0xba: {  	s0 =	sor.u32 s3, s0;
	s1 =	sshll.u32 s1, $0x11  }
0xbb: {  	s0 =	sor.u32 s1, s0  }
0xbc: {  	s0 =	sadd.s32 $0x8F2B, s0  }
0xbd: {  	[sflag:s0] =	ssyncadd.remote.s32 $0x1  }
0xbe: {  	_ =	sfence.sel $0xFFFF  }
0xbf: {  	[dreg:$0x0] =	wrdreg $0xFFFFFFFF;
	(pc) =	sbr.abs _section_cstart, $3  }
0xc0: {  	[dreg:$0x1] =	wrdreg $0xFFFFFFFF  }
0xc1: {  	_ =	task.clear_ibuf [dreg:s6], $0x2FFFF;
	_ =	strace $0x9FFFFFFF  }
0xc2: {  	(tm) =	ssettm $0x7FFFFFFF  }
0xc3: {  	_ =	shalt  }
tec
execute0_lowered:
.L_overlay_start_1:
0x0: {  	(tag) =	ssettag $0x1  }
0x1: {  	s8 =	rddreg [dreg:$0x0]  }
0x2: {  	s1 =	rddreg [dreg:$0x1];
	s2 =	srdreg.scid  }
0x3: {  	s0 =	rddreg [dreg:$0x2];
	s3 =	simm.s32 $0x0;
	s31 =	simm.s32 $0x2080  }
0x4: {  	s16 =	simm.s32 $0x2100;
	s17 =	simm.s32 $0x2180;
	s18 =	simm.s32 $0x2200  }
0x5: {  	s19 =	simm.s32 $0x2280;
	s20 =	simm.s32 $0x2300;
	s21 =	simm.s32 $0x2380  }
0x6: {  	s9 =	sand.u32 $0x1, s2;
	s2 =	stileid.u32;
	[smem:$0x7FF] =	sst s3  }
0x7: {  	s4 =	sadd.s32 $0x19600, s8;
	s5 =	sadd.s32 $0xCC00, s8;
	s6 =	sadd.s32 $0x2A00, s8  }
0x8: {  	s7 =	smul.u32 $0x140000, s9;
	_ =	strace $0x8000004D;
	[dreg:$0x4] =	wrdreg s31  }
0x9: {  	s10 =	smul.u32 $0x14000, s2;
	s11 =	sshll.u32 s2, $0x1;
	[dreg:$0x5] =	wrdreg s16  }
0xa: {  	s12 =	ssub.s32 $0x2, s9;
	s13 =	smul.u32 $0x50000, s2;
	[dreg:$0x6] =	wrdreg s17  }
0xb: {  	s28 =	smul.u32 $0xA0, s2;
	s30 =	sshll.u32 s2, $0x6;
	[dreg:$0x7] =	wrdreg s18  }
0xc: {  	s15 =	smul.u32 $0x50, s9;
	s16 =	simm.s32 $0x2400;
	[dreg:$0x8] =	wrdreg s19  }
0xd: {  	s17 =	simm.s32 $0x6400;
	s18 =	simm.s32 $0x2000;
	[dreg:$0x9] =	wrdreg s20  }
0xe: {  	s19 =	simm.s32 $0x1;
	s20 =	simm.s32 $0x2;
	[dreg:$0xa] =	wrdreg s21  }
0xf: {  	s21 =	simm.s32 $0x0;
	s11 =	sor.u32 s9, s11;
	s14 =	sshrl.u32 s12, $0x1  }
0x10: {  	s9 =	sor.u32 $0x1C03, s30;
	s10 =	sadd.s32 s10, s7;
	s7 =	sadd.s32 $0x16E00, s8  }
0x11: {  	s25 =	ssub.s32 s12, s14;
	s26 =	sshrl.u32 s13, $0x2;
	s12 =	sadd.s32 s15, s28  }
0x12: {  	s14 =	simm.s32 $0x3;
	s15 =	simm.s32 $0x80;
	s10 =	sshrl.u32 s10, $0x3  }
0x13: {  	s29 =	sadd.s32 s26, s1;
	s10 =	sadd.s32 s10, s8;
	s8 =	smul.u32 $0x50, s11  }
0x14: {  	s11 =	smax.u32 s25, $0x1;
	s13 =	sshrl.u32 s29, $0x3;
	s10 =	sadd.s32 $0x40800, s10  }
.LBB2_1:
0x15: {  	[spmem:s13], [sflag:s9] =	dma.local [hbm:s7], $0x2800  }
0x16: {  	_ =	swait.ge [sflag:s14], $0x2800  }
0x17: {  	[sflag:s14] =	ssyncset.done $0x0  }
0x18: {  	p1 =	por $0x1, $0x1;
	[sflag:s14] =	ssyncadd.s32 $0xFFFFD800  }
0x19: {  	s22 =	simm.s32 $0x50;
	s24 =	simm.s32 $0x0;
	[bflag:$0x0] =	sbarrier.arrive $0xFFFF  }
.LBB2_2:
0x1a: {  	s23 =	smin.u32 s22, $0x40  }
0x1b: {  	s25 =	sadd.s32 s8, s24;
	s23 =	sshll.u32 s23, $0x9  }
0x1c: {  	s25 =	sshll.u32 s25, $0x4;
	s23 =	sand.u32 $0xF000, s23  }
0x1d: {  	s25 =	sadd.s32 s5, s25;
	[dreg:$0x3] =	wrdreg s23;
	s23 =	simm.s32 $0x0  }
0x1e: {  	[tilespmem:s23], [sflag:$0x3] =	stream.linear.gather [hbm4b:s25+s23], $0x2000, $0x38;
	[tilespmem:$0x1E400] =	vst v63  }
0x1f: {  	_ =	swait.ge [sflag:s14], $0x2000  }
0x20: {  	s30 =	sadd.s32 s24, s12;
	s31 =	ssub.s32 $0x50, s24;
	[sflag:s14] =	ssyncset.done $0x0  }
0x21: {  	p0 =	por p1, p1;
	s25 =	sshll.u32 s30, $0x4;
	[sflag:s14] =	ssyncadd.s32 $0xFFFFE000  }
0x22: {  	[tilespmem:s16], [sflag:$0x1] =	stream.indirect.gather [hbm4b:s4+s15], $0x80, s23, s15, $0xb8;
	[tilespmem:$0x1E400] =	vst v63  }
0x23: {  	s26 =	simm.s32 $0x4;
	s24 =	smin.u32 s31, $0x40;
	s25 =	sadd.s32 s25, s6  }
0x24: {  	[tilespmem:s17], [sflag:$0x2] =	stream.indirect.gather [hbm4b:s4+s15], $0x80, s15, s15, $0xb8;
	[tilespmem:$0x1E400] =	vst v63  }
.LBB2_3:
0x25: {  	[tilespmem:s18], [sflag:$0x3] =	stream.linear.gather [hbm4b:s25+s3], $0x400, $0x38;
	[tilespmem:$0x1E400] =	vst v63  }
0x26: {  	_ =	swait.ge [sflag:s14], $0x400  }
0x27: {  	[sflag:s14] =	ssyncset.done $0x0  }
0x28: {  	[sflag:s14] =	ssyncadd.s32 $0xFFFFFC00  }
0x29: {  	_ =	swait.ge [sflag:s19], $0x4000  }
0x2a: {  	[sflag:s19] =	ssyncset.done $0x0  }
0x2b: {  	s28 =	sadd.s32 $0xFFFFFFFE, s26;
	[sflag:s19] =	ssyncadd.s32 $0xFFFFC000  }
0x2c: {  	[spmem:s1] =	stream.indirect.scatter.add.f32 [tilespmem:s16], [sflag:$0x3], $0x80, s18, s15, $0xb8;
	[tilespmem:$0x1E400] =	vst v63  }
0x2d: {  	p1 =	sge.u32 s28, s24;
	_ =	swait.ge [sflag:s14], $0x4000  }
0x2e: {  	s28 =	sshra.s32 @!p1 s23, $0x2;
	s29 =	simm.s32 @!p1 $0x80;
	[sflag:s14] =	ssyncset.done $0x0  }
0x2f: {  	s30 =	simm.s32 @!p1 $0x2400;
	s28 =	sadd.s32 @!p1 $0x100, s28;
	[sflag:s14] =	ssyncadd.s32 $0xFFFFC000  }
0x30: {  	[tilespmem:s30], [sflag:$0x1] =	stream.indirect.gather @!p1 [hbm4b:s4+s29], $0x80, s28, s29, $0xb8;
	[tilespmem:$0x1E400] =	vst v63  }
0x31: {  	_ =	swait.ge [sflag:s20], $0x4000  }
0x32: {  	[sflag:s20] =	ssyncset.done $0x0  }
0x33: {  	s29 =	sadd.s32 $0xFFFFFFFF, s26;
	s31 =	rddreg [dreg:$0x4];
	[sflag:s20] =	ssyncadd.s32 $0xFFFFC000  }
0x34: {  	[spmem:s1] =	stream.indirect.scatter.add.f32 [tilespmem:s17], [sflag:$0x3], $0x80, s31, s15, $0xb8;
	[tilespmem:$0x1E400] =	vst v63  }
0x35: {  	p1 =	sge.u32 s29, s24;
	_ =	swait.ge [sflag:s14], $0x4000  }
0x36: {  	s28 =	sshra.s32 @!p1 s23, $0x2;
	s29 =	simm.s32 @!p1 $0x80;
	[sflag:s14] =	ssyncset.done $0x0  }
0x37: {  	s30 =	simm.s32 @!p1 $0x6400;
	s28 =	sadd.s32 @!p1 $0x180, s28;
	[sflag:s14] =	ssyncadd.s32 $0xFFFFC000  }
0x38: {  	[tilespmem:s30], [sflag:$0x2] =	stream.indirect.gather @!p1 [hbm4b:s4+s29], $0x80, s28, s29, $0xb8;
	[tilespmem:$0x1E400] =	vst v63  }
0x39: {  	_ =	swait.ge [sflag:s19], $0x4000  }
0x3a: {  	[sflag:s19] =	ssyncset.done $0x0  }
0x3b: {  	s30 =	rddreg [dreg:$0x5];
	[sflag:s19] =	ssyncadd.s32 $0xFFFFC000  }
0x3c: {  	[spmem:s1] =	stream.indirect.scatter.add.f32 [tilespmem:s16], [sflag:$0x3], $0x80, s30, s15, $0xb8;
	[tilespmem:$0x1E400] =	vst v63  }
0x3d: {  	p1 =	sge.u32 s26, s24;
	_ =	swait.ge [sflag:s14], $0x4000  }
0x3e: {  	s28 =	sshra.s32 @!p1 s23, $0x2;
	s29 =	simm.s32 @!p1 $0x80;
	[sflag:s14] =	ssyncset.done $0x0  }
0x3f: {  	s28 =	sadd.s32 @!p1 $0x200, s28;
	s30 =	simm.s32 @!p1 $0x2400;
	[sflag:s14] =	ssyncadd.s32 $0xFFFFC000  }
0x40: {  	[tilespmem:s30], [sflag:$0x1] =	stream.indirect.gather @!p1 [hbm4b:s4+s29], $0x80, s28, s29, $0xb8;
	[tilespmem:$0x1E400] =	vst v63  }
0x41: {  	_ =	swait.ge [sflag:s20], $0x4000  }
0x42: {  	[sflag:s20] =	ssyncset.done $0x0  }
0x43: {  	s29 =	sadd.s32 $0x1, s26;
	s31 =	rddreg [dreg:$0x6];
	[sflag:s20] =	ssyncadd.s32 $0xFFFFC000  }
0x44: {  	[spmem:s1] =	stream.indirect.scatter.add.f32 [tilespmem:s17], [sflag:$0x3], $0x80, s31, s15, $0xb8;
	[tilespmem:$0x1E400] =	vst v63  }
0x45: {  	p1 =	sge.u32 s29, s24;
	_ =	swait.ge [sflag:s14], $0x4000  }
0x46: {  	s28 =	sshra.s32 @!p1 s23, $0x2;
	s29 =	simm.s32 @!p1 $0x80;
	[sflag:s14] =	ssyncset.done $0x0  }
0x47: {  	s30 =	simm.s32 @!p1 $0x6400;
	s28 =	sadd.s32 @!p1 $0x280, s28;
	[sflag:s14] =	ssyncadd.s32 $0xFFFFC000  }
0x48: {  	[tilespmem:s30], [sflag:$0x2] =	stream.indirect.gather @!p1 [hbm4b:s4+s29], $0x80, s28, s29, $0xb8;
	[tilespmem:$0x1E400] =	vst v63  }
0x49: {  	_ =	swait.ge [sflag:s19], $0x4000  }
0x4a: {  	[sflag:s19] =	ssyncset.done $0x0  }
0x4b: {  	s31 =	sadd.s32 $0x2, s26;
	s30 =	rddreg [dreg:$0x7];
	[sflag:s19] =	ssyncadd.s32 $0xFFFFC000  }
0x4c: {  	[spmem:s1] =	stream.indirect.scatter.add.f32 [tilespmem:s16], [sflag:$0x3], $0x80, s30, s15, $0xb8;
	[tilespmem:$0x1E400] =	vst v63  }
0x4d: {  	p1 =	sge.u32 s31, s24;
	_ =	swait.ge [sflag:s14], $0x4000  }
0x4e: {  	s28 =	sshra.s32 @!p1 s23, $0x2;
	s29 =	simm.s32 @!p1 $0x80;
	[sflag:s14] =	ssyncset.done $0x0  }
0x4f: {  	s28 =	sadd.s32 @!p1 $0x300, s28;
	s30 =	simm.s32 @!p1 $0x2400;
	[sflag:s14] =	ssyncadd.s32 $0xFFFFC000  }
0x50: {  	[tilespmem:s30], [sflag:$0x1] =	stream.indirect.gather @!p1 [hbm4b:s4+s29], $0x80, s28, s29, $0xb8;
	[tilespmem:$0x1E400] =	vst v63  }
0x51: {  	_ =	swait.ge [sflag:s20], $0x4000  }
0x52: {  	[sflag:s20] =	ssyncset.done $0x0  }
0x53: {  	s30 =	sadd.s32 $0x3, s26;
	s29 =	rddreg [dreg:$0x8];
	[sflag:s20] =	ssyncadd.s32 $0xFFFFC000  }
0x54: {  	[spmem:s1] =	stream.indirect.scatter.add.f32 [tilespmem:s17], [sflag:$0x3], $0x80, s29, s15, $0xb8;
	[tilespmem:$0x1E400] =	vst v63  }
0x55: {  	p1 =	sge.u32 s30, s24;
	_ =	swait.ge [sflag:s14], $0x4000  }
0x56: {  	s28 =	sshra.s32 @!p1 s23, $0x2;
	s30 =	simm.s32 @!p1 $0x6400;
	[sflag:s14] =	ssyncset.done $0x0  }
0x57: {  	s28 =	sadd.s32 @!p1 $0x380, s28;
	s29 =	simm.s32 @!p1 $0x80;
	[sflag:s14] =	ssyncadd.s32 $0xFFFFC000  }
0x58: {  	[tilespmem:s30], [sflag:$0x2] =	stream.indirect.gather @!p1 [hbm4b:s4+s29], $0x80, s28, s29, $0xb8;
	[tilespmem:$0x1E400] =	vst v63  }
0x59: {  	_ =	swait.ge [sflag:s19], $0x4000  }
0x5a: {  	[sflag:s19] =	ssyncset.done $0x0  }
0x5b: {  	s29 =	sadd.s32 $0x4, s26;
	s31 =	rddreg [dreg:$0x9];
	[sflag:s19] =	ssyncadd.s32 $0xFFFFC000  }
0x5c: {  	[spmem:s1] =	stream.indirect.scatter.add.f32 [tilespmem:s16], [sflag:$0x3], $0x80, s31, s15, $0xb8;
	[tilespmem:$0x1E400] =	vst v63  }
0x5d: {  	p1 =	sge.u32 s29, s24;
	_ =	swait.ge [sflag:s14], $0x4000  }
0x5e: {  	s28 =	sshra.s32 @!p1 s23, $0x2;
	s29 =	simm.s32 @!p1 $0x80;
	[sflag:s14] =	ssyncset.done $0x0  }
0x5f: {  	s30 =	simm.s32 @!p1 $0x2400;
	s28 =	sadd.s32 @!p1 $0x400, s28;
	[sflag:s14] =	ssyncadd.s32 $0xFFFFC000  }
0x60: {  	[tilespmem:s30], [sflag:$0x1] =	stream.indirect.gather @!p1 [hbm4b:s4+s29], $0x80, s28, s29, $0xb8;
	[tilespmem:$0x1E400] =	vst v63  }
0x61: {  	_ =	swait.ge [sflag:s20], $0x4000  }
0x62: {  	s31 =	sadd.s32 $0x5, s26;
	[sflag:s20] =	ssyncset.done $0x0  }
0x63: {  	p1 =	sge.u32 s31, s24;
	s30 =	rddreg [dreg:$0xa];
	[sflag:s20] =	ssyncadd.s32 $0xFFFFC000  }
0x64: {  	[spmem:s1] =	stream.indirect.scatter.add.f32 [tilespmem:s17], [sflag:$0x3], $0x80, s30, s15, $0xb8;
	[tilespmem:$0x1E400] =	vst v63  }
0x65: {  	s28 =	sshra.s32 @!p1 s23, $0x2;
	s29 =	simm.s32 @!p1 $0x80;
	_ =	swait.ge [sflag:s14], $0x4000  }
0x66: {  	s23 =	sadd.s32 $0x1000, s23;
	s28 =	sadd.s32 @!p1 $0x480, s28;
	[sflag:s14] =	ssyncset.done $0x0  }
0x67: {  	s30 =	simm.s32 @!p1 $0x6400;
	s31 =	rddreg [dreg:$0x3];
	[sflag:s14] =	ssyncadd.s32 $0xFFFFC000  }
0x68: {  	[tilespmem:s30], [sflag:$0x2] =	stream.indirect.gather @!p1 [hbm4b:s4+s29], $0x80, s28, s29, $0xb8;
	[tilespmem:$0x1E400] =	vst v63  }
0x69: {  	p1 =	sne.s32 s31, s23  }
.Ltmp0:
0x6a: {  	_ = 	snop;
	(pc) =	sbr.rel @p1 .LBB2_3-.Ltmp0, $2  }
0x6b: {  	_ =	sdelay $0x2  }
0x6c: {  	s25 =	sadd.s32 $0x80, s25;
	s26 =	sadd.s32 $0x8, s26  }
.Ltmp1:
0x6d: {  	(pc) =	sbr.rel @p0 .LBB2_2-.Ltmp1, $2  }
0x6e: {  	_ =	sdelay $0x2  }
0x6f: {  	s22 =	sadd.s32 $0xFFFFFFC0, s22;
	s24 =	simm.s32 $0x40;
	p1 =	por $0x0, $0x0  }
0x70: {  	s21 =	sadd.s32 $0x1, s21  }
0x71: {  	p0 =	sne.s32 s21, s11  }
.Ltmp2:
0x72: {  	[bflag:$0x0] =	sbarrier.arrive $0xFFFF;
	(pc) =	sbr.rel @p0 .LBB2_1-.Ltmp2, $4  }
0x73: {  	[hbm:s10], [sflag:s9] =	dma.local [spmem:s13], $0x2800  }
0x74: {  	_ =	swait.ge [sflag:s14], $0x2800  }
0x75: {  	[sflag:s14] =	ssyncset.done $0x0  }
0x76: {  	[sflag:s14] =	ssyncadd.s32 $0xFFFFD800  }
0x77: {  	_ =	sfence.sel $0x180000  }
0x78: {  	[bflag:$0x0] =	sbarrier.arrive $0xFFFF  }
0x79: {  	p0 =	sne.s32 s2, $0x0;
	_ =	strace $0x9000004D  }
0x7a: {  	s0 =	sadd.s32 @!p0 $0x100000, s0;
	[bflag:$0x2] =	sbarrier.arrive $0xFFFF  }
0x7b: {  	[sflag:s0] =	ssyncadd.tile.s32 @!p0 $0x1;
	_ =	shalt  }
.Lfunc_end2:
_tile_overlayer_lowered:
.L_overlay_start_2:
0x7c: {  	(tag) =	ssettag $0x2  }
0x7d: {  	s0 =	rddreg [dreg:$0x0];
	s2 =	stileid.u32  }
0x7e: {  	s1 =	rddreg [dreg:$0x1];
	p0 =	sne.s32 s2, $0x0  }
0x7f: {  	s3 =	rddreg [dreg:$0x2];
	[bflag:$0x3] =	sbarrier.arrive $0xFFFF;
	s2 =	simm.s32 @!p0 $0x1C03  }
0x80: {  	[timem:s3], [sflag:s2] =	dma.local @!p0 [hbm:s0], s1  }
0x81: {  	s0 =	simm.s32 @!p0 $0x3  }
0x82: {  	_ =	swait.ge @!p0 [sflag:s0], s1  }
0x83: {  	s1 =	ssub.s32 @!p0 $0x0, s1;
	[sflag:s0] =	ssyncset.done @!p0 $0x0  }
0x84: {  	[sflag:s0] =	ssyncadd.s32 @!p0 s1  }
0x85: {  	[bflag:$0x3] =	sbarrier.arrive $0xFFFF  }
0x86: {  	_ =	shalt  }

// kernel: kernel.19.cloned.1.call-start
scs
__scs_entry_jumppad:
0x0: {  	(pc) =	sbr.rel $0x88, $3  }
0x1: {  	(tag) =	ssettag $0x0;
	lr =	simm.s32 $0x1  }
0x2: {  	[smem:$0x3F97] =	sst lr;
	_ =	strace $0xD0000000  }
0x3: {  	_ = 	snop  }
0x4: {  	_ = 	snop  }
0x5: {  	_ = 	snop  }
0x6: {  	_ = 	snop  }
0x7: {  	_ = 	snop  }
__scs_overlays_trampoline_lowered:
0x8: {  	[smem:$0x3FA6] =	sst s0  }
0x9: {  	[smem:$0x3FA7] =	sst s1  }
0xa: {  	[smem:$0x3FA8] =	sst s2  }
0xb: {  	[smem:$0x3FA9] =	sst s3  }
0xc: {  	[smem:$0x3FAA] =	sst s4  }
0xd: {  	[smem:$0x3FAB] =	sst s5  }
0xe: {  	[smem:$0x3FAC] =	sst s6  }
0xf: {  	[smem:$0x3FAD] =	sst s7  }
0x10: {  	[smem:$0x3FAE] =	sst s8  }
0x11: {  	[smem:$0x3FAF] =	sst s9;
	s0 =	simm.s32 @!p0 $0x0  }
0x12: {  	s1 =	sld [smem:$0x3F95];
	s0 =	simm.s32 @p0 $0x1  }
0x13: {  	[smem:$0x3FB0] =	sst s0;
	s0 =	simm.s32 @!p1 $0x0  }
0x14: {  	s2 =	sld [smem:$0x3F94];
	s0 =	simm.s32 @p1 $0x1  }
0x15: {  	[smem:$0x3FB1] =	sst s0;
	s0 =	simm.s32 @!p2 $0x0  }
0x16: {  	s3 =	sld [smem:$0x3FDB];
	s0 =	simm.s32 @p2 $0x1  }
0x17: {  	s4 =	simm.s32 $0x1BF5;
	[smem:$0x3FB3] =	sst s0  }
0x18: {  	s0 =	sld [smem:$0x3F96];
	_ =	swait.ge [sflag:s4], $0x0  }
0x19: {  	s7 =	sld [smem:$0x3F97]  }
0x1a: {  	s8 =	sadd.s32 $0xFFFFE003, lr  }
0x1b: {  	s9 =	sadd.s32 $0xFFFFFEF7, lr;
	s5 =	simm.s32 $0xFFFFFFFF;
	p2 =	slt.u32 s8, $0xFFFFF086  }
0x1c: {  	p1 =	slt.u32 s9, $0xF7A;
	s5 =	simm.s32 @!p2 $0x0  }
0x1d: {  	s5 =	simm.s32 @p1 $0x1;
	p0 =	seq.s32 s7, s2  }
0x1e: {  	s7 =	smul.u32 @!p0 $0xF7A, s2;
	p2 =	seq.s32 @!p0 s5, $0x0  }
0x1f: {  	s9 =	smul.u32 $0xF7A, s1;
	s8 =	simm.s32 @!p0 $0x1BF5;
	p2 =	por !p2, p0  }
0x20: {  	[sflag:s8] =	ssyncset.s32 @!p0 $0xFFFFF086;
	s6 =	sadd.s32 @!p0 s3, s7;
	s7 =	simm.s32 @!p0 $0x108  }
0x21: {  	s3 =	sadd.s32 s3, s9;
	s6 =	sadd.s32 @!p0 $0x88, s6;
	s7 =	simm.s32 @p2 $0x1082  }
0x22: {  	[simem:s7], [sflag:s8] =	dma.local @!p0 [hbm:s6], $0xF7A  }
0x23: {  	s9 =	sor.u32 $0xD0000000, s2;
	s6 =	simm.s32 $0x108;
	_ =	swait.ge @!p0 [sflag:s8], $0x0  }
0x24: {  	s3 =	sadd.s32 $0x88, s3;
	s6 =	simm.s32 @!p1 $0x1082;
	[sflag:s4] =	ssyncset.s32 $0xFFFFF086  }
0x25: {  	[simem:s6], [sflag:s4] =	dma.local [hbm:s3], $0xF7A  }
0x26: {  	[smem:$0x3F97] =	sst s1;
	(tag) =	ssettag s2;
	_ =	strace s9  }
0x27: {  	s1 =	sld [smem:$0x3FA7]  }
0x28: {  	s2 =	sld [smem:$0x3FA8]  }
0x29: {  	s4 =	sld [smem:$0x3FAA]  }
0x2a: {  	p0 =	seq.s32 s5, $0x0;
	s5 =	sld [smem:$0x3FAB]  }
0x2b: {  	s6 =	sld [smem:$0x3FAC]  }
0x2c: {  	s7 =	sld [smem:$0x3FAD]  }
0x2d: {  	s3 =	simm.s32 $0x108;
	s8 =	sld [smem:$0x3FAE]  }
0x2e: {  	s3 =	simm.s32 @!p0 $0x1082;
	s9 =	sld [smem:$0x3FAF]  }
0x2f: {  	lr =	sadd.s32 s0, s3;
	s0 =	sld [smem:$0x3FA6]  }
0x30: {  	s3 =	sld [smem:$0x3FA9]  }
0x31: {  	[smem:$0x3FB2] =	sst s10  }
0x32: {  	s10 =	sld [smem:$0x3FB0];
	_ =	sdelay $0x3  }
0x33: {  	p0 =	seq.s32 s10, $0x1;
	s10 =	sld [smem:$0x3FB2];
	_ =	sdelay $0x3  }
0x34: {  	[smem:$0x3FB2] =	sst s10  }
0x35: {  	s10 =	sld [smem:$0x3FB1];
	_ =	sdelay $0x3  }
0x36: {  	p1 =	seq.s32 s10, $0x1;
	s10 =	sld [smem:$0x3FB2];
	_ =	sdelay $0x3  }
0x37: {  	[smem:$0x3FB2] =	sst s10  }
0x38: {  	s10 =	sld [smem:$0x3FB3]  }
0x39: {  	_ = 	snop;
	(pc) =	sbr.ind lr, $3  }
0x3a: {  	_ = 	snop  }
0x3b: {  	_ = 	snop  }
0x3c: {  	p2 =	seq.s32 s10, $0x1;
	s10 =	sld [smem:$0x3FB2]  }
0x3d: {  	_ =	shalt  }
0x3e: {  	_ =	shalt  }
0x3f: {  	_ =	shalt  }
0x40: {  	_ =	shalt  }
0x41: {  	_ =	shalt  }
0x42: {  	_ =	shalt  }
0x43: {  	_ =	shalt  }
0x44: {  	_ =	shalt  }
0x45: {  	_ =	shalt  }
0x46: {  	_ =	shalt  }
0x47: {  	_ =	shalt  }
0x48: {  	_ =	shalt  }
0x49: {  	_ =	shalt  }
0x4a: {  	_ =	shalt  }
0x4b: {  	_ =	shalt  }
0x4c: {  	_ =	shalt  }
0x4d: {  	_ =	shalt  }
0x4e: {  	_ =	shalt  }
0x4f: {  	_ =	shalt  }
0x50: {  	_ =	shalt  }
0x51: {  	_ =	shalt  }
0x52: {  	_ =	shalt  }
0x53: {  	_ =	shalt  }
0x54: {  	_ =	shalt  }
0x55: {  	_ =	shalt  }
0x56: {  	_ =	shalt  }
0x57: {  	_ =	shalt  }
0x58: {  	_ =	shalt  }
0x59: {  	_ =	shalt  }
0x5a: {  	_ =	shalt  }
0x5b: {  	_ =	shalt  }
0x5c: {  	_ =	shalt  }
0x5d: {  	_ =	shalt  }
0x5e: {  	_ =	shalt  }
0x5f: {  	_ =	shalt  }
0x60: {  	_ =	shalt  }
0x61: {  	_ =	shalt  }
0x62: {  	_ =	shalt  }
0x63: {  	_ =	shalt  }
0x64: {  	_ =	shalt  }
0x65: {  	_ =	shalt  }
0x66: {  	_ =	shalt  }
0x67: {  	_ =	shalt  }
0x68: {  	_ =	shalt  }
0x69: {  	_ =	shalt  }
0x6a: {  	_ =	shalt  }
0x6b: {  	_ =	shalt  }
0x6c: {  	_ =	shalt  }
0x6d: {  	_ =	shalt  }
0x6e: {  	_ =	shalt  }
0x6f: {  	_ =	shalt  }
0x70: {  	_ =	shalt  }
0x71: {  	_ =	shalt  }
0x72: {  	_ =	shalt  }
0x73: {  	_ =	shalt  }
0x74: {  	_ =	shalt  }
0x75: {  	_ =	shalt  }
0x76: {  	_ =	shalt  }
0x77: {  	_ =	shalt  }
0x78: {  	_ =	shalt  }
0x79: {  	_ =	shalt  }
0x7a: {  	_ =	shalt  }
0x7b: {  	_ =	shalt  }
0x7c: {  	_ =	shalt  }
0x7d: {  	_ =	shalt  }
0x7e: {  	_ =	shalt  }
0x7f: {  	_ =	shalt  }
0x80: {  	_ =	shalt  }
0x81: {  	_ =	shalt  }
0x82: {  	_ =	shalt  }
0x83: {  	_ =	shalt  }
0x84: {  	_ =	shalt  }
0x85: {  	_ =	shalt  }
0x86: {  	_ =	shalt  }
0x87: {  	_ =	shalt  }
.Lfunc_end0:
.L_simem_size_0:
called_computation.3_lowered:
.L_overlay_start_0:
0x88: {  	s2 =	sld [smem:$0x3FD9]  }
0x89: {  	s3 =	sld [smem:$0x3FFE];
	_ =	sdelay $0x1  }
0x8a: {  	s1 =	srdreg.scid  }
0x8b: {  	s0 =	sand.u32 $0x1, s1  }
0x8c: {  	s16 =	sshll.u32 s0, $0xA;
	s2 =	sadd.s32 s3, s2  }
0x8d: {  	s2 =	sadd.s32 s2, s16  }
0x8e: {  	[smem:$0x3FBE] =	sst s2  }
0x8f: {  	_ = 	snop  }
0x90: {  	(tm) =	ssettm $0x1  }
0x91: {  	s17 =	sld [smem:$0x3FFB];
	_ =	sdelay $0x3  }
0x92: {  	_ =	strace s17  }
0x93: {  	s2 =	sld [smem:$0x3FFC];
	_ =	sdelay $0x3  }
0x94: {  	_ =	strace s2  }
0x95: {  	s2 =	sld [smem:$0x3FFD];
	_ =	sdelay $0x3  }
0x96: {  	_ =	strace s2  }
0x97: {  	_ =	strace $0x8FFFFFFF  }
0x98: {  	s18 =	sld [smem:$0x3FDB];
	_ =	sdelay $0x1  }
0x99: {  	s19 =	simm.s32 $_scs_section_size  }
0x9a: {  	s4 =	simm.s32 $_size__tile_overlayer_lowered;
	s5 =	simm.s32 $_tile_overlayer_lowered  }
0x9b: {  	s22 =	simm.s32 $0x1BFF;
	s21 =	sshll.u32 s5, $0x1;
	s2 =	sadd.s32 s19, s18  }
0x9c: {  	s6 =	simm.s32 $0x0;
	s20 =	sshll.u32 s4, $0x1;
	s4 =	sadd.s32 s21, s2  }
0x9d: {  	[timem:s6], [sflag:s22] =	dma.local [hbm:s4], s20  }
0x9e: {  	_ =	swait.ge [sflag:s22], s20  }
0x9f: {  	s3 =	ssub.s32 $0x0, s20;
	[sflag:s22] =	ssyncset.done $0x0  }
0xa0: {  	[sflag:s22] =	ssyncadd.s32 s3;
	_ =	sdelay $0x1  }
0xa1: {  	s23 =	simm.s32 $0x1B8B  }
0xa2: {  	_ =	swait.ge [sflag:s23], $0x1  }
0xa3: {  	[sflag:s23] =	ssyncset.done $0x0  }
0xa4: {  	s25 =	simm.s32 $0x1B8E;
	s24 =	sld [smem:$0x3FFE];
	[sflag:s23] =	ssyncadd.s32 $0xFFFFFFFF  }
0xa5: {  	s26 =	simm.s32 $execute0_lowered;
	[smem:$0x3FD2] =	sst s25  }
0xa6: {  	s4 =	sshll.u32 s26, $0x1;
	_ =	strace $0x8000004F;
	[dreg:$0x1] =	wrdreg $0xFFFFFFFF  }
0xa7: {  	s28 =	simm.s32 $_size_execute0_lowered;
	s2 =	sadd.s32 s2, s4;
	[dreg:$0x0] =	wrdreg $0x0  }
0xa8: {  	s4 =	sshll.u32 s28, $0x1;
	[dreg:$0x2] =	wrdreg s2  }
0xa9: {  	[dreg:$0x3] =	wrdreg s4  }
0xaa: {  	[dreg:$0x4] =	wrdreg $0xC0  }
0xab: {  	_ =	task [dreg:s6], $0x5FFFF  }
0xac: {  	[dreg:$0x1] =	wrdreg $0xFFFFFFFF  }
0xad: {  	[dreg:$0x0] =	wrdreg $0x60  }
0xae: {  	[dreg:$0x2] =	wrdreg s24  }
0xaf: {  	[dreg:$0x3] =	wrdreg $0xA4000  }
0xb0: {  	[dreg:$0x4] =	wrdreg $0x9  }
0xb1: {  	_ =	task.clear_ibuf [dreg:s6], $0x5FFFF;
	_ =	strace $0x9000004F  }
0xb2: {  	s29 =	simm.s32 $0x9;
	_ =	strace $0x80000051  }
0xb3: {  	_ =	swait.ge [sflag:s29], $0x1  }
0xb4: {  	[sflag:s29] =	ssyncadd.s32 $0xFFFFFFFF  }
0xb5: {  	_ =	strace $0x90000051  }
0xb6: {  	_ =	sfence  }
0xb7: {  	s30 =	sld [smem:$0x0];
	_ =	sdelay $0x2  }
0xb8: {  	s31 =	sshll.u32 s1, $0xD;
	s1 =	sshrl.u32 s1, $0x2  }
0xb9: {  	s3 =	sand.u32 $0x4000, s31;
	s1 =	sadd.s32 s1, s30  }
0xba: {  	s0 =	sor.u32 s3, s0;
	s1 =	sshll.u32 s1, $0x11  }
0xbb: {  	s0 =	sor.u32 s1, s0  }
0xbc: {  	s0 =	sadd.s32 $0x8F2B, s0  }
0xbd: {  	[sflag:s0] =	ssyncadd.remote.s32 $0x1  }
0xbe: {  	_ =	sfence.sel $0xFFFF  }
0xbf: {  	[dreg:$0x0] =	wrdreg $0xFFFFFFFF;
	(pc) =	sbr.abs _section_cstart, $3  }
0xc0: {  	[dreg:$0x1] =	wrdreg $0xFFFFFFFF  }
0xc1: {  	_ =	task.clear_ibuf [dreg:s6], $0x2FFFF;
	_ =	strace $0x9FFFFFFF  }
0xc2: {  	(tm) =	ssettm $0x7FFFFFFF  }
0xc3: {  	_ =	shalt  }
tec
execute0_lowered:
.L_overlay_start_1:
0x0: {  	(tag) =	ssettag $0x1  }
0x1: {  	s8 =	rddreg [dreg:$0x0]  }
0x2: {  	s1 =	rddreg [dreg:$0x1];
	s2 =	srdreg.scid  }
0x3: {  	s0 =	rddreg [dreg:$0x2];
	s3 =	simm.s32 $0x0;
	s31 =	simm.s32 $0x2080  }
0x4: {  	s16 =	simm.s32 $0x2100;
	s17 =	simm.s32 $0x2180;
	s18 =	simm.s32 $0x2200  }
0x5: {  	s19 =	simm.s32 $0x2280;
	s20 =	simm.s32 $0x2300;
	s21 =	simm.s32 $0x2380  }
0x6: {  	s9 =	sand.u32 $0x1, s2;
	s2 =	stileid.u32;
	[smem:$0x7FF] =	sst s3  }
0x7: {  	s4 =	sadd.s32 $0x19600, s8;
	s5 =	sadd.s32 $0xCC00, s8;
	s6 =	sadd.s32 $0x2A00, s8  }
0x8: {  	s7 =	smul.u32 $0x140000, s9;
	_ =	strace $0x80000050;
	[dreg:$0x4] =	wrdreg s31  }
0x9: {  	s10 =	smul.u32 $0x14000, s2;
	s11 =	sshll.u32 s2, $0x1;
	[dreg:$0x5] =	wrdreg s16  }
0xa: {  	s12 =	ssub.s32 $0x2, s9;
	s13 =	smul.u32 $0x50000, s2;
	[dreg:$0x6] =	wrdreg s17  }
0xb: {  	s28 =	smul.u32 $0xA0, s2;
	s30 =	sshll.u32 s2, $0x6;
	[dreg:$0x7] =	wrdreg s18  }
0xc: {  	s15 =	smul.u32 $0x50, s9;
	s16 =	simm.s32 $0x2400;
	[dreg:$0x8] =	wrdreg s19  }
0xd: {  	s17 =	simm.s32 $0x6400;
	s18 =	simm.s32 $0x2000;
	[dreg:$0x9] =	wrdreg s20  }
0xe: {  	s19 =	simm.s32 $0x1;
	s20 =	simm.s32 $0x2;
	[dreg:$0xa] =	wrdreg s21  }
0xf: {  	s21 =	simm.s32 $0x0;
	s11 =	sor.u32 s9, s11;
	s14 =	sshrl.u32 s12, $0x1  }
0x10: {  	s9 =	sor.u32 $0x1C03, s30;
	s10 =	sadd.s32 s10, s7;
	s7 =	sadd.s32 $0x16E00, s8  }
0x11: {  	s25 =	ssub.s32 s12, s14;
	s26 =	sshrl.u32 s13, $0x2;
	s12 =	sadd.s32 s15, s28  }
0x12: {  	s14 =	simm.s32 $0x3;
	s15 =	simm.s32 $0x80;
	s10 =	sshrl.u32 s10, $0x3  }
0x13: {  	s29 =	sadd.s32 s26, s1;
	s10 =	sadd.s32 s10, s8;
	s8 =	smul.u32 $0x50, s11  }
0x14: {  	s11 =	smax.u32 s25, $0x1;
	s13 =	sshrl.u32 s29, $0x3;
	s10 =	sadd.s32 $0x40800, s10  }
.LBB2_1:
0x15: {  	[spmem:s13], [sflag:s9] =	dma.local [hbm:s7], $0x2800  }
0x16: {  	_ =	swait.ge [sflag:s14], $0x2800  }
0x17: {  	[sflag:s14] =	ssyncset.done $0x0  }
0x18: {  	p1 =	por $0x1, $0x1;
	[sflag:s14] =	ssyncadd.s32 $0xFFFFD800  }
0x19: {  	s22 =	simm.s32 $0x50;
	s24 =	simm.s32 $0x0;
	[bflag:$0x0] =	sbarrier.arrive $0xFFFF  }
.LBB2_2:
0x1a: {  	s23 =	smin.u32 s22, $0x40  }
0x1b: {  	s25 =	sadd.s32 s8, s24;
	s23 =	sshll.u32 s23, $0x9  }
0x1c: {  	s25 =	sshll.u32 s25, $0x4;
	s23 =	sand.u32 $0xF000, s23  }
0x1d: {  	s25 =	sadd.s32 s5, s25;
	[dreg:$0x3] =	wrdreg s23;
	s23 =	simm.s32 $0x0  }
0x1e: {  	[tilespmem:s23], [sflag:$0x3] =	stream.linear.gather [hbm4b:s25+s23], $0x2000, $0x38;
	[tilespmem:$0x1E400] =	vst v63  }
0x1f: {  	_ =	swait.ge [sflag:s14], $0x2000  }
0x20: {  	s30 =	sadd.s32 s24, s12;
	s31 =	ssub.s32 $0x50, s24;
	[sflag:s14] =	ssyncset.done $0x0  }
0x21: {  	p0 =	por p1, p1;
	s25 =	sshll.u32 s30, $0x4;
	[sflag:s14] =	ssyncadd.s32 $0xFFFFE000  }
0x22: {  	[tilespmem:s16], [sflag:$0x1] =	stream.indirect.gather [hbm4b:s4+s15], $0x80, s23, s15, $0xb8;
	[tilespmem:$0x1E400] =	vst v63  }
0x23: {  	s26 =	simm.s32 $0x4;
	s24 =	smin.u32 s31, $0x40;
	s25 =	sadd.s32 s25, s6  }
0x24: {  	[tilespmem:s17], [sflag:$0x2] =	stream.indirect.gather [hbm4b:s4+s15], $0x80, s15, s15, $0xb8;
	[tilespmem:$0x1E400] =	vst v63  }
.LBB2_3:
0x25: {  	[tilespmem:s18], [sflag:$0x3] =	stream.linear.gather [hbm4b:s25+s3], $0x400, $0x38;
	[tilespmem:$0x1E400] =	vst v63  }
0x26: {  	_ =	swait.ge [sflag:s14], $0x400  }
0x27: {  	[sflag:s14] =	ssyncset.done $0x0  }
0x28: {  	[sflag:s14] =	ssyncadd.s32 $0xFFFFFC00  }
0x29: {  	_ =	swait.ge [sflag:s19], $0x4000  }
0x2a: {  	[sflag:s19] =	ssyncset.done $0x0  }
0x2b: {  	s28 =	sadd.s32 $0xFFFFFFFE, s26;
	[sflag:s19] =	ssyncadd.s32 $0xFFFFC000  }
0x2c: {  	[spmem:s1] =	stream.indirect.scatter.add.f32 [tilespmem:s16], [sflag:$0x3], $0x80, s18, s15, $0xb8;
	[tilespmem:$0x1E400] =	vst v63  }
0x2d: {  	p1 =	sge.u32 s28, s24;
	_ =	swait.ge [sflag:s14], $0x4000  }
0x2e: {  	s28 =	sshra.s32 @!p1 s23, $0x2;
	s29 =	simm.s32 @!p1 $0x80;
	[sflag:s14] =	ssyncset.done $0x0  }
0x2f: {  	s30 =	simm.s32 @!p1 $0x2400;
	s28 =	sadd.s32 @!p1 $0x100, s28;
	[sflag:s14] =	ssyncadd.s32 $0xFFFFC000  }
0x30: {  	[tilespmem:s30], [sflag:$0x1] =	stream.indirect.gather @!p1 [hbm4b:s4+s29], $0x80, s28, s29, $0xb8;
	[tilespmem:$0x1E400] =	vst v63  }
0x31: {  	_ =	swait.ge [sflag:s20], $0x4000  }
0x32: {  	[sflag:s20] =	ssyncset.done $0x0  }
0x33: {  	s29 =	sadd.s32 $0xFFFFFFFF, s26;
	s31 =	rddreg [dreg:$0x4];
	[sflag:s20] =	ssyncadd.s32 $0xFFFFC000  }
0x34: {  	[spmem:s1] =	stream.indirect.scatter.add.f32 [tilespmem:s17], [sflag:$0x3], $0x80, s31, s15, $0xb8;
	[tilespmem:$0x1E400] =	vst v63  }
0x35: {  	p1 =	sge.u32 s29, s24;
	_ =	swait.ge [sflag:s14], $0x4000  }
0x36: {  	s28 =	sshra.s32 @!p1 s23, $0x2;
	s29 =	simm.s32 @!p1 $0x80;
	[sflag:s14] =	ssyncset.done $0x0  }
0x37: {  	s30 =	simm.s32 @!p1 $0x6400;
	s28 =	sadd.s32 @!p1 $0x180, s28;
	[sflag:s14] =	ssyncadd.s32 $0xFFFFC000  }
0x38: {  	[tilespmem:s30], [sflag:$0x2] =	stream.indirect.gather @!p1 [hbm4b:s4+s29], $0x80, s28, s29, $0xb8;
	[tilespmem:$0x1E400] =	vst v63  }
0x39: {  	_ =	swait.ge [sflag:s19], $0x4000  }
0x3a: {  	[sflag:s19] =	ssyncset.done $0x0  }
0x3b: {  	s30 =	rddreg [dreg:$0x5];
	[sflag:s19] =	ssyncadd.s32 $0xFFFFC000  }
0x3c: {  	[spmem:s1] =	stream.indirect.scatter.add.f32 [tilespmem:s16], [sflag:$0x3], $0x80, s30, s15, $0xb8;
	[tilespmem:$0x1E400] =	vst v63  }
0x3d: {  	p1 =	sge.u32 s26, s24;
	_ =	swait.ge [sflag:s14], $0x4000  }
0x3e: {  	s28 =	sshra.s32 @!p1 s23, $0x2;
	s29 =	simm.s32 @!p1 $0x80;
	[sflag:s14] =	ssyncset.done $0x0  }
0x3f: {  	s28 =	sadd.s32 @!p1 $0x200, s28;
	s30 =	simm.s32 @!p1 $0x2400;
	[sflag:s14] =	ssyncadd.s32 $0xFFFFC000  }
0x40: {  	[tilespmem:s30], [sflag:$0x1] =	stream.indirect.gather @!p1 [hbm4b:s4+s29], $0x80, s28, s29, $0xb8;
	[tilespmem:$0x1E400] =	vst v63  }
0x41: {  	_ =	swait.ge [sflag:s20], $0x4000  }
0x42: {  	[sflag:s20] =	ssyncset.done $0x0  }
0x43: {  	s29 =	sadd.s32 $0x1, s26;
	s31 =	rddreg [dreg:$0x6];
	[sflag:s20] =	ssyncadd.s32 $0xFFFFC000  }
0x44: {  	[spmem:s1] =	stream.indirect.scatter.add.f32 [tilespmem:s17], [sflag:$0x3], $0x80, s31, s15, $0xb8;
	[tilespmem:$0x1E400] =	vst v63  }
0x45: {  	p1 =	sge.u32 s29, s24;
	_ =	swait.ge [sflag:s14], $0x4000  }
0x46: {  	s28 =	sshra.s32 @!p1 s23, $0x2;
	s29 =	simm.s32 @!p1 $0x80;
	[sflag:s14] =	ssyncset.done $0x0  }
0x47: {  	s30 =	simm.s32 @!p1 $0x6400;
	s28 =	sadd.s32 @!p1 $0x280, s28;
	[sflag:s14] =	ssyncadd.s32 $0xFFFFC000  }
0x48: {  	[tilespmem:s30], [sflag:$0x2] =	stream.indirect.gather @!p1 [hbm4b:s4+s29], $0x80, s28, s29, $0xb8;
	[tilespmem:$0x1E400] =	vst v63  }
0x49: {  	_ =	swait.ge [sflag:s19], $0x4000  }
0x4a: {  	[sflag:s19] =	ssyncset.done $0x0  }
0x4b: {  	s31 =	sadd.s32 $0x2, s26;
	s30 =	rddreg [dreg:$0x7];
	[sflag:s19] =	ssyncadd.s32 $0xFFFFC000  }
0x4c: {  	[spmem:s1] =	stream.indirect.scatter.add.f32 [tilespmem:s16], [sflag:$0x3], $0x80, s30, s15, $0xb8;
	[tilespmem:$0x1E400] =	vst v63  }
0x4d: {  	p1 =	sge.u32 s31, s24;
	_ =	swait.ge [sflag:s14], $0x4000  }
0x4e: {  	s28 =	sshra.s32 @!p1 s23, $0x2;
	s29 =	simm.s32 @!p1 $0x80;
	[sflag:s14] =	ssyncset.done $0x0  }
0x4f: {  	s28 =	sadd.s32 @!p1 $0x300, s28;
	s30 =	simm.s32 @!p1 $0x2400;
	[sflag:s14] =	ssyncadd.s32 $0xFFFFC000  }
0x50: {  	[tilespmem:s30], [sflag:$0x1] =	stream.indirect.gather @!p1 [hbm4b:s4+s29], $0x80, s28, s29, $0xb8;
	[tilespmem:$0x1E400] =	vst v63  }
0x51: {  	_ =	swait.ge [sflag:s20], $0x4000  }
0x52: {  	[sflag:s20] =	ssyncset.done $0x0  }
0x53: {  	s30 =	sadd.s32 $0x3, s26;
	s29 =	rddreg [dreg:$0x8];
	[sflag:s20] =	ssyncadd.s32 $0xFFFFC000  }
0x54: {  	[spmem:s1] =	stream.indirect.scatter.add.f32 [tilespmem:s17], [sflag:$0x3], $0x80, s29, s15, $0xb8;
	[tilespmem:$0x1E400] =	vst v63  }
0x55: {  	p1 =	sge.u32 s30, s24;
	_ =	swait.ge [sflag:s14], $0x4000  }
0x56: {  	s28 =	sshra.s32 @!p1 s23, $0x2;
	s30 =	simm.s32 @!p1 $0x6400;
	[sflag:s14] =	ssyncset.done $0x0  }
0x57: {  	s28 =	sadd.s32 @!p1 $0x380, s28;
	s29 =	simm.s32 @!p1 $0x80;
	[sflag:s14] =	ssyncadd.s32 $0xFFFFC000  }
0x58: {  	[tilespmem:s30], [sflag:$0x2] =	stream.indirect.gather @!p1 [hbm4b:s4+s29], $0x80, s28, s29, $0xb8;
	[tilespmem:$0x1E400] =	vst v63  }
0x59: {  	_ =	swait.ge [sflag:s19], $0x4000  }
0x5a: {  	[sflag:s19] =	ssyncset.done $0x0  }
0x5b: {  	s29 =	sadd.s32 $0x4, s26;
	s31 =	rddreg [dreg:$0x9];
	[sflag:s19] =	ssyncadd.s32 $0xFFFFC000  }
0x5c: {  	[spmem:s1] =	stream.indirect.scatter.add.f32 [tilespmem:s16], [sflag:$0x3], $0x80, s31, s15, $0xb8;
	[tilespmem:$0x1E400] =	vst v63  }
0x5d: {  	p1 =	sge.u32 s29, s24;
	_ =	swait.ge [sflag:s14], $0x4000  }
0x5e: {  	s28 =	sshra.s32 @!p1 s23, $0x2;
	s29 =	simm.s32 @!p1 $0x80;
	[sflag:s14] =	ssyncset.done $0x0  }
0x5f: {  	s30 =	simm.s32 @!p1 $0x2400;
	s28 =	sadd.s32 @!p1 $0x400, s28;
	[sflag:s14] =	ssyncadd.s32 $0xFFFFC000  }
0x60: {  	[tilespmem:s30], [sflag:$0x1] =	stream.indirect.gather @!p1 [hbm4b:s4+s29], $0x80, s28, s29, $0xb8;
	[tilespmem:$0x1E400] =	vst v63  }
0x61: {  	_ =	swait.ge [sflag:s20], $0x4000  }
0x62: {  	s31 =	sadd.s32 $0x5, s26;
	[sflag:s20] =	ssyncset.done $0x0  }
0x63: {  	p1 =	sge.u32 s31, s24;
	s30 =	rddreg [dreg:$0xa];
	[sflag:s20] =	ssyncadd.s32 $0xFFFFC000  }
0x64: {  	[spmem:s1] =	stream.indirect.scatter.add.f32 [tilespmem:s17], [sflag:$0x3], $0x80, s30, s15, $0xb8;
	[tilespmem:$0x1E400] =	vst v63  }
0x65: {  	s28 =	sshra.s32 @!p1 s23, $0x2;
	s29 =	simm.s32 @!p1 $0x80;
	_ =	swait.ge [sflag:s14], $0x4000  }
0x66: {  	s23 =	sadd.s32 $0x1000, s23;
	s28 =	sadd.s32 @!p1 $0x480, s28;
	[sflag:s14] =	ssyncset.done $0x0  }
0x67: {  	s30 =	simm.s32 @!p1 $0x6400;
	s31 =	rddreg [dreg:$0x3];
	[sflag:s14] =	ssyncadd.s32 $0xFFFFC000  }
0x68: {  	[tilespmem:s30], [sflag:$0x2] =	stream.indirect.gather @!p1 [hbm4b:s4+s29], $0x80, s28, s29, $0xb8;
	[tilespmem:$0x1E400] =	vst v63  }
0x69: {  	p1 =	sne.s32 s31, s23  }
.Ltmp0:
0x6a: {  	_ = 	snop;
	(pc) =	sbr.rel @p1 .LBB2_3-.Ltmp0, $2  }
0x6b: {  	_ =	sdelay $0x2  }
0x6c: {  	s25 =	sadd.s32 $0x80, s25;
	s26 =	sadd.s32 $0x8, s26  }
.Ltmp1:
0x6d: {  	(pc) =	sbr.rel @p0 .LBB2_2-.Ltmp1, $2  }
0x6e: {  	_ =	sdelay $0x2  }
0x6f: {  	s22 =	sadd.s32 $0xFFFFFFC0, s22;
	s24 =	simm.s32 $0x40;
	p1 =	por $0x0, $0x0  }
0x70: {  	s21 =	sadd.s32 $0x1, s21  }
0x71: {  	p0 =	sne.s32 s21, s11  }
.Ltmp2:
0x72: {  	[bflag:$0x0] =	sbarrier.arrive $0xFFFF;
	(pc) =	sbr.rel @p0 .LBB2_1-.Ltmp2, $4  }
0x73: {  	[hbm:s10], [sflag:s9] =	dma.local [spmem:s13], $0x2800  }
0x74: {  	_ =	swait.ge [sflag:s14], $0x2800  }
0x75: {  	[sflag:s14] =	ssyncset.done $0x0  }
0x76: {  	[sflag:s14] =	ssyncadd.s32 $0xFFFFD800  }
0x77: {  	_ =	sfence.sel $0x180000  }
0x78: {  	[bflag:$0x0] =	sbarrier.arrive $0xFFFF  }
0x79: {  	p0 =	sne.s32 s2, $0x0;
	_ =	strace $0x90000050  }
0x7a: {  	s0 =	sadd.s32 @!p0 $0x100000, s0;
	[bflag:$0x2] =	sbarrier.arrive $0xFFFF  }
0x7b: {  	[sflag:s0] =	ssyncadd.tile.s32 @!p0 $0x1;
	_ =	shalt  }
.Lfunc_end2:
_tile_overlayer_lowered:
.L_overlay_start_2:
0x7c: {  	(tag) =	ssettag $0x2  }
0x7d: {  	s0 =	rddreg [dreg:$0x0];
	s2 =	stileid.u32  }
0x7e: {  	s1 =	rddreg [dreg:$0x1];
	p0 =	sne.s32 s2, $0x0  }
0x7f: {  	s3 =	rddreg [dreg:$0x2];
	[bflag:$0x3] =	sbarrier.arrive $0xFFFF;
	s2 =	simm.s32 @!p0 $0x1C03  }
0x80: {  	[timem:s3], [sflag:s2] =	dma.local @!p0 [hbm:s0], s1  }
0x81: {  	s0 =	simm.s32 @!p0 $0x3  }
0x82: {  	_ =	swait.ge @!p0 [sflag:s0], s1  }
0x83: {  	s1 =	ssub.s32 @!p0 $0x0, s1;
	[sflag:s0] =	ssyncset.done @!p0 $0x0  }
0x84: {  	[sflag:s0] =	ssyncadd.s32 @!p0 s1  }
0x85: {  	[bflag:$0x3] =	sbarrier.arrive $0xFFFF  }
0x86: {  	_ =	shalt  }

</sc_bundles>
